<compile_context>
chip_gen: v7x
topology: tpu7x:2x2x1
jax: 0.10.2.dev20260603
libtpu: 0.0.44.dev20260713+nightly
codegen_flags: <defaults>
</compile_context>

<pallas_src>
import jax
import jax.numpy as jnp
from jax import lax
from jax.experimental import pallas as pl
from jax.experimental.pallas import tpu as pltpu
from jax.experimental.pallas import tpu_sc as plsc

B = 16384
ITEM_VOCAB = 1000000
D_ITEM = 32
D_GROUP = 16
H1, H2 = 128, 64

NC, NS = 2, 16
NW = NC * NS
BPW = B // NW
CH = 256
G = 16
NG = BPW // G

BLK = 2048


def _sc_params():
    return dict(
        mesh=plsc.VectorSubcoreMesh(
            core_axis_name="c", subcore_axis_name="s",
            num_cores=NC, num_subcores=NS),
        compiler_params=pltpu.CompilerParams(use_tc_tiling_on_sc=True),
    )


def _group_body(ghl_hbm, gnl_hbm, gh128, gn128,
                ghl_out, gnl_out, lidx0, lidx1, lines0, lines1,
                sem0, sem1):
    wid = lax.axis_index("s") * NC + lax.axis_index("c")
    base = wid * BPW
    chunks = [(idx_hbm, src, out_hbm, base + ch * CH)
              for idx_hbm, src, out_hbm in ((ghl_hbm, gh128, ghl_out),
                                            (gnl_hbm, gn128, gnl_out))
              for ch in range(BPW // CH)]
    bufs = ((lidx0, lines0, sem0), (lidx1, lines1, sem1))
    prev = None
    for t, (idx_hbm, src, out_hbm, off) in enumerate(chunks):
        lidx, lines, sem = bufs[t % 2]
        pltpu.sync_copy(idx_hbm.at[pl.ds(off, CH)], lidx)
        c = pltpu.async_copy(src.at[lidx], lines, sem)
        if prev is not None:
            pc, plines, pout, poff = prev
            pc.wait()
            pltpu.sync_copy(plines, pout.at[pl.ds(poff, CH)])
        prev = (c, lines, out_hbm, off)
    pc, plines, pout, poff = prev
    pc.wait()
    pltpu.sync_copy(plines, pout.at[pl.ds(poff, CH)])


def _sc_groups():
    return pl.kernel(
        _group_body,
        out_type=[
            jax.ShapeDtypeStruct((B, 128), jnp.float32),
            jax.ShapeDtypeStruct((B, 128), jnp.float32),
        ],
        scratch_types=[
            pltpu.VMEM((CH,), jnp.int32),
            pltpu.VMEM((CH,), jnp.int32),
            pltpu.VMEM((CH, 128), jnp.float32),
            pltpu.VMEM((CH, 128), jnp.float32),
            pltpu.SemaphoreType.DMA,
            pltpu.SemaphoreType.DMA,
        ],
        **_sc_params(),
    )


def _item_body(pc_hbm, tbl, item_out, pc_v, slab0, slab1, rows_v,
               sem0, sem1):
    wid = lax.axis_index("s") * NC + lax.axis_index("c")
    base = wid * BPW
    pltpu.sync_copy(pc_hbm.at[pl.ds(base, BPW)], pc_v)

    def fire(gbase, slab, sem):
        pc16 = pc_v[pl.ds(gbase, G)]
        for k in range(G):
            rb = pc16[k] >> 3
            pltpu.async_copy(tbl.at[rb], slab.at[k], sem)
        return pc16

    def drain(slab, sem):
        for _ in range(G):
            pltpu.make_async_copy(tbl.at[0], slab.at[0], sem).wait()

    def extract(gbase, pc16, slab):
        for k in range(G):
            rem = jnp.bitwise_and(pc16[k], 7)
            for hh in range(2):
                rows_v[gbase + k, pl.ds(hh * 16, 16)] = (
                    slab[k, rem, pl.ds(hh * 16, 16)])

    fire(0, slab0, sem0)

    def pair(gp, carry):
        g0 = gp * 2 * G
        g1 = g0 + G
        pc0 = pc_v[pl.ds(g0, G)]
        fire(g1, slab1, sem1)
        drain(slab0, sem0)
        extract(g0, pc0, slab0)

        @pl.when(gp + 1 < NG // 2)
        def _():
            fire(g1 + G, slab0, sem0)

        pc1 = pc_v[pl.ds(g1, G)]
        drain(slab1, sem1)
        extract(g1, pc1, slab1)
        return carry

    lax.fori_loop(0, NG // 2, pair, 0)
    pltpu.sync_copy(rows_v, item_out.at[pl.ds(base, BPW)])


def _sc_item():
    return pl.kernel(
        _item_body,
        out_type=jax.ShapeDtypeStruct((B, D_ITEM), jnp.float32),
        scratch_types=[
            pltpu.VMEM((BPW,), jnp.int32),
            pltpu.VMEM((G, 8, D_ITEM), jnp.float32),
            pltpu.VMEM((G, 8, D_ITEM), jnp.float32),
            pltpu.VMEM((BPW, D_ITEM), jnp.float32),
            pltpu.SemaphoreType.DMA,
            pltpu.SemaphoreType.DMA,
        ],
        **_sc_params(),
    )


def _mlp_body(item_ref, ghl_ref, gnl_ref, pbr_ref,
              w1a_ref, w1b8_ref, w1c8_ref, w1pq_ref, b1_ref,
              w2_ref, b2_ref, wp_ref, bp_ref, out_ref):
    pbr = jnp.transpose(pbr_ref[...])
    h = jnp.dot(item_ref[...], w1a_ref[...], preferred_element_type=jnp.float32)
    seg8 = (lax.broadcasted_iota(jnp.int32, (BLK, 128), 1) >> 4).astype(
        jnp.float32)
    gh = jnp.where(seg8 == pbr[:, 2:3], ghl_ref[...], 0.0)
    gn = jnp.where(seg8 == pbr[:, 3:4], gnl_ref[...], 0.0)
    h += jnp.dot(gh, w1b8_ref[...], preferred_element_type=jnp.float32)
    h += jnp.dot(gn, w1c8_ref[...], preferred_element_type=jnp.float32)
    h += jnp.dot(pbr[:, 0:2], w1pq_ref[...],
                 preferred_element_type=jnp.float32)
    h = jnp.maximum(h + b1_ref[...], 0.0)
    h = jnp.maximum(
        jnp.dot(h, w2_ref[...], preferred_element_type=jnp.float32) + b2_ref[...],
        0.0)
    res = jnp.dot(h, wp_ref[...], preferred_element_type=jnp.float32) + bp_ref[...]
    out_ref[...] = jnp.transpose(res)


def _mlp(item_vec, ghl, gnl, pbr, W1a, W1b8, W1c8, W1pq, b1, W2, b2, Wp, bp,
         interpret=False):
    row = lambda i: (i, 0)
    rep = lambda i: (0, 0)
    return pl.pallas_call(
        _mlp_body,
        grid=(B // BLK,),
        in_specs=[
            pl.BlockSpec((BLK, D_ITEM), row),
            pl.BlockSpec((BLK, 128), row),
            pl.BlockSpec((BLK, 128), row),
            pl.BlockSpec((4, BLK), lambda i: (0, i)),
            pl.BlockSpec((D_ITEM, H1), rep),
            pl.BlockSpec((128, H1), rep),
            pl.BlockSpec((128, H1), rep),
            pl.BlockSpec((2, H1), rep),
            pl.BlockSpec((1, H1), rep),
            pl.BlockSpec((H1, H2), rep),
            pl.BlockSpec((1, H2), rep),
            pl.BlockSpec((H2, H2), rep),
            pl.BlockSpec((1, H2), rep),
        ],
        out_specs=pl.BlockSpec((H2, BLK), lambda i: (0, i)),
        out_shape=jax.ShapeDtypeStruct((H2, B), jnp.float32),
        interpret=interpret,
    )(item_vec, ghl, gnl, pbr, W1a, W1b8, W1c8, W1pq, b1, W2, b2, Wp, bp)


def kernel(ProductCode, ProductGroupHeader, ProductGroupName, Price, IsBestSeller,
           item_table, gh_table, gn_table, W1, b1, W2, b2, Wp, bp):
    gh128 = gh_table.reshape(125, 128)
    gn128 = gn_table.reshape(125, 128)
    ghl, gnl = _sc_groups()(
        ProductGroupHeader >> 3, ProductGroupName >> 3, gh128, gn128)
    item_vec = _sc_item()(ProductCode, item_table.reshape(125000, 8, D_ITEM))
    pbr = jnp.stack(
        [Price.astype(jnp.float32),
         IsBestSeller.astype(jnp.float32),
         (ProductGroupHeader & 7).astype(jnp.float32),
         (ProductGroupName & 7).astype(jnp.float32)], axis=0)
    W1b = W1[D_ITEM:D_ITEM + D_GROUP]
    W1c = W1[D_ITEM + D_GROUP:D_ITEM + 2 * D_GROUP]
    W1b8 = jnp.concatenate([W1b] * 8, axis=0)
    W1c8 = jnp.concatenate([W1c] * 8, axis=0)
    return _mlp(
        item_vec, ghl, gnl, pbr,
        W1[:D_ITEM], W1b8, W1c8, W1[D_ITEM + 2 * D_GROUP:],
        b1[None, :], W2, b2[None, :], Wp, bp[None, :]).T

# --- scband reference (transcript-rebuilt; emitter-appended) ---
"""Pipeline reference for scband-item-tower-29532195127508 (READ-ONLY COPY).

The authoritative reference and input builder live on the scoring server;
editing this copy changes nothing except your own understanding.
"""

import jax, jax.numpy as jnp
import numpy as np

B = 16384
ITEM_VOCAB = 1000000
GROUP_VOCAB = 1000
D_ITEM = 32
D_GROUP = 16
FEAT = D_ITEM + 2 * D_GROUP + 2  # 66
H1, H2 = 128, 64


def setup_inputs(seed: int = 0) -> dict:
    key = jax.random.key(seed)
    ks = jax.random.split(key, 16)
    inp = {}
    inp['ProductCode'] = jax.random.randint(ks[0], (B,), 0, ITEM_VOCAB, dtype=jnp.int64 if jax.config.jax_enable_x64 else jnp.int32).astype(jnp.int32)
    inp['ProductGroupHeader'] = jax.random.randint(ks[1], (B,), 0, GROUP_VOCAB).astype(jnp.int32)
    inp['ProductGroupName'] = jax.random.randint(ks[2], (B,), 0, GROUP_VOCAB).astype(jnp.int32)
    inp['Price'] = jax.random.uniform(ks[3], (B,), dtype=jnp.float32)
    inp['IsBestSeller'] = jax.random.randint(ks[4], (B,), 0, 2).astype(jnp.int32)
    # learned parameters
    inp['item_table'] = jax.random.normal(ks[5], (ITEM_VOCAB, D_ITEM), dtype=jnp.float32) * 0.02
    inp['gh_table'] = jax.random.normal(ks[6], (GROUP_VOCAB, D_GROUP), dtype=jnp.float32) * 0.02
    inp['gn_table'] = jax.random.normal(ks[7], (GROUP_VOCAB, D_GROUP), dtype=jnp.float32) * 0.02
    inp['W1'] = jax.random.normal(ks[8], (FEAT, H1), dtype=jnp.float32) * (1.0 / np.sqrt(FEAT))
    inp['b1'] = jnp.zeros((H1,), dtype=jnp.float32)
    inp['W2'] = jax.random.normal(ks[9], (H1, H2), dtype=jnp.float32) * (1.0 / np.sqrt(H1))
    inp['b2'] = jnp.zeros((H2,), dtype=jnp.float32)
    inp['Wp'] = jax.random.normal(ks[10], (H2, H2), dtype=jnp.float32) * (1.0 / np.sqrt(H2))
    inp['bp'] = jnp.zeros((H2,), dtype=jnp.float32)
    return inp


def reference(ProductCode, ProductGroupHeader, ProductGroupName, Price, IsBestSeller,
              item_table, gh_table, gn_table, W1, b1, W2, b2, Wp, bp):
    item_vec = jnp.take(item_table, ProductCode, axis=0)
    group_header_vec = jnp.take(gh_table, ProductGroupHeader, axis=0)
    group_name_vec = jnp.take(gn_table, ProductGroupName, axis=0)
    price = Price.astype(jnp.float32)[:, None]
    bestseller = IsBestSeller.astype(jnp.float32)[:, None]
    feature_vector = jnp.concatenate([item_vec, group_header_vec, group_name_vec, price, bestseller], axis=1)
    h = jax.nn.relu(feature_vector @ W1 + b1)
    h = jax.nn.relu(h @ W2 + b2)
    return h @ Wp + bp

if __name__ == "__main__":
    import jax
    _d = setup_inputs()
    print(jax.jit(kernel)(*tuple(_d.values())))

</pallas_src>

<mosaic_0001>
#map = affine_map<(d0, d1) -> (0)>
#map1 = affine_map<(d0, d1) -> (0, 0, 0)>
#map2 = affine_map<(d0, d1) -> (0, 0)>
module attributes {stable_mosaic.version = 14 : i64} {
  func.func @_item_body(%arg0: i32, %arg1: i32, %arg2: memref<16384xi32, #tpu.memory_space<hbm>>, %arg3: memref<125000x8x32xf32, #tpu.memory_space<hbm>>, %arg4: memref<16384x32xf32, #tpu.memory_space<hbm>>, %arg5: memref<512xi32, #tpu.memory_space<vmem>>, %arg6: memref<16x8x32xf32, #tpu.memory_space<vmem>>, %arg7: memref<16x8x32xf32, #tpu.memory_space<vmem>>, %arg8: memref<512x32xf32, #tpu.memory_space<vmem>>, %arg9: memref<!tpu.dma_semaphore, #tpu.memory_space<semaphore_mem>>, %arg10: memref<!tpu.dma_semaphore, #tpu.memory_space<semaphore_mem>>) attributes {dimension_semantics = [#tpu.dimension_semantics<core_parallel>, #tpu.dimension_semantics<subcore_parallel>], iteration_bounds = array<i64: 2, 16>, scalar_prefetch = 0 : i64, scratch_operands = 6 : i64, tpu.core_type = #tpu.core_type<sc_vector_subcore>, window_params = [{transform_indices = #map}, {transform_indices = #map1}, {transform_indices = #map2}]} {
    %mul3A = arith.constant 2 : i32
    %mul3A_0 = arith.muli %arg1, %mul3A : i32
    %add3A = arith.addi %mul3A_0, %arg0 : i32
    %mul3A_1 = arith.constant 512 : i32
    %mul3A_2 = arith.muli %add3A, %mul3A_1 : i32
    "tpu.region"() ({
      %run_scoped3A = tpu.sem_alloc : memref<!tpu.dma_semaphore, #tpu.memory_space<semaphore_mem>>
      %dma_start3A_342 = tpu.memref_slice %arg2[%mul3A_2] : memref<16384xi32, #tpu.memory_space<hbm>> -> memref<512xi32, #tpu.memory_space<hbm>>
      %dma_start3A_343 = tpu.memref_slice %arg2[%mul3A_2] : memref<16384xi32, #tpu.memory_space<hbm>> -> memref<512xi32, #tpu.memory_space<hbm>>
      tpu.enqueue_dma source(%dma_start3A_343 : memref<512xi32, #tpu.memory_space<hbm>>) target(%arg5 : memref<512xi32, #tpu.memory_space<vmem>>) target_semaphore(%run_scoped3A : memref<!tpu.dma_semaphore, #tpu.memory_space<semaphore_mem>>)
      %dma_wait3A = tpu.memref_slice %arg2[%mul3A_2] : memref<16384xi32, #tpu.memory_space<hbm>> -> memref<512xi32, #tpu.memory_space<hbm>>
      %dma_wait3A_344 = tpu.memref_slice %arg2[%mul3A_2] : memref<16384xi32, #tpu.memory_space<hbm>> -> memref<512xi32, #tpu.memory_space<hbm>>
      tpu.wait_dma2 semaphore(%run_scoped3A : memref<!tpu.dma_semaphore, #tpu.memory_space<semaphore_mem>>) src(%dma_wait3A_344 : memref<512xi32, #tpu.memory_space<hbm>>) dst(%arg5 : memref<512xi32, #tpu.memory_space<vmem>>)
      tpu.yield
    }) : () -> ()
    %get3A = arith.constant 0 : index
    %get3A_3 = tpu.vector_load %arg5[%get3A] {strides = array<i32>} : memref<512xi32, #tpu.memory_space<vmem>>, vector<16xi32>,
    %get3A_4 = vector.shape_cast %get3A_3 : vector<16xi32> to vector<16xi32>
    %slice3A = vector.extract_strided_slice %get3A_4 {offsets = [0], sizes = [1], strides = [1]} : vector<16xi32> to vector<1xi32>
    %squeeze3A = vector.extract %slice3A[0] : i32 from vector<1xi32>
    %shift_right_arithmetic3A = arith.constant 3 : i32
    %shift_right_arithmetic3A_5 = arith.shrsi %squeeze3A, %shift_right_arithmetic3A : i32
    %dma_start3A = arith.constant 0 : i32
    %dma_start3A_6 = arith.constant 0 : i32
    %dma_start3A_7 = arith.constant 0 : i32
    %dma_start3A_8 = tpu.memref_slice %arg6[%dma_start3A, %dma_start3A_6, %dma_start3A_7] : memref<16x8x32xf32, #tpu.memory_space<vmem>> -> memref<1x8x32xf32, #tpu.memory_space<vmem>>
    %dma_start3A_9 = tpu.memref_squeeze %dma_start3A_8 : memref<1x8x32xf32, #tpu.memory_space<vmem>> -> memref<8x32xf32, #tpu.memory_space<vmem>>
    %dma_start3A_10 = arith.constant 0 : i32
    %dma_start3A_11 = arith.constant 0 : i32
    %dma_start3A_12 = tpu.memref_slice %arg3[%shift_right_arithmetic3A_5, %dma_start3A_10, %dma_start3A_11] : memref<125000x8x32xf32, #tpu.memory_space<hbm>> -> memref<1x8x32xf32, #tpu.memory_space<hbm>>
    %dma_start3A_13 = tpu.memref_squeeze %dma_start3A_12 : memref<1x8x32xf32, #tpu.memory_space<hbm>> -> memref<8x32xf32, #tpu.memory_space<hbm>>
    %dma_start3A_14 = arith.constant 0 : i32
    %dma_start3A_15 = arith.constant 0 : i32
    %dma_start3A_16 = tpu.memref_slice %arg6[%dma_start3A, %dma_start3A_14, %dma_start3A_15] : memref<16x8x32xf32, #tpu.memory_space<vmem>> -> memref<1x8x32xf32, #tpu.memory_space<vmem>>
    %dma_start3A_17 = tpu.memref_squeeze %dma_start3A_16 : memref<1x8x32xf32, #tpu.memory_space<vmem>> -> memref<8x32xf32, #tpu.memory_space<vmem>>
    %dma_start3A_18 = arith.constant 0 : i32
    %dma_start3A_19 = arith.constant 0 : i32
    %dma_start3A_20 = tpu.memref_slice %arg3[%shift_right_arithmetic3A_5, %dma_start3A_18, %dma_start3A_19] : memref<125000x8x32xf32, #tpu.memory_space<hbm>> -> memref<1x8x32xf32, #tpu.memory_space<hbm>>
    %dma_start3A_21 = tpu.memref_squeeze %dma_start3A_20 : memref<1x8x32xf32, #tpu.memory_space<hbm>> -> memref<8x32xf32, #tpu.memory_space<hbm>>
    tpu.enqueue_dma source(%dma_start3A_21 : memref<8x32xf32, #tpu.memory_space<hbm>>) target(%dma_start3A_17 : memref<8x32xf32, #tpu.memory_space<vmem>>) target_semaphore(%arg9 : memref<!tpu.dma_semaphore, #tpu.memory_space<semaphore_mem>>)
    %slice3A_22 = vector.extract_strided_slice %get3A_4 {offsets = [1], sizes = [1], strides = [1]} : vector<16xi32> to vector<1xi32>
    %squeeze3A_23 = vector.extract %slice3A_22[0] : i32 from vector<1xi32>
    %shift_right_arithmetic3A_24 = arith.constant 3 : i32
    %shift_right_arithmetic3A_25 = arith.shrsi %squeeze3A_23, %shift_right_arithmetic3A_24 : i32
    %dma_start3A_26 = arith.constant 1 : i32
    %dma_start3A_27 = arith.constant 0 : i32
    %dma_start3A_28 = arith.constant 0 : i32
    %dma_start3A_29 = tpu.memref_slice %arg6[%dma_start3A_26, %dma_start3A_27, %dma_start3A_28] : memref<16x8x32xf32, #tpu.memory_space<vmem>> -> memref<1x8x32xf32, #tpu.memory_space<vmem>>
    %dma_start3A_30 = tpu.memref_squeeze %dma_start3A_29 : memref<1x8x32xf32, #tpu.memory_space<vmem>> -> memref<8x32xf32, #tpu.memory_space<vmem>>
    %dma_start3A_31 = arith.constant 0 : i32
    %dma_start3A_32 = arith.constant 0 : i32
    %dma_start3A_33 = tpu.memref_slice %arg3[%shift_right_arithmetic3A_25, %dma_start3A_31, %dma_start3A_32] : memref<125000x8x32xf32, #tpu.memory_space<hbm>> -> memref<1x8x32xf32, #tpu.memory_space<hbm>>
    %dma_start3A_34 = tpu.memref_squeeze %dma_start3A_33 : memref<1x8x32xf32, #tpu.memory_space<hbm>> -> memref<8x32xf32, #tpu.memory_space<hbm>>
    %dma_start3A_35 = arith.constant 0 : i32
    %dma_start3A_36 = arith.constant 0 : i32
    %dma_start3A_37 = tpu.memref_slice %arg6[%dma_start3A_26, %dma_start3A_35, %dma_start3A_36] : memref<16x8x32xf32, #tpu.memory_space<vmem>> -> memref<1x8x32xf32, #tpu.memory_space<vmem>>
    %dma_start3A_38 = tpu.memref_squeeze %dma_start3A_37 : memref<1x8x32xf32, #tpu.memory_space<vmem>> -> memref<8x32xf32, #tpu.memory_space<vmem>>
    %dma_start3A_39 = arith.constant 0 : i32
    %dma_start3A_40 = arith.constant 0 : i32
    %dma_start3A_41 = tpu.memref_slice %arg3[%shift_right_arithmetic3A_25, %dma_start3A_39, %dma_start3A_40] : memref<125000x8x32xf32, #tpu.memory_space<hbm>> -> memref<1x8x32xf32, #tpu.memory_space<hbm>>
    %dma_start3A_42 = tpu.memref_squeeze %dma_start3A_41 : memref<1x8x32xf32, #tpu.memory_space<hbm>> -> memref<8x32xf32, #tpu.memory_space<hbm>>
    tpu.enqueue_dma source(%dma_start3A_42 : memref<8x32xf32, #tpu.memory_space<hbm>>) target(%dma_start3A_38 : memref<8x32xf32, #tpu.memory_space<vmem>>) target_semaphore(%arg9 : memref<!tpu.dma_semaphore, #tpu.memory_space<semaphore_mem>>)
    %slice3A_43 = vector.extract_strided_slice %get3A_4 {offsets = [2], sizes = [1], strides = [1]} : vector<16xi32> to vector<1xi32>
    %squeeze3A_44 = vector.extract %slice3A_43[0] : i32 from vector<1xi32>
    %shift_right_arithmetic3A_45 = arith.constant 3 : i32
    %shift_right_arithmetic3A_46 = arith.shrsi %squeeze3A_44, %shift_right_arithmetic3A_45 : i32
    %dma_start3A_47 = arith.constant 2 : i32
    %dma_start3A_48 = arith.constant 0 : i32
    %dma_start3A_49 = arith.constant 0 : i32
    %dma_start3A_50 = tpu.memref_slice %arg6[%dma_start3A_47, %dma_start3A_48, %dma_start3A_49] : memref<16x8x32xf32, #tpu.memory_space<vmem>> -> memref<1x8x32xf32, #tpu.memory_space<vmem>>
    %dma_start3A_51 = tpu.memref_squeeze %dma_start3A_50 : memref<1x8x32xf32, #tpu.memory_space<vmem>> -> memref<8x32xf32, #tpu.memory_space<vmem>>
    %dma_start3A_52 = arith.constant 0 : i32
    %dma_start3A_53 = arith.constant 0 : i32
    %dma_start3A_54 = tpu.memref_slice %arg3[%shift_right_arithmetic3A_46, %dma_start3A_52, %dma_start3A_53] : memref<125000x8x32xf32, #tpu.memory_space<hbm>> -> memref<1x8x32xf32, #tpu.memory_space<hbm>>
    %dma_start3A_55 = tpu.memref_squeeze %dma_start3A_54 : memref<1x8x32xf32, #tpu.memory_space<hbm>> -> memref<8x32xf32, #tpu.memory_space<hbm>>
    %dma_start3A_56 = arith.constant 0 : i32
    %dma_start3A_57 = arith.constant 0 : i32
    %dma_start3A_58 = tpu.memref_slice %arg6[%dma_start3A_47, %dma_start3A_56, %dma_start3A_57] : memref<16x8x32xf32, #tpu.memory_space<vmem>> -> memref<1x8x32xf32, #tpu.memory_space<vmem>>
    %dma_start3A_59 = tpu.memref_squeeze %dma_start3A_58 : memref<1x8x32xf32, #tpu.memory_space<vmem>> -> memref<8x32xf32, #tpu.memory_space<vmem>>
    %dma_start3A_60 = arith.constant 0 : i32
    %dma_start3A_61 = arith.constant 0 : i32
    %dma_start3A_62 = tpu.memref_slice %arg3[%shift_right_arithmetic3A_46, %dma_start3A_60, %dma_start3A_61] : memref<125000x8x32xf32, #tpu.memory_space<hbm>> -> memref<1x8x32xf32, #tpu.memory_space<hbm>>
    %dma_start3A_63 = tpu.memref_squeeze %dma_start3A_62 : memref<1x8x32xf32, #tpu.memory_space<hbm>> -> memref<8x32xf32, #tpu.memory_space<hbm>>
    tpu.enqueue_dma source(%dma_start3A_63 : memref<8x32xf32, #tpu.memory_space<hbm>>) target(%dma_start3A_59 : memref<8x32xf32, #tpu.memory_space<vmem>>) target_semaphore(%arg9 : memref<!tpu.dma_semaphore, #tpu.memory_space<semaphore_mem>>)
    %slice3A_64 = vector.extract_strided_slice %get3A_4 {offsets = [3], sizes = [1], strides = [1]} : vector<16xi32> to vector<1xi32>
    %squeeze3A_65 = vector.extract %slice3A_64[0] : i32 from vector<1xi32>
    %shift_right_arithmetic3A_66 = arith.constant 3 : i32
    %shift_right_arithmetic3A_67 = arith.shrsi %squeeze3A_65, %shift_right_arithmetic3A_66 : i32
    %dma_start3A_68 = arith.constant 3 : i32
    %dma_start3A_69 = arith.constant 0 : i32
    %dma_start3A_70 = arith.constant 0 : i32
    %dma_start3A_71 = tpu.memref_slice %arg6[%dma_start3A_68, %dma_start3A_69, %dma_start3A_70] : memref<16x8x32xf32, #tpu.memory_space<vmem>> -> memref<1x8x32xf32, #tpu.memory_space<vmem>>
    %dma_start3A_72 = tpu.memref_squeeze %dma_start3A_71 : memref<1x8x32xf32, #tpu.memory_space<vmem>> -> memref<8x32xf32, #tpu.memory_space<vmem>>
    %dma_start3A_73 = arith.constant 0 : i32
    %dma_start3A_74 = arith.constant 0 : i32
    %dma_start3A_75 = tpu.memref_slice %arg3[%shift_right_arithmetic3A_67, %dma_start3A_73, %dma_start3A_74] : memref<125000x8x32xf32, #tpu.memory_space<hbm>> -> memref<1x8x32xf32, #tpu.memory_space<hbm>>
    %dma_start3A_76 = tpu.memref_squeeze %dma_start3A_75 : memref<1x8x32xf32, #tpu.memory_space<hbm>> -> memref<8x32xf32, #tpu.memory_space<hbm>>
    %dma_start3A_77 = arith.constant 0 : i32
    %dma_start3A_78 = arith.constant 0 : i32
    %dma_start3A_79 = tpu.memref_slice %arg6[%dma_start3A_68, %dma_start3A_77, %dma_start3A_78] : memref<16x8x32xf32, #tpu.memory_space<vmem>> -> memref<1x8x32xf32, #tpu.memory_space<vmem>>
    %dma_start3A_80 = tpu.memref_squeeze %dma_start3A_79 : memref<1x8x32xf32, #tpu.memory_space<vmem>> -> memref<8x32xf32, #tpu.memory_space<vmem>>
    %dma_start3A_81 = arith.constant 0 : i32
    %dma_start3A_82 = arith.constant 0 : i32
    %dma_start3A_83 = tpu.memref_slice %arg3[%shift_right_arithmetic3A_67, %dma_start3A_81, %dma_start3A_82] : memref<125000x8x32xf32, #tpu.memory_space<hbm>> -> memref<1x8x32xf32, #tpu.memory_space<hbm>>
    %dma_start3A_84 = tpu.memref_squeeze %dma_start3A_83 : memref<1x8x32xf32, #tpu.memory_space<hbm>> -> memref<8x32xf32, #tpu.memory_space<hbm>>
    tpu.enqueue_dma source(%dma_start3A_84 : memref<8x32xf32, #tpu.memory_space<hbm>>) target(%dma_start3A_80 : memref<8x32xf32, #tpu.memory_space<vmem>>) target_semaphore(%arg9 : memref<!tpu.dma_semaphore, #tpu.memory_space<semaphore_mem>>)
    %slice3A_85 = vector.extract_strided_slice %get3A_4 {offsets = [4], sizes = [1], strides = [1]} : vector<16xi32> to vector<1xi32>
    %squeeze3A_86 = vector.extract %slice3A_85[0] : i32 from vector<1xi32>
    %shift_right_arithmetic3A_87 = arith.constant 3 : i32
    %shift_right_arithmetic3A_88 = arith.shrsi %squeeze3A_86, %shift_right_arithmetic3A_87 : i32
    %dma_start3A_89 = arith.constant 4 : i32
    %dma_start3A_90 = arith.constant 0 : i32
    %dma_start3A_91 = arith.constant 0 : i32
    %dma_start3A_92 = tpu.memref_slice %arg6[%dma_start3A_89, %dma_start3A_90, %dma_start3A_91] : memref<16x8x32xf32, #tpu.memory_space<vmem>> -> memref<1x8x32xf32, #tpu.memory_space<vmem>>
    %dma_start3A_93 = tpu.memref_squeeze %dma_start3A_92 : memref<1x8x32xf32, #tpu.memory_space<vmem>> -> memref<8x32xf32, #tpu.memory_space<vmem>>
    %dma_start3A_94 = arith.constant 0 : i32
    %dma_start3A_95 = arith.constant 0 : i32
    %dma_start3A_96 = tpu.memref_slice %arg3[%shift_right_arithmetic3A_88, %dma_start3A_94, %dma_start3A_95] : memref<125000x8x32xf32, #tpu.memory_space<hbm>> -> memref<1x8x32xf32, #tpu.memory_space<hbm>>
    %dma_start3A_97 = tpu.memref_squeeze %dma_start3A_96 : memref<1x8x32xf32, #tpu.memory_space<hbm>> -> memref<8x32xf32, #tpu.memory_space<hbm>>
    %dma_start3A_98 = arith.constant 0 : i32
    %dma_start3A_99 = arith.constant 0 : i32
    %dma_start3A_100 = tpu.memref_slice %arg6[%dma_start3A_89, %dma_start3A_98, %dma_start3A_99] : memref<16x8x32xf32, #tpu.memory_space<vmem>> -> memref<1x8x32xf32, #tpu.memory_space<vmem>>
    %dma_start3A_101 = tpu.memref_squeeze %dma_start3A_100 : memref<1x8x32xf32, #tpu.memory_space<vmem>> -> memref<8x32xf32, #tpu.memory_space<vmem>>
    %dma_start3A_102 = arith.constant 0 : i32
    %dma_start3A_103 = arith.constant 0 : i32
    %dma_start3A_104 = tpu.memref_slice %arg3[%shift_right_arithmetic3A_88, %dma_start3A_102, %dma_start3A_103] : memref<125000x8x32xf32, #tpu.memory_space<hbm>> -> memref<1x8x32xf32, #tpu.memory_space<hbm>>
    %dma_start3A_105 = tpu.memref_squeeze %dma_start3A_104 : memref<1x8x32xf32, #tpu.memory_space<hbm>> -> memref<8x32xf32, #tpu.memory_space<hbm>>
    tpu.enqueue_dma source(%dma_start3A_105 : memref<8x32xf32, #tpu.memory_space<hbm>>) target(%dma_start3A_101 : memref<8x32xf32, #tpu.memory_space<vmem>>) target_semaphore(%arg9 : memref<!tpu.dma_semaphore, #tpu.memory_space<semaphore_mem>>)
    %slice3A_106 = vector.extract_strided_slice %get3A_4 {offsets = [5], sizes = [1], strides = [1]} : vector<16xi32> to vector<1xi32>
    %squeeze3A_107 = vector.extract %slice3A_106[0] : i32 from vector<1xi32>
    %shift_right_arithmetic3A_108 = arith.constant 3 : i32
    %shift_right_arithmetic3A_109 = arith.shrsi %squeeze3A_107, %shift_right_arithmetic3A_108 : i32
    %dma_start3A_110 = arith.constant 5 : i32
    %dma_start3A_111 = arith.constant 0 : i32
    %dma_start3A_112 = arith.constant 0 : i32
    %dma_start3A_113 = tpu.memref_slice %arg6[%dma_start3A_110, %dma_start3A_111, %dma_start3A_112] : memref<16x8x32xf32, #tpu.memory_space<vmem>> -> memref<1x8x32xf32, #tpu.memory_space<vmem>>
    %dma_start3A_114 = tpu.memref_squeeze %dma_start3A_113 : memref<1x8x32xf32, #tpu.memory_space<vmem>> -> memref<8x32xf32, #tpu.memory_space<vmem>>
    %dma_start3A_115 = arith.constant 0 : i32
    %dma_start3A_116 = arith.constant 0 : i32
    %dma_start3A_117 = tpu.memref_slice %arg3[%shift_right_arithmetic3A_109, %dma_start3A_115, %dma_start3A_116] : memref<125000x8x32xf32, #tpu.memory_space<hbm>> -> memref<1x8x32xf32, #tpu.memory_space<hbm>>
    %dma_start3A_118 = tpu.memref_squeeze %dma_start3A_117 : memref<1x8x32xf32, #tpu.memory_space<hbm>> -> memref<8x32xf32, #tpu.memory_space<hbm>>
    %dma_start3A_119 = arith.constant 0 : i32
    %dma_start3A_120 = arith.constant 0 : i32
    %dma_start3A_121 = tpu.memref_slice %arg6[%dma_start3A_110, %dma_start3A_119, %dma_start3A_120] : memref<16x8x32xf32, #tpu.memory_space<vmem>> -> memref<1x8x32xf32, #tpu.memory_space<vmem>>
    %dma_start3A_122 = tpu.memref_squeeze %dma_start3A_121 : memref<1x8x32xf32, #tpu.memory_space<vmem>> -> memref<8x32xf32, #tpu.memory_space<vmem>>
    %dma_start3A_123 = arith.constant 0 : i32
    %dma_start3A_124 = arith.constant 0 : i32
    %dma_start3A_125 = tpu.memref_slice %arg3[%shift_right_arithmetic3A_109, %dma_start3A_123, %dma_start3A_124] : memref<125000x8x32xf32, #tpu.memory_space<hbm>> -> memref<1x8x32xf32, #tpu.memory_space<hbm>>
    %dma_start3A_126 = tpu.memref_squeeze %dma_start3A_125 : memref<1x8x32xf32, #tpu.memory_space<hbm>> -> memref<8x32xf32, #tpu.memory_space<hbm>>
    tpu.enqueue_dma source(%dma_start3A_126 : memref<8x32xf32, #tpu.memory_space<hbm>>) target(%dma_start3A_122 : memref<8x32xf32, #tpu.memory_space<vmem>>) target_semaphore(%arg9 : memref<!tpu.dma_semaphore, #tpu.memory_space<semaphore_mem>>)
    %slice3A_127 = vector.extract_strided_slice %get3A_4 {offsets = [6], sizes = [1], strides = [1]} : vector<16xi32> to vector<1xi32>
    %squeeze3A_128 = vector.extract %slice3A_127[0] : i32 from vector<1xi32>
    %shift_right_arithmetic3A_129 = arith.constant 3 : i32
    %shift_right_arithmetic3A_130 = arith.shrsi %squeeze3A_128, %shift_right_arithmetic3A_129 : i32
    %dma_start3A_131 = arith.constant 6 : i32
    %dma_start3A_132 = arith.constant 0 : i32
    %dma_start3A_133 = arith.constant 0 : i32
    %dma_start3A_134 = tpu.memref_slice %arg6[%dma_start3A_131, %dma_start3A_132, %dma_start3A_133] : memref<16x8x32xf32, #tpu.memory_space<vmem>> -> memref<1x8x32xf32, #tpu.memory_space<vmem>>
    %dma_start3A_135 = tpu.memref_squeeze %dma_start3A_134 : memref<1x8x32xf32, #tpu.memory_space<vmem>> -> memref<8x32xf32, #tpu.memory_space<vmem>>
    %dma_start3A_136 = arith.constant 0 : i32
    %dma_start3A_137 = arith.constant 0 : i32
    %dma_start3A_138 = tpu.memref_slice %arg3[%shift_right_arithmetic3A_130, %dma_start3A_136, %dma_start3A_137] : memref<125000x8x32xf32, #tpu.memory_space<hbm>> -> memref<1x8x32xf32, #tpu.memory_space<hbm>>
    %dma_start3A_139 = tpu.memref_squeeze %dma_start3A_138 : memref<1x8x32xf32, #tpu.memory_space<hbm>> -> memref<8x32xf32, #tpu.memory_space<hbm>>
    %dma_start3A_140 = arith.constant 0 : i32
    %dma_start3A_141 = arith.constant 0 : i32
    %dma_start3A_142 = tpu.memref_slice %arg6[%dma_start3A_131, %dma_start3A_140, %dma_start3A_141] : memref<16x8x32xf32, #tpu.memory_space<vmem>> -> memref<1x8x32xf32, #tpu.memory_space<vmem>>
    %dma_start3A_143 = tpu.memref_squeeze %dma_start3A_142 : memref<1x8x32xf32, #tpu.memory_space<vmem>> -> memref<8x32xf32, #tpu.memory_space<vmem>>
    %dma_start3A_144 = arith.constant 0 : i32
    %dma_start3A_145 = arith.constant 0 : i32
    %dma_start3A_146 = tpu.memref_slice %arg3[%shift_right_arithmetic3A_130, %dma_start3A_144, %dma_start3A_145] : memref<125000x8x32xf32, #tpu.memory_space<hbm>> -> memref<1x8x32xf32, #tpu.memory_space<hbm>>
    %dma_start3A_147 = tpu.memref_squeeze %dma_start3A_146 : memref<1x8x32xf32, #tpu.memory_space<hbm>> -> memref<8x32xf32, #tpu.memory_space<hbm>>
    tpu.enqueue_dma source(%dma_start3A_147 : memref<8x32xf32, #tpu.memory_space<hbm>>) target(%dma_start3A_143 : memref<8x32xf32, #tpu.memory_space<vmem>>) target_semaphore(%arg9 : memref<!tpu.dma_semaphore, #tpu.memory_space<semaphore_mem>>)
    %slice3A_148 = vector.extract_strided_slice %get3A_4 {offsets = [7], sizes = [1], strides = [1]} : vector<16xi32> to vector<1xi32>
    %squeeze3A_149 = vector.extract %slice3A_148[0] : i32 from vector<1xi32>
    %shift_right_arithmetic3A_150 = arith.constant 3 : i32
    %shift_right_arithmetic3A_151 = arith.shrsi %squeeze3A_149, %shift_right_arithmetic3A_150 : i32
    %dma_start3A_152 = arith.constant 7 : i32
    %dma_start3A_153 = arith.constant 0 : i32
    %dma_start3A_154 = arith.constant 0 : i32
    %dma_start3A_155 = tpu.memref_slice %arg6[%dma_start3A_152, %dma_start3A_153, %dma_start3A_154] : memref<16x8x32xf32, #tpu.memory_space<vmem>> -> memref<1x8x32xf32, #tpu.memory_space<vmem>>
    %dma_start3A_156 = tpu.memref_squeeze %dma_start3A_155 : memref<1x8x32xf32, #tpu.memory_space<vmem>> -> memref<8x32xf32, #tpu.memory_space<vmem>>
    %dma_start3A_157 = arith.constant 0 : i32
    %dma_start3A_158 = arith.constant 0 : i32
    %dma_start3A_159 = tpu.memref_slice %arg3[%shift_right_arithmetic3A_151, %dma_start3A_157, %dma_start3A_158] : memref<125000x8x32xf32, #tpu.memory_space<hbm>> -> memref<1x8x32xf32, #tpu.memory_space<hbm>>
    %dma_start3A_160 = tpu.memref_squeeze %dma_start3A_159 : memref<1x8x32xf32, #tpu.memory_space<hbm>> -> memref<8x32xf32, #tpu.memory_space<hbm>>
    %dma_start3A_161 = arith.constant 0 : i32
    %dma_start3A_162 = arith.constant 0 : i32
    %dma_start3A_163 = tpu.memref_slice %arg6[%dma_start3A_152, %dma_start3A_161, %dma_start3A_162] : memref<16x8x32xf32, #tpu.memory_space<vmem>> -> memref<1x8x32xf32, #tpu.memory_space<vmem>>
    %dma_start3A_164 = tpu.memref_squeeze %dma_start3A_163 : memref<1x8x32xf32, #tpu.memory_space<vmem>> -> memref<8x32xf32, #tpu.memory_space<vmem>>
    %dma_start3A_165 = arith.constant 0 : i32
    %dma_start3A_166 = arith.constant 0 : i32
    %dma_start3A_167 = tpu.memref_slice %arg3[%shift_right_arithmetic3A_151, %dma_start3A_165, %dma_start3A_166] : memref<125000x8x32xf32, #tpu.memory_space<hbm>> -> memref<1x8x32xf32, #tpu.memory_space<hbm>>
    %dma_start3A_168 = tpu.memref_squeeze %dma_start3A_167 : memref<1x8x32xf32, #tpu.memory_space<hbm>> -> memref<8x32xf32, #tpu.memory_space<hbm>>
    tpu.enqueue_dma source(%dma_start3A_168 : memref<8x32xf32, #tpu.memory_space<hbm>>) target(%dma_start3A_164 : memref<8x32xf32, #tpu.memory_space<vmem>>) target_semaphore(%arg9 : memref<!tpu.dma_semaphore, #tpu.memory_space<semaphore_mem>>)
    %slice3A_169 = vector.extract_strided_slice %get3A_4 {offsets = [8], sizes = [1], strides = [1]} : vector<16xi32> to vector<1xi32>
    %squeeze3A_170 = vector.extract %slice3A_169[0] : i32 from vector<1xi32>
    %shift_right_arithmetic3A_171 = arith.constant 3 : i32
    %shift_right_arithmetic3A_172 = arith.shrsi %squeeze3A_170, %shift_right_arithmetic3A_171 : i32
    %dma_start3A_173 = arith.constant 8 : i32
    %dma_start3A_174 = arith.constant 0 : i32
    %dma_start3A_175 = arith.constant 0 : i32
    %dma_start3A_176 = tpu.memref_slice %arg6[%dma_start3A_173, %dma_start3A_174, %dma_start3A_175] : memref<16x8x32xf32, #tpu.memory_space<vmem>> -> memref<1x8x32xf32, #tpu.memory_space<vmem>>
    %dma_start3A_177 = tpu.memref_squeeze %dma_start3A_176 : memref<1x8x32xf32, #tpu.memory_space<vmem>> -> memref<8x32xf32, #tpu.memory_space<vmem>>
    %dma_start3A_178 = arith.constant 0 : i32
    %dma_start3A_179 = arith.constant 0 : i32
    %dma_start3A_180 = tpu.memref_slice %arg3[%shift_right_arithmetic3A_172, %dma_start3A_178, %dma_start3A_179] : memref<125000x8x32xf32, #tpu.memory_space<hbm>> -> memref<1x8x32xf32, #tpu.memory_space<hbm>>
    %dma_start3A_181 = tpu.memref_squeeze %dma_start3A_180 : memref<1x8x32xf32, #tpu.memory_space<hbm>> -> memref<8x32xf32, #tpu.memory_space<hbm>>
    %dma_start3A_182 = arith.constant 0 : i32
    %dma_start3A_183 = arith.constant 0 : i32
    %dma_start3A_184 = tpu.memref_slice %arg6[%dma_start3A_173, %dma_start3A_182, %dma_start3A_183] : memref<16x8x32xf32, #tpu.memory_space<vmem>> -> memref<1x8x32xf32, #tpu.memory_space<vmem>>
    %dma_start3A_185 = tpu.memref_squeeze %dma_start3A_184 : memref<1x8x32xf32, #tpu.memory_space<vmem>> -> memref<8x32xf32, #tpu.memory_space<vmem>>
    %dma_start3A_186 = arith.constant 0 : i32
    %dma_start3A_187 = arith.constant 0 : i32
    %dma_start3A_188 = tpu.memref_slice %arg3[%shift_right_arithmetic3A_172, %dma_start3A_186, %dma_start3A_187] : memref<125000x8x32xf32, #tpu.memory_space<hbm>> -> memref<1x8x32xf32, #tpu.memory_space<hbm>>
    %dma_start3A_189 = tpu.memref_squeeze %dma_start3A_188 : memref<1x8x32xf32, #tpu.memory_space<hbm>> -> memref<8x32xf32, #tpu.memory_space<hbm>>
    tpu.enqueue_dma source(%dma_start3A_189 : memref<8x32xf32, #tpu.memory_space<hbm>>) target(%dma_start3A_185 : memref<8x32xf32, #tpu.memory_space<vmem>>) target_semaphore(%arg9 : memref<!tpu.dma_semaphore, #tpu.memory_space<semaphore_mem>>)
    %slice3A_190 = vector.extract_strided_slice %get3A_4 {offsets = [9], sizes = [1], strides = [1]} : vector<16xi32> to vector<1xi32>
    %squeeze3A_191 = vector.extract %slice3A_190[0] : i32 from vector<1xi32>
    %shift_right_arithmetic3A_192 = arith.constant 3 : i32
    %shift_right_arithmetic3A_193 = arith.shrsi %squeeze3A_191, %shift_right_arithmetic3A_192 : i32
    %dma_start3A_194 = arith.constant 9 : i32
    %dma_start3A_195 = arith.constant 0 : i32
    %dma_start3A_196 = arith.constant 0 : i32
    %dma_start3A_197 = tpu.memref_slice %arg6[%dma_start3A_194, %dma_start3A_195, %dma_start3A_196] : memref<16x8x32xf32, #tpu.memory_space<vmem>> -> memref<1x8x32xf32, #tpu.memory_space<vmem>>
    %dma_start3A_198 = tpu.memref_squeeze %dma_start3A_197 : memref<1x8x32xf32, #tpu.memory_space<vmem>> -> memref<8x32xf32, #tpu.memory_space<vmem>>
    %dma_start3A_199 = arith.constant 0 : i32
    %dma_start3A_200 = arith.constant 0 : i32
    %dma_start3A_201 = tpu.memref_slice %arg3[%shift_right_arithmetic3A_193, %dma_start3A_199, %dma_start3A_200] : memref<125000x8x32xf32, #tpu.memory_space<hbm>> -> memref<1x8x32xf32, #tpu.memory_space<hbm>>
    %dma_start3A_202 = tpu.memref_squeeze %dma_start3A_201 : memref<1x8x32xf32, #tpu.memory_space<hbm>> -> memref<8x32xf32, #tpu.memory_space<hbm>>
    %dma_start3A_203 = arith.constant 0 : i32
    %dma_start3A_204 = arith.constant 0 : i32
    %dma_start3A_205 = tpu.memref_slice %arg6[%dma_start3A_194, %dma_start3A_203, %dma_start3A_204] : memref<16x8x32xf32, #tpu.memory_space<vmem>> -> memref<1x8x32xf32, #tpu.memory_space<vmem>>
    %dma_start3A_206 = tpu.memref_squeeze %dma_start3A_205 : memref<1x8x32xf32, #tpu.memory_space<vmem>> -> memref<8x32xf32, #tpu.memory_space<vmem>>
    %dma_start3A_207 = arith.constant 0 : i32
    %dma_start3A_208 = arith.constant 0 : i32
    %dma_start3A_209 = tpu.memref_slice %arg3[%shift_right_arithmetic3A_193, %dma_start3A_207, %dma_start3A_208] : memref<125000x8x32xf32, #tpu.memory_space<hbm>> -> memref<1x8x32xf32, #tpu.memory_space<hbm>>
    %dma_start3A_210 = tpu.memref_squeeze %dma_start3A_209 : memref<1x8x32xf32, #tpu.memory_space<hbm>> -> memref<8x32xf32, #tpu.memory_space<hbm>>
    tpu.enqueue_dma source(%dma_start3A_210 : memref<8x32xf32, #tpu.memory_space<hbm>>) target(%dma_start3A_206 : memref<8x32xf32, #tpu.memory_space<vmem>>) target_semaphore(%arg9 : memref<!tpu.dma_semaphore, #tpu.memory_space<semaphore_mem>>)
    %slice3A_211 = vector.extract_strided_slice %get3A_4 {offsets = [10], sizes = [1], strides = [1]} : vector<16xi32> to vector<1xi32>
    %squeeze3A_212 = vector.extract %slice3A_211[0] : i32 from vector<1xi32>
    %shift_right_arithmetic3A_213 = arith.constant 3 : i32
    %shift_right_arithmetic3A_214 = arith.shrsi %squeeze3A_212, %shift_right_arithmetic3A_213 : i32
    %dma_start3A_215 = arith.constant 10 : i32
    %dma_start3A_216 = arith.constant 0 : i32
    %dma_start3A_217 = arith.constant 0 : i32
    %dma_start3A_218 = tpu.memref_slice %arg6[%dma_start3A_215, %dma_start3A_216, %dma_start3A_217] : memref<16x8x32xf32, #tpu.memory_space<vmem>> -> memref<1x8x32xf32, #tpu.memory_space<vmem>>
    %dma_start3A_219 = tpu.memref_squeeze %dma_start3A_218 : memref<1x8x32xf32, #tpu.memory_space<vmem>> -> memref<8x32xf32, #tpu.memory_space<vmem>>
    %dma_start3A_220 = arith.constant 0 : i32
    %dma_start3A_221 = arith.constant 0 : i32
    %dma_start3A_222 = tpu.memref_slice %arg3[%shift_right_arithmetic3A_214, %dma_start3A_220, %dma_start3A_221] : memref<125000x8x32xf32, #tpu.memory_space<hbm>> -> memref<1x8x32xf32, #tpu.memory_space<hbm>>
    %dma_start3A_223 = tpu.memref_squeeze %dma_start3A_222 : memref<1x8x32xf32, #tpu.memory_space<hbm>> -> memref<8x32xf32, #tpu.memory_space<hbm>>
    %dma_start3A_224 = arith.constant 0 : i32
    %dma_start3A_225 = arith.constant 0 : i32
    %dma_start3A_226 = tpu.memref_slice %arg6[%dma_start3A_215, %dma_start3A_224, %dma_start3A_225] : memref<16x8x32xf32, #tpu.memory_space<vmem>> -> memref<1x8x32xf32, #tpu.memory_space<vmem>>
    %dma_start3A_227 = tpu.memref_squeeze %dma_start3A_226 : memref<1x8x32xf32, #tpu.memory_space<vmem>> -> memref<8x32xf32, #tpu.memory_space<vmem>>
    %dma_start3A_228 = arith.constant 0 : i32
    %dma_start3A_229 = arith.constant 0 : i32
    %dma_start3A_230 = tpu.memref_slice %arg3[%shift_right_arithmetic3A_214, %dma_start3A_228, %dma_start3A_229] : memref<125000x8x32xf32, #tpu.memory_space<hbm>> -> memref<1x8x32xf32, #tpu.memory_space<hbm>>
    %dma_start3A_231 = tpu.memref_squeeze %dma_start3A_230 : memref<1x8x32xf32, #tpu.memory_space<hbm>> -> memref<8x32xf32, #tpu.memory_space<hbm>>
    tpu.enqueue_dma source(%dma_start3A_231 : memref<8x32xf32, #tpu.memory_space<hbm>>) target(%dma_start3A_227 : memref<8x32xf32, #tpu.memory_space<vmem>>) target_semaphore(%arg9 : memref<!tpu.dma_semaphore, #tpu.memory_space<semaphore_mem>>)
    %slice3A_232 = vector.extract_strided_slice %get3A_4 {offsets = [11], sizes = [1], strides = [1]} : vector<16xi32> to vector<1xi32>
    %squeeze3A_233 = vector.extract %slice3A_232[0] : i32 from vector<1xi32>
    %shift_right_arithmetic3A_234 = arith.constant 3 : i32
    %shift_right_arithmetic3A_235 = arith.shrsi %squeeze3A_233, %shift_right_arithmetic3A_234 : i32
    %dma_start3A_236 = arith.constant 11 : i32
    %dma_start3A_237 = arith.constant 0 : i32
    %dma_start3A_238 = arith.constant 0 : i32
    %dma_start3A_239 = tpu.memref_slice %arg6[%dma_start3A_236, %dma_start3A_237, %dma_start3A_238] : memref<16x8x32xf32, #tpu.memory_space<vmem>> -> memref<1x8x32xf32, #tpu.memory_space<vmem>>
    %dma_start3A_240 = tpu.memref_squeeze %dma_start3A_239 : memref<1x8x32xf32, #tpu.memory_space<vmem>> -> memref<8x32xf32, #tpu.memory_space<vmem>>
    %dma_start3A_241 = arith.constant 0 : i32
    %dma_start3A_242 = arith.constant 0 : i32
    %dma_start3A_243 = tpu.memref_slice %arg3[%shift_right_arithmetic3A_235, %dma_start3A_241, %dma_start3A_242] : memref<125000x8x32xf32, #tpu.memory_space<hbm>> -> memref<1x8x32xf32, #tpu.memory_space<hbm>>
    %dma_start3A_244 = tpu.memref_squeeze %dma_start3A_243 : memref<1x8x32xf32, #tpu.memory_space<hbm>> -> memref<8x32xf32, #tpu.memory_space<hbm>>
    %dma_start3A_245 = arith.constant 0 : i32
    %dma_start3A_246 = arith.constant 0 : i32
    %dma_start3A_247 = tpu.memref_slice %arg6[%dma_start3A_236, %dma_start3A_245, %dma_start3A_246] : memref<16x8x32xf32, #tpu.memory_space<vmem>> -> memref<1x8x32xf32, #tpu.memory_space<vmem>>
    %dma_start3A_248 = tpu.memref_squeeze %dma_start3A_247 : memref<1x8x32xf32, #tpu.memory_space<vmem>> -> memref<8x32xf32, #tpu.memory_space<vmem>>
    %dma_start3A_249 = arith.constant 0 : i32
    %dma_start3A_250 = arith.constant 0 : i32
    %dma_start3A_251 = tpu.memref_slice %arg3[%shift_right_arithmetic3A_235, %dma_start3A_249, %dma_start3A_250] : memref<125000x8x32xf32, #tpu.memory_space<hbm>> -> memref<1x8x32xf32, #tpu.memory_space<hbm>>
    %dma_start3A_252 = tpu.memref_squeeze %dma_start3A_251 : memref<1x8x32xf32, #tpu.memory_space<hbm>> -> memref<8x32xf32, #tpu.memory_space<hbm>>
    tpu.enqueue_dma source(%dma_start3A_252 : memref<8x32xf32, #tpu.memory_space<hbm>>) target(%dma_start3A_248 : memref<8x32xf32, #tpu.memory_space<vmem>>) target_semaphore(%arg9 : memref<!tpu.dma_semaphore, #tpu.memory_space<semaphore_mem>>)
    %slice3A_253 = vector.extract_strided_slice %get3A_4 {offsets = [12], sizes = [1], strides = [1]} : vector<16xi32> to vector<1xi32>
    %squeeze3A_254 = vector.extract %slice3A_253[0] : i32 from vector<1xi32>
    %shift_right_arithmetic3A_255 = arith.constant 3 : i32
    %shift_right_arithmetic3A_256 = arith.shrsi %squeeze3A_254, %shift_right_arithmetic3A_255 : i32
    %dma_start3A_257 = arith.constant 12 : i32
    %dma_start3A_258 = arith.constant 0 : i32
    %dma_start3A_259 = arith.constant 0 : i32
    %dma_start3A_260 = tpu.memref_slice %arg6[%dma_start3A_257, %dma_start3A_258, %dma_start3A_259] : memref<16x8x32xf32, #tpu.memory_space<vmem>> -> memref<1x8x32xf32, #tpu.memory_space<vmem>>
    %dma_start3A_261 = tpu.memref_squeeze %dma_start3A_260 : memref<1x8x32xf32, #tpu.memory_space<vmem>> -> memref<8x32xf32, #tpu.memory_space<vmem>>
    %dma_start3A_262 = arith.constant 0 : i32
    %dma_start3A_263 = arith.constant 0 : i32
    %dma_start3A_264 = tpu.memref_slice %arg3[%shift_right_arithmetic3A_256, %dma_start3A_262, %dma_start3A_263] : memref<125000x8x32xf32, #tpu.memory_space<hbm>> -> memref<1x8x32xf32, #tpu.memory_space<hbm>>
    %dma_start3A_265 = tpu.memref_squeeze %dma_start3A_264 : memref<1x8x32xf32, #tpu.memory_space<hbm>> -> memref<8x32xf32, #tpu.memory_space<hbm>>
    %dma_start3A_266 = arith.constant 0 : i32
    %dma_start3A_267 = arith.constant 0 : i32
    %dma_start3A_268 = tpu.memref_slice %arg6[%dma_start3A_257, %dma_start3A_266, %dma_start3A_267] : memref<16x8x32xf32, #tpu.memory_space<vmem>> -> memref<1x8x32xf32, #tpu.memory_space<vmem>>
    %dma_start3A_269 = tpu.memref_squeeze %dma_start3A_268 : memref<1x8x32xf32, #tpu.memory_space<vmem>> -> memref<8x32xf32, #tpu.memory_space<vmem>>
    %dma_start3A_270 = arith.constant 0 : i32
    %dma_start3A_271 = arith.constant 0 : i32
    %dma_start3A_272 = tpu.memref_slice %arg3[%shift_right_arithmetic3A_256, %dma_start3A_270, %dma_start3A_271] : memref<125000x8x32xf32, #tpu.memory_space<hbm>> -> memref<1x8x32xf32, #tpu.memory_space<hbm>>
    %dma_start3A_273 = tpu.memref_squeeze %dma_start3A_272 : memref<1x8x32xf32, #tpu.memory_space<hbm>> -> memref<8x32xf32, #tpu.memory_space<hbm>>
    tpu.enqueue_dma source(%dma_start3A_273 : memref<8x32xf32, #tpu.memory_space<hbm>>) target(%dma_start3A_269 : memref<8x32xf32, #tpu.memory_space<vmem>>) target_semaphore(%arg9 : memref<!tpu.dma_semaphore, #tpu.memory_space<semaphore_mem>>)
    %slice3A_274 = vector.extract_strided_slice %get3A_4 {offsets = [13], sizes = [1], strides = [1]} : vector<16xi32> to vector<1xi32>
    %squeeze3A_275 = vector.extract %slice3A_274[0] : i32 from vector<1xi32>
    %shift_right_arithmetic3A_276 = arith.constant 3 : i32
    %shift_right_arithmetic3A_277 = arith.shrsi %squeeze3A_275, %shift_right_arithmetic3A_276 : i32
    %dma_start3A_278 = arith.constant 13 : i32
    %dma_start3A_279 = arith.constant 0 : i32
    %dma_start3A_280 = arith.constant 0 : i32
    %dma_start3A_281 = tpu.memref_slice %arg6[%dma_start3A_278, %dma_start3A_279, %dma_start3A_280] : memref<16x8x32xf32, #tpu.memory_space<vmem>> -> memref<1x8x32xf32, #tpu.memory_space<vmem>>
    %dma_start3A_282 = tpu.memref_squeeze %dma_start3A_281 : memref<1x8x32xf32, #tpu.memory_space<vmem>> -> memref<8x32xf32, #tpu.memory_space<vmem>>
    %dma_start3A_283 = arith.constant 0 : i32
    %dma_start3A_284 = arith.constant 0 : i32
    %dma_start3A_285 = tpu.memref_slice %arg3[%shift_right_arithmetic3A_277, %dma_start3A_283, %dma_start3A_284] : memref<125000x8x32xf32, #tpu.memory_space<hbm>> -> memref<1x8x32xf32, #tpu.memory_space<hbm>>
    %dma_start3A_286 = tpu.memref_squeeze %dma_start3A_285 : memref<1x8x32xf32, #tpu.memory_space<hbm>> -> memref<8x32xf32, #tpu.memory_space<hbm>>
    %dma_start3A_287 = arith.constant 0 : i32
    %dma_start3A_288 = arith.constant 0 : i32
    %dma_start3A_289 = tpu.memref_slice %arg6[%dma_start3A_278, %dma_start3A_287, %dma_start3A_288] : memref<16x8x32xf32, #tpu.memory_space<vmem>> -> memref<1x8x32xf32, #tpu.memory_space<vmem>>
    %dma_start3A_290 = tpu.memref_squeeze %dma_start3A_289 : memref<1x8x32xf32, #tpu.memory_space<vmem>> -> memref<8x32xf32, #tpu.memory_space<vmem>>
    %dma_start3A_291 = arith.constant 0 : i32
    %dma_start3A_292 = arith.constant 0 : i32
    %dma_start3A_293 = tpu.memref_slice %arg3[%shift_right_arithmetic3A_277, %dma_start3A_291, %dma_start3A_292] : memref<125000x8x32xf32, #tpu.memory_space<hbm>> -> memref<1x8x32xf32, #tpu.memory_space<hbm>>
    %dma_start3A_294 = tpu.memref_squeeze %dma_start3A_293 : memref<1x8x32xf32, #tpu.memory_space<hbm>> -> memref<8x32xf32, #tpu.memory_space<hbm>>
    tpu.enqueue_dma source(%dma_start3A_294 : memref<8x32xf32, #tpu.memory_space<hbm>>) target(%dma_start3A_290 : memref<8x32xf32, #tpu.memory_space<vmem>>) target_semaphore(%arg9 : memref<!tpu.dma_semaphore, #tpu.memory_space<semaphore_mem>>)
    %slice3A_295 = vector.extract_strided_slice %get3A_4 {offsets = [14], sizes = [1], strides = [1]} : vector<16xi32> to vector<1xi32>
    %squeeze3A_296 = vector.extract %slice3A_295[0] : i32 from vector<1xi32>
    %shift_right_arithmetic3A_297 = arith.constant 3 : i32
    %shift_right_arithmetic3A_298 = arith.shrsi %squeeze3A_296, %shift_right_arithmetic3A_297 : i32
    %dma_start3A_299 = arith.constant 14 : i32
    %dma_start3A_300 = arith.constant 0 : i32
    %dma_start3A_301 = arith.constant 0 : i32
    %dma_start3A_302 = tpu.memref_slice %arg6[%dma_start3A_299, %dma_start3A_300, %dma_start3A_301] : memref<16x8x32xf32, #tpu.memory_space<vmem>> -> memref<1x8x32xf32, #tpu.memory_space<vmem>>
    %dma_start3A_303 = tpu.memref_squeeze %dma_start3A_302 : memref<1x8x32xf32, #tpu.memory_space<vmem>> -> memref<8x32xf32, #tpu.memory_space<vmem>>
    %dma_start3A_304 = arith.constant 0 : i32
    %dma_start3A_305 = arith.constant 0 : i32
    %dma_start3A_306 = tpu.memref_slice %arg3[%shift_right_arithmetic3A_298, %dma_start3A_304, %dma_start3A_305] : memref<125000x8x32xf32, #tpu.memory_space<hbm>> -> memref<1x8x32xf32, #tpu.memory_space<hbm>>
    %dma_start3A_307 = tpu.memref_squeeze %dma_start3A_306 : memref<1x8x32xf32, #tpu.memory_space<hbm>> -> memref<8x32xf32, #tpu.memory_space<hbm>>
    %dma_start3A_308 = arith.constant 0 : i32
    %dma_start3A_309 = arith.constant 0 : i32
    %dma_start3A_310 = tpu.memref_slice %arg6[%dma_start3A_299, %dma_start3A_308, %dma_start3A_309] : memref<16x8x32xf32, #tpu.memory_space<vmem>> -> memref<1x8x32xf32, #tpu.memory_space<vmem>>
    %dma_start3A_311 = tpu.memref_squeeze %dma_start3A_310 : memref<1x8x32xf32, #tpu.memory_space<vmem>> -> memref<8x32xf32, #tpu.memory_space<vmem>>
    %dma_start3A_312 = arith.constant 0 : i32
    %dma_start3A_313 = arith.constant 0 : i32
    %dma_start3A_314 = tpu.memref_slice %arg3[%shift_right_arithmetic3A_298, %dma_start3A_312, %dma_start3A_313] : memref<125000x8x32xf32, #tpu.memory_space<hbm>> -> memref<1x8x32xf32, #tpu.memory_space<hbm>>
    %dma_start3A_315 = tpu.memref_squeeze %dma_start3A_314 : memref<1x8x32xf32, #tpu.memory_space<hbm>> -> memref<8x32xf32, #tpu.memory_space<hbm>>
    tpu.enqueue_dma source(%dma_start3A_315 : memref<8x32xf32, #tpu.memory_space<hbm>>) target(%dma_start3A_311 : memref<8x32xf32, #tpu.memory_space<vmem>>) target_semaphore(%arg9 : memref<!tpu.dma_semaphore, #tpu.memory_space<semaphore_mem>>)
    %slice3A_316 = vector.extract_strided_slice %get3A_4 {offsets = [15], sizes = [1], strides = [1]} : vector<16xi32> to vector<1xi32>
    %squeeze3A_317 = vector.extract %slice3A_316[0] : i32 from vector<1xi32>
    %shift_right_arithmetic3A_318 = arith.constant 3 : i32
    %shift_right_arithmetic3A_319 = arith.shrsi %squeeze3A_317, %shift_right_arithmetic3A_318 : i32
    %dma_start3A_320 = arith.constant 15 : i32
    %dma_start3A_321 = arith.constant 0 : i32
    %dma_start3A_322 = arith.constant 0 : i32
    %dma_start3A_323 = tpu.memref_slice %arg6[%dma_start3A_320, %dma_start3A_321, %dma_start3A_322] : memref<16x8x32xf32, #tpu.memory_space<vmem>> -> memref<1x8x32xf32, #tpu.memory_space<vmem>>
    %dma_start3A_324 = tpu.memref_squeeze %dma_start3A_323 : memref<1x8x32xf32, #tpu.memory_space<vmem>> -> memref<8x32xf32, #tpu.memory_space<vmem>>
    %dma_start3A_325 = arith.constant 0 : i32
    %dma_start3A_326 = arith.constant 0 : i32
    %dma_start3A_327 = tpu.memref_slice %arg3[%shift_right_arithmetic3A_319, %dma_start3A_325, %dma_start3A_326] : memref<125000x8x32xf32, #tpu.memory_space<hbm>> -> memref<1x8x32xf32, #tpu.memory_space<hbm>>
    %dma_start3A_328 = tpu.memref_squeeze %dma_start3A_327 : memref<1x8x32xf32, #tpu.memory_space<hbm>> -> memref<8x32xf32, #tpu.memory_space<hbm>>
    %dma_start3A_329 = arith.constant 0 : i32
    %dma_start3A_330 = arith.constant 0 : i32
    %dma_start3A_331 = tpu.memref_slice %arg6[%dma_start3A_320, %dma_start3A_329, %dma_start3A_330] : memref<16x8x32xf32, #tpu.memory_space<vmem>> -> memref<1x8x32xf32, #tpu.memory_space<vmem>>
    %dma_start3A_332 = tpu.memref_squeeze %dma_start3A_331 : memref<1x8x32xf32, #tpu.memory_space<vmem>> -> memref<8x32xf32, #tpu.memory_space<vmem>>
    %dma_start3A_333 = arith.constant 0 : i32
    %dma_start3A_334 = arith.constant 0 : i32
    %dma_start3A_335 = tpu.memref_slice %arg3[%shift_right_arithmetic3A_319, %dma_start3A_333, %dma_start3A_334] : memref<125000x8x32xf32, #tpu.memory_space<hbm>> -> memref<1x8x32xf32, #tpu.memory_space<hbm>>
    %dma_start3A_336 = tpu.memref_squeeze %dma_start3A_335 : memref<1x8x32xf32, #tpu.memory_space<hbm>> -> memref<8x32xf32, #tpu.memory_space<hbm>>
    tpu.enqueue_dma source(%dma_start3A_336 : memref<8x32xf32, #tpu.memory_space<hbm>>) target(%dma_start3A_332 : memref<8x32xf32, #tpu.memory_space<vmem>>) target_semaphore(%arg9 : memref<!tpu.dma_semaphore, #tpu.memory_space<semaphore_mem>>)
    %scan3A = arith.constant 0 : i32
    %scan3A_337 = arith.constant 0 : i32
    %scan3A_338 = arith.constant 16 : i32
    %scan3A_339 = arith.addi %scan3A_337, %scan3A_338 : i32
    %scan3A_340 = arith.constant 1 : i32
    scf.for %scan3A_342 = %scan3A_337 to %scan3A_339 step %scan3A_340  : i32 {
      %mul3A_343 = arith.constant 2 : i32
      %mul3A_344 = arith.muli %scan3A_342, %mul3A_343 : i32
      %mul3A_345 = arith.constant 16 : i32
      %mul3A_346 = arith.muli %mul3A_344, %mul3A_345 : i32
      %add3A_347 = arith.constant 16 : i32
      %add3A_348 = arith.addi %mul3A_346, %add3A_347 : i32
      %get3A_349 = arith.index_cast %mul3A_346 : i32 to index
      %get3A_350 = tpu.vector_load %arg5[%get3A_349] {strides = array<i32>} : memref<512xi32, #tpu.memory_space<vmem>>, vector<16xi32>,
      %get3A_351 = vector.shape_cast %get3A_350 : vector<16xi32> to vector<16xi32>
      %get3A_352 = arith.index_cast %add3A_348 : i32 to index
      %get3A_353 = tpu.vector_load %arg5[%get3A_352] {strides = array<i32>} : memref<512xi32, #tpu.memory_space<vmem>>, vector<16xi32>,
      %get3A_354 = vector.shape_cast %get3A_353 : vector<16xi32> to vector<16xi32>
      %slice3A_355 = vector.extract_strided_slice %get3A_354 {offsets = [0], sizes = [1], strides = [1]} : vector<16xi32> to vector<1xi32>
      %squeeze3A_356 = vector.extract %slice3A_355[0] : i32 from vector<1xi32>
      %shift_right_arithmetic3A_357 = arith.constant 3 : i32
      %shift_right_arithmetic3A_358 = arith.shrsi %squeeze3A_356, %shift_right_arithmetic3A_357 : i32
      %dma_start3A_359 = arith.constant 0 : i32
      %dma_start3A_360 = arith.constant 0 : i32
      %dma_start3A_361 = arith.constant 0 : i32
      %dma_start3A_362 = tpu.memref_slice %arg7[%dma_start3A_359, %dma_start3A_360, %dma_start3A_361] : memref<16x8x32xf32, #tpu.memory_space<vmem>> -> memref<1x8x32xf32, #tpu.memory_space<vmem>>
      %dma_start3A_363 = tpu.memref_squeeze %dma_start3A_362 : memref<1x8x32xf32, #tpu.memory_space<vmem>> -> memref<8x32xf32, #tpu.memory_space<vmem>>
      %dma_start3A_364 = arith.constant 0 : i32
      %dma_start3A_365 = arith.constant 0 : i32
      %dma_start3A_366 = tpu.memref_slice %arg3[%shift_right_arithmetic3A_358, %dma_start3A_364, %dma_start3A_365] : memref<125000x8x32xf32, #tpu.memory_space<hbm>> -> memref<1x8x32xf32, #tpu.memory_space<hbm>>
      %dma_start3A_367 = tpu.memref_squeeze %dma_start3A_366 : memref<1x8x32xf32, #tpu.memory_space<hbm>> -> memref<8x32xf32, #tpu.memory_space<hbm>>
      %dma_start3A_368 = arith.constant 0 : i32
      %dma_start3A_369 = arith.constant 0 : i32
      %dma_start3A_370 = tpu.memref_slice %arg7[%dma_start3A_359, %dma_start3A_368, %dma_start3A_369] : memref<16x8x32xf32, #tpu.memory_space<vmem>> -> memref<1x8x32xf32, #tpu.memory_space<vmem>>
      %dma_start3A_371 = tpu.memref_squeeze %dma_start3A_370 : memref<1x8x32xf32, #tpu.memory_space<vmem>> -> memref<8x32xf32, #tpu.memory_space<vmem>>
      %dma_start3A_372 = arith.constant 0 : i32
      %dma_start3A_373 = arith.constant 0 : i32
      %dma_start3A_374 = tpu.memref_slice %arg3[%shift_right_arithmetic3A_358, %dma_start3A_372, %dma_start3A_373] : memref<125000x8x32xf32, #tpu.memory_space<hbm>> -> memref<1x8x32xf32, #tpu.memory_space<hbm>>
      %dma_start3A_375 = tpu.memref_squeeze %dma_start3A_374 : memref<1x8x32xf32, #tpu.memory_space<hbm>> -> memref<8x32xf32, #tpu.memory_space<hbm>>
      tpu.enqueue_dma source(%dma_start3A_375 : memref<8x32xf32, #tpu.memory_space<hbm>>) target(%dma_start3A_371 : memref<8x32xf32, #tpu.memory_space<vmem>>) target_semaphore(%arg10 : memref<!tpu.dma_semaphore, #tpu.memory_space<semaphore_mem>>)
      %slice3A_376 = vector.extract_strided_slice %get3A_354 {offsets = [1], sizes = [1], strides = [1]} : vector<16xi32> to vector<1xi32>
      %squeeze3A_377 = vector.extract %slice3A_376[0] : i32 from vector<1xi32>
      %shift_right_arithmetic3A_378 = arith.constant 3 : i32
      %shift_right_arithmetic3A_379 = arith.shrsi %squeeze3A_377, %shift_right_arithmetic3A_378 : i32
      %dma_start3A_380 = arith.constant 1 : i32
      %dma_start3A_381 = arith.constant 0 : i32
      %dma_start3A_382 = arith.constant 0 : i32
      %dma_start3A_383 = tpu.memref_slice %arg7[%dma_start3A_380, %dma_start3A_381, %dma_start3A_382] : memref<16x8x32xf32, #tpu.memory_space<vmem>> -> memref<1x8x32xf32, #tpu.memory_space<vmem>>
      %dma_start3A_384 = tpu.memref_squeeze %dma_start3A_383 : memref<1x8x32xf32, #tpu.memory_space<vmem>> -> memref<8x32xf32, #tpu.memory_space<vmem>>
      %dma_start3A_385 = arith.constant 0 : i32
      %dma_start3A_386 = arith.constant 0 : i32
      %dma_start3A_387 = tpu.memref_slice %arg3[%shift_right_arithmetic3A_379, %dma_start3A_385, %dma_start3A_386] : memref<125000x8x32xf32, #tpu.memory_space<hbm>> -> memref<1x8x32xf32, #tpu.memory_space<hbm>>
      %dma_start3A_388 = tpu.memref_squeeze %dma_start3A_387 : memref<1x8x32xf32, #tpu.memory_space<hbm>> -> memref<8x32xf32, #tpu.memory_space<hbm>>
      %dma_start3A_389 = arith.constant 0 : i32
      %dma_start3A_390 = arith.constant 0 : i32
      %dma_start3A_391 = tpu.memref_slice %arg7[%dma_start3A_380, %dma_start3A_389, %dma_start3A_390] : memref<16x8x32xf32, #tpu.memory_space<vmem>> -> memref<1x8x32xf32, #tpu.memory_space<vmem>>
      %dma_start3A_392 = tpu.memref_squeeze %dma_start3A_391 : memref<1x8x32xf32, #tpu.memory_space<vmem>> -> memref<8x32xf32, #tpu.memory_space<vmem>>
      %dma_start3A_393 = arith.constant 0 : i32
      %dma_start3A_394 = arith.constant 0 : i32
      %dma_start3A_395 = tpu.memref_slice %arg3[%shift_right_arithmetic3A_379, %dma_start3A_393, %dma_start3A_394] : memref<125000x8x32xf32, #tpu.memory_space<hbm>> -> memref<1x8x32xf32, #tpu.memory_space<hbm>>
      %dma_start3A_396 = tpu.memref_squeeze %dma_start3A_395 : memref<1x8x32xf32, #tpu.memory_space<hbm>> -> memref<8x32xf32, #tpu.memory_space<hbm>>
      tpu.enqueue_dma source(%dma_start3A_396 : memref<8x32xf32, #tpu.memory_space<hbm>>) target(%dma_start3A_392 : memref<8x32xf32, #tpu.memory_space<vmem>>) target_semaphore(%arg10 : memref<!tpu.dma_semaphore, #tpu.memory_space<semaphore_mem>>)
      %slice3A_397 = vector.extract_strided_slice %get3A_354 {offsets = [2], sizes = [1], strides = [1]} : vector<16xi32> to vector<1xi32>
      %squeeze3A_398 = vector.extract %slice3A_397[0] : i32 from vector<1xi32>
      %shift_right_arithmetic3A_399 = arith.constant 3 : i32
      %shift_right_arithmetic3A_400 = arith.shrsi %squeeze3A_398, %shift_right_arithmetic3A_399 : i32
      %dma_start3A_401 = arith.constant 2 : i32
      %dma_start3A_402 = arith.constant 0 : i32
      %dma_start3A_403 = arith.constant 0 : i32
      %dma_start3A_404 = tpu.memref_slice %arg7[%dma_start3A_401, %dma_start3A_402, %dma_start3A_403] : memref<16x8x32xf32, #tpu.memory_space<vmem>> -> memref<1x8x32xf32, #tpu.memory_space<vmem>>
      %dma_start3A_405 = tpu.memref_squeeze %dma_start3A_404 : memref<1x8x32xf32, #tpu.memory_space<vmem>> -> memref<8x32xf32, #tpu.memory_space<vmem>>
      %dma_start3A_406 = arith.constant 0 : i32
      %dma_start3A_407 = arith.constant 0 : i32
      %dma_start3A_408 = tpu.memref_slice %arg3[%shift_right_arithmetic3A_400, %dma_start3A_406, %dma_start3A_407] : memref<125000x8x32xf32, #tpu.memory_space<hbm>> -> memref<1x8x32xf32, #tpu.memory_space<hbm>>
      %dma_start3A_409 = tpu.memref_squeeze %dma_start3A_408 : memref<1x8x32xf32, #tpu.memory_space<hbm>> -> memref<8x32xf32, #tpu.memory_space<hbm>>
      %dma_start3A_410 = arith.constant 0 : i32
      %dma_start3A_411 = arith.constant 0 : i32
      %dma_start3A_412 = tpu.memref_slice %arg7[%dma_start3A_401, %dma_start3A_410, %dma_start3A_411] : memref<16x8x32xf32, #tpu.memory_space<vmem>> -> memref<1x8x32xf32, #tpu.memory_space<vmem>>
      %dma_start3A_413 = tpu.memref_squeeze %dma_start3A_412 : memref<1x8x32xf32, #tpu.memory_space<vmem>> -> memref<8x32xf32, #tpu.memory_space<vmem>>
      %dma_start3A_414 = arith.constant 0 : i32
      %dma_start3A_415 = arith.constant 0 : i32
      %dma_start3A_416 = tpu.memref_slice %arg3[%shift_right_arithmetic3A_400, %dma_start3A_414, %dma_start3A_415] : memref<125000x8x32xf32, #tpu.memory_space<hbm>> -> memref<1x8x32xf32, #tpu.memory_space<hbm>>
      %dma_start3A_417 = tpu.memref_squeeze %dma_start3A_416 : memref<1x8x32xf32, #tpu.memory_space<hbm>> -> memref<8x32xf32, #tpu.memory_space<hbm>>
      tpu.enqueue_dma source(%dma_start3A_417 : memref<8x32xf32, #tpu.memory_space<hbm>>) target(%dma_start3A_413 : memref<8x32xf32, #tpu.memory_space<vmem>>) target_semaphore(%arg10 : memref<!tpu.dma_semaphore, #tpu.memory_space<semaphore_mem>>)
      %slice3A_418 = vector.extract_strided_slice %get3A_354 {offsets = [3], sizes = [1], strides = [1]} : vector<16xi32> to vector<1xi32>
      %squeeze3A_419 = vector.extract %slice3A_418[0] : i32 from vector<1xi32>
      %shift_right_arithmetic3A_420 = arith.constant 3 : i32
      %shift_right_arithmetic3A_421 = arith.shrsi %squeeze3A_419, %shift_right_arithmetic3A_420 : i32
      %dma_start3A_422 = arith.constant 3 : i32
      %dma_start3A_423 = arith.constant 0 : i32
      %dma_start3A_424 = arith.constant 0 : i32
      %dma_start3A_425 = tpu.memref_slice %arg7[%dma_start3A_422, %dma_start3A_423, %dma_start3A_424] : memref<16x8x32xf32, #tpu.memory_space<vmem>> -> memref<1x8x32xf32, #tpu.memory_space<vmem>>
      %dma_start3A_426 = tpu.memref_squeeze %dma_start3A_425 : memref<1x8x32xf32, #tpu.memory_space<vmem>> -> memref<8x32xf32, #tpu.memory_space<vmem>>
      %dma_start3A_427 = arith.constant 0 : i32
      %dma_start3A_428 = arith.constant 0 : i32
      %dma_start3A_429 = tpu.memref_slice %arg3[%shift_right_arithmetic3A_421, %dma_start3A_427, %dma_start3A_428] : memref<125000x8x32xf32, #tpu.memory_space<hbm>> -> memref<1x8x32xf32, #tpu.memory_space<hbm>>
      %dma_start3A_430 = tpu.memref_squeeze %dma_start3A_429 : memref<1x8x32xf32, #tpu.memory_space<hbm>> -> memref<8x32xf32, #tpu.memory_space<hbm>>
      %dma_start3A_431 = arith.constant 0 : i32
      %dma_start3A_432 = arith.constant 0 : i32
      %dma_start3A_433 = tpu.memref_slice %arg7[%dma_start3A_422, %dma_start3A_431, %dma_start3A_432] : memref<16x8x32xf32, #tpu.memory_space<vmem>> -> memref<1x8x32xf32, #tpu.memory_space<vmem>>
      %dma_start3A_434 = tpu.memref_squeeze %dma_start3A_433 : memref<1x8x32xf32, #tpu.memory_space<vmem>> -> memref<8x32xf32, #tpu.memory_space<vmem>>
      %dma_start3A_435 = arith.constant 0 : i32
      %dma_start3A_436 = arith.constant 0 : i32
      %dma_start3A_437 = tpu.memref_slice %arg3[%shift_right_arithmetic3A_421, %dma_start3A_435, %dma_start3A_436] : memref<125000x8x32xf32, #tpu.memory_space<hbm>> -> memref<1x8x32xf32, #tpu.memory_space<hbm>>
      %dma_start3A_438 = tpu.memref_squeeze %dma_start3A_437 : memref<1x8x32xf32, #tpu.memory_space<hbm>> -> memref<8x32xf32, #tpu.memory_space<hbm>>
      tpu.enqueue_dma source(%dma_start3A_438 : memref<8x32xf32, #tpu.memory_space<hbm>>) target(%dma_start3A_434 : memref<8x32xf32, #tpu.memory_space<vmem>>) target_semaphore(%arg10 : memref<!tpu.dma_semaphore, #tpu.memory_space<semaphore_mem>>)
      %slice3A_439 = vector.extract_strided_slice %get3A_354 {offsets = [4], sizes = [1], strides = [1]} : vector<16xi32> to vector<1xi32>
      %squeeze3A_440 = vector.extract %slice3A_439[0] : i32 from vector<1xi32>
      %shift_right_arithmetic3A_441 = arith.constant 3 : i32
      %shift_right_arithmetic3A_442 = arith.shrsi %squeeze3A_440, %shift_right_arithmetic3A_441 : i32
      %dma_start3A_443 = arith.constant 4 : i32
      %dma_start3A_444 = arith.constant 0 : i32
      %dma_start3A_445 = arith.constant 0 : i32
      %dma_start3A_446 = tpu.memref_slice %arg7[%dma_start3A_443, %dma_start3A_444, %dma_start3A_445] : memref<16x8x32xf32, #tpu.memory_space<vmem>> -> memref<1x8x32xf32, #tpu.memory_space<vmem>>
      %dma_start3A_447 = tpu.memref_squeeze %dma_start3A_446 : memref<1x8x32xf32, #tpu.memory_space<vmem>> -> memref<8x32xf32, #tpu.memory_space<vmem>>
      %dma_start3A_448 = arith.constant 0 : i32
      %dma_start3A_449 = arith.constant 0 : i32
      %dma_start3A_450 = tpu.memref_slice %arg3[%shift_right_arithmetic3A_442, %dma_start3A_448, %dma_start3A_449] : memref<125000x8x32xf32, #tpu.memory_space<hbm>> -> memref<1x8x32xf32, #tpu.memory_space<hbm>>
      %dma_start3A_451 = tpu.memref_squeeze %dma_start3A_450 : memref<1x8x32xf32, #tpu.memory_space<hbm>> -> memref<8x32xf32, #tpu.memory_space<hbm>>
      %dma_start3A_452 = arith.constant 0 : i32
      %dma_start3A_453 = arith.constant 0 : i32
      %dma_start3A_454 = tpu.memref_slice %arg7[%dma_start3A_443, %dma_start3A_452, %dma_start3A_453] : memref<16x8x32xf32, #tpu.memory_space<vmem>> -> memref<1x8x32xf32, #tpu.memory_space<vmem>>
      %dma_start3A_455 = tpu.memref_squeeze %dma_start3A_454 : memref<1x8x32xf32, #tpu.memory_space<vmem>> -> memref<8x32xf32, #tpu.memory_space<vmem>>
      %dma_start3A_456 = arith.constant 0 : i32
      %dma_start3A_457 = arith.constant 0 : i32
      %dma_start3A_458 = tpu.memref_slice %arg3[%shift_right_arithmetic3A_442, %dma_start3A_456, %dma_start3A_457] : memref<125000x8x32xf32, #tpu.memory_space<hbm>> -> memref<1x8x32xf32, #tpu.memory_space<hbm>>
      %dma_start3A_459 = tpu.memref_squeeze %dma_start3A_458 : memref<1x8x32xf32, #tpu.memory_space<hbm>> -> memref<8x32xf32, #tpu.memory_space<hbm>>
      tpu.enqueue_dma source(%dma_start3A_459 : memref<8x32xf32, #tpu.memory_space<hbm>>) target(%dma_start3A_455 : memref<8x32xf32, #tpu.memory_space<vmem>>) target_semaphore(%arg10 : memref<!tpu.dma_semaphore, #tpu.memory_space<semaphore_mem>>)
      %slice3A_460 = vector.extract_strided_slice %get3A_354 {offsets = [5], sizes = [1], strides = [1]} : vector<16xi32> to vector<1xi32>
      %squeeze3A_461 = vector.extract %slice3A_460[0] : i32 from vector<1xi32>
      %shift_right_arithmetic3A_462 = arith.constant 3 : i32
      %shift_right_arithmetic3A_463 = arith.shrsi %squeeze3A_461, %shift_right_arithmetic3A_462 : i32
      %dma_start3A_464 = arith.constant 5 : i32
      %dma_start3A_465 = arith.constant 0 : i32
      %dma_start3A_466 = arith.constant 0 : i32
      %dma_start3A_467 = tpu.memref_slice %arg7[%dma_start3A_464, %dma_start3A_465, %dma_start3A_466] : memref<16x8x32xf32, #tpu.memory_space<vmem>> -> memref<1x8x32xf32, #tpu.memory_space<vmem>>
      %dma_start3A_468 = tpu.memref_squeeze %dma_start3A_467 : memref<1x8x32xf32, #tpu.memory_space<vmem>> -> memref<8x32xf32, #tpu.memory_space<vmem>>
      %dma_start3A_469 = arith.constant 0 : i32
      %dma_start3A_470 = arith.constant 0 : i32
      %dma_start3A_471 = tpu.memref_slice %arg3[%shift_right_arithmetic3A_463, %dma_start3A_469, %dma_start3A_470] : memref<125000x8x32xf32, #tpu.memory_space<hbm>> -> memref<1x8x32xf32, #tpu.memory_space<hbm>>
      %dma_start3A_472 = tpu.memref_squeeze %dma_start3A_471 : memref<1x8x32xf32, #tpu.memory_space<hbm>> -> memref<8x32xf32, #tpu.memory_space<hbm>>
      %dma_start3A_473 = arith.constant 0 : i32
      %dma_start3A_474 = arith.constant 0 : i32
      %dma_start3A_475 = tpu.memref_slice %arg7[%dma_start3A_464, %dma_start3A_473, %dma_start3A_474] : memref<16x8x32xf32, #tpu.memory_space<vmem>> -> memref<1x8x32xf32, #tpu.memory_space<vmem>>
      %dma_start3A_476 = tpu.memref_squeeze %dma_start3A_475 : memref<1x8x32xf32, #tpu.memory_space<vmem>> -> memref<8x32xf32, #tpu.memory_space<vmem>>
      %dma_start3A_477 = arith.constant 0 : i32
      %dma_start3A_478 = arith.constant 0 : i32
      %dma_start3A_479 = tpu.memref_slice %arg3[%shift_right_arithmetic3A_463, %dma_start3A_477, %dma_start3A_478] : memref<125000x8x32xf32, #tpu.memory_space<hbm>> -> memref<1x8x32xf32, #tpu.memory_space<hbm>>
      %dma_start3A_480 = tpu.memref_squeeze %dma_start3A_479 : memref<1x8x32xf32, #tpu.memory_space<hbm>> -> memref<8x32xf32, #tpu.memory_space<hbm>>
      tpu.enqueue_dma source(%dma_start3A_480 : memref<8x32xf32, #tpu.memory_space<hbm>>) target(%dma_start3A_476 : memref<8x32xf32, #tpu.memory_space<vmem>>) target_semaphore(%arg10 : memref<!tpu.dma_semaphore, #tpu.memory_space<semaphore_mem>>)
      %slice3A_481 = vector.extract_strided_slice %get3A_354 {offsets = [6], sizes = [1], strides = [1]} : vector<16xi32> to vector<1xi32>
      %squeeze3A_482 = vector.extract %slice3A_481[0] : i32 from vector<1xi32>
      %shift_right_arithmetic3A_483 = arith.constant 3 : i32
      %shift_right_arithmetic3A_484 = arith.shrsi %squeeze3A_482, %shift_right_arithmetic3A_483 : i32
      %dma_start3A_485 = arith.constant 6 : i32
      %dma_start3A_486 = arith.constant 0 : i32
      %dma_start3A_487 = arith.constant 0 : i32
      %dma_start3A_488 = tpu.memref_slice %arg7[%dma_start3A_485, %dma_start3A_486, %dma_start3A_487] : memref<16x8x32xf32, #tpu.memory_space<vmem>> -> memref<1x8x32xf32, #tpu.memory_space<vmem>>
      %dma_start3A_489 = tpu.memref_squeeze %dma_start3A_488 : memref<1x8x32xf32, #tpu.memory_space<vmem>> -> memref<8x32xf32, #tpu.memory_space<vmem>>
      %dma_start3A_490 = arith.constant 0 : i32
      %dma_start3A_491 = arith.constant 0 : i32
      %dma_start3A_492 = tpu.memref_slice %arg3[%shift_right_arithmetic3A_484, %dma_start3A_490, %dma_start3A_491] : memref<125000x8x32xf32, #tpu.memory_space<hbm>> -> memref<1x8x32xf32, #tpu.memory_space<hbm>>
      %dma_start3A_493 = tpu.memref_squeeze %dma_start3A_492 : memref<1x8x32xf32, #tpu.memory_space<hbm>> -> memref<8x32xf32, #tpu.memory_space<hbm>>
      %dma_start3A_494 = arith.constant 0 : i32
      %dma_start3A_495 = arith.constant 0 : i32
      %dma_start3A_496 = tpu.memref_slice %arg7[%dma_start3A_485, %dma_start3A_494, %dma_start3A_495] : memref<16x8x32xf32, #tpu.memory_space<vmem>> -> memref<1x8x32xf32, #tpu.memory_space<vmem>>
      %dma_start3A_497 = tpu.memref_squeeze %dma_start3A_496 : memref<1x8x32xf32, #tpu.memory_space<vmem>> -> memref<8x32xf32, #tpu.memory_space<vmem>>
      %dma_start3A_498 = arith.constant 0 : i32
      %dma_start3A_499 = arith.constant 0 : i32
      %dma_start3A_500 = tpu.memref_slice %arg3[%shift_right_arithmetic3A_484, %dma_start3A_498, %dma_start3A_499] : memref<125000x8x32xf32, #tpu.memory_space<hbm>> -> memref<1x8x32xf32, #tpu.memory_space<hbm>>
      %dma_start3A_501 = tpu.memref_squeeze %dma_start3A_500 : memref<1x8x32xf32, #tpu.memory_space<hbm>> -> memref<8x32xf32, #tpu.memory_space<hbm>>
      tpu.enqueue_dma source(%dma_start3A_501 : memref<8x32xf32, #tpu.memory_space<hbm>>) target(%dma_start3A_497 : memref<8x32xf32, #tpu.memory_space<vmem>>) target_semaphore(%arg10 : memref<!tpu.dma_semaphore, #tpu.memory_space<semaphore_mem>>)
      %slice3A_502 = vector.extract_strided_slice %get3A_354 {offsets = [7], sizes = [1], strides = [1]} : vector<16xi32> to vector<1xi32>
      %squeeze3A_503 = vector.extract %slice3A_502[0] : i32 from vector<1xi32>
      %shift_right_arithmetic3A_504 = arith.constant 3 : i32
      %shift_right_arithmetic3A_505 = arith.shrsi %squeeze3A_503, %shift_right_arithmetic3A_504 : i32
      %dma_start3A_506 = arith.constant 7 : i32
      %dma_start3A_507 = arith.constant 0 : i32
      %dma_start3A_508 = arith.constant 0 : i32
      %dma_start3A_509 = tpu.memref_slice %arg7[%dma_start3A_506, %dma_start3A_507, %dma_start3A_508] : memref<16x8x32xf32, #tpu.memory_space<vmem>> -> memref<1x8x32xf32, #tpu.memory_space<vmem>>
      %dma_start3A_510 = tpu.memref_squeeze %dma_start3A_509 : memref<1x8x32xf32, #tpu.memory_space<vmem>> -> memref<8x32xf32, #tpu.memory_space<vmem>>
      %dma_start3A_511 = arith.constant 0 : i32
      %dma_start3A_512 = arith.constant 0 : i32
      %dma_start3A_513 = tpu.memref_slice %arg3[%shift_right_arithmetic3A_505, %dma_start3A_511, %dma_start3A_512] : memref<125000x8x32xf32, #tpu.memory_space<hbm>> -> memref<1x8x32xf32, #tpu.memory_space<hbm>>
      %dma_start3A_514 = tpu.memref_squeeze %dma_start3A_513 : memref<1x8x32xf32, #tpu.memory_space<hbm>> -> memref<8x32xf32, #tpu.memory_space<hbm>>
      %dma_start3A_515 = arith.constant 0 : i32
      %dma_start3A_516 = arith.constant 0 : i32
      %dma_start3A_517 = tpu.memref_slice %arg7[%dma_start3A_506, %dma_start3A_515, %dma_start3A_516] : memref<16x8x32xf32, #tpu.memory_space<vmem>> -> memref<1x8x32xf32, #tpu.memory_space<vmem>>
      %dma_start3A_518 = tpu.memref_squeeze %dma_start3A_517 : memref<1x8x32xf32, #tpu.memory_space<vmem>> -> memref<8x32xf32, #tpu.memory_space<vmem>>
      %dma_start3A_519 = arith.constant 0 : i32
      %dma_start3A_520 = arith.constant 0 : i32
      %dma_start3A_521 = tpu.memref_slice %arg3[%shift_right_arithmetic3A_505, %dma_start3A_519, %dma_start3A_520] : memref<125000x8x32xf32, #tpu.memory_space<hbm>> -> memref<1x8x32xf32, #tpu.memory_space<hbm>>
      %dma_start3A_522 = tpu.memref_squeeze %dma_start3A_521 : memref<1x8x32xf32, #tpu.memory_space<hbm>> -> memref<8x32xf32, #tpu.memory_space<hbm>>
      tpu.enqueue_dma source(%dma_start3A_522 : memref<8x32xf32, #tpu.memory_space<hbm>>) target(%dma_start3A_518 : memref<8x32xf32, #tpu.memory_space<vmem>>) target_semaphore(%arg10 : memref<!tpu.dma_semaphore, #tpu.memory_space<semaphore_mem>>)
      %slice3A_523 = vector.extract_strided_slice %get3A_354 {offsets = [8], sizes = [1], strides = [1]} : vector<16xi32> to vector<1xi32>
      %squeeze3A_524 = vector.extract %slice3A_523[0] : i32 from vector<1xi32>
      %shift_right_arithmetic3A_525 = arith.constant 3 : i32
      %shift_right_arithmetic3A_526 = arith.shrsi %squeeze3A_524, %shift_right_arithmetic3A_525 : i32
      %dma_start3A_527 = arith.constant 8 : i32
      %dma_start3A_528 = arith.constant 0 : i32
      %dma_start3A_529 = arith.constant 0 : i32
      %dma_start3A_530 = tpu.memref_slice %arg7[%dma_start3A_527, %dma_start3A_528, %dma_start3A_529] : memref<16x8x32xf32, #tpu.memory_space<vmem>> -> memref<1x8x32xf32, #tpu.memory_space<vmem>>
      %dma_start3A_531 = tpu.memref_squeeze %dma_start3A_530 : memref<1x8x32xf32, #tpu.memory_space<vmem>> -> memref<8x32xf32, #tpu.memory_space<vmem>>
      %dma_start3A_532 = arith.constant 0 : i32
      %dma_start3A_533 = arith.constant 0 : i32
      %dma_start3A_534 = tpu.memref_slice %arg3[%shift_right_arithmetic3A_526, %dma_start3A_532, %dma_start3A_533] : memref<125000x8x32xf32, #tpu.memory_space<hbm>> -> memref<1x8x32xf32, #tpu.memory_space<hbm>>
      %dma_start3A_535 = tpu.memref_squeeze %dma_start3A_534 : memref<1x8x32xf32, #tpu.memory_space<hbm>> -> memref<8x32xf32, #tpu.memory_space<hbm>>
      %dma_start3A_536 = arith.constant 0 : i32
      %dma_start3A_537 = arith.constant 0 : i32
      %dma_start3A_538 = tpu.memref_slice %arg7[%dma_start3A_527, %dma_start3A_536, %dma_start3A_537] : memref<16x8x32xf32, #tpu.memory_space<vmem>> -> memref<1x8x32xf32, #tpu.memory_space<vmem>>
      %dma_start3A_539 = tpu.memref_squeeze %dma_start3A_538 : memref<1x8x32xf32, #tpu.memory_space<vmem>> -> memref<8x32xf32, #tpu.memory_space<vmem>>
      %dma_start3A_540 = arith.constant 0 : i32
      %dma_start3A_541 = arith.constant 0 : i32
      %dma_start3A_542 = tpu.memref_slice %arg3[%shift_right_arithmetic3A_526, %dma_start3A_540, %dma_start3A_541] : memref<125000x8x32xf32, #tpu.memory_space<hbm>> -> memref<1x8x32xf32, #tpu.memory_space<hbm>>
      %dma_start3A_543 = tpu.memref_squeeze %dma_start3A_542 : memref<1x8x32xf32, #tpu.memory_space<hbm>> -> memref<8x32xf32, #tpu.memory_space<hbm>>
      tpu.enqueue_dma source(%dma_start3A_543 : memref<8x32xf32, #tpu.memory_space<hbm>>) target(%dma_start3A_539 : memref<8x32xf32, #tpu.memory_space<vmem>>) target_semaphore(%arg10 : memref<!tpu.dma_semaphore, #tpu.memory_space<semaphore_mem>>)
      %slice3A_544 = vector.extract_strided_slice %get3A_354 {offsets = [9], sizes = [1], strides = [1]} : vector<16xi32> to vector<1xi32>
      %squeeze3A_545 = vector.extract %slice3A_544[0] : i32 from vector<1xi32>
      %shift_right_arithmetic3A_546 = arith.constant 3 : i32
      %shift_right_arithmetic3A_547 = arith.shrsi %squeeze3A_545, %shift_right_arithmetic3A_546 : i32
      %dma_start3A_548 = arith.constant 9 : i32
      %dma_start3A_549 = arith.constant 0 : i32
      %dma_start3A_550 = arith.constant 0 : i32
      %dma_start3A_551 = tpu.memref_slice %arg7[%dma_start3A_548, %dma_start3A_549, %dma_start3A_550] : memref<16x8x32xf32, #tpu.memory_space<vmem>> -> memref<1x8x32xf32, #tpu.memory_space<vmem>>
      %dma_start3A_552 = tpu.memref_squeeze %dma_start3A_551 : memref<1x8x32xf32, #tpu.memory_space<vmem>> -> memref<8x32xf32, #tpu.memory_space<vmem>>
      %dma_start3A_553 = arith.constant 0 : i32
      %dma_start3A_554 = arith.constant 0 : i32
      %dma_start3A_555 = tpu.memref_slice %arg3[%shift_right_arithmetic3A_547, %dma_start3A_553, %dma_start3A_554] : memref<125000x8x32xf32, #tpu.memory_space<hbm>> -> memref<1x8x32xf32, #tpu.memory_space<hbm>>
      %dma_start3A_556 = tpu.memref_squeeze %dma_start3A_555 : memref<1x8x32xf32, #tpu.memory_space<hbm>> -> memref<8x32xf32, #tpu.memory_space<hbm>>
      %dma_start3A_557 = arith.constant 0 : i32
      %dma_start3A_558 = arith.constant 0 : i32
      %dma_start3A_559 = tpu.memref_slice %arg7[%dma_start3A_548, %dma_start3A_557, %dma_start3A_558] : memref<16x8x32xf32, #tpu.memory_space<vmem>> -> memref<1x8x32xf32, #tpu.memory_space<vmem>>
      %dma_start3A_560 = tpu.memref_squeeze %dma_start3A_559 : memref<1x8x32xf32, #tpu.memory_space<vmem>> -> memref<8x32xf32, #tpu.memory_space<vmem>>
      %dma_start3A_561 = arith.constant 0 : i32
      %dma_start3A_562 = arith.constant 0 : i32
      %dma_start3A_563 = tpu.memref_slice %arg3[%shift_right_arithmetic3A_547, %dma_start3A_561, %dma_start3A_562] : memref<125000x8x32xf32, #tpu.memory_space<hbm>> -> memref<1x8x32xf32, #tpu.memory_space<hbm>>
      %dma_start3A_564 = tpu.memref_squeeze %dma_start3A_563 : memref<1x8x32xf32, #tpu.memory_space<hbm>> -> memref<8x32xf32, #tpu.memory_space<hbm>>
      tpu.enqueue_dma source(%dma_start3A_564 : memref<8x32xf32, #tpu.memory_space<hbm>>) target(%dma_start3A_560 : memref<8x32xf32, #tpu.memory_space<vmem>>) target_semaphore(%arg10 : memref<!tpu.dma_semaphore, #tpu.memory_space<semaphore_mem>>)
      %slice3A_565 = vector.extract_strided_slice %get3A_354 {offsets = [10], sizes = [1], strides = [1]} : vector<16xi32> to vector<1xi32>
      %squeeze3A_566 = vector.extract %slice3A_565[0] : i32 from vector<1xi32>
      %shift_right_arithmetic3A_567 = arith.constant 3 : i32
      %shift_right_arithmetic3A_568 = arith.shrsi %squeeze3A_566, %shift_right_arithmetic3A_567 : i32
      %dma_start3A_569 = arith.constant 10 : i32
      %dma_start3A_570 = arith.constant 0 : i32
      %dma_start3A_571 = arith.constant 0 : i32
      %dma_start3A_572 = tpu.memref_slice %arg7[%dma_start3A_569, %dma_start3A_570, %dma_start3A_571] : memref<16x8x32xf32, #tpu.memory_space<vmem>> -> memref<1x8x32xf32, #tpu.memory_space<vmem>>
      %dma_start3A_573 = tpu.memref_squeeze %dma_start3A_572 : memref<1x8x32xf32, #tpu.memory_space<vmem>> -> memref<8x32xf32, #tpu.memory_space<vmem>>
      %dma_start3A_574 = arith.constant 0 : i32
      %dma_start3A_575 = arith.constant 0 : i32
      %dma_start3A_576 = tpu.memref_slice %arg3[%shift_right_arithmetic3A_568, %dma_start3A_574, %dma_start3A_575] : memref<125000x8x32xf32, #tpu.memory_space<hbm>> -> memref<1x8x32xf32, #tpu.memory_space<hbm>>
      %dma_start3A_577 = tpu.memref_squeeze %dma_start3A_576 : memref<1x8x32xf32, #tpu.memory_space<hbm>> -> memref<8x32xf32, #tpu.memory_space<hbm>>
      %dma_start3A_578 = arith.constant 0 : i32
      %dma_start3A_579 = arith.constant 0 : i32
      %dma_start3A_580 = tpu.memref_slice %arg7[%dma_start3A_569, %dma_start3A_578, %dma_start3A_579] : memref<16x8x32xf32, #tpu.memory_space<vmem>> -> memref<1x8x32xf32, #tpu.memory_space<vmem>>
      %dma_start3A_581 = tpu.memref_squeeze %dma_start3A_580 : memref<1x8x32xf32, #tpu.memory_space<vmem>> -> memref<8x32xf32, #tpu.memory_space<vmem>>
      %dma_start3A_582 = arith.constant 0 : i32
      %dma_start3A_583 = arith.constant 0 : i32
      %dma_start3A_584 = tpu.memref_slice %arg3[%shift_right_arithmetic3A_568, %dma_start3A_582, %dma_start3A_583] : memref<125000x8x32xf32, #tpu.memory_space<hbm>> -> memref<1x8x32xf32, #tpu.memory_space<hbm>>
      %dma_start3A_585 = tpu.memref_squeeze %dma_start3A_584 : memref<1x8x32xf32, #tpu.memory_space<hbm>> -> memref<8x32xf32, #tpu.memory_space<hbm>>
      tpu.enqueue_dma source(%dma_start3A_585 : memref<8x32xf32, #tpu.memory_space<hbm>>) target(%dma_start3A_581 : memref<8x32xf32, #tpu.memory_space<vmem>>) target_semaphore(%arg10 : memref<!tpu.dma_semaphore, #tpu.memory_space<semaphore_mem>>)
      %slice3A_586 = vector.extract_strided_slice %get3A_354 {offsets = [11], sizes = [1], strides = [1]} : vector<16xi32> to vector<1xi32>
      %squeeze3A_587 = vector.extract %slice3A_586[0] : i32 from vector<1xi32>
      %shift_right_arithmetic3A_588 = arith.constant 3 : i32
      %shift_right_arithmetic3A_589 = arith.shrsi %squeeze3A_587, %shift_right_arithmetic3A_588 : i32
      %dma_start3A_590 = arith.constant 11 : i32
      %dma_start3A_591 = arith.constant 0 : i32
      %dma_start3A_592 = arith.constant 0 : i32
      %dma_start3A_593 = tpu.memref_slice %arg7[%dma_start3A_590, %dma_start3A_591, %dma_start3A_592] : memref<16x8x32xf32, #tpu.memory_space<vmem>> -> memref<1x8x32xf32, #tpu.memory_space<vmem>>
      %dma_start3A_594 = tpu.memref_squeeze %dma_start3A_593 : memref<1x8x32xf32, #tpu.memory_space<vmem>> -> memref<8x32xf32, #tpu.memory_space<vmem>>
      %dma_start3A_595 = arith.constant 0 : i32
      %dma_start3A_596 = arith.constant 0 : i32
      %dma_start3A_597 = tpu.memref_slice %arg3[%shift_right_arithmetic3A_589, %dma_start3A_595, %dma_start3A_596] : memref<125000x8x32xf32, #tpu.memory_space<hbm>> -> memref<1x8x32xf32, #tpu.memory_space<hbm>>
      %dma_start3A_598 = tpu.memref_squeeze %dma_start3A_597 : memref<1x8x32xf32, #tpu.memory_space<hbm>> -> memref<8x32xf32, #tpu.memory_space<hbm>>
      %dma_start3A_599 = arith.constant 0 : i32
      %dma_start3A_600 = arith.constant 0 : i32
      %dma_start3A_601 = tpu.memref_slice %arg7[%dma_start3A_590, %dma_start3A_599, %dma_start3A_600] : memref<16x8x32xf32, #tpu.memory_space<vmem>> -> memref<1x8x32xf32, #tpu.memory_space<vmem>>
      %dma_start3A_602 = tpu.memref_squeeze %dma_start3A_601 : memref<1x8x32xf32, #tpu.memory_space<vmem>> -> memref<8x32xf32, #tpu.memory_space<vmem>>
      %dma_start3A_603 = arith.constant 0 : i32
      %dma_start3A_604 = arith.constant 0 : i32
      %dma_start3A_605 = tpu.memref_slice %arg3[%shift_right_arithmetic3A_589, %dma_start3A_603, %dma_start3A_604] : memref<125000x8x32xf32, #tpu.memory_space<hbm>> -> memref<1x8x32xf32, #tpu.memory_space<hbm>>
      %dma_start3A_606 = tpu.memref_squeeze %dma_start3A_605 : memref<1x8x32xf32, #tpu.memory_space<hbm>> -> memref<8x32xf32, #tpu.memory_space<hbm>>
      tpu.enqueue_dma source(%dma_start3A_606 : memref<8x32xf32, #tpu.memory_space<hbm>>) target(%dma_start3A_602 : memref<8x32xf32, #tpu.memory_space<vmem>>) target_semaphore(%arg10 : memref<!tpu.dma_semaphore, #tpu.memory_space<semaphore_mem>>)
      %slice3A_607 = vector.extract_strided_slice %get3A_354 {offsets = [12], sizes = [1], strides = [1]} : vector<16xi32> to vector<1xi32>
      %squeeze3A_608 = vector.extract %slice3A_607[0] : i32 from vector<1xi32>
      %shift_right_arithmetic3A_609 = arith.constant 3 : i32
      %shift_right_arithmetic3A_610 = arith.shrsi %squeeze3A_608, %shift_right_arithmetic3A_609 : i32
      %dma_start3A_611 = arith.constant 12 : i32
      %dma_start3A_612 = arith.constant 0 : i32
      %dma_start3A_613 = arith.constant 0 : i32
      %dma_start3A_614 = tpu.memref_slice %arg7[%dma_start3A_611, %dma_start3A_612, %dma_start3A_613] : memref<16x8x32xf32, #tpu.memory_space<vmem>> -> memref<1x8x32xf32, #tpu.memory_space<vmem>>
      %dma_start3A_615 = tpu.memref_squeeze %dma_start3A_614 : memref<1x8x32xf32, #tpu.memory_space<vmem>> -> memref<8x32xf32, #tpu.memory_space<vmem>>
      %dma_start3A_616 = arith.constant 0 : i32
      %dma_start3A_617 = arith.constant 0 : i32
      %dma_start3A_618 = tpu.memref_slice %arg3[%shift_right_arithmetic3A_610, %dma_start3A_616, %dma_start3A_617] : memref<125000x8x32xf32, #tpu.memory_space<hbm>> -> memref<1x8x32xf32, #tpu.memory_space<hbm>>
      %dma_start3A_619 = tpu.memref_squeeze %dma_start3A_618 : memref<1x8x32xf32, #tpu.memory_space<hbm>> -> memref<8x32xf32, #tpu.memory_space<hbm>>
      %dma_start3A_620 = arith.constant 0 : i32
      %dma_start3A_621 = arith.constant 0 : i32
      %dma_start3A_622 = tpu.memref_slice %arg7[%dma_start3A_611, %dma_start3A_620, %dma_start3A_621] : memref<16x8x32xf32, #tpu.memory_space<vmem>> -> memref<1x8x32xf32, #tpu.memory_space<vmem>>
      %dma_start3A_623 = tpu.memref_squeeze %dma_start3A_622 : memref<1x8x32xf32, #tpu.memory_space<vmem>> -> memref<8x32xf32, #tpu.memory_space<vmem>>
      %dma_start3A_624 = arith.constant 0 : i32
      %dma_start3A_625 = arith.constant 0 : i32
      %dma_start3A_626 = tpu.memref_slice %arg3[%shift_right_arithmetic3A_610, %dma_start3A_624, %dma_start3A_625] : memref<125000x8x32xf32, #tpu.memory_space<hbm>> -> memref<1x8x32xf32, #tpu.memory_space<hbm>>
      %dma_start3A_627 = tpu.memref_squeeze %dma_start3A_626 : memref<1x8x32xf32, #tpu.memory_space<hbm>> -> memref<8x32xf32, #tpu.memory_space<hbm>>
      tpu.enqueue_dma source(%dma_start3A_627 : memref<8x32xf32, #tpu.memory_space<hbm>>) target(%dma_start3A_623 : memref<8x32xf32, #tpu.memory_space<vmem>>) target_semaphore(%arg10 : memref<!tpu.dma_semaphore, #tpu.memory_space<semaphore_mem>>)
      %slice3A_628 = vector.extract_strided_slice %get3A_354 {offsets = [13], sizes = [1], strides = [1]} : vector<16xi32> to vector<1xi32>
      %squeeze3A_629 = vector.extract %slice3A_628[0] : i32 from vector<1xi32>
      %shift_right_arithmetic3A_630 = arith.constant 3 : i32
      %shift_right_arithmetic3A_631 = arith.shrsi %squeeze3A_629, %shift_right_arithmetic3A_630 : i32
      %dma_start3A_632 = arith.constant 13 : i32
      %dma_start3A_633 = arith.constant 0 : i32
      %dma_start3A_634 = arith.constant 0 : i32
      %dma_start3A_635 = tpu.memref_slice %arg7[%dma_start3A_632, %dma_start3A_633, %dma_start3A_634] : memref<16x8x32xf32, #tpu.memory_space<vmem>> -> memref<1x8x32xf32, #tpu.memory_space<vmem>>
      %dma_start3A_636 = tpu.memref_squeeze %dma_start3A_635 : memref<1x8x32xf32, #tpu.memory_space<vmem>> -> memref<8x32xf32, #tpu.memory_space<vmem>>
      %dma_start3A_637 = arith.constant 0 : i32
      %dma_start3A_638 = arith.constant 0 : i32
      %dma_start3A_639 = tpu.memref_slice %arg3[%shift_right_arithmetic3A_631, %dma_start3A_637, %dma_start3A_638] : memref<125000x8x32xf32, #tpu.memory_space<hbm>> -> memref<1x8x32xf32, #tpu.memory_space<hbm>>
      %dma_start3A_640 = tpu.memref_squeeze %dma_start3A_639 : memref<1x8x32xf32, #tpu.memory_space<hbm>> -> memref<8x32xf32, #tpu.memory_space<hbm>>
      %dma_start3A_641 = arith.constant 0 : i32
      %dma_start3A_642 = arith.constant 0 : i32
      %dma_start3A_643 = tpu.memref_slice %arg7[%dma_start3A_632, %dma_start3A_641, %dma_start3A_642] : memref<16x8x32xf32, #tpu.memory_space<vmem>> -> memref<1x8x32xf32, #tpu.memory_space<vmem>>
      %dma_start3A_644 = tpu.memref_squeeze %dma_start3A_643 : memref<1x8x32xf32, #tpu.memory_space<vmem>> -> memref<8x32xf32, #tpu.memory_space<vmem>>
      %dma_start3A_645 = arith.constant 0 : i32
      %dma_start3A_646 = arith.constant 0 : i32
      %dma_start3A_647 = tpu.memref_slice %arg3[%shift_right_arithmetic3A_631, %dma_start3A_645, %dma_start3A_646] : memref<125000x8x32xf32, #tpu.memory_space<hbm>> -> memref<1x8x32xf32, #tpu.memory_space<hbm>>
      %dma_start3A_648 = tpu.memref_squeeze %dma_start3A_647 : memref<1x8x32xf32, #tpu.memory_space<hbm>> -> memref<8x32xf32, #tpu.memory_space<hbm>>
      tpu.enqueue_dma source(%dma_start3A_648 : memref<8x32xf32, #tpu.memory_space<hbm>>) target(%dma_start3A_644 : memref<8x32xf32, #tpu.memory_space<vmem>>) target_semaphore(%arg10 : memref<!tpu.dma_semaphore, #tpu.memory_space<semaphore_mem>>)
      %slice3A_649 = vector.extract_strided_slice %get3A_354 {offsets = [14], sizes = [1], strides = [1]} : vector<16xi32> to vector<1xi32>
      %squeeze3A_650 = vector.extract %slice3A_649[0] : i32 from vector<1xi32>
      %shift_right_arithmetic3A_651 = arith.constant 3 : i32
      %shift_right_arithmetic3A_652 = arith.shrsi %squeeze3A_650, %shift_right_arithmetic3A_651 : i32
      %dma_start3A_653 = arith.constant 14 : i32
      %dma_start3A_654 = arith.constant 0 : i32
      %dma_start3A_655 = arith.constant 0 : i32
      %dma_start3A_656 = tpu.memref_slice %arg7[%dma_start3A_653, %dma_start3A_654, %dma_start3A_655] : memref<16x8x32xf32, #tpu.memory_space<vmem>> -> memref<1x8x32xf32, #tpu.memory_space<vmem>>
      %dma_start3A_657 = tpu.memref_squeeze %dma_start3A_656 : memref<1x8x32xf32, #tpu.memory_space<vmem>> -> memref<8x32xf32, #tpu.memory_space<vmem>>
      %dma_start3A_658 = arith.constant 0 : i32
      %dma_start3A_659 = arith.constant 0 : i32
      %dma_start3A_660 = tpu.memref_slice %arg3[%shift_right_arithmetic3A_652, %dma_start3A_658, %dma_start3A_659] : memref<125000x8x32xf32, #tpu.memory_space<hbm>> -> memref<1x8x32xf32, #tpu.memory_space<hbm>>
      %dma_start3A_661 = tpu.memref_squeeze %dma_start3A_660 : memref<1x8x32xf32, #tpu.memory_space<hbm>> -> memref<8x32xf32, #tpu.memory_space<hbm>>
      %dma_start3A_662 = arith.constant 0 : i32
      %dma_start3A_663 = arith.constant 0 : i32
      %dma_start3A_664 = tpu.memref_slice %arg7[%dma_start3A_653, %dma_start3A_662, %dma_start3A_663] : memref<16x8x32xf32, #tpu.memory_space<vmem>> -> memref<1x8x32xf32, #tpu.memory_space<vmem>>
      %dma_start3A_665 = tpu.memref_squeeze %dma_start3A_664 : memref<1x8x32xf32, #tpu.memory_space<vmem>> -> memref<8x32xf32, #tpu.memory_space<vmem>>
      %dma_start3A_666 = arith.constant 0 : i32
      %dma_start3A_667 = arith.constant 0 : i32
      %dma_start3A_668 = tpu.memref_slice %arg3[%shift_right_arithmetic3A_652, %dma_start3A_666, %dma_start3A_667] : memref<125000x8x32xf32, #tpu.memory_space<hbm>> -> memref<1x8x32xf32, #tpu.memory_space<hbm>>
      %dma_start3A_669 = tpu.memref_squeeze %dma_start3A_668 : memref<1x8x32xf32, #tpu.memory_space<hbm>> -> memref<8x32xf32, #tpu.memory_space<hbm>>
      tpu.enqueue_dma source(%dma_start3A_669 : memref<8x32xf32, #tpu.memory_space<hbm>>) target(%dma_start3A_665 : memref<8x32xf32, #tpu.memory_space<vmem>>) target_semaphore(%arg10 : memref<!tpu.dma_semaphore, #tpu.memory_space<semaphore_mem>>)
      %slice3A_670 = vector.extract_strided_slice %get3A_354 {offsets = [15], sizes = [1], strides = [1]} : vector<16xi32> to vector<1xi32>
      %squeeze3A_671 = vector.extract %slice3A_670[0] : i32 from vector<1xi32>
      %shift_right_arithmetic3A_672 = arith.constant 3 : i32
      %shift_right_arithmetic3A_673 = arith.shrsi %squeeze3A_671, %shift_right_arithmetic3A_672 : i32
      %dma_start3A_674 = arith.constant 15 : i32
      %dma_start3A_675 = arith.constant 0 : i32
      %dma_start3A_676 = arith.constant 0 : i32
      %dma_start3A_677 = tpu.memref_slice %arg7[%dma_start3A_674, %dma_start3A_675, %dma_start3A_676] : memref<16x8x32xf32, #tpu.memory_space<vmem>> -> memref<1x8x32xf32, #tpu.memory_space<vmem>>
      %dma_start3A_678 = tpu.memref_squeeze %dma_start3A_677 : memref<1x8x32xf32, #tpu.memory_space<vmem>> -> memref<8x32xf32, #tpu.memory_space<vmem>>
      %dma_start3A_679 = arith.constant 0 : i32
      %dma_start3A_680 = arith.constant 0 : i32
      %dma_start3A_681 = tpu.memref_slice %arg3[%shift_right_arithmetic3A_673, %dma_start3A_679, %dma_start3A_680] : memref<125000x8x32xf32, #tpu.memory_space<hbm>> -> memref<1x8x32xf32, #tpu.memory_space<hbm>>
      %dma_start3A_682 = tpu.memref_squeeze %dma_start3A_681 : memref<1x8x32xf32, #tpu.memory_space<hbm>> -> memref<8x32xf32, #tpu.memory_space<hbm>>
      %dma_start3A_683 = arith.constant 0 : i32
      %dma_start3A_684 = arith.constant 0 : i32
      %dma_start3A_685 = tpu.memref_slice %arg7[%dma_start3A_674, %dma_start3A_683, %dma_start3A_684] : memref<16x8x32xf32, #tpu.memory_space<vmem>> -> memref<1x8x32xf32, #tpu.memory_space<vmem>>
      %dma_start3A_686 = tpu.memref_squeeze %dma_start3A_685 : memref<1x8x32xf32, #tpu.memory_space<vmem>> -> memref<8x32xf32, #tpu.memory_space<vmem>>
      %dma_start3A_687 = arith.constant 0 : i32
      %dma_start3A_688 = arith.constant 0 : i32
      %dma_start3A_689 = tpu.memref_slice %arg3[%shift_right_arithmetic3A_673, %dma_start3A_687, %dma_start3A_688] : memref<125000x8x32xf32, #tpu.memory_space<hbm>> -> memref<1x8x32xf32, #tpu.memory_space<hbm>>
      %dma_start3A_690 = tpu.memref_squeeze %dma_start3A_689 : memref<1x8x32xf32, #tpu.memory_space<hbm>> -> memref<8x32xf32, #tpu.memory_space<hbm>>
      tpu.enqueue_dma source(%dma_start3A_690 : memref<8x32xf32, #tpu.memory_space<hbm>>) target(%dma_start3A_686 : memref<8x32xf32, #tpu.memory_space<vmem>>) target_semaphore(%arg10 : memref<!tpu.dma_semaphore, #tpu.memory_space<semaphore_mem>>)
      %dma_wait3A = arith.constant 0 : i32
      %dma_wait3A_691 = arith.constant 0 : i32
      %dma_wait3A_692 = arith.constant 0 : i32
      %dma_wait3A_693 = arith.constant 0 : i32
      %dma_wait3A_694 = tpu.memref_slice %arg6[%dma_wait3A_691, %dma_wait3A_692, %dma_wait3A_693] : memref<16x8x32xf32, #tpu.memory_space<vmem>> -> memref<1x8x32xf32, #tpu.memory_space<vmem>>
      %dma_wait3A_695 = tpu.memref_squeeze %dma_wait3A_694 : memref<1x8x32xf32, #tpu.memory_space<vmem>> -> memref<8x32xf32, #tpu.memory_space<vmem>>
      %dma_wait3A_696 = arith.constant 0 : i32
      %dma_wait3A_697 = arith.constant 0 : i32
      %dma_wait3A_698 = tpu.memref_slice %arg3[%dma_wait3A, %dma_wait3A_696, %dma_wait3A_697] : memref<125000x8x32xf32, #tpu.memory_space<hbm>> -> memref<1x8x32xf32, #tpu.memory_space<hbm>>
      %dma_wait3A_699 = tpu.memref_squeeze %dma_wait3A_698 : memref<1x8x32xf32, #tpu.memory_space<hbm>> -> memref<8x32xf32, #tpu.memory_space<hbm>>
      %dma_wait3A_700 = arith.constant 0 : i32
      %dma_wait3A_701 = arith.constant 0 : i32
      %dma_wait3A_702 = tpu.memref_slice %arg6[%dma_wait3A_691, %dma_wait3A_700, %dma_wait3A_701] : memref<16x8x32xf32, #tpu.memory_space<vmem>> -> memref<1x8x32xf32, #tpu.memory_space<vmem>>
      %dma_wait3A_703 = tpu.memref_squeeze %dma_wait3A_702 : memref<1x8x32xf32, #tpu.memory_space<vmem>> -> memref<8x32xf32, #tpu.memory_space<vmem>>
      %dma_wait3A_704 = arith.constant 0 : i32
      %dma_wait3A_705 = arith.constant 0 : i32
      %dma_wait3A_706 = tpu.memref_slice %arg3[%dma_wait3A, %dma_wait3A_704, %dma_wait3A_705] : memref<125000x8x32xf32, #tpu.memory_space<hbm>> -> memref<1x8x32xf32, #tpu.memory_space<hbm>>
      %dma_wait3A_707 = tpu.memref_squeeze %dma_wait3A_706 : memref<1x8x32xf32, #tpu.memory_space<hbm>> -> memref<8x32xf32, #tpu.memory_space<hbm>>
      tpu.wait_dma2 semaphore(%arg9 : memref<!tpu.dma_semaphore, #tpu.memory_space<semaphore_mem>>) src(%dma_wait3A_707 : memref<8x32xf32, #tpu.memory_space<hbm>>) dst(%dma_wait3A_703 : memref<8x32xf32, #tpu.memory_space<vmem>>)
      %dma_wait3A_708 = arith.constant 0 : i32
      %dma_wait3A_709 = arith.constant 0 : i32
      %dma_wait3A_710 = arith.constant 0 : i32
      %dma_wait3A_711 = arith.constant 0 : i32
      %dma_wait3A_712 = tpu.memref_slice %arg6[%dma_wait3A_709, %dma_wait3A_710, %dma_wait3A_711] : memref<16x8x32xf32, #tpu.memory_space<vmem>> -> memref<1x8x32xf32, #tpu.memory_space<vmem>>
      %dma_wait3A_713 = tpu.memref_squeeze %dma_wait3A_712 : memref<1x8x32xf32, #tpu.memory_space<vmem>> -> memref<8x32xf32, #tpu.memory_space<vmem>>
      %dma_wait3A_714 = arith.constant 0 : i32
      %dma_wait3A_715 = arith.constant 0 : i32
      %dma_wait3A_716 = tpu.memref_slice %arg3[%dma_wait3A_708, %dma_wait3A_714, %dma_wait3A_715] : memref<125000x8x32xf32, #tpu.memory_space<hbm>> -> memref<1x8x32xf32, #tpu.memory_space<hbm>>
      %dma_wait3A_717 = tpu.memref_squeeze %dma_wait3A_716 : memref<1x8x32xf32, #tpu.memory_space<hbm>> -> memref<8x32xf32, #tpu.memory_space<hbm>>
      %dma_wait3A_718 = arith.constant 0 : i32
      %dma_wait3A_719 = arith.constant 0 : i32
      %dma_wait3A_720 = tpu.memref_slice %arg6[%dma_wait3A_709, %dma_wait3A_718, %dma_wait3A_719] : memref<16x8x32xf32, #tpu.memory_space<vmem>> -> memref<1x8x32xf32, #tpu.memory_space<vmem>>
      %dma_wait3A_721 = tpu.memref_squeeze %dma_wait3A_720 : memref<1x8x32xf32, #tpu.memory_space<vmem>> -> memref<8x32xf32, #tpu.memory_space<vmem>>
      %dma_wait3A_722 = arith.constant 0 : i32
      %dma_wait3A_723 = arith.constant 0 : i32
      %dma_wait3A_724 = tpu.memref_slice %arg3[%dma_wait3A_708, %dma_wait3A_722, %dma_wait3A_723] : memref<125000x8x32xf32, #tpu.memory_space<hbm>> -> memref<1x8x32xf32, #tpu.memory_space<hbm>>
      %dma_wait3A_725 = tpu.memref_squeeze %dma_wait3A_724 : memref<1x8x32xf32, #tpu.memory_space<hbm>> -> memref<8x32xf32, #tpu.memory_space<hbm>>
      tpu.wait_dma2 semaphore(%arg9 : memref<!tpu.dma_semaphore, #tpu.memory_space<semaphore_mem>>) src(%dma_wait3A_725 : memref<8x32xf32, #tpu.memory_space<hbm>>) dst(%dma_wait3A_721 : memref<8x32xf32, #tpu.memory_space<vmem>>)
      %dma_wait3A_726 = arith.constant 0 : i32
      %dma_wait3A_727 = arith.constant 0 : i32
      %dma_wait3A_728 = arith.constant 0 : i32
      %dma_wait3A_729 = arith.constant 0 : i32
      %dma_wait3A_730 = tpu.memref_slice %arg6[%dma_wait3A_727, %dma_wait3A_728, %dma_wait3A_729] : memref<16x8x32xf32, #tpu.memory_space<vmem>> -> memref<1x8x32xf32, #tpu.memory_space<vmem>>
      %dma_wait3A_731 = tpu.memref_squeeze %dma_wait3A_730 : memref<1x8x32xf32, #tpu.memory_space<vmem>> -> memref<8x32xf32, #tpu.memory_space<vmem>>
      %dma_wait3A_732 = arith.constant 0 : i32
      %dma_wait3A_733 = arith.constant 0 : i32
      %dma_wait3A_734 = tpu.memref_slice %arg3[%dma_wait3A_726, %dma_wait3A_732, %dma_wait3A_733] : memref<125000x8x32xf32, #tpu.memory_space<hbm>> -> memref<1x8x32xf32, #tpu.memory_space<hbm>>
      %dma_wait3A_735 = tpu.memref_squeeze %dma_wait3A_734 : memref<1x8x32xf32, #tpu.memory_space<hbm>> -> memref<8x32xf32, #tpu.memory_space<hbm>>
      %dma_wait3A_736 = arith.constant 0 : i32
      %dma_wait3A_737 = arith.constant 0 : i32
      %dma_wait3A_738 = tpu.memref_slice %arg6[%dma_wait3A_727, %dma_wait3A_736, %dma_wait3A_737] : memref<16x8x32xf32, #tpu.memory_space<vmem>> -> memref<1x8x32xf32, #tpu.memory_space<vmem>>
      %dma_wait3A_739 = tpu.memref_squeeze %dma_wait3A_738 : memref<1x8x32xf32, #tpu.memory_space<vmem>> -> memref<8x32xf32, #tpu.memory_space<vmem>>
      %dma_wait3A_740 = arith.constant 0 : i32
      %dma_wait3A_741 = arith.constant 0 : i32
      %dma_wait3A_742 = tpu.memref_slice %arg3[%dma_wait3A_726, %dma_wait3A_740, %dma_wait3A_741] : memref<125000x8x32xf32, #tpu.memory_space<hbm>> -> memref<1x8x32xf32, #tpu.memory_space<hbm>>
      %dma_wait3A_743 = tpu.memref_squeeze %dma_wait3A_742 : memref<1x8x32xf32, #tpu.memory_space<hbm>> -> memref<8x32xf32, #tpu.memory_space<hbm>>
      tpu.wait_dma2 semaphore(%arg9 : memref<!tpu.dma_semaphore, #tpu.memory_space<semaphore_mem>>) src(%dma_wait3A_743 : memref<8x32xf32, #tpu.memory_space<hbm>>) dst(%dma_wait3A_739 : memref<8x32xf32, #tpu.memory_space<vmem>>)
      %dma_wait3A_744 = arith.constant 0 : i32
      %dma_wait3A_745 = arith.constant 0 : i32
      %dma_wait3A_746 = arith.constant 0 : i32
      %dma_wait3A_747 = arith.constant 0 : i32
      %dma_wait3A_748 = tpu.memref_slice %arg6[%dma_wait3A_745, %dma_wait3A_746, %dma_wait3A_747] : memref<16x8x32xf32, #tpu.memory_space<vmem>> -> memref<1x8x32xf32, #tpu.memory_space<vmem>>
      %dma_wait3A_749 = tpu.memref_squeeze %dma_wait3A_748 : memref<1x8x32xf32, #tpu.memory_space<vmem>> -> memref<8x32xf32, #tpu.memory_space<vmem>>
      %dma_wait3A_750 = arith.constant 0 : i32
      %dma_wait3A_751 = arith.constant 0 : i32
      %dma_wait3A_752 = tpu.memref_slice %arg3[%dma_wait3A_744, %dma_wait3A_750, %dma_wait3A_751] : memref<125000x8x32xf32, #tpu.memory_space<hbm>> -> memref<1x8x32xf32, #tpu.memory_space<hbm>>
      %dma_wait3A_753 = tpu.memref_squeeze %dma_wait3A_752 : memref<1x8x32xf32, #tpu.memory_space<hbm>> -> memref<8x32xf32, #tpu.memory_space<hbm>>
      %dma_wait3A_754 = arith.constant 0 : i32
      %dma_wait3A_755 = arith.constant 0 : i32
      %dma_wait3A_756 = tpu.memref_slice %arg6[%dma_wait3A_745, %dma_wait3A_754, %dma_wait3A_755] : memref<16x8x32xf32, #tpu.memory_space<vmem>> -> memref<1x8x32xf32, #tpu.memory_space<vmem>>
      %dma_wait3A_757 = tpu.memref_squeeze %dma_wait3A_756 : memref<1x8x32xf32, #tpu.memory_space<vmem>> -> memref<8x32xf32, #tpu.memory_space<vmem>>
      %dma_wait3A_758 = arith.constant 0 : i32
      %dma_wait3A_759 = arith.constant 0 : i32
      %dma_wait3A_760 = tpu.memref_slice %arg3[%dma_wait3A_744, %dma_wait3A_758, %dma_wait3A_759] : memref<125000x8x32xf32, #tpu.memory_space<hbm>> -> memref<1x8x32xf32, #tpu.memory_space<hbm>>
      %dma_wait3A_761 = tpu.memref_squeeze %dma_wait3A_760 : memref<1x8x32xf32, #tpu.memory_space<hbm>> -> memref<8x32xf32, #tpu.memory_space<hbm>>
      tpu.wait_dma2 semaphore(%arg9 : memref<!tpu.dma_semaphore, #tpu.memory_space<semaphore_mem>>) src(%dma_wait3A_761 : memref<8x32xf32, #tpu.memory_space<hbm>>) dst(%dma_wait3A_757 : memref<8x32xf32, #tpu.memory_space<vmem>>)
      %dma_wait3A_762 = arith.constant 0 : i32
      %dma_wait3A_763 = arith.constant 0 : i32
      %dma_wait3A_764 = arith.constant 0 : i32
      %dma_wait3A_765 = arith.constant 0 : i32
      %dma_wait3A_766 = tpu.memref_slice %arg6[%dma_wait3A_763, %dma_wait3A_764, %dma_wait3A_765] : memref<16x8x32xf32, #tpu.memory_space<vmem>> -> memref<1x8x32xf32, #tpu.memory_space<vmem>>
      %dma_wait3A_767 = tpu.memref_squeeze %dma_wait3A_766 : memref<1x8x32xf32, #tpu.memory_space<vmem>> -> memref<8x32xf32, #tpu.memory_space<vmem>>
      %dma_wait3A_768 = arith.constant 0 : i32
      %dma_wait3A_769 = arith.constant 0 : i32
      %dma_wait3A_770 = tpu.memref_slice %arg3[%dma_wait3A_762, %dma_wait3A_768, %dma_wait3A_769] : memref<125000x8x32xf32, #tpu.memory_space<hbm>> -> memref<1x8x32xf32, #tpu.memory_space<hbm>>
      %dma_wait3A_771 = tpu.memref_squeeze %dma_wait3A_770 : memref<1x8x32xf32, #tpu.memory_space<hbm>> -> memref<8x32xf32, #tpu.memory_space<hbm>>
      %dma_wait3A_772 = arith.constant 0 : i32
      %dma_wait3A_773 = arith.constant 0 : i32
      %dma_wait3A_774 = tpu.memref_slice %arg6[%dma_wait3A_763, %dma_wait3A_772, %dma_wait3A_773] : memref<16x8x32xf32, #tpu.memory_space<vmem>> -> memref<1x8x32xf32, #tpu.memory_space<vmem>>
      %dma_wait3A_775 = tpu.memref_squeeze %dma_wait3A_774 : memref<1x8x32xf32, #tpu.memory_space<vmem>> -> memref<8x32xf32, #tpu.memory_space<vmem>>
      %dma_wait3A_776 = arith.constant 0 : i32
      %dma_wait3A_777 = arith.constant 0 : i32
      %dma_wait3A_778 = tpu.memref_slice %arg3[%dma_wait3A_762, %dma_wait3A_776, %dma_wait3A_777] : memref<125000x8x32xf32, #tpu.memory_space<hbm>> -> memref<1x8x32xf32, #tpu.memory_space<hbm>>
      %dma_wait3A_779 = tpu.memref_squeeze %dma_wait3A_778 : memref<1x8x32xf32, #tpu.memory_space<hbm>> -> memref<8x32xf32, #tpu.memory_space<hbm>>
      tpu.wait_dma2 semaphore(%arg9 : memref<!tpu.dma_semaphore, #tpu.memory_space<semaphore_mem>>) src(%dma_wait3A_779 : memref<8x32xf32, #tpu.memory_space<hbm>>) dst(%dma_wait3A_775 : memref<8x32xf32, #tpu.memory_space<vmem>>)
      %dma_wait3A_780 = arith.constant 0 : i32
      %dma_wait3A_781 = arith.constant 0 : i32
      %dma_wait3A_782 = arith.constant 0 : i32
      %dma_wait3A_783 = arith.constant 0 : i32
      %dma_wait3A_784 = tpu.memref_slice %arg6[%dma_wait3A_781, %dma_wait3A_782, %dma_wait3A_783] : memref<16x8x32xf32, #tpu.memory_space<vmem>> -> memref<1x8x32xf32, #tpu.memory_space<vmem>>
      %dma_wait3A_785 = tpu.memref_squeeze %dma_wait3A_784 : memref<1x8x32xf32, #tpu.memory_space<vmem>> -> memref<8x32xf32, #tpu.memory_space<vmem>>
      %dma_wait3A_786 = arith.constant 0 : i32
      %dma_wait3A_787 = arith.constant 0 : i32
      %dma_wait3A_788 = tpu.memref_slice %arg3[%dma_wait3A_780, %dma_wait3A_786, %dma_wait3A_787] : memref<125000x8x32xf32, #tpu.memory_space<hbm>> -> memref<1x8x32xf32, #tpu.memory_space<hbm>>
      %dma_wait3A_789 = tpu.memref_squeeze %dma_wait3A_788 : memref<1x8x32xf32, #tpu.memory_space<hbm>> -> memref<8x32xf32, #tpu.memory_space<hbm>>
      %dma_wait3A_790 = arith.constant 0 : i32
      %dma_wait3A_791 = arith.constant 0 : i32
      %dma_wait3A_792 = tpu.memref_slice %arg6[%dma_wait3A_781, %dma_wait3A_790, %dma_wait3A_791] : memref<16x8x32xf32, #tpu.memory_space<vmem>> -> memref<1x8x32xf32, #tpu.memory_space<vmem>>
      %dma_wait3A_793 = tpu.memref_squeeze %dma_wait3A_792 : memref<1x8x32xf32, #tpu.memory_space<vmem>> -> memref<8x32xf32, #tpu.memory_space<vmem>>
      %dma_wait3A_794 = arith.constant 0 : i32
      %dma_wait3A_795 = arith.constant 0 : i32
      %dma_wait3A_796 = tpu.memref_slice %arg3[%dma_wait3A_780, %dma_wait3A_794, %dma_wait3A_795] : memref<125000x8x32xf32, #tpu.memory_space<hbm>> -> memref<1x8x32xf32, #tpu.memory_space<hbm>>
      %dma_wait3A_797 = tpu.memref_squeeze %dma_wait3A_796 : memref<1x8x32xf32, #tpu.memory_space<hbm>> -> memref<8x32xf32, #tpu.memory_space<hbm>>
      tpu.wait_dma2 semaphore(%arg9 : memref<!tpu.dma_semaphore, #tpu.memory_space<semaphore_mem>>) src(%dma_wait3A_797 : memref<8x32xf32, #tpu.memory_space<hbm>>) dst(%dma_wait3A_793 : memref<8x32xf32, #tpu.memory_space<vmem>>)
      %dma_wait3A_798 = arith.constant 0 : i32
      %dma_wait3A_799 = arith.constant 0 : i32
      %dma_wait3A_800 = arith.constant 0 : i32
      %dma_wait3A_801 = arith.constant 0 : i32
      %dma_wait3A_802 = tpu.memref_slice %arg6[%dma_wait3A_799, %dma_wait3A_800, %dma_wait3A_801] : memref<16x8x32xf32, #tpu.memory_space<vmem>> -> memref<1x8x32xf32, #tpu.memory_space<vmem>>
      %dma_wait3A_803 = tpu.memref_squeeze %dma_wait3A_802 : memref<1x8x32xf32, #tpu.memory_space<vmem>> -> memref<8x32xf32, #tpu.memory_space<vmem>>
      %dma_wait3A_804 = arith.constant 0 : i32
      %dma_wait3A_805 = arith.constant 0 : i32
      %dma_wait3A_806 = tpu.memref_slice %arg3[%dma_wait3A_798, %dma_wait3A_804, %dma_wait3A_805] : memref<125000x8x32xf32, #tpu.memory_space<hbm>> -> memref<1x8x32xf32, #tpu.memory_space<hbm>>
      %dma_wait3A_807 = tpu.memref_squeeze %dma_wait3A_806 : memref<1x8x32xf32, #tpu.memory_space<hbm>> -> memref<8x32xf32, #tpu.memory_space<hbm>>
      %dma_wait3A_808 = arith.constant 0 : i32
      %dma_wait3A_809 = arith.constant 0 : i32
      %dma_wait3A_810 = tpu.memref_slice %arg6[%dma_wait3A_799, %dma_wait3A_808, %dma_wait3A_809] : memref<16x8x32xf32, #tpu.memory_space<vmem>> -> memref<1x8x32xf32, #tpu.memory_space<vmem>>
      %dma_wait3A_811 = tpu.memref_squeeze %dma_wait3A_810 : memref<1x8x32xf32, #tpu.memory_space<vmem>> -> memref<8x32xf32, #tpu.memory_space<vmem>>
      %dma_wait3A_812 = arith.constant 0 : i32
      %dma_wait3A_813 = arith.constant 0 : i32
      %dma_wait3A_814 = tpu.memref_slice %arg3[%dma_wait3A_798, %dma_wait3A_812, %dma_wait3A_813] : memref<125000x8x32xf32, #tpu.memory_space<hbm>> -> memref<1x8x32xf32, #tpu.memory_space<hbm>>
      %dma_wait3A_815 = tpu.memref_squeeze %dma_wait3A_814 : memref<1x8x32xf32, #tpu.memory_space<hbm>> -> memref<8x32xf32, #tpu.memory_space<hbm>>
      tpu.wait_dma2 semaphore(%arg9 : memref<!tpu.dma_semaphore, #tpu.memory_space<semaphore_mem>>) src(%dma_wait3A_815 : memref<8x32xf32, #tpu.memory_space<hbm>>) dst(%dma_wait3A_811 : memref<8x32xf32, #tpu.memory_space<vmem>>)
      %dma_wait3A_816 = arith.constant 0 : i32
      %dma_wait3A_817 = arith.constant 0 : i32
      %dma_wait3A_818 = arith.constant 0 : i32
      %dma_wait3A_819 = arith.constant 0 : i32
      %dma_wait3A_820 = tpu.memref_slice %arg6[%dma_wait3A_817, %dma_wait3A_818, %dma_wait3A_819] : memref<16x8x32xf32, #tpu.memory_space<vmem>> -> memref<1x8x32xf32, #tpu.memory_space<vmem>>
      %dma_wait3A_821 = tpu.memref_squeeze %dma_wait3A_820 : memref<1x8x32xf32, #tpu.memory_space<vmem>> -> memref<8x32xf32, #tpu.memory_space<vmem>>
      %dma_wait3A_822 = arith.constant 0 : i32
      %dma_wait3A_823 = arith.constant 0 : i32
      %dma_wait3A_824 = tpu.memref_slice %arg3[%dma_wait3A_816, %dma_wait3A_822, %dma_wait3A_823] : memref<125000x8x32xf32, #tpu.memory_space<hbm>> -> memref<1x8x32xf32, #tpu.memory_space<hbm>>
      %dma_wait3A_825 = tpu.memref_squeeze %dma_wait3A_824 : memref<1x8x32xf32, #tpu.memory_space<hbm>> -> memref<8x32xf32, #tpu.memory_space<hbm>>
      %dma_wait3A_826 = arith.constant 0 : i32
      %dma_wait3A_827 = arith.constant 0 : i32
      %dma_wait3A_828 = tpu.memref_slice %arg6[%dma_wait3A_817, %dma_wait3A_826, %dma_wait3A_827] : memref<16x8x32xf32, #tpu.memory_space<vmem>> -> memref<1x8x32xf32, #tpu.memory_space<vmem>>
      %dma_wait3A_829 = tpu.memref_squeeze %dma_wait3A_828 : memref<1x8x32xf32, #tpu.memory_space<vmem>> -> memref<8x32xf32, #tpu.memory_space<vmem>>
      %dma_wait3A_830 = arith.constant 0 : i32
      %dma_wait3A_831 = arith.constant 0 : i32
      %dma_wait3A_832 = tpu.memref_slice %arg3[%dma_wait3A_816, %dma_wait3A_830, %dma_wait3A_831] : memref<125000x8x32xf32, #tpu.memory_space<hbm>> -> memref<1x8x32xf32, #tpu.memory_space<hbm>>
      %dma_wait3A_833 = tpu.memref_squeeze %dma_wait3A_832 : memref<1x8x32xf32, #tpu.memory_space<hbm>> -> memref<8x32xf32, #tpu.memory_space<hbm>>
      tpu.wait_dma2 semaphore(%arg9 : memref<!tpu.dma_semaphore, #tpu.memory_space<semaphore_mem>>) src(%dma_wait3A_833 : memref<8x32xf32, #tpu.memory_space<hbm>>) dst(%dma_wait3A_829 : memref<8x32xf32, #tpu.memory_space<vmem>>)
      %dma_wait3A_834 = arith.constant 0 : i32
      %dma_wait3A_835 = arith.constant 0 : i32
      %dma_wait3A_836 = arith.constant 0 : i32
      %dma_wait3A_837 = arith.constant 0 : i32
      %dma_wait3A_838 = tpu.memref_slice %arg6[%dma_wait3A_835, %dma_wait3A_836, %dma_wait3A_837] : memref<16x8x32xf32, #tpu.memory_space<vmem>> -> memref<1x8x32xf32, #tpu.memory_space<vmem>>
      %dma_wait3A_839 = tpu.memref_squeeze %dma_wait3A_838 : memref<1x8x32xf32, #tpu.memory_space<vmem>> -> memref<8x32xf32, #tpu.memory_space<vmem>>
      %dma_wait3A_840 = arith.constant 0 : i32
      %dma_wait3A_841 = arith.constant 0 : i32
      %dma_wait3A_842 = tpu.memref_slice %arg3[%dma_wait3A_834, %dma_wait3A_840, %dma_wait3A_841] : memref<125000x8x32xf32, #tpu.memory_space<hbm>> -> memref<1x8x32xf32, #tpu.memory_space<hbm>>
      %dma_wait3A_843 = tpu.memref_squeeze %dma_wait3A_842 : memref<1x8x32xf32, #tpu.memory_space<hbm>> -> memref<8x32xf32, #tpu.memory_space<hbm>>
      %dma_wait3A_844 = arith.constant 0 : i32
      %dma_wait3A_845 = arith.constant 0 : i32
      %dma_wait3A_846 = tpu.memref_slice %arg6[%dma_wait3A_835, %dma_wait3A_844, %dma_wait3A_845] : memref<16x8x32xf32, #tpu.memory_space<vmem>> -> memref<1x8x32xf32, #tpu.memory_space<vmem>>
      %dma_wait3A_847 = tpu.memref_squeeze %dma_wait3A_846 : memref<1x8x32xf32, #tpu.memory_space<vmem>> -> memref<8x32xf32, #tpu.memory_space<vmem>>
      %dma_wait3A_848 = arith.constant 0 : i32
      %dma_wait3A_849 = arith.constant 0 : i32
      %dma_wait3A_850 = tpu.memref_slice %arg3[%dma_wait3A_834, %dma_wait3A_848, %dma_wait3A_849] : memref<125000x8x32xf32, #tpu.memory_space<hbm>> -> memref<1x8x32xf32, #tpu.memory_space<hbm>>
      %dma_wait3A_851 = tpu.memref_squeeze %dma_wait3A_850 : memref<1x8x32xf32, #tpu.memory_space<hbm>> -> memref<8x32xf32, #tpu.memory_space<hbm>>
      tpu.wait_dma2 semaphore(%arg9 : memref<!tpu.dma_semaphore, #tpu.memory_space<semaphore_mem>>) src(%dma_wait3A_851 : memref<8x32xf32, #tpu.memory_space<hbm>>) dst(%dma_wait3A_847 : memref<8x32xf32, #tpu.memory_space<vmem>>)
      %dma_wait3A_852 = arith.constant 0 : i32
      %dma_wait3A_853 = arith.constant 0 : i32
      %dma_wait3A_854 = arith.constant 0 : i32
      %dma_wait3A_855 = arith.constant 0 : i32
      %dma_wait3A_856 = tpu.memref_slice %arg6[%dma_wait3A_853, %dma_wait3A_854, %dma_wait3A_855] : memref<16x8x32xf32, #tpu.memory_space<vmem>> -> memref<1x8x32xf32, #tpu.memory_space<vmem>>
      %dma_wait3A_857 = tpu.memref_squeeze %dma_wait3A_856 : memref<1x8x32xf32, #tpu.memory_space<vmem>> -> memref<8x32xf32, #tpu.memory_space<vmem>>
      %dma_wait3A_858 = arith.constant 0 : i32
      %dma_wait3A_859 = arith.constant 0 : i32
      %dma_wait3A_860 = tpu.memref_slice %arg3[%dma_wait3A_852, %dma_wait3A_858, %dma_wait3A_859] : memref<125000x8x32xf32, #tpu.memory_space<hbm>> -> memref<1x8x32xf32, #tpu.memory_space<hbm>>
      %dma_wait3A_861 = tpu.memref_squeeze %dma_wait3A_860 : memref<1x8x32xf32, #tpu.memory_space<hbm>> -> memref<8x32xf32, #tpu.memory_space<hbm>>
      %dma_wait3A_862 = arith.constant 0 : i32
      %dma_wait3A_863 = arith.constant 0 : i32
      %dma_wait3A_864 = tpu.memref_slice %arg6[%dma_wait3A_853, %dma_wait3A_862, %dma_wait3A_863] : memref<16x8x32xf32, #tpu.memory_space<vmem>> -> memref<1x8x32xf32, #tpu.memory_space<vmem>>
      %dma_wait3A_865 = tpu.memref_squeeze %dma_wait3A_864 : memref<1x8x32xf32, #tpu.memory_space<vmem>> -> memref<8x32xf32, #tpu.memory_space<vmem>>
      %dma_wait3A_866 = arith.constant 0 : i32
      %dma_wait3A_867 = arith.constant 0 : i32
      %dma_wait3A_868 = tpu.memref_slice %arg3[%dma_wait3A_852, %dma_wait3A_866, %dma_wait3A_867] : memref<125000x8x32xf32, #tpu.memory_space<hbm>> -> memref<1x8x32xf32, #tpu.memory_space<hbm>>
      %dma_wait3A_869 = tpu.memref_squeeze %dma_wait3A_868 : memref<1x8x32xf32, #tpu.memory_space<hbm>> -> memref<8x32xf32, #tpu.memory_space<hbm>>
      tpu.wait_dma2 semaphore(%arg9 : memref<!tpu.dma_semaphore, #tpu.memory_space<semaphore_mem>>) src(%dma_wait3A_869 : memref<8x32xf32, #tpu.memory_space<hbm>>) dst(%dma_wait3A_865 : memref<8x32xf32, #tpu.memory_space<vmem>>)
      %dma_wait3A_870 = arith.constant 0 : i32
      %dma_wait3A_871 = arith.constant 0 : i32
      %dma_wait3A_872 = arith.constant 0 : i32
      %dma_wait3A_873 = arith.constant 0 : i32
      %dma_wait3A_874 = tpu.memref_slice %arg6[%dma_wait3A_871, %dma_wait3A_872, %dma_wait3A_873] : memref<16x8x32xf32, #tpu.memory_space<vmem>> -> memref<1x8x32xf32, #tpu.memory_space<vmem>>
      %dma_wait3A_875 = tpu.memref_squeeze %dma_wait3A_874 : memref<1x8x32xf32, #tpu.memory_space<vmem>> -> memref<8x32xf32, #tpu.memory_space<vmem>>
      %dma_wait3A_876 = arith.constant 0 : i32
      %dma_wait3A_877 = arith.constant 0 : i32
      %dma_wait3A_878 = tpu.memref_slice %arg3[%dma_wait3A_870, %dma_wait3A_876, %dma_wait3A_877] : memref<125000x8x32xf32, #tpu.memory_space<hbm>> -> memref<1x8x32xf32, #tpu.memory_space<hbm>>
      %dma_wait3A_879 = tpu.memref_squeeze %dma_wait3A_878 : memref<1x8x32xf32, #tpu.memory_space<hbm>> -> memref<8x32xf32, #tpu.memory_space<hbm>>
      %dma_wait3A_880 = arith.constant 0 : i32
      %dma_wait3A_881 = arith.constant 0 : i32
      %dma_wait3A_882 = tpu.memref_slice %arg6[%dma_wait3A_871, %dma_wait3A_880, %dma_wait3A_881] : memref<16x8x32xf32, #tpu.memory_space<vmem>> -> memref<1x8x32xf32, #tpu.memory_space<vmem>>
      %dma_wait3A_883 = tpu.memref_squeeze %dma_wait3A_882 : memref<1x8x32xf32, #tpu.memory_space<vmem>> -> memref<8x32xf32, #tpu.memory_space<vmem>>
      %dma_wait3A_884 = arith.constant 0 : i32
      %dma_wait3A_885 = arith.constant 0 : i32
      %dma_wait3A_886 = tpu.memref_slice %arg3[%dma_wait3A_870, %dma_wait3A_884, %dma_wait3A_885] : memref<125000x8x32xf32, #tpu.memory_space<hbm>> -> memref<1x8x32xf32, #tpu.memory_space<hbm>>
      %dma_wait3A_887 = tpu.memref_squeeze %dma_wait3A_886 : memref<1x8x32xf32, #tpu.memory_space<hbm>> -> memref<8x32xf32, #tpu.memory_space<hbm>>
      tpu.wait_dma2 semaphore(%arg9 : memref<!tpu.dma_semaphore, #tpu.memory_space<semaphore_mem>>) src(%dma_wait3A_887 : memref<8x32xf32, #tpu.memory_space<hbm>>) dst(%dma_wait3A_883 : memref<8x32xf32, #tpu.memory_space<vmem>>)
      %dma_wait3A_888 = arith.constant 0 : i32
      %dma_wait3A_889 = arith.constant 0 : i32
      %dma_wait3A_890 = arith.constant 0 : i32
      %dma_wait3A_891 = arith.constant 0 : i32
      %dma_wait3A_892 = tpu.memref_slice %arg6[%dma_wait3A_889, %dma_wait3A_890, %dma_wait3A_891] : memref<16x8x32xf32, #tpu.memory_space<vmem>> -> memref<1x8x32xf32, #tpu.memory_space<vmem>>
      %dma_wait3A_893 = tpu.memref_squeeze %dma_wait3A_892 : memref<1x8x32xf32, #tpu.memory_space<vmem>> -> memref<8x32xf32, #tpu.memory_space<vmem>>
      %dma_wait3A_894 = arith.constant 0 : i32
      %dma_wait3A_895 = arith.constant 0 : i32
      %dma_wait3A_896 = tpu.memref_slice %arg3[%dma_wait3A_888, %dma_wait3A_894, %dma_wait3A_895] : memref<125000x8x32xf32, #tpu.memory_space<hbm>> -> memref<1x8x32xf32, #tpu.memory_space<hbm>>
      %dma_wait3A_897 = tpu.memref_squeeze %dma_wait3A_896 : memref<1x8x32xf32, #tpu.memory_space<hbm>> -> memref<8x32xf32, #tpu.memory_space<hbm>>
      %dma_wait3A_898 = arith.constant 0 : i32
      %dma_wait3A_899 = arith.constant 0 : i32
      %dma_wait3A_900 = tpu.memref_slice %arg6[%dma_wait3A_889, %dma_wait3A_898, %dma_wait3A_899] : memref<16x8x32xf32, #tpu.memory_space<vmem>> -> memref<1x8x32xf32, #tpu.memory_space<vmem>>
      %dma_wait3A_901 = tpu.memref_squeeze %dma_wait3A_900 : memref<1x8x32xf32, #tpu.memory_space<vmem>> -> memref<8x32xf32, #tpu.memory_space<vmem>>
      %dma_wait3A_902 = arith.constant 0 : i32
      %dma_wait3A_903 = arith.constant 0 : i32
      %dma_wait3A_904 = tpu.memref_slice %arg3[%dma_wait3A_888, %dma_wait3A_902, %dma_wait3A_903] : memref<125000x8x32xf32, #tpu.memory_space<hbm>> -> memref<1x8x32xf32, #tpu.memory_space<hbm>>
      %dma_wait3A_905 = tpu.memref_squeeze %dma_wait3A_904 : memref<1x8x32xf32, #tpu.memory_space<hbm>> -> memref<8x32xf32, #tpu.memory_space<hbm>>
      tpu.wait_dma2 semaphore(%arg9 : memref<!tpu.dma_semaphore, #tpu.memory_space<semaphore_mem>>) src(%dma_wait3A_905 : memref<8x32xf32, #tpu.memory_space<hbm>>) dst(%dma_wait3A_901 : memref<8x32xf32, #tpu.memory_space<vmem>>)
      %dma_wait3A_906 = arith.constant 0 : i32
      %dma_wait3A_907 = arith.constant 0 : i32
      %dma_wait3A_908 = arith.constant 0 : i32
      %dma_wait3A_909 = arith.constant 0 : i32
      %dma_wait3A_910 = tpu.memref_slice %arg6[%dma_wait3A_907, %dma_wait3A_908, %dma_wait3A_909] : memref<16x8x32xf32, #tpu.memory_space<vmem>> -> memref<1x8x32xf32, #tpu.memory_space<vmem>>
      %dma_wait3A_911 = tpu.memref_squeeze %dma_wait3A_910 : memref<1x8x32xf32, #tpu.memory_space<vmem>> -> memref<8x32xf32, #tpu.memory_space<vmem>>
      %dma_wait3A_912 = arith.constant 0 : i32
      %dma_wait3A_913 = arith.constant 0 : i32
      %dma_wait3A_914 = tpu.memref_slice %arg3[%dma_wait3A_906, %dma_wait3A_912, %dma_wait3A_913] : memref<125000x8x32xf32, #tpu.memory_space<hbm>> -> memref<1x8x32xf32, #tpu.memory_space<hbm>>
      %dma_wait3A_915 = tpu.memref_squeeze %dma_wait3A_914 : memref<1x8x32xf32, #tpu.memory_space<hbm>> -> memref<8x32xf32, #tpu.memory_space<hbm>>
      %dma_wait3A_916 = arith.constant 0 : i32
      %dma_wait3A_917 = arith.constant 0 : i32
      %dma_wait3A_918 = tpu.memref_slice %arg6[%dma_wait3A_907, %dma_wait3A_916, %dma_wait3A_917] : memref<16x8x32xf32, #tpu.memory_space<vmem>> -> memref<1x8x32xf32, #tpu.memory_space<vmem>>
      %dma_wait3A_919 = tpu.memref_squeeze %dma_wait3A_918 : memref<1x8x32xf32, #tpu.memory_space<vmem>> -> memref<8x32xf32, #tpu.memory_space<vmem>>
      %dma_wait3A_920 = arith.constant 0 : i32
      %dma_wait3A_921 = arith.constant 0 : i32
      %dma_wait3A_922 = tpu.memref_slice %arg3[%dma_wait3A_906, %dma_wait3A_920, %dma_wait3A_921] : memref<125000x8x32xf32, #tpu.memory_space<hbm>> -> memref<1x8x32xf32, #tpu.memory_space<hbm>>
      %dma_wait3A_923 = tpu.memref_squeeze %dma_wait3A_922 : memref<1x8x32xf32, #tpu.memory_space<hbm>> -> memref<8x32xf32, #tpu.memory_space<hbm>>
      tpu.wait_dma2 semaphore(%arg9 : memref<!tpu.dma_semaphore, #tpu.memory_space<semaphore_mem>>) src(%dma_wait3A_923 : memref<8x32xf32, #tpu.memory_space<hbm>>) dst(%dma_wait3A_919 : memref<8x32xf32, #tpu.memory_space<vmem>>)
      %dma_wait3A_924 = arith.constant 0 : i32
      %dma_wait3A_925 = arith.constant 0 : i32
      %dma_wait3A_926 = arith.constant 0 : i32
      %dma_wait3A_927 = arith.constant 0 : i32
      %dma_wait3A_928 = tpu.memref_slice %arg6[%dma_wait3A_925, %dma_wait3A_926, %dma_wait3A_927] : memref<16x8x32xf32, #tpu.memory_space<vmem>> -> memref<1x8x32xf32, #tpu.memory_space<vmem>>
      %dma_wait3A_929 = tpu.memref_squeeze %dma_wait3A_928 : memref<1x8x32xf32, #tpu.memory_space<vmem>> -> memref<8x32xf32, #tpu.memory_space<vmem>>
      %dma_wait3A_930 = arith.constant 0 : i32
      %dma_wait3A_931 = arith.constant 0 : i32
      %dma_wait3A_932 = tpu.memref_slice %arg3[%dma_wait3A_924, %dma_wait3A_930, %dma_wait3A_931] : memref<125000x8x32xf32, #tpu.memory_space<hbm>> -> memref<1x8x32xf32, #tpu.memory_space<hbm>>
      %dma_wait3A_933 = tpu.memref_squeeze %dma_wait3A_932 : memref<1x8x32xf32, #tpu.memory_space<hbm>> -> memref<8x32xf32, #tpu.memory_space<hbm>>
      %dma_wait3A_934 = arith.constant 0 : i32
      %dma_wait3A_935 = arith.constant 0 : i32
      %dma_wait3A_936 = tpu.memref_slice %arg6[%dma_wait3A_925, %dma_wait3A_934, %dma_wait3A_935] : memref<16x8x32xf32, #tpu.memory_space<vmem>> -> memref<1x8x32xf32, #tpu.memory_space<vmem>>
      %dma_wait3A_937 = tpu.memref_squeeze %dma_wait3A_936 : memref<1x8x32xf32, #tpu.memory_space<vmem>> -> memref<8x32xf32, #tpu.memory_space<vmem>>
      %dma_wait3A_938 = arith.constant 0 : i32
      %dma_wait3A_939 = arith.constant 0 : i32
      %dma_wait3A_940 = tpu.memref_slice %arg3[%dma_wait3A_924, %dma_wait3A_938, %dma_wait3A_939] : memref<125000x8x32xf32, #tpu.memory_space<hbm>> -> memref<1x8x32xf32, #tpu.memory_space<hbm>>
      %dma_wait3A_941 = tpu.memref_squeeze %dma_wait3A_940 : memref<1x8x32xf32, #tpu.memory_space<hbm>> -> memref<8x32xf32, #tpu.memory_space<hbm>>
      tpu.wait_dma2 semaphore(%arg9 : memref<!tpu.dma_semaphore, #tpu.memory_space<semaphore_mem>>) src(%dma_wait3A_941 : memref<8x32xf32, #tpu.memory_space<hbm>>) dst(%dma_wait3A_937 : memref<8x32xf32, #tpu.memory_space<vmem>>)
      %dma_wait3A_942 = arith.constant 0 : i32
      %dma_wait3A_943 = arith.constant 0 : i32
      %dma_wait3A_944 = arith.constant 0 : i32
      %dma_wait3A_945 = arith.constant 0 : i32
      %dma_wait3A_946 = tpu.memref_slice %arg6[%dma_wait3A_943, %dma_wait3A_944, %dma_wait3A_945] : memref<16x8x32xf32, #tpu.memory_space<vmem>> -> memref<1x8x32xf32, #tpu.memory_space<vmem>>
      %dma_wait3A_947 = tpu.memref_squeeze %dma_wait3A_946 : memref<1x8x32xf32, #tpu.memory_space<vmem>> -> memref<8x32xf32, #tpu.memory_space<vmem>>
      %dma_wait3A_948 = arith.constant 0 : i32
      %dma_wait3A_949 = arith.constant 0 : i32
      %dma_wait3A_950 = tpu.memref_slice %arg3[%dma_wait3A_942, %dma_wait3A_948, %dma_wait3A_949] : memref<125000x8x32xf32, #tpu.memory_space<hbm>> -> memref<1x8x32xf32, #tpu.memory_space<hbm>>
      %dma_wait3A_951 = tpu.memref_squeeze %dma_wait3A_950 : memref<1x8x32xf32, #tpu.memory_space<hbm>> -> memref<8x32xf32, #tpu.memory_space<hbm>>
      %dma_wait3A_952 = arith.constant 0 : i32
      %dma_wait3A_953 = arith.constant 0 : i32
      %dma_wait3A_954 = tpu.memref_slice %arg6[%dma_wait3A_943, %dma_wait3A_952, %dma_wait3A_953] : memref<16x8x32xf32, #tpu.memory_space<vmem>> -> memref<1x8x32xf32, #tpu.memory_space<vmem>>
      %dma_wait3A_955 = tpu.memref_squeeze %dma_wait3A_954 : memref<1x8x32xf32, #tpu.memory_space<vmem>> -> memref<8x32xf32, #tpu.memory_space<vmem>>
      %dma_wait3A_956 = arith.constant 0 : i32
      %dma_wait3A_957 = arith.constant 0 : i32
      %dma_wait3A_958 = tpu.memref_slice %arg3[%dma_wait3A_942, %dma_wait3A_956, %dma_wait3A_957] : memref<125000x8x32xf32, #tpu.memory_space<hbm>> -> memref<1x8x32xf32, #tpu.memory_space<hbm>>
      %dma_wait3A_959 = tpu.memref_squeeze %dma_wait3A_958 : memref<1x8x32xf32, #tpu.memory_space<hbm>> -> memref<8x32xf32, #tpu.memory_space<hbm>>
      tpu.wait_dma2 semaphore(%arg9 : memref<!tpu.dma_semaphore, #tpu.memory_space<semaphore_mem>>) src(%dma_wait3A_959 : memref<8x32xf32, #tpu.memory_space<hbm>>) dst(%dma_wait3A_955 : memref<8x32xf32, #tpu.memory_space<vmem>>)
      %dma_wait3A_960 = arith.constant 0 : i32
      %dma_wait3A_961 = arith.constant 0 : i32
      %dma_wait3A_962 = arith.constant 0 : i32
      %dma_wait3A_963 = arith.constant 0 : i32
      %dma_wait3A_964 = tpu.memref_slice %arg6[%dma_wait3A_961, %dma_wait3A_962, %dma_wait3A_963] : memref<16x8x32xf32, #tpu.memory_space<vmem>> -> memref<1x8x32xf32, #tpu.memory_space<vmem>>
      %dma_wait3A_965 = tpu.memref_squeeze %dma_wait3A_964 : memref<1x8x32xf32, #tpu.memory_space<vmem>> -> memref<8x32xf32, #tpu.memory_space<vmem>>
      %dma_wait3A_966 = arith.constant 0 : i32
      %dma_wait3A_967 = arith.constant 0 : i32
      %dma_wait3A_968 = tpu.memref_slice %arg3[%dma_wait3A_960, %dma_wait3A_966, %dma_wait3A_967] : memref<125000x8x32xf32, #tpu.memory_space<hbm>> -> memref<1x8x32xf32, #tpu.memory_space<hbm>>
      %dma_wait3A_969 = tpu.memref_squeeze %dma_wait3A_968 : memref<1x8x32xf32, #tpu.memory_space<hbm>> -> memref<8x32xf32, #tpu.memory_space<hbm>>
      %dma_wait3A_970 = arith.constant 0 : i32
      %dma_wait3A_971 = arith.constant 0 : i32
      %dma_wait3A_972 = tpu.memref_slice %arg6[%dma_wait3A_961, %dma_wait3A_970, %dma_wait3A_971] : memref<16x8x32xf32, #tpu.memory_space<vmem>> -> memref<1x8x32xf32, #tpu.memory_space<vmem>>
      %dma_wait3A_973 = tpu.memref_squeeze %dma_wait3A_972 : memref<1x8x32xf32, #tpu.memory_space<vmem>> -> memref<8x32xf32, #tpu.memory_space<vmem>>
      %dma_wait3A_974 = arith.constant 0 : i32
      %dma_wait3A_975 = arith.constant 0 : i32
      %dma_wait3A_976 = tpu.memref_slice %arg3[%dma_wait3A_960, %dma_wait3A_974, %dma_wait3A_975] : memref<125000x8x32xf32, #tpu.memory_space<hbm>> -> memref<1x8x32xf32, #tpu.memory_space<hbm>>
      %dma_wait3A_977 = tpu.memref_squeeze %dma_wait3A_976 : memref<1x8x32xf32, #tpu.memory_space<hbm>> -> memref<8x32xf32, #tpu.memory_space<hbm>>
      tpu.wait_dma2 semaphore(%arg9 : memref<!tpu.dma_semaphore, #tpu.memory_space<semaphore_mem>>) src(%dma_wait3A_977 : memref<8x32xf32, #tpu.memory_space<hbm>>) dst(%dma_wait3A_973 : memref<8x32xf32, #tpu.memory_space<vmem>>)
      %slice3A_978 = vector.extract_strided_slice %get3A_351 {offsets = [0], sizes = [1], strides = [1]} : vector<16xi32> to vector<1xi32>
      %squeeze3A_979 = vector.extract %slice3A_978[0] : i32 from vector<1xi32>
      %and3A = arith.constant 7 : i32
      %and3A_980 = arith.andi %squeeze3A_979, %and3A : i32
      %get3A_981 = arith.constant 0 : i32
      %get3A_982 = arith.index_cast %get3A_981 : i32 to index
      %get3A_983 = arith.index_cast %and3A_980 : i32 to index
      %get3A_984 = arith.constant 0 : index
      %get3A_985 = tpu.vector_load %arg6[%get3A_982, %get3A_983, %get3A_984] {strides = array<i32>} : memref<16x8x32xf32, #tpu.memory_space<vmem>>, vector<1x1x16xf32>,
      %get3A_986 = vector.shape_cast %get3A_985 : vector<1x1x16xf32> to vector<16xf32>
      %add3A_987 = arith.constant 0 : i32
      %add3A_988 = arith.addi %mul3A_346, %add3A_987 : i32
      %swap3A = arith.index_cast %add3A_988 : i32 to index
      %swap3A_989 = arith.constant 0 : index
      %swap3A_990 = tpu.vector_load %arg8[%swap3A, %swap3A_989] {strides = array<i32>} : memref<512x32xf32, #tpu.memory_space<vmem>>, vector<1x16xf32>,
      %swap3A_991 = vector.shape_cast %swap3A_990 : vector<1x16xf32> to vector<16xf32>
      %swap3A_992 = vector.shape_cast %get3A_986 : vector<16xf32> to vector<1x16xf32>
      tpu.vector_store %arg8[%swap3A, %swap3A_989], %swap3A_992 {strides = array<i32>} : memref<512x32xf32, #tpu.memory_space<vmem>>, vector<1x16xf32>,
      %get3A_993 = arith.constant 0 : i32
      %get3A_994 = arith.index_cast %get3A_993 : i32 to index
      %get3A_995 = arith.index_cast %and3A_980 : i32 to index
      %get3A_996 = arith.constant 16 : index
      %get3A_997 = tpu.vector_load %arg6[%get3A_994, %get3A_995, %get3A_996] {strides = array<i32>} : memref<16x8x32xf32, #tpu.memory_space<vmem>>, vector<1x1x16xf32>,
      %get3A_998 = vector.shape_cast %get3A_997 : vector<1x1x16xf32> to vector<16xf32>
      %add3A_999 = arith.constant 0 : i32
      %add3A_1000 = arith.addi %mul3A_346, %add3A_999 : i32
      %swap3A_1001 = arith.index_cast %add3A_1000 : i32 to index
      %swap3A_1002 = arith.constant 16 : index
      %swap3A_1003 = tpu.vector_load %arg8[%swap3A_1001, %swap3A_1002] {strides = array<i32>} : memref<512x32xf32, #tpu.memory_space<vmem>>, vector<1x16xf32>,
      %swap3A_1004 = vector.shape_cast %swap3A_1003 : vector<1x16xf32> to vector<16xf32>
      %swap3A_1005 = vector.shape_cast %get3A_998 : vector<16xf32> to vector<1x16xf32>
      tpu.vector_store %arg8[%swap3A_1001, %swap3A_1002], %swap3A_1005 {strides = array<i32>} : memref<512x32xf32, #tpu.memory_space<vmem>>, vector<1x16xf32>,
      %slice3A_1006 = vector.extract_strided_slice %get3A_351 {offsets = [1], sizes = [1], strides = [1]} : vector<16xi32> to vector<1xi32>
      %squeeze3A_1007 = vector.extract %slice3A_1006[0] : i32 from vector<1xi32>
      %and3A_1008 = arith.constant 7 : i32
      %and3A_1009 = arith.andi %squeeze3A_1007, %and3A_1008 : i32
      %get3A_1010 = arith.constant 1 : i32
      %get3A_1011 = arith.index_cast %get3A_1010 : i32 to index
      %get3A_1012 = arith.index_cast %and3A_1009 : i32 to index
      %get3A_1013 = arith.constant 0 : index
      %get3A_1014 = tpu.vector_load %arg6[%get3A_1011, %get3A_1012, %get3A_1013] {strides = array<i32>} : memref<16x8x32xf32, #tpu.memory_space<vmem>>, vector<1x1x16xf32>,
      %get3A_1015 = vector.shape_cast %get3A_1014 : vector<1x1x16xf32> to vector<16xf32>
      %add3A_1016 = arith.constant 1 : i32
      %add3A_1017 = arith.addi %mul3A_346, %add3A_1016 : i32
      %swap3A_1018 = arith.index_cast %add3A_1017 : i32 to index
      %swap3A_1019 = arith.constant 0 : index
      %swap3A_1020 = tpu.vector_load %arg8[%swap3A_1018, %swap3A_1019] {strides = array<i32>} : memref<512x32xf32, #tpu.memory_space<vmem>>, vector<1x16xf32>,
      %swap3A_1021 = vector.shape_cast %swap3A_1020 : vector<1x16xf32> to vector<16xf32>
      %swap3A_1022 = vector.shape_cast %get3A_1015 : vector<16xf32> to vector<1x16xf32>
      tpu.vector_store %arg8[%swap3A_1018, %swap3A_1019], %swap3A_1022 {strides = array<i32>} : memref<512x32xf32, #tpu.memory_space<vmem>>, vector<1x16xf32>,
      %get3A_1023 = arith.constant 1 : i32
      %get3A_1024 = arith.index_cast %get3A_1023 : i32 to index
      %get3A_1025 = arith.index_cast %and3A_1009 : i32 to index
      %get3A_1026 = arith.constant 16 : index
      %get3A_1027 = tpu.vector_load %arg6[%get3A_1024, %get3A_1025, %get3A_1026] {strides = array<i32>} : memref<16x8x32xf32, #tpu.memory_space<vmem>>, vector<1x1x16xf32>,
      %get3A_1028 = vector.shape_cast %get3A_1027 : vector<1x1x16xf32> to vector<16xf32>
      %add3A_1029 = arith.constant 1 : i32
      %add3A_1030 = arith.addi %mul3A_346, %add3A_1029 : i32
      %swap3A_1031 = arith.index_cast %add3A_1030 : i32 to index
      %swap3A_1032 = arith.constant 16 : index
      %swap3A_1033 = tpu.vector_load %arg8[%swap3A_1031, %swap3A_1032] {strides = array<i32>} : memref<512x32xf32, #tpu.memory_space<vmem>>, vector<1x16xf32>,
      %swap3A_1034 = vector.shape_cast %swap3A_1033 : vector<1x16xf32> to vector<16xf32>
      %swap3A_1035 = vector.shape_cast %get3A_1028 : vector<16xf32> to vector<1x16xf32>
      tpu.vector_store %arg8[%swap3A_1031, %swap3A_1032], %swap3A_1035 {strides = array<i32>} : memref<512x32xf32, #tpu.memory_space<vmem>>, vector<1x16xf32>,
      %slice3A_1036 = vector.extract_strided_slice %get3A_351 {offsets = [2], sizes = [1], strides = [1]} : vector<16xi32> to vector<1xi32>
      %squeeze3A_1037 = vector.extract %slice3A_1036[0] : i32 from vector<1xi32>
      %and3A_1038 = arith.constant 7 : i32
      %and3A_1039 = arith.andi %squeeze3A_1037, %and3A_1038 : i32
      %get3A_1040 = arith.constant 2 : i32
      %get3A_1041 = arith.index_cast %get3A_1040 : i32 to index
      %get3A_1042 = arith.index_cast %and3A_1039 : i32 to index
      %get3A_1043 = arith.constant 0 : index
      %get3A_1044 = tpu.vector_load %arg6[%get3A_1041, %get3A_1042, %get3A_1043] {strides = array<i32>} : memref<16x8x32xf32, #tpu.memory_space<vmem>>, vector<1x1x16xf32>,
      %get3A_1045 = vector.shape_cast %get3A_1044 : vector<1x1x16xf32> to vector<16xf32>
      %add3A_1046 = arith.constant 2 : i32
      %add3A_1047 = arith.addi %mul3A_346, %add3A_1046 : i32
      %swap3A_1048 = arith.index_cast %add3A_1047 : i32 to index
      %swap3A_1049 = arith.constant 0 : index
      %swap3A_1050 = tpu.vector_load %arg8[%swap3A_1048, %swap3A_1049] {strides = array<i32>} : memref<512x32xf32, #tpu.memory_space<vmem>>, vector<1x16xf32>,
      %swap3A_1051 = vector.shape_cast %swap3A_1050 : vector<1x16xf32> to vector<16xf32>
      %swap3A_1052 = vector.shape_cast %get3A_1045 : vector<16xf32> to vector<1x16xf32>
      tpu.vector_store %arg8[%swap3A_1048, %swap3A_1049], %swap3A_1052 {strides = array<i32>} : memref<512x32xf32, #tpu.memory_space<vmem>>, vector<1x16xf32>,
      %get3A_1053 = arith.constant 2 : i32
      %get3A_1054 = arith.index_cast %get3A_1053 : i32 to index
      %get3A_1055 = arith.index_cast %and3A_1039 : i32 to index
      %get3A_1056 = arith.constant 16 : index
      %get3A_1057 = tpu.vector_load %arg6[%get3A_1054, %get3A_1055, %get3A_1056] {strides = array<i32>} : memref<16x8x32xf32, #tpu.memory_space<vmem>>, vector<1x1x16xf32>,
      %get3A_1058 = vector.shape_cast %get3A_1057 : vector<1x1x16xf32> to vector<16xf32>
      %add3A_1059 = arith.constant 2 : i32
      %add3A_1060 = arith.addi %mul3A_346, %add3A_1059 : i32
      %swap3A_1061 = arith.index_cast %add3A_1060 : i32 to index
      %swap3A_1062 = arith.constant 16 : index
      %swap3A_1063 = tpu.vector_load %arg8[%swap3A_1061, %swap3A_1062] {strides = array<i32>} : memref<512x32xf32, #tpu.memory_space<vmem>>, vector<1x16xf32>,
      %swap3A_1064 = vector.shape_cast %swap3A_1063 : vector<1x16xf32> to vector<16xf32>
      %swap3A_1065 = vector.shape_cast %get3A_1058 : vector<16xf32> to vector<1x16xf32>
      tpu.vector_store %arg8[%swap3A_1061, %swap3A_1062], %swap3A_1065 {strides = array<i32>} : memref<512x32xf32, #tpu.memory_space<vmem>>, vector<1x16xf32>,
      %slice3A_1066 = vector.extract_strided_slice %get3A_351 {offsets = [3], sizes = [1], strides = [1]} : vector<16xi32> to vector<1xi32>
      %squeeze3A_1067 = vector.extract %slice3A_1066[0] : i32 from vector<1xi32>
      %and3A_1068 = arith.constant 7 : i32
      %and3A_1069 = arith.andi %squeeze3A_1067, %and3A_1068 : i32
      %get3A_1070 = arith.constant 3 : i32
      %get3A_1071 = arith.index_cast %get3A_1070 : i32 to index
      %get3A_1072 = arith.index_cast %and3A_1069 : i32 to index
      %get3A_1073 = arith.constant 0 : index
      %get3A_1074 = tpu.vector_load %arg6[%get3A_1071, %get3A_1072, %get3A_1073] {strides = array<i32>} : memref<16x8x32xf32, #tpu.memory_space<vmem>>, vector<1x1x16xf32>,
      %get3A_1075 = vector.shape_cast %get3A_1074 : vector<1x1x16xf32> to vector<16xf32>
      %add3A_1076 = arith.constant 3 : i32
      %add3A_1077 = arith.addi %mul3A_346, %add3A_1076 : i32
      %swap3A_1078 = arith.index_cast %add3A_1077 : i32 to index
      %swap3A_1079 = arith.constant 0 : index
      %swap3A_1080 = tpu.vector_load %arg8[%swap3A_1078, %swap3A_1079] {strides = array<i32>} : memref<512x32xf32, #tpu.memory_space<vmem>>, vector<1x16xf32>,
      %swap3A_1081 = vector.shape_cast %swap3A_1080 : vector<1x16xf32> to vector<16xf32>
      %swap3A_1082 = vector.shape_cast %get3A_1075 : vector<16xf32> to vector<1x16xf32>
      tpu.vector_store %arg8[%swap3A_1078, %swap3A_1079], %swap3A_1082 {strides = array<i32>} : memref<512x32xf32, #tpu.memory_space<vmem>>, vector<1x16xf32>,
      %get3A_1083 = arith.constant 3 : i32
      %get3A_1084 = arith.index_cast %get3A_1083 : i32 to index
      %get3A_1085 = arith.index_cast %and3A_1069 : i32 to index
      %get3A_1086 = arith.constant 16 : index
      %get3A_1087 = tpu.vector_load %arg6[%get3A_1084, %get3A_1085, %get3A_1086] {strides = array<i32>} : memref<16x8x32xf32, #tpu.memory_space<vmem>>, vector<1x1x16xf32>,
      %get3A_1088 = vector.shape_cast %get3A_1087 : vector<1x1x16xf32> to vector<16xf32>
      %add3A_1089 = arith.constant 3 : i32
      %add3A_1090 = arith.addi %mul3A_346, %add3A_1089 : i32
      %swap3A_1091 = arith.index_cast %add3A_1090 : i32 to index
      %swap3A_1092 = arith.constant 16 : index
      %swap3A_1093 = tpu.vector_load %arg8[%swap3A_1091, %swap3A_1092] {strides = array<i32>} : memref<512x32xf32, #tpu.memory_space<vmem>>, vector<1x16xf32>,
      %swap3A_1094 = vector.shape_cast %swap3A_1093 : vector<1x16xf32> to vector<16xf32>
      %swap3A_1095 = vector.shape_cast %get3A_1088 : vector<16xf32> to vector<1x16xf32>
      tpu.vector_store %arg8[%swap3A_1091, %swap3A_1092], %swap3A_1095 {strides = array<i32>} : memref<512x32xf32, #tpu.memory_space<vmem>>, vector<1x16xf32>,
      %slice3A_1096 = vector.extract_strided_slice %get3A_351 {offsets = [4], sizes = [1], strides = [1]} : vector<16xi32> to vector<1xi32>
      %squeeze3A_1097 = vector.extract %slice3A_1096[0] : i32 from vector<1xi32>
      %and3A_1098 = arith.constant 7 : i32
      %and3A_1099 = arith.andi %squeeze3A_1097, %and3A_1098 : i32
      %get3A_1100 = arith.constant 4 : i32
      %get3A_1101 = arith.index_cast %get3A_1100 : i32 to index
      %get3A_1102 = arith.index_cast %and3A_1099 : i32 to index
      %get3A_1103 = arith.constant 0 : index
      %get3A_1104 = tpu.vector_load %arg6[%get3A_1101, %get3A_1102, %get3A_1103] {strides = array<i32>} : memref<16x8x32xf32, #tpu.memory_space<vmem>>, vector<1x1x16xf32>,
      %get3A_1105 = vector.shape_cast %get3A_1104 : vector<1x1x16xf32> to vector<16xf32>
      %add3A_1106 = arith.constant 4 : i32
      %add3A_1107 = arith.addi %mul3A_346, %add3A_1106 : i32
      %swap3A_1108 = arith.index_cast %add3A_1107 : i32 to index
      %swap3A_1109 = arith.constant 0 : index
      %swap3A_1110 = tpu.vector_load %arg8[%swap3A_1108, %swap3A_1109] {strides = array<i32>} : memref<512x32xf32, #tpu.memory_space<vmem>>, vector<1x16xf32>,
      %swap3A_1111 = vector.shape_cast %swap3A_1110 : vector<1x16xf32> to vector<16xf32>
      %swap3A_1112 = vector.shape_cast %get3A_1105 : vector<16xf32> to vector<1x16xf32>
      tpu.vector_store %arg8[%swap3A_1108, %swap3A_1109], %swap3A_1112 {strides = array<i32>} : memref<512x32xf32, #tpu.memory_space<vmem>>, vector<1x16xf32>,
      %get3A_1113 = arith.constant 4 : i32
      %get3A_1114 = arith.index_cast %get3A_1113 : i32 to index
      %get3A_1115 = arith.index_cast %and3A_1099 : i32 to index
      %get3A_1116 = arith.constant 16 : index
      %get3A_1117 = tpu.vector_load %arg6[%get3A_1114, %get3A_1115, %get3A_1116] {strides = array<i32>} : memref<16x8x32xf32, #tpu.memory_space<vmem>>, vector<1x1x16xf32>,
      %get3A_1118 = vector.shape_cast %get3A_1117 : vector<1x1x16xf32> to vector<16xf32>
      %add3A_1119 = arith.constant 4 : i32
      %add3A_1120 = arith.addi %mul3A_346, %add3A_1119 : i32
      %swap3A_1121 = arith.index_cast %add3A_1120 : i32 to index
      %swap3A_1122 = arith.constant 16 : index
      %swap3A_1123 = tpu.vector_load %arg8[%swap3A_1121, %swap3A_1122] {strides = array<i32>} : memref<512x32xf32, #tpu.memory_space<vmem>>, vector<1x16xf32>,
      %swap3A_1124 = vector.shape_cast %swap3A_1123 : vector<1x16xf32> to vector<16xf32>
      %swap3A_1125 = vector.shape_cast %get3A_1118 : vector<16xf32> to vector<1x16xf32>
      tpu.vector_store %arg8[%swap3A_1121, %swap3A_1122], %swap3A_1125 {strides = array<i32>} : memref<512x32xf32, #tpu.memory_space<vmem>>, vector<1x16xf32>,
      %slice3A_1126 = vector.extract_strided_slice %get3A_351 {offsets = [5], sizes = [1], strides = [1]} : vector<16xi32> to vector<1xi32>
      %squeeze3A_1127 = vector.extract %slice3A_1126[0] : i32 from vector<1xi32>
      %and3A_1128 = arith.constant 7 : i32
      %and3A_1129 = arith.andi %squeeze3A_1127, %and3A_1128 : i32
      %get3A_1130 = arith.constant 5 : i32
      %get3A_1131 = arith.index_cast %get3A_1130 : i32 to index
      %get3A_1132 = arith.index_cast %and3A_1129 : i32 to index
      %get3A_1133 = arith.constant 0 : index
      %get3A_1134 = tpu.vector_load %arg6[%get3A_1131, %get3A_1132, %get3A_1133] {strides = array<i32>} : memref<16x8x32xf32, #tpu.memory_space<vmem>>, vector<1x1x16xf32>,
      %get3A_1135 = vector.shape_cast %get3A_1134 : vector<1x1x16xf32> to vector<16xf32>
      %add3A_1136 = arith.constant 5 : i32
      %add3A_1137 = arith.addi %mul3A_346, %add3A_1136 : i32
      %swap3A_1138 = arith.index_cast %add3A_1137 : i32 to index
      %swap3A_1139 = arith.constant 0 : index
      %swap3A_1140 = tpu.vector_load %arg8[%swap3A_1138, %swap3A_1139] {strides = array<i32>} : memref<512x32xf32, #tpu.memory_space<vmem>>, vector<1x16xf32>,
      %swap3A_1141 = vector.shape_cast %swap3A_1140 : vector<1x16xf32> to vector<16xf32>
      %swap3A_1142 = vector.shape_cast %get3A_1135 : vector<16xf32> to vector<1x16xf32>
      tpu.vector_store %arg8[%swap3A_1138, %swap3A_1139], %swap3A_1142 {strides = array<i32>} : memref<512x32xf32, #tpu.memory_space<vmem>>, vector<1x16xf32>,
      %get3A_1143 = arith.constant 5 : i32
      %get3A_1144 = arith.index_cast %get3A_1143 : i32 to index
      %get3A_1145 = arith.index_cast %and3A_1129 : i32 to index
      %get3A_1146 = arith.constant 16 : index
      %get3A_1147 = tpu.vector_load %arg6[%get3A_1144, %get3A_1145, %get3A_1146] {strides = array<i32>} : memref<16x8x32xf32, #tpu.memory_space<vmem>>, vector<1x1x16xf32>,
      %get3A_1148 = vector.shape_cast %get3A_1147 : vector<1x1x16xf32> to vector<16xf32>
      %add3A_1149 = arith.constant 5 : i32
      %add3A_1150 = arith.addi %mul3A_346, %add3A_1149 : i32
      %swap3A_1151 = arith.index_cast %add3A_1150 : i32 to index
      %swap3A_1152 = arith.constant 16 : index
      %swap3A_1153 = tpu.vector_load %arg8[%swap3A_1151, %swap3A_1152] {strides = array<i32>} : memref<512x32xf32, #tpu.memory_space<vmem>>, vector<1x16xf32>,
      %swap3A_1154 = vector.shape_cast %swap3A_1153 : vector<1x16xf32> to vector<16xf32>
      %swap3A_1155 = vector.shape_cast %get3A_1148 : vector<16xf32> to vector<1x16xf32>
      tpu.vector_store %arg8[%swap3A_1151, %swap3A_1152], %swap3A_1155 {strides = array<i32>} : memref<512x32xf32, #tpu.memory_space<vmem>>, vector<1x16xf32>,
      %slice3A_1156 = vector.extract_strided_slice %get3A_351 {offsets = [6], sizes = [1], strides = [1]} : vector<16xi32> to vector<1xi32>
      %squeeze3A_1157 = vector.extract %slice3A_1156[0] : i32 from vector<1xi32>
      %and3A_1158 = arith.constant 7 : i32
      %and3A_1159 = arith.andi %squeeze3A_1157, %and3A_1158 : i32
      %get3A_1160 = arith.constant 6 : i32
      %get3A_1161 = arith.index_cast %get3A_1160 : i32 to index
      %get3A_1162 = arith.index_cast %and3A_1159 : i32 to index
      %get3A_1163 = arith.constant 0 : index
      %get3A_1164 = tpu.vector_load %arg6[%get3A_1161, %get3A_1162, %get3A_1163] {strides = array<i32>} : memref<16x8x32xf32, #tpu.memory_space<vmem>>, vector<1x1x16xf32>,
      %get3A_1165 = vector.shape_cast %get3A_1164 : vector<1x1x16xf32> to vector<16xf32>
      %add3A_1166 = arith.constant 6 : i32
      %add3A_1167 = arith.addi %mul3A_346, %add3A_1166 : i32
      %swap3A_1168 = arith.index_cast %add3A_1167 : i32 to index
      %swap3A_1169 = arith.constant 0 : index
      %swap3A_1170 = tpu.vector_load %arg8[%swap3A_1168, %swap3A_1169] {strides = array<i32>} : memref<512x32xf32, #tpu.memory_space<vmem>>, vector<1x16xf32>,
      %swap3A_1171 = vector.shape_cast %swap3A_1170 : vector<1x16xf32> to vector<16xf32>
      %swap3A_1172 = vector.shape_cast %get3A_1165 : vector<16xf32> to vector<1x16xf32>
      tpu.vector_store %arg8[%swap3A_1168, %swap3A_1169], %swap3A_1172 {strides = array<i32>} : memref<512x32xf32, #tpu.memory_space<vmem>>, vector<1x16xf32>,
      %get3A_1173 = arith.constant 6 : i32
      %get3A_1174 = arith.index_cast %get3A_1173 : i32 to index
      %get3A_1175 = arith.index_cast %and3A_1159 : i32 to index
      %get3A_1176 = arith.constant 16 : index
      %get3A_1177 = tpu.vector_load %arg6[%get3A_1174, %get3A_1175, %get3A_1176] {strides = array<i32>} : memref<16x8x32xf32, #tpu.memory_space<vmem>>, vector<1x1x16xf32>,
      %get3A_1178 = vector.shape_cast %get3A_1177 : vector<1x1x16xf32> to vector<16xf32>
      %add3A_1179 = arith.constant 6 : i32
      %add3A_1180 = arith.addi %mul3A_346, %add3A_1179 : i32
      %swap3A_1181 = arith.index_cast %add3A_1180 : i32 to index
      %swap3A_1182 = arith.constant 16 : index
      %swap3A_1183 = tpu.vector_load %arg8[%swap3A_1181, %swap3A_1182] {strides = array<i32>} : memref<512x32xf32, #tpu.memory_space<vmem>>, vector<1x16xf32>,
      %swap3A_1184 = vector.shape_cast %swap3A_1183 : vector<1x16xf32> to vector<16xf32>
      %swap3A_1185 = vector.shape_cast %get3A_1178 : vector<16xf32> to vector<1x16xf32>
      tpu.vector_store %arg8[%swap3A_1181, %swap3A_1182], %swap3A_1185 {strides = array<i32>} : memref<512x32xf32, #tpu.memory_space<vmem>>, vector<1x16xf32>,
      %slice3A_1186 = vector.extract_strided_slice %get3A_351 {offsets = [7], sizes = [1], strides = [1]} : vector<16xi32> to vector<1xi32>
      %squeeze3A_1187 = vector.extract %slice3A_1186[0] : i32 from vector<1xi32>
      %and3A_1188 = arith.constant 7 : i32
      %and3A_1189 = arith.andi %squeeze3A_1187, %and3A_1188 : i32
      %get3A_1190 = arith.constant 7 : i32
      %get3A_1191 = arith.index_cast %get3A_1190 : i32 to index
      %get3A_1192 = arith.index_cast %and3A_1189 : i32 to index
      %get3A_1193 = arith.constant 0 : index
      %get3A_1194 = tpu.vector_load %arg6[%get3A_1191, %get3A_1192, %get3A_1193] {strides = array<i32>} : memref<16x8x32xf32, #tpu.memory_space<vmem>>, vector<1x1x16xf32>,
      %get3A_1195 = vector.shape_cast %get3A_1194 : vector<1x1x16xf32> to vector<16xf32>
      %add3A_1196 = arith.constant 7 : i32
      %add3A_1197 = arith.addi %mul3A_346, %add3A_1196 : i32
      %swap3A_1198 = arith.index_cast %add3A_1197 : i32 to index
      %swap3A_1199 = arith.constant 0 : index
      %swap3A_1200 = tpu.vector_load %arg8[%swap3A_1198, %swap3A_1199] {strides = array<i32>} : memref<512x32xf32, #tpu.memory_space<vmem>>, vector<1x16xf32>,
      %swap3A_1201 = vector.shape_cast %swap3A_1200 : vector<1x16xf32> to vector<16xf32>
      %swap3A_1202 = vector.shape_cast %get3A_1195 : vector<16xf32> to vector<1x16xf32>
      tpu.vector_store %arg8[%swap3A_1198, %swap3A_1199], %swap3A_1202 {strides = array<i32>} : memref<512x32xf32, #tpu.memory_space<vmem>>, vector<1x16xf32>,
      %get3A_1203 = arith.constant 7 : i32
      %get3A_1204 = arith.index_cast %get3A_1203 : i32 to index
      %get3A_1205 = arith.index_cast %and3A_1189 : i32 to index
      %get3A_1206 = arith.constant 16 : index
      %get3A_1207 = tpu.vector_load %arg6[%get3A_1204, %get3A_1205, %get3A_1206] {strides = array<i32>} : memref<16x8x32xf32, #tpu.memory_space<vmem>>, vector<1x1x16xf32>,
      %get3A_1208 = vector.shape_cast %get3A_1207 : vector<1x1x16xf32> to vector<16xf32>
      %add3A_1209 = arith.constant 7 : i32
      %add3A_1210 = arith.addi %mul3A_346, %add3A_1209 : i32
      %swap3A_1211 = arith.index_cast %add3A_1210 : i32 to index
      %swap3A_1212 = arith.constant 16 : index
      %swap3A_1213 = tpu.vector_load %arg8[%swap3A_1211, %swap3A_1212] {strides = array<i32>} : memref<512x32xf32, #tpu.memory_space<vmem>>, vector<1x16xf32>,
      %swap3A_1214 = vector.shape_cast %swap3A_1213 : vector<1x16xf32> to vector<16xf32>
      %swap3A_1215 = vector.shape_cast %get3A_1208 : vector<16xf32> to vector<1x16xf32>
      tpu.vector_store %arg8[%swap3A_1211, %swap3A_1212], %swap3A_1215 {strides = array<i32>} : memref<512x32xf32, #tpu.memory_space<vmem>>, vector<1x16xf32>,
      %slice3A_1216 = vector.extract_strided_slice %get3A_351 {offsets = [8], sizes = [1], strides = [1]} : vector<16xi32> to vector<1xi32>
      %squeeze3A_1217 = vector.extract %slice3A_1216[0] : i32 from vector<1xi32>
      %and3A_1218 = arith.constant 7 : i32
      %and3A_1219 = arith.andi %squeeze3A_1217, %and3A_1218 : i32
      %get3A_1220 = arith.constant 8 : i32
      %get3A_1221 = arith.index_cast %get3A_1220 : i32 to index
      %get3A_1222 = arith.index_cast %and3A_1219 : i32 to index
      %get3A_1223 = arith.constant 0 : index
      %get3A_1224 = tpu.vector_load %arg6[%get3A_1221, %get3A_1222, %get3A_1223] {strides = array<i32>} : memref<16x8x32xf32, #tpu.memory_space<vmem>>, vector<1x1x16xf32>,
      %get3A_1225 = vector.shape_cast %get3A_1224 : vector<1x1x16xf32> to vector<16xf32>
      %add3A_1226 = arith.constant 8 : i32
      %add3A_1227 = arith.addi %mul3A_346, %add3A_1226 : i32
      %swap3A_1228 = arith.index_cast %add3A_1227 : i32 to index
      %swap3A_1229 = arith.constant 0 : index
      %swap3A_1230 = tpu.vector_load %arg8[%swap3A_1228, %swap3A_1229] {strides = array<i32>} : memref<512x32xf32, #tpu.memory_space<vmem>>, vector<1x16xf32>,
      %swap3A_1231 = vector.shape_cast %swap3A_1230 : vector<1x16xf32> to vector<16xf32>
      %swap3A_1232 = vector.shape_cast %get3A_1225 : vector<16xf32> to vector<1x16xf32>
      tpu.vector_store %arg8[%swap3A_1228, %swap3A_1229], %swap3A_1232 {strides = array<i32>} : memref<512x32xf32, #tpu.memory_space<vmem>>, vector<1x16xf32>,
      %get3A_1233 = arith.constant 8 : i32
      %get3A_1234 = arith.index_cast %get3A_1233 : i32 to index
      %get3A_1235 = arith.index_cast %and3A_1219 : i32 to index
      %get3A_1236 = arith.constant 16 : index
      %get3A_1237 = tpu.vector_load %arg6[%get3A_1234, %get3A_1235, %get3A_1236] {strides = array<i32>} : memref<16x8x32xf32, #tpu.memory_space<vmem>>, vector<1x1x16xf32>,
      %get3A_1238 = vector.shape_cast %get3A_1237 : vector<1x1x16xf32> to vector<16xf32>
      %add3A_1239 = arith.constant 8 : i32
      %add3A_1240 = arith.addi %mul3A_346, %add3A_1239 : i32
      %swap3A_1241 = arith.index_cast %add3A_1240 : i32 to index
      %swap3A_1242 = arith.constant 16 : index
      %swap3A_1243 = tpu.vector_load %arg8[%swap3A_1241, %swap3A_1242] {strides = array<i32>} : memref<512x32xf32, #tpu.memory_space<vmem>>, vector<1x16xf32>,
      %swap3A_1244 = vector.shape_cast %swap3A_1243 : vector<1x16xf32> to vector<16xf32>
      %swap3A_1245 = vector.shape_cast %get3A_1238 : vector<16xf32> to vector<1x16xf32>
      tpu.vector_store %arg8[%swap3A_1241, %swap3A_1242], %swap3A_1245 {strides = array<i32>} : memref<512x32xf32, #tpu.memory_space<vmem>>, vector<1x16xf32>,
      %slice3A_1246 = vector.extract_strided_slice %get3A_351 {offsets = [9], sizes = [1], strides = [1]} : vector<16xi32> to vector<1xi32>
      %squeeze3A_1247 = vector.extract %slice3A_1246[0] : i32 from vector<1xi32>
      %and3A_1248 = arith.constant 7 : i32
      %and3A_1249 = arith.andi %squeeze3A_1247, %and3A_1248 : i32
      %get3A_1250 = arith.constant 9 : i32
      %get3A_1251 = arith.index_cast %get3A_1250 : i32 to index
      %get3A_1252 = arith.index_cast %and3A_1249 : i32 to index
      %get3A_1253 = arith.constant 0 : index
      %get3A_1254 = tpu.vector_load %arg6[%get3A_1251, %get3A_1252, %get3A_1253] {strides = array<i32>} : memref<16x8x32xf32, #tpu.memory_space<vmem>>, vector<1x1x16xf32>,
      %get3A_1255 = vector.shape_cast %get3A_1254 : vector<1x1x16xf32> to vector<16xf32>
      %add3A_1256 = arith.constant 9 : i32
      %add3A_1257 = arith.addi %mul3A_346, %add3A_1256 : i32
      %swap3A_1258 = arith.index_cast %add3A_1257 : i32 to index
      %swap3A_1259 = arith.constant 0 : index
      %swap3A_1260 = tpu.vector_load %arg8[%swap3A_1258, %swap3A_1259] {strides = array<i32>} : memref<512x32xf32, #tpu.memory_space<vmem>>, vector<1x16xf32>,
      %swap3A_1261 = vector.shape_cast %swap3A_1260 : vector<1x16xf32> to vector<16xf32>
      %swap3A_1262 = vector.shape_cast %get3A_1255 : vector<16xf32> to vector<1x16xf32>
      tpu.vector_store %arg8[%swap3A_1258, %swap3A_1259], %swap3A_1262 {strides = array<i32>} : memref<512x32xf32, #tpu.memory_space<vmem>>, vector<1x16xf32>,
      %get3A_1263 = arith.constant 9 : i32
      %get3A_1264 = arith.index_cast %get3A_1263 : i32 to index
      %get3A_1265 = arith.index_cast %and3A_1249 : i32 to index
      %get3A_1266 = arith.constant 16 : index
      %get3A_1267 = tpu.vector_load %arg6[%get3A_1264, %get3A_1265, %get3A_1266] {strides = array<i32>} : memref<16x8x32xf32, #tpu.memory_space<vmem>>, vector<1x1x16xf32>,
      %get3A_1268 = vector.shape_cast %get3A_1267 : vector<1x1x16xf32> to vector<16xf32>
      %add3A_1269 = arith.constant 9 : i32
      %add3A_1270 = arith.addi %mul3A_346, %add3A_1269 : i32
      %swap3A_1271 = arith.index_cast %add3A_1270 : i32 to index
      %swap3A_1272 = arith.constant 16 : index
      %swap3A_1273 = tpu.vector_load %arg8[%swap3A_1271, %swap3A_1272] {strides = array<i32>} : memref<512x32xf32, #tpu.memory_space<vmem>>, vector<1x16xf32>,
      %swap3A_1274 = vector.shape_cast %swap3A_1273 : vector<1x16xf32> to vector<16xf32>
      %swap3A_1275 = vector.shape_cast %get3A_1268 : vector<16xf32> to vector<1x16xf32>
      tpu.vector_store %arg8[%swap3A_1271, %swap3A_1272], %swap3A_1275 {strides = array<i32>} : memref<512x32xf32, #tpu.memory_space<vmem>>, vector<1x16xf32>,
      %slice3A_1276 = vector.extract_strided_slice %get3A_351 {offsets = [10], sizes = [1], strides = [1]} : vector<16xi32> to vector<1xi32>
      %squeeze3A_1277 = vector.extract %slice3A_1276[0] : i32 from vector<1xi32>
      %and3A_1278 = arith.constant 7 : i32
      %and3A_1279 = arith.andi %squeeze3A_1277, %and3A_1278 : i32
      %get3A_1280 = arith.constant 10 : i32
      %get3A_1281 = arith.index_cast %get3A_1280 : i32 to index
      %get3A_1282 = arith.index_cast %and3A_1279 : i32 to index
      %get3A_1283 = arith.constant 0 : index
      %get3A_1284 = tpu.vector_load %arg6[%get3A_1281, %get3A_1282, %get3A_1283] {strides = array<i32>} : memref<16x8x32xf32, #tpu.memory_space<vmem>>, vector<1x1x16xf32>,
      %get3A_1285 = vector.shape_cast %get3A_1284 : vector<1x1x16xf32> to vector<16xf32>
      %add3A_1286 = arith.constant 10 : i32
      %add3A_1287 = arith.addi %mul3A_346, %add3A_1286 : i32
      %swap3A_1288 = arith.index_cast %add3A_1287 : i32 to index
      %swap3A_1289 = arith.constant 0 : index
      %swap3A_1290 = tpu.vector_load %arg8[%swap3A_1288, %swap3A_1289] {strides = array<i32>} : memref<512x32xf32, #tpu.memory_space<vmem>>, vector<1x16xf32>,
      %swap3A_1291 = vector.shape_cast %swap3A_1290 : vector<1x16xf32> to vector<16xf32>
      %swap3A_1292 = vector.shape_cast %get3A_1285 : vector<16xf32> to vector<1x16xf32>
      tpu.vector_store %arg8[%swap3A_1288, %swap3A_1289], %swap3A_1292 {strides = array<i32>} : memref<512x32xf32, #tpu.memory_space<vmem>>, vector<1x16xf32>,
      %get3A_1293 = arith.constant 10 : i32
      %get3A_1294 = arith.index_cast %get3A_1293 : i32 to index
      %get3A_1295 = arith.index_cast %and3A_1279 : i32 to index
      %get3A_1296 = arith.constant 16 : index
      %get3A_1297 = tpu.vector_load %arg6[%get3A_1294, %get3A_1295, %get3A_1296] {strides = array<i32>} : memref<16x8x32xf32, #tpu.memory_space<vmem>>, vector<1x1x16xf32>,
      %get3A_1298 = vector.shape_cast %get3A_1297 : vector<1x1x16xf32> to vector<16xf32>
      %add3A_1299 = arith.constant 10 : i32
      %add3A_1300 = arith.addi %mul3A_346, %add3A_1299 : i32
      %swap3A_1301 = arith.index_cast %add3A_1300 : i32 to index
      %swap3A_1302 = arith.constant 16 : index
      %swap3A_1303 = tpu.vector_load %arg8[%swap3A_1301, %swap3A_1302] {strides = array<i32>} : memref<512x32xf32, #tpu.memory_space<vmem>>, vector<1x16xf32>,
      %swap3A_1304 = vector.shape_cast %swap3A_1303 : vector<1x16xf32> to vector<16xf32>
      %swap3A_1305 = vector.shape_cast %get3A_1298 : vector<16xf32> to vector<1x16xf32>
      tpu.vector_store %arg8[%swap3A_1301, %swap3A_1302], %swap3A_1305 {strides = array<i32>} : memref<512x32xf32, #tpu.memory_space<vmem>>, vector<1x16xf32>,
      %slice3A_1306 = vector.extract_strided_slice %get3A_351 {offsets = [11], sizes = [1], strides = [1]} : vector<16xi32> to vector<1xi32>
      %squeeze3A_1307 = vector.extract %slice3A_1306[0] : i32 from vector<1xi32>
      %and3A_1308 = arith.constant 7 : i32
      %and3A_1309 = arith.andi %squeeze3A_1307, %and3A_1308 : i32
      %get3A_1310 = arith.constant 11 : i32
      %get3A_1311 = arith.index_cast %get3A_1310 : i32 to index
      %get3A_1312 = arith.index_cast %and3A_1309 : i32 to index
      %get3A_1313 = arith.constant 0 : index
      %get3A_1314 = tpu.vector_load %arg6[%get3A_1311, %get3A_1312, %get3A_1313] {strides = array<i32>} : memref<16x8x32xf32, #tpu.memory_space<vmem>>, vector<1x1x16xf32>,
      %get3A_1315 = vector.shape_cast %get3A_1314 : vector<1x1x16xf32> to vector<16xf32>
      %add3A_1316 = arith.constant 11 : i32
      %add3A_1317 = arith.addi %mul3A_346, %add3A_1316 : i32
      %swap3A_1318 = arith.index_cast %add3A_1317 : i32 to index
      %swap3A_1319 = arith.constant 0 : index
      %swap3A_1320 = tpu.vector_load %arg8[%swap3A_1318, %swap3A_1319] {strides = array<i32>} : memref<512x32xf32, #tpu.memory_space<vmem>>, vector<1x16xf32>,
      %swap3A_1321 = vector.shape_cast %swap3A_1320 : vector<1x16xf32> to vector<16xf32>
      %swap3A_1322 = vector.shape_cast %get3A_1315 : vector<16xf32> to vector<1x16xf32>
      tpu.vector_store %arg8[%swap3A_1318, %swap3A_1319], %swap3A_1322 {strides = array<i32>} : memref<512x32xf32, #tpu.memory_space<vmem>>, vector<1x16xf32>,
      %get3A_1323 = arith.constant 11 : i32
      %get3A_1324 = arith.index_cast %get3A_1323 : i32 to index
      %get3A_1325 = arith.index_cast %and3A_1309 : i32 to index
      %get3A_1326 = arith.constant 16 : index
      %get3A_1327 = tpu.vector_load %arg6[%get3A_1324, %get3A_1325, %get3A_1326] {strides = array<i32>} : memref<16x8x32xf32, #tpu.memory_space<vmem>>, vector<1x1x16xf32>,
      %get3A_1328 = vector.shape_cast %get3A_1327 : vector<1x1x16xf32> to vector<16xf32>
      %add3A_1329 = arith.constant 11 : i32
      %add3A_1330 = arith.addi %mul3A_346, %add3A_1329 : i32
      %swap3A_1331 = arith.index_cast %add3A_1330 : i32 to index
      %swap3A_1332 = arith.constant 16 : index
      %swap3A_1333 = tpu.vector_load %arg8[%swap3A_1331, %swap3A_1332] {strides = array<i32>} : memref<512x32xf32, #tpu.memory_space<vmem>>, vector<1x16xf32>,
      %swap3A_1334 = vector.shape_cast %swap3A_1333 : vector<1x16xf32> to vector<16xf32>
      %swap3A_1335 = vector.shape_cast %get3A_1328 : vector<16xf32> to vector<1x16xf32>
      tpu.vector_store %arg8[%swap3A_1331, %swap3A_1332], %swap3A_1335 {strides = array<i32>} : memref<512x32xf32, #tpu.memory_space<vmem>>, vector<1x16xf32>,
      %slice3A_1336 = vector.extract_strided_slice %get3A_351 {offsets = [12], sizes = [1], strides = [1]} : vector<16xi32> to vector<1xi32>
      %squeeze3A_1337 = vector.extract %slice3A_1336[0] : i32 from vector<1xi32>
      %and3A_1338 = arith.constant 7 : i32
      %and3A_1339 = arith.andi %squeeze3A_1337, %and3A_1338 : i32
      %get3A_1340 = arith.constant 12 : i32
      %get3A_1341 = arith.index_cast %get3A_1340 : i32 to index
      %get3A_1342 = arith.index_cast %and3A_1339 : i32 to index
      %get3A_1343 = arith.constant 0 : index
      %get3A_1344 = tpu.vector_load %arg6[%get3A_1341, %get3A_1342, %get3A_1343] {strides = array<i32>} : memref<16x8x32xf32, #tpu.memory_space<vmem>>, vector<1x1x16xf32>,
      %get3A_1345 = vector.shape_cast %get3A_1344 : vector<1x1x16xf32> to vector<16xf32>
      %add3A_1346 = arith.constant 12 : i32
      %add3A_1347 = arith.addi %mul3A_346, %add3A_1346 : i32
      %swap3A_1348 = arith.index_cast %add3A_1347 : i32 to index
      %swap3A_1349 = arith.constant 0 : index
      %swap3A_1350 = tpu.vector_load %arg8[%swap3A_1348, %swap3A_1349] {strides = array<i32>} : memref<512x32xf32, #tpu.memory_space<vmem>>, vector<1x16xf32>,
      %swap3A_1351 = vector.shape_cast %swap3A_1350 : vector<1x16xf32> to vector<16xf32>
      %swap3A_1352 = vector.shape_cast %get3A_1345 : vector<16xf32> to vector<1x16xf32>
      tpu.vector_store %arg8[%swap3A_1348, %swap3A_1349], %swap3A_1352 {strides = array<i32>} : memref<512x32xf32, #tpu.memory_space<vmem>>, vector<1x16xf32>,
      %get3A_1353 = arith.constant 12 : i32
      %get3A_1354 = arith.index_cast %get3A_1353 : i32 to index
      %get3A_1355 = arith.index_cast %and3A_1339 : i32 to index
      %get3A_1356 = arith.constant 16 : index
      %get3A_1357 = tpu.vector_load %arg6[%get3A_1354, %get3A_1355, %get3A_1356] {strides = array<i32>} : memref<16x8x32xf32, #tpu.memory_space<vmem>>, vector<1x1x16xf32>,
      %get3A_1358 = vector.shape_cast %get3A_1357 : vector<1x1x16xf32> to vector<16xf32>
      %add3A_1359 = arith.constant 12 : i32
      %add3A_1360 = arith.addi %mul3A_346, %add3A_1359 : i32
      %swap3A_1361 = arith.index_cast %add3A_1360 : i32 to index
      %swap3A_1362 = arith.constant 16 : index
      %swap3A_1363 = tpu.vector_load %arg8[%swap3A_1361, %swap3A_1362] {strides = array<i32>} : memref<512x32xf32, #tpu.memory_space<vmem>>, vector<1x16xf32>,
      %swap3A_1364 = vector.shape_cast %swap3A_1363 : vector<1x16xf32> to vector<16xf32>
      %swap3A_1365 = vector.shape_cast %get3A_1358 : vector<16xf32> to vector<1x16xf32>
      tpu.vector_store %arg8[%swap3A_1361, %swap3A_1362], %swap3A_1365 {strides = array<i32>} : memref<512x32xf32, #tpu.memory_space<vmem>>, vector<1x16xf32>,
      %slice3A_1366 = vector.extract_strided_slice %get3A_351 {offsets = [13], sizes = [1], strides = [1]} : vector<16xi32> to vector<1xi32>
      %squeeze3A_1367 = vector.extract %slice3A_1366[0] : i32 from vector<1xi32>
      %and3A_1368 = arith.constant 7 : i32
      %and3A_1369 = arith.andi %squeeze3A_1367, %and3A_1368 : i32
      %get3A_1370 = arith.constant 13 : i32
      %get3A_1371 = arith.index_cast %get3A_1370 : i32 to index
      %get3A_1372 = arith.index_cast %and3A_1369 : i32 to index
      %get3A_1373 = arith.constant 0 : index
      %get3A_1374 = tpu.vector_load %arg6[%get3A_1371, %get3A_1372, %get3A_1373] {strides = array<i32>} : memref<16x8x32xf32, #tpu.memory_space<vmem>>, vector<1x1x16xf32>,
      %get3A_1375 = vector.shape_cast %get3A_1374 : vector<1x1x16xf32> to vector<16xf32>
      %add3A_1376 = arith.constant 13 : i32
      %add3A_1377 = arith.addi %mul3A_346, %add3A_1376 : i32
      %swap3A_1378 = arith.index_cast %add3A_1377 : i32 to index
      %swap3A_1379 = arith.constant 0 : index
      %swap3A_1380 = tpu.vector_load %arg8[%swap3A_1378, %swap3A_1379] {strides = array<i32>} : memref<512x32xf32, #tpu.memory_space<vmem>>, vector<1x16xf32>,
      %swap3A_1381 = vector.shape_cast %swap3A_1380 : vector<1x16xf32> to vector<16xf32>
      %swap3A_1382 = vector.shape_cast %get3A_1375 : vector<16xf32> to vector<1x16xf32>
      tpu.vector_store %arg8[%swap3A_1378, %swap3A_1379], %swap3A_1382 {strides = array<i32>} : memref<512x32xf32, #tpu.memory_space<vmem>>, vector<1x16xf32>,
      %get3A_1383 = arith.constant 13 : i32
      %get3A_1384 = arith.index_cast %get3A_1383 : i32 to index
      %get3A_1385 = arith.index_cast %and3A_1369 : i32 to index
      %get3A_1386 = arith.constant 16 : index
      %get3A_1387 = tpu.vector_load %arg6[%get3A_1384, %get3A_1385, %get3A_1386] {strides = array<i32>} : memref<16x8x32xf32, #tpu.memory_space<vmem>>, vector<1x1x16xf32>,
      %get3A_1388 = vector.shape_cast %get3A_1387 : vector<1x1x16xf32> to vector<16xf32>
      %add3A_1389 = arith.constant 13 : i32
      %add3A_1390 = arith.addi %mul3A_346, %add3A_1389 : i32
      %swap3A_1391 = arith.index_cast %add3A_1390 : i32 to index
      %swap3A_1392 = arith.constant 16 : index
      %swap3A_1393 = tpu.vector_load %arg8[%swap3A_1391, %swap3A_1392] {strides = array<i32>} : memref<512x32xf32, #tpu.memory_space<vmem>>, vector<1x16xf32>,
      %swap3A_1394 = vector.shape_cast %swap3A_1393 : vector<1x16xf32> to vector<16xf32>
      %swap3A_1395 = vector.shape_cast %get3A_1388 : vector<16xf32> to vector<1x16xf32>
      tpu.vector_store %arg8[%swap3A_1391, %swap3A_1392], %swap3A_1395 {strides = array<i32>} : memref<512x32xf32, #tpu.memory_space<vmem>>, vector<1x16xf32>,
      %slice3A_1396 = vector.extract_strided_slice %get3A_351 {offsets = [14], sizes = [1], strides = [1]} : vector<16xi32> to vector<1xi32>
      %squeeze3A_1397 = vector.extract %slice3A_1396[0] : i32 from vector<1xi32>
      %and3A_1398 = arith.constant 7 : i32
      %and3A_1399 = arith.andi %squeeze3A_1397, %and3A_1398 : i32
      %get3A_1400 = arith.constant 14 : i32
      %get3A_1401 = arith.index_cast %get3A_1400 : i32 to index
      %get3A_1402 = arith.index_cast %and3A_1399 : i32 to index
      %get3A_1403 = arith.constant 0 : index
      %get3A_1404 = tpu.vector_load %arg6[%get3A_1401, %get3A_1402, %get3A_1403] {strides = array<i32>} : memref<16x8x32xf32, #tpu.memory_space<vmem>>, vector<1x1x16xf32>,
      %get3A_1405 = vector.shape_cast %get3A_1404 : vector<1x1x16xf32> to vector<16xf32>
      %add3A_1406 = arith.constant 14 : i32
      %add3A_1407 = arith.addi %mul3A_346, %add3A_1406 : i32
      %swap3A_1408 = arith.index_cast %add3A_1407 : i32 to index
      %swap3A_1409 = arith.constant 0 : index
      %swap3A_1410 = tpu.vector_load %arg8[%swap3A_1408, %swap3A_1409] {strides = array<i32>} : memref<512x32xf32, #tpu.memory_space<vmem>>, vector<1x16xf32>,
      %swap3A_1411 = vector.shape_cast %swap3A_1410 : vector<1x16xf32> to vector<16xf32>
      %swap3A_1412 = vector.shape_cast %get3A_1405 : vector<16xf32> to vector<1x16xf32>
      tpu.vector_store %arg8[%swap3A_1408, %swap3A_1409], %swap3A_1412 {strides = array<i32>} : memref<512x32xf32, #tpu.memory_space<vmem>>, vector<1x16xf32>,
      %get3A_1413 = arith.constant 14 : i32
      %get3A_1414 = arith.index_cast %get3A_1413 : i32 to index
      %get3A_1415 = arith.index_cast %and3A_1399 : i32 to index
      %get3A_1416 = arith.constant 16 : index
      %get3A_1417 = tpu.vector_load %arg6[%get3A_1414, %get3A_1415, %get3A_1416] {strides = array<i32>} : memref<16x8x32xf32, #tpu.memory_space<vmem>>, vector<1x1x16xf32>,
      %get3A_1418 = vector.shape_cast %get3A_1417 : vector<1x1x16xf32> to vector<16xf32>
      %add3A_1419 = arith.constant 14 : i32
      %add3A_1420 = arith.addi %mul3A_346, %add3A_1419 : i32
      %swap3A_1421 = arith.index_cast %add3A_1420 : i32 to index
      %swap3A_1422 = arith.constant 16 : index
      %swap3A_1423 = tpu.vector_load %arg8[%swap3A_1421, %swap3A_1422] {strides = array<i32>} : memref<512x32xf32, #tpu.memory_space<vmem>>, vector<1x16xf32>,
      %swap3A_1424 = vector.shape_cast %swap3A_1423 : vector<1x16xf32> to vector<16xf32>
      %swap3A_1425 = vector.shape_cast %get3A_1418 : vector<16xf32> to vector<1x16xf32>
      tpu.vector_store %arg8[%swap3A_1421, %swap3A_1422], %swap3A_1425 {strides = array<i32>} : memref<512x32xf32, #tpu.memory_space<vmem>>, vector<1x16xf32>,
      %slice3A_1426 = vector.extract_strided_slice %get3A_351 {offsets = [15], sizes = [1], strides = [1]} : vector<16xi32> to vector<1xi32>
      %squeeze3A_1427 = vector.extract %slice3A_1426[0] : i32 from vector<1xi32>
      %and3A_1428 = arith.constant 7 : i32
      %and3A_1429 = arith.andi %squeeze3A_1427, %and3A_1428 : i32
      %get3A_1430 = arith.constant 15 : i32
      %get3A_1431 = arith.index_cast %get3A_1430 : i32 to index
      %get3A_1432 = arith.index_cast %and3A_1429 : i32 to index
      %get3A_1433 = arith.constant 0 : index
      %get3A_1434 = tpu.vector_load %arg6[%get3A_1431, %get3A_1432, %get3A_1433] {strides = array<i32>} : memref<16x8x32xf32, #tpu.memory_space<vmem>>, vector<1x1x16xf32>,
      %get3A_1435 = vector.shape_cast %get3A_1434 : vector<1x1x16xf32> to vector<16xf32>
      %add3A_1436 = arith.constant 15 : i32
      %add3A_1437 = arith.addi %mul3A_346, %add3A_1436 : i32
      %swap3A_1438 = arith.index_cast %add3A_1437 : i32 to index
      %swap3A_1439 = arith.constant 0 : index
      %swap3A_1440 = tpu.vector_load %arg8[%swap3A_1438, %swap3A_1439] {strides = array<i32>} : memref<512x32xf32, #tpu.memory_space<vmem>>, vector<1x16xf32>,
      %swap3A_1441 = vector.shape_cast %swap3A_1440 : vector<1x16xf32> to vector<16xf32>
      %swap3A_1442 = vector.shape_cast %get3A_1435 : vector<16xf32> to vector<1x16xf32>
      tpu.vector_store %arg8[%swap3A_1438, %swap3A_1439], %swap3A_1442 {strides = array<i32>} : memref<512x32xf32, #tpu.memory_space<vmem>>, vector<1x16xf32>,
      %get3A_1443 = arith.constant 15 : i32
      %get3A_1444 = arith.index_cast %get3A_1443 : i32 to index
      %get3A_1445 = arith.index_cast %and3A_1429 : i32 to index
      %get3A_1446 = arith.constant 16 : index
      %get3A_1447 = tpu.vector_load %arg6[%get3A_1444, %get3A_1445, %get3A_1446] {strides = array<i32>} : memref<16x8x32xf32, #tpu.memory_space<vmem>>, vector<1x1x16xf32>,
      %get3A_1448 = vector.shape_cast %get3A_1447 : vector<1x1x16xf32> to vector<16xf32>
      %add3A_1449 = arith.constant 15 : i32
      %add3A_1450 = arith.addi %mul3A_346, %add3A_1449 : i32
      %swap3A_1451 = arith.index_cast %add3A_1450 : i32 to index
      %swap3A_1452 = arith.constant 16 : index
      %swap3A_1453 = tpu.vector_load %arg8[%swap3A_1451, %swap3A_1452] {strides = array<i32>} : memref<512x32xf32, #tpu.memory_space<vmem>>, vector<1x16xf32>,
      %swap3A_1454 = vector.shape_cast %swap3A_1453 : vector<1x16xf32> to vector<16xf32>
      %swap3A_1455 = vector.shape_cast %get3A_1448 : vector<16xf32> to vector<1x16xf32>
      tpu.vector_store %arg8[%swap3A_1451, %swap3A_1452], %swap3A_1455 {strides = array<i32>} : memref<512x32xf32, #tpu.memory_space<vmem>>, vector<1x16xf32>,
      %add3A_1456 = arith.constant 1 : i32
      %add3A_1457 = arith.addi %scan3A_342, %add3A_1456 : i32
      %lt3A = arith.constant 16 : i32
      %lt3A_1458 = arith.cmpi slt, %add3A_1457, %lt3A : i32
      %convert_element_type3A = arith.extui %lt3A_1458 : i1 to i32
      %cond3A = arith.constant 0 : i32
      %cond3A_1459 = arith.cmpi ne, %convert_element_type3A, %cond3A : i32
      scf.if %cond3A_1459 {
        %add3A_2231 = arith.constant 16 : i32
        %add3A_2232 = arith.addi %add3A_348, %add3A_2231 : i32
        %get3A_2233 = arith.index_cast %add3A_2232 : i32 to index
        %get3A_2234 = tpu.vector_load %arg5[%get3A_2233] {strides = array<i32>} : memref<512xi32, #tpu.memory_space<vmem>>, vector<16xi32>,
        %get3A_2235 = vector.shape_cast %get3A_2234 : vector<16xi32> to vector<16xi32>
        %slice3A_2236 = vector.extract_strided_slice %get3A_2235 {offsets = [0], sizes = [1], strides = [1]} : vector<16xi32> to vector<1xi32>
        %squeeze3A_2237 = vector.extract %slice3A_2236[0] : i32 from vector<1xi32>
        %shift_right_arithmetic3A_2238 = arith.constant 3 : i32
        %shift_right_arithmetic3A_2239 = arith.shrsi %squeeze3A_2237, %shift_right_arithmetic3A_2238 : i32
        %dma_start3A_2240 = arith.constant 0 : i32
        %dma_start3A_2241 = arith.constant 0 : i32
        %dma_start3A_2242 = arith.constant 0 : i32
        %dma_start3A_2243 = tpu.memref_slice %arg6[%dma_start3A_2240, %dma_start3A_2241, %dma_start3A_2242] : memref<16x8x32xf32, #tpu.memory_space<vmem>> -> memref<1x8x32xf32, #tpu.memory_space<vmem>>
        %dma_start3A_2244 = tpu.memref_squeeze %dma_start3A_2243 : memref<1x8x32xf32, #tpu.memory_space<vmem>> -> memref<8x32xf32, #tpu.memory_space<vmem>>
        %dma_start3A_2245 = arith.constant 0 : i32
        %dma_start3A_2246 = arith.constant 0 : i32
        %dma_start3A_2247 = tpu.memref_slice %arg3[%shift_right_arithmetic3A_2239, %dma_start3A_2245, %dma_start3A_2246] : memref<125000x8x32xf32, #tpu.memory_space<hbm>> -> memref<1x8x32xf32, #tpu.memory_space<hbm>>
        %dma_start3A_2248 = tpu.memref_squeeze %dma_start3A_2247 : memref<1x8x32xf32, #tpu.memory_space<hbm>> -> memref<8x32xf32, #tpu.memory_space<hbm>>
        %dma_start3A_2249 = arith.constant 0 : i32
        %dma_start3A_2250 = arith.constant 0 : i32
        %dma_start3A_2251 = tpu.memref_slice %arg6[%dma_start3A_2240, %dma_start3A_2249, %dma_start3A_2250] : memref<16x8x32xf32, #tpu.memory_space<vmem>> -> memref<1x8x32xf32, #tpu.memory_space<vmem>>
        %dma_start3A_2252 = tpu.memref_squeeze %dma_start3A_2251 : memref<1x8x32xf32, #tpu.memory_space<vmem>> -> memref<8x32xf32, #tpu.memory_space<vmem>>
        %dma_start3A_2253 = arith.constant 0 : i32
        %dma_start3A_2254 = arith.constant 0 : i32
        %dma_start3A_2255 = tpu.memref_slice %arg3[%shift_right_arithmetic3A_2239, %dma_start3A_2253, %dma_start3A_2254] : memref<125000x8x32xf32, #tpu.memory_space<hbm>> -> memref<1x8x32xf32, #tpu.memory_space<hbm>>
        %dma_start3A_2256 = tpu.memref_squeeze %dma_start3A_2255 : memref<1x8x32xf32, #tpu.memory_space<hbm>> -> memref<8x32xf32, #tpu.memory_space<hbm>>
        tpu.enqueue_dma source(%dma_start3A_2256 : memref<8x32xf32, #tpu.memory_space<hbm>>) target(%dma_start3A_2252 : memref<8x32xf32, #tpu.memory_space<vmem>>) target_semaphore(%arg9 : memref<!tpu.dma_semaphore, #tpu.memory_space<semaphore_mem>>)
        %slice3A_2257 = vector.extract_strided_slice %get3A_2235 {offsets = [1], sizes = [1], strides = [1]} : vector<16xi32> to vector<1xi32>
        %squeeze3A_2258 = vector.extract %slice3A_2257[0] : i32 from vector<1xi32>
        %shift_right_arithmetic3A_2259 = arith.constant 3 : i32
        %shift_right_arithmetic3A_2260 = arith.shrsi %squeeze3A_2258, %shift_right_arithmetic3A_2259 : i32
        %dma_start3A_2261 = arith.constant 1 : i32
        %dma_start3A_2262 = arith.constant 0 : i32
        %dma_start3A_2263 = arith.constant 0 : i32
        %dma_start3A_2264 = tpu.memref_slice %arg6[%dma_start3A_2261, %dma_start3A_2262, %dma_start3A_2263] : memref<16x8x32xf32, #tpu.memory_space<vmem>> -> memref<1x8x32xf32, #tpu.memory_space<vmem>>
        %dma_start3A_2265 = tpu.memref_squeeze %dma_start3A_2264 : memref<1x8x32xf32, #tpu.memory_space<vmem>> -> memref<8x32xf32, #tpu.memory_space<vmem>>
        %dma_start3A_2266 = arith.constant 0 : i32
        %dma_start3A_2267 = arith.constant 0 : i32
        %dma_start3A_2268 = tpu.memref_slice %arg3[%shift_right_arithmetic3A_2260, %dma_start3A_2266, %dma_start3A_2267] : memref<125000x8x32xf32, #tpu.memory_space<hbm>> -> memref<1x8x32xf32, #tpu.memory_space<hbm>>
        %dma_start3A_2269 = tpu.memref_squeeze %dma_start3A_2268 : memref<1x8x32xf32, #tpu.memory_space<hbm>> -> memref<8x32xf32, #tpu.memory_space<hbm>>
        %dma_start3A_2270 = arith.constant 0 : i32
        %dma_start3A_2271 = arith.constant 0 : i32
        %dma_start3A_2272 = tpu.memref_slice %arg6[%dma_start3A_2261, %dma_start3A_2270, %dma_start3A_2271] : memref<16x8x32xf32, #tpu.memory_space<vmem>> -> memref<1x8x32xf32, #tpu.memory_space<vmem>>
        %dma_start3A_2273 = tpu.memref_squeeze %dma_start3A_2272 : memref<1x8x32xf32, #tpu.memory_space<vmem>> -> memref<8x32xf32, #tpu.memory_space<vmem>>
        %dma_start3A_2274 = arith.constant 0 : i32
        %dma_start3A_2275 = arith.constant 0 : i32
        %dma_start3A_2276 = tpu.memref_slice %arg3[%shift_right_arithmetic3A_2260, %dma_start3A_2274, %dma_start3A_2275] : memref<125000x8x32xf32, #tpu.memory_space<hbm>> -> memref<1x8x32xf32, #tpu.memory_space<hbm>>
        %dma_start3A_2277 = tpu.memref_squeeze %dma_start3A_2276 : memref<1x8x32xf32, #tpu.memory_space<hbm>> -> memref<8x32xf32, #tpu.memory_space<hbm>>
        tpu.enqueue_dma source(%dma_start3A_2277 : memref<8x32xf32, #tpu.memory_space<hbm>>) target(%dma_start3A_2273 : memref<8x32xf32, #tpu.memory_space<vmem>>) target_semaphore(%arg9 : memref<!tpu.dma_semaphore, #tpu.memory_space<semaphore_mem>>)
        %slice3A_2278 = vector.extract_strided_slice %get3A_2235 {offsets = [2], sizes = [1], strides = [1]} : vector<16xi32> to vector<1xi32>
        %squeeze3A_2279 = vector.extract %slice3A_2278[0] : i32 from vector<1xi32>
        %shift_right_arithmetic3A_2280 = arith.constant 3 : i32
        %shift_right_arithmetic3A_2281 = arith.shrsi %squeeze3A_2279, %shift_right_arithmetic3A_2280 : i32
        %dma_start3A_2282 = arith.constant 2 : i32
        %dma_start3A_2283 = arith.constant 0 : i32
        %dma_start3A_2284 = arith.constant 0 : i32
        %dma_start3A_2285 = tpu.memref_slice %arg6[%dma_start3A_2282, %dma_start3A_2283, %dma_start3A_2284] : memref<16x8x32xf32, #tpu.memory_space<vmem>> -> memref<1x8x32xf32, #tpu.memory_space<vmem>>
        %dma_start3A_2286 = tpu.memref_squeeze %dma_start3A_2285 : memref<1x8x32xf32, #tpu.memory_space<vmem>> -> memref<8x32xf32, #tpu.memory_space<vmem>>
        %dma_start3A_2287 = arith.constant 0 : i32
        %dma_start3A_2288 = arith.constant 0 : i32
        %dma_start3A_2289 = tpu.memref_slice %arg3[%shift_right_arithmetic3A_2281, %dma_start3A_2287, %dma_start3A_2288] : memref<125000x8x32xf32, #tpu.memory_space<hbm>> -> memref<1x8x32xf32, #tpu.memory_space<hbm>>
        %dma_start3A_2290 = tpu.memref_squeeze %dma_start3A_2289 : memref<1x8x32xf32, #tpu.memory_space<hbm>> -> memref<8x32xf32, #tpu.memory_space<hbm>>
        %dma_start3A_2291 = arith.constant 0 : i32
        %dma_start3A_2292 = arith.constant 0 : i32
        %dma_start3A_2293 = tpu.memref_slice %arg6[%dma_start3A_2282, %dma_start3A_2291, %dma_start3A_2292] : memref<16x8x32xf32, #tpu.memory_space<vmem>> -> memref<1x8x32xf32, #tpu.memory_space<vmem>>
        %dma_start3A_2294 = tpu.memref_squeeze %dma_start3A_2293 : memref<1x8x32xf32, #tpu.memory_space<vmem>> -> memref<8x32xf32, #tpu.memory_space<vmem>>
        %dma_start3A_2295 = arith.constant 0 : i32
        %dma_start3A_2296 = arith.constant 0 : i32
        %dma_start3A_2297 = tpu.memref_slice %arg3[%shift_right_arithmetic3A_2281, %dma_start3A_2295, %dma_start3A_2296] : memref<125000x8x32xf32, #tpu.memory_space<hbm>> -> memref<1x8x32xf32, #tpu.memory_space<hbm>>
        %dma_start3A_2298 = tpu.memref_squeeze %dma_start3A_2297 : memref<1x8x32xf32, #tpu.memory_space<hbm>> -> memref<8x32xf32, #tpu.memory_space<hbm>>
        tpu.enqueue_dma source(%dma_start3A_2298 : memref<8x32xf32, #tpu.memory_space<hbm>>) target(%dma_start3A_2294 : memref<8x32xf32, #tpu.memory_space<vmem>>) target_semaphore(%arg9 : memref<!tpu.dma_semaphore, #tpu.memory_space<semaphore_mem>>)
        %slice3A_2299 = vector.extract_strided_slice %get3A_2235 {offsets = [3], sizes = [1], strides = [1]} : vector<16xi32> to vector<1xi32>
        %squeeze3A_2300 = vector.extract %slice3A_2299[0] : i32 from vector<1xi32>
        %shift_right_arithmetic3A_2301 = arith.constant 3 : i32
        %shift_right_arithmetic3A_2302 = arith.shrsi %squeeze3A_2300, %shift_right_arithmetic3A_2301 : i32
        %dma_start3A_2303 = arith.constant 3 : i32
        %dma_start3A_2304 = arith.constant 0 : i32
        %dma_start3A_2305 = arith.constant 0 : i32
        %dma_start3A_2306 = tpu.memref_slice %arg6[%dma_start3A_2303, %dma_start3A_2304, %dma_start3A_2305] : memref<16x8x32xf32, #tpu.memory_space<vmem>> -> memref<1x8x32xf32, #tpu.memory_space<vmem>>
        %dma_start3A_2307 = tpu.memref_squeeze %dma_start3A_2306 : memref<1x8x32xf32, #tpu.memory_space<vmem>> -> memref<8x32xf32, #tpu.memory_space<vmem>>
        %dma_start3A_2308 = arith.constant 0 : i32
        %dma_start3A_2309 = arith.constant 0 : i32
        %dma_start3A_2310 = tpu.memref_slice %arg3[%shift_right_arithmetic3A_2302, %dma_start3A_2308, %dma_start3A_2309] : memref<125000x8x32xf32, #tpu.memory_space<hbm>> -> memref<1x8x32xf32, #tpu.memory_space<hbm>>
        %dma_start3A_2311 = tpu.memref_squeeze %dma_start3A_2310 : memref<1x8x32xf32, #tpu.memory_space<hbm>> -> memref<8x32xf32, #tpu.memory_space<hbm>>
        %dma_start3A_2312 = arith.constant 0 : i32
        %dma_start3A_2313 = arith.constant 0 : i32
        %dma_start3A_2314 = tpu.memref_slice %arg6[%dma_start3A_2303, %dma_start3A_2312, %dma_start3A_2313] : memref<16x8x32xf32, #tpu.memory_space<vmem>> -> memref<1x8x32xf32, #tpu.memory_space<vmem>>
        %dma_start3A_2315 = tpu.memref_squeeze %dma_start3A_2314 : memref<1x8x32xf32, #tpu.memory_space<vmem>> -> memref<8x32xf32, #tpu.memory_space<vmem>>
        %dma_start3A_2316 = arith.constant 0 : i32
        %dma_start3A_2317 = arith.constant 0 : i32
        %dma_start3A_2318 = tpu.memref_slice %arg3[%shift_right_arithmetic3A_2302, %dma_start3A_2316, %dma_start3A_2317] : memref<125000x8x32xf32, #tpu.memory_space<hbm>> -> memref<1x8x32xf32, #tpu.memory_space<hbm>>
        %dma_start3A_2319 = tpu.memref_squeeze %dma_start3A_2318 : memref<1x8x32xf32, #tpu.memory_space<hbm>> -> memref<8x32xf32, #tpu.memory_space<hbm>>
        tpu.enqueue_dma source(%dma_start3A_2319 : memref<8x32xf32, #tpu.memory_space<hbm>>) target(%dma_start3A_2315 : memref<8x32xf32, #tpu.memory_space<vmem>>) target_semaphore(%arg9 : memref<!tpu.dma_semaphore, #tpu.memory_space<semaphore_mem>>)
        %slice3A_2320 = vector.extract_strided_slice %get3A_2235 {offsets = [4], sizes = [1], strides = [1]} : vector<16xi32> to vector<1xi32>
        %squeeze3A_2321 = vector.extract %slice3A_2320[0] : i32 from vector<1xi32>
        %shift_right_arithmetic3A_2322 = arith.constant 3 : i32
        %shift_right_arithmetic3A_2323 = arith.shrsi %squeeze3A_2321, %shift_right_arithmetic3A_2322 : i32
        %dma_start3A_2324 = arith.constant 4 : i32
        %dma_start3A_2325 = arith.constant 0 : i32
        %dma_start3A_2326 = arith.constant 0 : i32
        %dma_start3A_2327 = tpu.memref_slice %arg6[%dma_start3A_2324, %dma_start3A_2325, %dma_start3A_2326] : memref<16x8x32xf32, #tpu.memory_space<vmem>> -> memref<1x8x32xf32, #tpu.memory_space<vmem>>
        %dma_start3A_2328 = tpu.memref_squeeze %dma_start3A_2327 : memref<1x8x32xf32, #tpu.memory_space<vmem>> -> memref<8x32xf32, #tpu.memory_space<vmem>>
        %dma_start3A_2329 = arith.constant 0 : i32
        %dma_start3A_2330 = arith.constant 0 : i32
        %dma_start3A_2331 = tpu.memref_slice %arg3[%shift_right_arithmetic3A_2323, %dma_start3A_2329, %dma_start3A_2330] : memref<125000x8x32xf32, #tpu.memory_space<hbm>> -> memref<1x8x32xf32, #tpu.memory_space<hbm>>
        %dma_start3A_2332 = tpu.memref_squeeze %dma_start3A_2331 : memref<1x8x32xf32, #tpu.memory_space<hbm>> -> memref<8x32xf32, #tpu.memory_space<hbm>>
        %dma_start3A_2333 = arith.constant 0 : i32
        %dma_start3A_2334 = arith.constant 0 : i32
        %dma_start3A_2335 = tpu.memref_slice %arg6[%dma_start3A_2324, %dma_start3A_2333, %dma_start3A_2334] : memref<16x8x32xf32, #tpu.memory_space<vmem>> -> memref<1x8x32xf32, #tpu.memory_space<vmem>>
        %dma_start3A_2336 = tpu.memref_squeeze %dma_start3A_2335 : memref<1x8x32xf32, #tpu.memory_space<vmem>> -> memref<8x32xf32, #tpu.memory_space<vmem>>
        %dma_start3A_2337 = arith.constant 0 : i32
        %dma_start3A_2338 = arith.constant 0 : i32
        %dma_start3A_2339 = tpu.memref_slice %arg3[%shift_right_arithmetic3A_2323, %dma_start3A_2337, %dma_start3A_2338] : memref<125000x8x32xf32, #tpu.memory_space<hbm>> -> memref<1x8x32xf32, #tpu.memory_space<hbm>>
        %dma_start3A_2340 = tpu.memref_squeeze %dma_start3A_2339 : memref<1x8x32xf32, #tpu.memory_space<hbm>> -> memref<8x32xf32, #tpu.memory_space<hbm>>
        tpu.enqueue_dma source(%dma_start3A_2340 : memref<8x32xf32, #tpu.memory_space<hbm>>) target(%dma_start3A_2336 : memref<8x32xf32, #tpu.memory_space<vmem>>) target_semaphore(%arg9 : memref<!tpu.dma_semaphore, #tpu.memory_space<semaphore_mem>>)
        %slice3A_2341 = vector.extract_strided_slice %get3A_2235 {offsets = [5], sizes = [1], strides = [1]} : vector<16xi32> to vector<1xi32>
        %squeeze3A_2342 = vector.extract %slice3A_2341[0] : i32 from vector<1xi32>
        %shift_right_arithmetic3A_2343 = arith.constant 3 : i32
        %shift_right_arithmetic3A_2344 = arith.shrsi %squeeze3A_2342, %shift_right_arithmetic3A_2343 : i32
        %dma_start3A_2345 = arith.constant 5 : i32
        %dma_start3A_2346 = arith.constant 0 : i32
        %dma_start3A_2347 = arith.constant 0 : i32
        %dma_start3A_2348 = tpu.memref_slice %arg6[%dma_start3A_2345, %dma_start3A_2346, %dma_start3A_2347] : memref<16x8x32xf32, #tpu.memory_space<vmem>> -> memref<1x8x32xf32, #tpu.memory_space<vmem>>
        %dma_start3A_2349 = tpu.memref_squeeze %dma_start3A_2348 : memref<1x8x32xf32, #tpu.memory_space<vmem>> -> memref<8x32xf32, #tpu.memory_space<vmem>>
        %dma_start3A_2350 = arith.constant 0 : i32
        %dma_start3A_2351 = arith.constant 0 : i32
        %dma_start3A_2352 = tpu.memref_slice %arg3[%shift_right_arithmetic3A_2344, %dma_start3A_2350, %dma_start3A_2351] : memref<125000x8x32xf32, #tpu.memory_space<hbm>> -> memref<1x8x32xf32, #tpu.memory_space<hbm>>
        %dma_start3A_2353 = tpu.memref_squeeze %dma_start3A_2352 : memref<1x8x32xf32, #tpu.memory_space<hbm>> -> memref<8x32xf32, #tpu.memory_space<hbm>>
        %dma_start3A_2354 = arith.constant 0 : i32
        %dma_start3A_2355 = arith.constant 0 : i32
        %dma_start3A_2356 = tpu.memref_slice %arg6[%dma_start3A_2345, %dma_start3A_2354, %dma_start3A_2355] : memref<16x8x32xf32, #tpu.memory_space<vmem>> -> memref<1x8x32xf32, #tpu.memory_space<vmem>>
        %dma_start3A_2357 = tpu.memref_squeeze %dma_start3A_2356 : memref<1x8x32xf32, #tpu.memory_space<vmem>> -> memref<8x32xf32, #tpu.memory_space<vmem>>
        %dma_start3A_2358 = arith.constant 0 : i32
        %dma_start3A_2359 = arith.constant 0 : i32
        %dma_start3A_2360 = tpu.memref_slice %arg3[%shift_right_arithmetic3A_2344, %dma_start3A_2358, %dma_start3A_2359] : memref<125000x8x32xf32, #tpu.memory_space<hbm>> -> memref<1x8x32xf32, #tpu.memory_space<hbm>>
        %dma_start3A_2361 = tpu.memref_squeeze %dma_start3A_2360 : memref<1x8x32xf32, #tpu.memory_space<hbm>> -> memref<8x32xf32, #tpu.memory_space<hbm>>
        tpu.enqueue_dma source(%dma_start3A_2361 : memref<8x32xf32, #tpu.memory_space<hbm>>) target(%dma_start3A_2357 : memref<8x32xf32, #tpu.memory_space<vmem>>) target_semaphore(%arg9 : memref<!tpu.dma_semaphore, #tpu.memory_space<semaphore_mem>>)
        %slice3A_2362 = vector.extract_strided_slice %get3A_2235 {offsets = [6], sizes = [1], strides = [1]} : vector<16xi32> to vector<1xi32>
        %squeeze3A_2363 = vector.extract %slice3A_2362[0] : i32 from vector<1xi32>
        %shift_right_arithmetic3A_2364 = arith.constant 3 : i32
        %shift_right_arithmetic3A_2365 = arith.shrsi %squeeze3A_2363, %shift_right_arithmetic3A_2364 : i32
        %dma_start3A_2366 = arith.constant 6 : i32
        %dma_start3A_2367 = arith.constant 0 : i32
        %dma_start3A_2368 = arith.constant 0 : i32
        %dma_start3A_2369 = tpu.memref_slice %arg6[%dma_start3A_2366, %dma_start3A_2367, %dma_start3A_2368] : memref<16x8x32xf32, #tpu.memory_space<vmem>> -> memref<1x8x32xf32, #tpu.memory_space<vmem>>
        %dma_start3A_2370 = tpu.memref_squeeze %dma_start3A_2369 : memref<1x8x32xf32, #tpu.memory_space<vmem>> -> memref<8x32xf32, #tpu.memory_space<vmem>>
        %dma_start3A_2371 = arith.constant 0 : i32
        %dma_start3A_2372 = arith.constant 0 : i32
        %dma_start3A_2373 = tpu.memref_slice %arg3[%shift_right_arithmetic3A_2365, %dma_start3A_2371, %dma_start3A_2372] : memref<125000x8x32xf32, #tpu.memory_space<hbm>> -> memref<1x8x32xf32, #tpu.memory_space<hbm>>
        %dma_start3A_2374 = tpu.memref_squeeze %dma_start3A_2373 : memref<1x8x32xf32, #tpu.memory_space<hbm>> -> memref<8x32xf32, #tpu.memory_space<hbm>>
        %dma_start3A_2375 = arith.constant 0 : i32
        %dma_start3A_2376 = arith.constant 0 : i32
        %dma_start3A_2377 = tpu.memref_slice %arg6[%dma_start3A_2366, %dma_start3A_2375, %dma_start3A_2376] : memref<16x8x32xf32, #tpu.memory_space<vmem>> -> memref<1x8x32xf32, #tpu.memory_space<vmem>>
        %dma_start3A_2378 = tpu.memref_squeeze %dma_start3A_2377 : memref<1x8x32xf32, #tpu.memory_space<vmem>> -> memref<8x32xf32, #tpu.memory_space<vmem>>
        %dma_start3A_2379 = arith.constant 0 : i32
        %dma_start3A_2380 = arith.constant 0 : i32
        %dma_start3A_2381 = tpu.memref_slice %arg3[%shift_right_arithmetic3A_2365, %dma_start3A_2379, %dma_start3A_2380] : memref<125000x8x32xf32, #tpu.memory_space<hbm>> -> memref<1x8x32xf32, #tpu.memory_space<hbm>>
        %dma_start3A_2382 = tpu.memref_squeeze %dma_start3A_2381 : memref<1x8x32xf32, #tpu.memory_space<hbm>> -> memref<8x32xf32, #tpu.memory_space<hbm>>
        tpu.enqueue_dma source(%dma_start3A_2382 : memref<8x32xf32, #tpu.memory_space<hbm>>) target(%dma_start3A_2378 : memref<8x32xf32, #tpu.memory_space<vmem>>) target_semaphore(%arg9 : memref<!tpu.dma_semaphore, #tpu.memory_space<semaphore_mem>>)
        %slice3A_2383 = vector.extract_strided_slice %get3A_2235 {offsets = [7], sizes = [1], strides = [1]} : vector<16xi32> to vector<1xi32>
        %squeeze3A_2384 = vector.extract %slice3A_2383[0] : i32 from vector<1xi32>
        %shift_right_arithmetic3A_2385 = arith.constant 3 : i32
        %shift_right_arithmetic3A_2386 = arith.shrsi %squeeze3A_2384, %shift_right_arithmetic3A_2385 : i32
        %dma_start3A_2387 = arith.constant 7 : i32
        %dma_start3A_2388 = arith.constant 0 : i32
        %dma_start3A_2389 = arith.constant 0 : i32
        %dma_start3A_2390 = tpu.memref_slice %arg6[%dma_start3A_2387, %dma_start3A_2388, %dma_start3A_2389] : memref<16x8x32xf32, #tpu.memory_space<vmem>> -> memref<1x8x32xf32, #tpu.memory_space<vmem>>
        %dma_start3A_2391 = tpu.memref_squeeze %dma_start3A_2390 : memref<1x8x32xf32, #tpu.memory_space<vmem>> -> memref<8x32xf32, #tpu.memory_space<vmem>>
        %dma_start3A_2392 = arith.constant 0 : i32
        %dma_start3A_2393 = arith.constant 0 : i32
        %dma_start3A_2394 = tpu.memref_slice %arg3[%shift_right_arithmetic3A_2386, %dma_start3A_2392, %dma_start3A_2393] : memref<125000x8x32xf32, #tpu.memory_space<hbm>> -> memref<1x8x32xf32, #tpu.memory_space<hbm>>
        %dma_start3A_2395 = tpu.memref_squeeze %dma_start3A_2394 : memref<1x8x32xf32, #tpu.memory_space<hbm>> -> memref<8x32xf32, #tpu.memory_space<hbm>>
        %dma_start3A_2396 = arith.constant 0 : i32
        %dma_start3A_2397 = arith.constant 0 : i32
        %dma_start3A_2398 = tpu.memref_slice %arg6[%dma_start3A_2387, %dma_start3A_2396, %dma_start3A_2397] : memref<16x8x32xf32, #tpu.memory_space<vmem>> -> memref<1x8x32xf32, #tpu.memory_space<vmem>>
        %dma_start3A_2399 = tpu.memref_squeeze %dma_start3A_2398 : memref<1x8x32xf32, #tpu.memory_space<vmem>> -> memref<8x32xf32, #tpu.memory_space<vmem>>
        %dma_start3A_2400 = arith.constant 0 : i32
        %dma_start3A_2401 = arith.constant 0 : i32
        %dma_start3A_2402 = tpu.memref_slice %arg3[%shift_right_arithmetic3A_2386, %dma_start3A_2400, %dma_start3A_2401] : memref<125000x8x32xf32, #tpu.memory_space<hbm>> -> memref<1x8x32xf32, #tpu.memory_space<hbm>>
        %dma_start3A_2403 = tpu.memref_squeeze %dma_start3A_2402 : memref<1x8x32xf32, #tpu.memory_space<hbm>> -> memref<8x32xf32, #tpu.memory_space<hbm>>
        tpu.enqueue_dma source(%dma_start3A_2403 : memref<8x32xf32, #tpu.memory_space<hbm>>) target(%dma_start3A_2399 : memref<8x32xf32, #tpu.memory_space<vmem>>) target_semaphore(%arg9 : memref<!tpu.dma_semaphore, #tpu.memory_space<semaphore_mem>>)
        %slice3A_2404 = vector.extract_strided_slice %get3A_2235 {offsets = [8], sizes = [1], strides = [1]} : vector<16xi32> to vector<1xi32>
        %squeeze3A_2405 = vector.extract %slice3A_2404[0] : i32 from vector<1xi32>
        %shift_right_arithmetic3A_2406 = arith.constant 3 : i32
        %shift_right_arithmetic3A_2407 = arith.shrsi %squeeze3A_2405, %shift_right_arithmetic3A_2406 : i32
        %dma_start3A_2408 = arith.constant 8 : i32
        %dma_start3A_2409 = arith.constant 0 : i32
        %dma_start3A_2410 = arith.constant 0 : i32
        %dma_start3A_2411 = tpu.memref_slice %arg6[%dma_start3A_2408, %dma_start3A_2409, %dma_start3A_2410] : memref<16x8x32xf32, #tpu.memory_space<vmem>> -> memref<1x8x32xf32, #tpu.memory_space<vmem>>
        %dma_start3A_2412 = tpu.memref_squeeze %dma_start3A_2411 : memref<1x8x32xf32, #tpu.memory_space<vmem>> -> memref<8x32xf32, #tpu.memory_space<vmem>>
        %dma_start3A_2413 = arith.constant 0 : i32
        %dma_start3A_2414 = arith.constant 0 : i32
        %dma_start3A_2415 = tpu.memref_slice %arg3[%shift_right_arithmetic3A_2407, %dma_start3A_2413, %dma_start3A_2414] : memref<125000x8x32xf32, #tpu.memory_space<hbm>> -> memref<1x8x32xf32, #tpu.memory_space<hbm>>
        %dma_start3A_2416 = tpu.memref_squeeze %dma_start3A_2415 : memref<1x8x32xf32, #tpu.memory_space<hbm>> -> memref<8x32xf32, #tpu.memory_space<hbm>>
        %dma_start3A_2417 = arith.constant 0 : i32
        %dma_start3A_2418 = arith.constant 0 : i32
        %dma_start3A_2419 = tpu.memref_slice %arg6[%dma_start3A_2408, %dma_start3A_2417, %dma_start3A_2418] : memref<16x8x32xf32, #tpu.memory_space<vmem>> -> memref<1x8x32xf32, #tpu.memory_space<vmem>>
        %dma_start3A_2420 = tpu.memref_squeeze %dma_start3A_2419 : memref<1x8x32xf32, #tpu.memory_space<vmem>> -> memref<8x32xf32, #tpu.memory_space<vmem>>
        %dma_start3A_2421 = arith.constant 0 : i32
        %dma_start3A_2422 = arith.constant 0 : i32
        %dma_start3A_2423 = tpu.memref_slice %arg3[%shift_right_arithmetic3A_2407, %dma_start3A_2421, %dma_start3A_2422] : memref<125000x8x32xf32, #tpu.memory_space<hbm>> -> memref<1x8x32xf32, #tpu.memory_space<hbm>>
        %dma_start3A_2424 = tpu.memref_squeeze %dma_start3A_2423 : memref<1x8x32xf32, #tpu.memory_space<hbm>> -> memref<8x32xf32, #tpu.memory_space<hbm>>
        tpu.enqueue_dma source(%dma_start3A_2424 : memref<8x32xf32, #tpu.memory_space<hbm>>) target(%dma_start3A_2420 : memref<8x32xf32, #tpu.memory_space<vmem>>) target_semaphore(%arg9 : memref<!tpu.dma_semaphore, #tpu.memory_space<semaphore_mem>>)
        %slice3A_2425 = vector.extract_strided_slice %get3A_2235 {offsets = [9], sizes = [1], strides = [1]} : vector<16xi32> to vector<1xi32>
        %squeeze3A_2426 = vector.extract %slice3A_2425[0] : i32 from vector<1xi32>
        %shift_right_arithmetic3A_2427 = arith.constant 3 : i32
        %shift_right_arithmetic3A_2428 = arith.shrsi %squeeze3A_2426, %shift_right_arithmetic3A_2427 : i32
        %dma_start3A_2429 = arith.constant 9 : i32
        %dma_start3A_2430 = arith.constant 0 : i32
        %dma_start3A_2431 = arith.constant 0 : i32
        %dma_start3A_2432 = tpu.memref_slice %arg6[%dma_start3A_2429, %dma_start3A_2430, %dma_start3A_2431] : memref<16x8x32xf32, #tpu.memory_space<vmem>> -> memref<1x8x32xf32, #tpu.memory_space<vmem>>
        %dma_start3A_2433 = tpu.memref_squeeze %dma_start3A_2432 : memref<1x8x32xf32, #tpu.memory_space<vmem>> -> memref<8x32xf32, #tpu.memory_space<vmem>>
        %dma_start3A_2434 = arith.constant 0 : i32
        %dma_start3A_2435 = arith.constant 0 : i32
        %dma_start3A_2436 = tpu.memref_slice %arg3[%shift_right_arithmetic3A_2428, %dma_start3A_2434, %dma_start3A_2435] : memref<125000x8x32xf32, #tpu.memory_space<hbm>> -> memref<1x8x32xf32, #tpu.memory_space<hbm>>
        %dma_start3A_2437 = tpu.memref_squeeze %dma_start3A_2436 : memref<1x8x32xf32, #tpu.memory_space<hbm>> -> memref<8x32xf32, #tpu.memory_space<hbm>>
        %dma_start3A_2438 = arith.constant 0 : i32
        %dma_start3A_2439 = arith.constant 0 : i32
        %dma_start3A_2440 = tpu.memref_slice %arg6[%dma_start3A_2429, %dma_start3A_2438, %dma_start3A_2439] : memref<16x8x32xf32, #tpu.memory_space<vmem>> -> memref<1x8x32xf32, #tpu.memory_space<vmem>>
        %dma_start3A_2441 = tpu.memref_squeeze %dma_start3A_2440 : memref<1x8x32xf32, #tpu.memory_space<vmem>> -> memref<8x32xf32, #tpu.memory_space<vmem>>
        %dma_start3A_2442 = arith.constant 0 : i32
        %dma_start3A_2443 = arith.constant 0 : i32
        %dma_start3A_2444 = tpu.memref_slice %arg3[%shift_right_arithmetic3A_2428, %dma_start3A_2442, %dma_start3A_2443] : memref<125000x8x32xf32, #tpu.memory_space<hbm>> -> memref<1x8x32xf32, #tpu.memory_space<hbm>>
        %dma_start3A_2445 = tpu.memref_squeeze %dma_start3A_2444 : memref<1x8x32xf32, #tpu.memory_space<hbm>> -> memref<8x32xf32, #tpu.memory_space<hbm>>
        tpu.enqueue_dma source(%dma_start3A_2445 : memref<8x32xf32, #tpu.memory_space<hbm>>) target(%dma_start3A_2441 : memref<8x32xf32, #tpu.memory_space<vmem>>) target_semaphore(%arg9 : memref<!tpu.dma_semaphore, #tpu.memory_space<semaphore_mem>>)
        %slice3A_2446 = vector.extract_strided_slice %get3A_2235 {offsets = [10], sizes = [1], strides = [1]} : vector<16xi32> to vector<1xi32>
        %squeeze3A_2447 = vector.extract %slice3A_2446[0] : i32 from vector<1xi32>
        %shift_right_arithmetic3A_2448 = arith.constant 3 : i32
        %shift_right_arithmetic3A_2449 = arith.shrsi %squeeze3A_2447, %shift_right_arithmetic3A_2448 : i32
        %dma_start3A_2450 = arith.constant 10 : i32
        %dma_start3A_2451 = arith.constant 0 : i32
        %dma_start3A_2452 = arith.constant 0 : i32
        %dma_start3A_2453 = tpu.memref_slice %arg6[%dma_start3A_2450, %dma_start3A_2451, %dma_start3A_2452] : memref<16x8x32xf32, #tpu.memory_space<vmem>> -> memref<1x8x32xf32, #tpu.memory_space<vmem>>
        %dma_start3A_2454 = tpu.memref_squeeze %dma_start3A_2453 : memref<1x8x32xf32, #tpu.memory_space<vmem>> -> memref<8x32xf32, #tpu.memory_space<vmem>>
        %dma_start3A_2455 = arith.constant 0 : i32
        %dma_start3A_2456 = arith.constant 0 : i32
        %dma_start3A_2457 = tpu.memref_slice %arg3[%shift_right_arithmetic3A_2449, %dma_start3A_2455, %dma_start3A_2456] : memref<125000x8x32xf32, #tpu.memory_space<hbm>> -> memref<1x8x32xf32, #tpu.memory_space<hbm>>
        %dma_start3A_2458 = tpu.memref_squeeze %dma_start3A_2457 : memref<1x8x32xf32, #tpu.memory_space<hbm>> -> memref<8x32xf32, #tpu.memory_space<hbm>>
        %dma_start3A_2459 = arith.constant 0 : i32
        %dma_start3A_2460 = arith.constant 0 : i32
        %dma_start3A_2461 = tpu.memref_slice %arg6[%dma_start3A_2450, %dma_start3A_2459, %dma_start3A_2460] : memref<16x8x32xf32, #tpu.memory_space<vmem>> -> memref<1x8x32xf32, #tpu.memory_space<vmem>>
        %dma_start3A_2462 = tpu.memref_squeeze %dma_start3A_2461 : memref<1x8x32xf32, #tpu.memory_space<vmem>> -> memref<8x32xf32, #tpu.memory_space<vmem>>
        %dma_start3A_2463 = arith.constant 0 : i32
        %dma_start3A_2464 = arith.constant 0 : i32
        %dma_start3A_2465 = tpu.memref_slice %arg3[%shift_right_arithmetic3A_2449, %dma_start3A_2463, %dma_start3A_2464] : memref<125000x8x32xf32, #tpu.memory_space<hbm>> -> memref<1x8x32xf32, #tpu.memory_space<hbm>>
        %dma_start3A_2466 = tpu.memref_squeeze %dma_start3A_2465 : memref<1x8x32xf32, #tpu.memory_space<hbm>> -> memref<8x32xf32, #tpu.memory_space<hbm>>
        tpu.enqueue_dma source(%dma_start3A_2466 : memref<8x32xf32, #tpu.memory_space<hbm>>) target(%dma_start3A_2462 : memref<8x32xf32, #tpu.memory_space<vmem>>) target_semaphore(%arg9 : memref<!tpu.dma_semaphore, #tpu.memory_space<semaphore_mem>>)
        %slice3A_2467 = vector.extract_strided_slice %get3A_2235 {offsets = [11], sizes = [1], strides = [1]} : vector<16xi32> to vector<1xi32>
        %squeeze3A_2468 = vector.extract %slice3A_2467[0] : i32 from vector<1xi32>
        %shift_right_arithmetic3A_2469 = arith.constant 3 : i32
        %shift_right_arithmetic3A_2470 = arith.shrsi %squeeze3A_2468, %shift_right_arithmetic3A_2469 : i32
        %dma_start3A_2471 = arith.constant 11 : i32
        %dma_start3A_2472 = arith.constant 0 : i32
        %dma_start3A_2473 = arith.constant 0 : i32
        %dma_start3A_2474 = tpu.memref_slice %arg6[%dma_start3A_2471, %dma_start3A_2472, %dma_start3A_2473] : memref<16x8x32xf32, #tpu.memory_space<vmem>> -> memref<1x8x32xf32, #tpu.memory_space<vmem>>
        %dma_start3A_2475 = tpu.memref_squeeze %dma_start3A_2474 : memref<1x8x32xf32, #tpu.memory_space<vmem>> -> memref<8x32xf32, #tpu.memory_space<vmem>>
        %dma_start3A_2476 = arith.constant 0 : i32
        %dma_start3A_2477 = arith.constant 0 : i32
        %dma_start3A_2478 = tpu.memref_slice %arg3[%shift_right_arithmetic3A_2470, %dma_start3A_2476, %dma_start3A_2477] : memref<125000x8x32xf32, #tpu.memory_space<hbm>> -> memref<1x8x32xf32, #tpu.memory_space<hbm>>
        %dma_start3A_2479 = tpu.memref_squeeze %dma_start3A_2478 : memref<1x8x32xf32, #tpu.memory_space<hbm>> -> memref<8x32xf32, #tpu.memory_space<hbm>>
        %dma_start3A_2480 = arith.constant 0 : i32
        %dma_start3A_2481 = arith.constant 0 : i32
        %dma_start3A_2482 = tpu.memref_slice %arg6[%dma_start3A_2471, %dma_start3A_2480, %dma_start3A_2481] : memref<16x8x32xf32, #tpu.memory_space<vmem>> -> memref<1x8x32xf32, #tpu.memory_space<vmem>>
        %dma_start3A_2483 = tpu.memref_squeeze %dma_start3A_2482 : memref<1x8x32xf32, #tpu.memory_space<vmem>> -> memref<8x32xf32, #tpu.memory_space<vmem>>
        %dma_start3A_2484 = arith.constant 0 : i32
        %dma_start3A_2485 = arith.constant 0 : i32
        %dma_start3A_2486 = tpu.memref_slice %arg3[%shift_right_arithmetic3A_2470, %dma_start3A_2484, %dma_start3A_2485] : memref<125000x8x32xf32, #tpu.memory_space<hbm>> -> memref<1x8x32xf32, #tpu.memory_space<hbm>>
        %dma_start3A_2487 = tpu.memref_squeeze %dma_start3A_2486 : memref<1x8x32xf32, #tpu.memory_space<hbm>> -> memref<8x32xf32, #tpu.memory_space<hbm>>
        tpu.enqueue_dma source(%dma_start3A_2487 : memref<8x32xf32, #tpu.memory_space<hbm>>) target(%dma_start3A_2483 : memref<8x32xf32, #tpu.memory_space<vmem>>) target_semaphore(%arg9 : memref<!tpu.dma_semaphore, #tpu.memory_space<semaphore_mem>>)
        %slice3A_2488 = vector.extract_strided_slice %get3A_2235 {offsets = [12], sizes = [1], strides = [1]} : vector<16xi32> to vector<1xi32>
        %squeeze3A_2489 = vector.extract %slice3A_2488[0] : i32 from vector<1xi32>
        %shift_right_arithmetic3A_2490 = arith.constant 3 : i32
        %shift_right_arithmetic3A_2491 = arith.shrsi %squeeze3A_2489, %shift_right_arithmetic3A_2490 : i32
        %dma_start3A_2492 = arith.constant 12 : i32
        %dma_start3A_2493 = arith.constant 0 : i32
        %dma_start3A_2494 = arith.constant 0 : i32
        %dma_start3A_2495 = tpu.memref_slice %arg6[%dma_start3A_2492, %dma_start3A_2493, %dma_start3A_2494] : memref<16x8x32xf32, #tpu.memory_space<vmem>> -> memref<1x8x32xf32, #tpu.memory_space<vmem>>
        %dma_start3A_2496 = tpu.memref_squeeze %dma_start3A_2495 : memref<1x8x32xf32, #tpu.memory_space<vmem>> -> memref<8x32xf32, #tpu.memory_space<vmem>>
        %dma_start3A_2497 = arith.constant 0 : i32
        %dma_start3A_2498 = arith.constant 0 : i32
        %dma_start3A_2499 = tpu.memref_slice %arg3[%shift_right_arithmetic3A_2491, %dma_start3A_2497, %dma_start3A_2498] : memref<125000x8x32xf32, #tpu.memory_space<hbm>> -> memref<1x8x32xf32, #tpu.memory_space<hbm>>
        %dma_start3A_2500 = tpu.memref_squeeze %dma_start3A_2499 : memref<1x8x32xf32, #tpu.memory_space<hbm>> -> memref<8x32xf32, #tpu.memory_space<hbm>>
        %dma_start3A_2501 = arith.constant 0 : i32
        %dma_start3A_2502 = arith.constant 0 : i32
        %dma_start3A_2503 = tpu.memref_slice %arg6[%dma_start3A_2492, %dma_start3A_2501, %dma_start3A_2502] : memref<16x8x32xf32, #tpu.memory_space<vmem>> -> memref<1x8x32xf32, #tpu.memory_space<vmem>>
        %dma_start3A_2504 = tpu.memref_squeeze %dma_start3A_2503 : memref<1x8x32xf32, #tpu.memory_space<vmem>> -> memref<8x32xf32, #tpu.memory_space<vmem>>
        %dma_start3A_2505 = arith.constant 0 : i32
        %dma_start3A_2506 = arith.constant 0 : i32
        %dma_start3A_2507 = tpu.memref_slice %arg3[%shift_right_arithmetic3A_2491, %dma_start3A_2505, %dma_start3A_2506] : memref<125000x8x32xf32, #tpu.memory_space<hbm>> -> memref<1x8x32xf32, #tpu.memory_space<hbm>>
        %dma_start3A_2508 = tpu.memref_squeeze %dma_start3A_2507 : memref<1x8x32xf32, #tpu.memory_space<hbm>> -> memref<8x32xf32, #tpu.memory_space<hbm>>
        tpu.enqueue_dma source(%dma_start3A_2508 : memref<8x32xf32, #tpu.memory_space<hbm>>) target(%dma_start3A_2504 : memref<8x32xf32, #tpu.memory_space<vmem>>) target_semaphore(%arg9 : memref<!tpu.dma_semaphore, #tpu.memory_space<semaphore_mem>>)
        %slice3A_2509 = vector.extract_strided_slice %get3A_2235 {offsets = [13], sizes = [1], strides = [1]} : vector<16xi32> to vector<1xi32>
        %squeeze3A_2510 = vector.extract %slice3A_2509[0] : i32 from vector<1xi32>
        %shift_right_arithmetic3A_2511 = arith.constant 3 : i32
        %shift_right_arithmetic3A_2512 = arith.shrsi %squeeze3A_2510, %shift_right_arithmetic3A_2511 : i32
        %dma_start3A_2513 = arith.constant 13 : i32
        %dma_start3A_2514 = arith.constant 0 : i32
        %dma_start3A_2515 = arith.constant 0 : i32
        %dma_start3A_2516 = tpu.memref_slice %arg6[%dma_start3A_2513, %dma_start3A_2514, %dma_start3A_2515] : memref<16x8x32xf32, #tpu.memory_space<vmem>> -> memref<1x8x32xf32, #tpu.memory_space<vmem>>
        %dma_start3A_2517 = tpu.memref_squeeze %dma_start3A_2516 : memref<1x8x32xf32, #tpu.memory_space<vmem>> -> memref<8x32xf32, #tpu.memory_space<vmem>>
        %dma_start3A_2518 = arith.constant 0 : i32
        %dma_start3A_2519 = arith.constant 0 : i32
        %dma_start3A_2520 = tpu.memref_slice %arg3[%shift_right_arithmetic3A_2512, %dma_start3A_2518, %dma_start3A_2519] : memref<125000x8x32xf32, #tpu.memory_space<hbm>> -> memref<1x8x32xf32, #tpu.memory_space<hbm>>
        %dma_start3A_2521 = tpu.memref_squeeze %dma_start3A_2520 : memref<1x8x32xf32, #tpu.memory_space<hbm>> -> memref<8x32xf32, #tpu.memory_space<hbm>>
        %dma_start3A_2522 = arith.constant 0 : i32
        %dma_start3A_2523 = arith.constant 0 : i32
        %dma_start3A_2524 = tpu.memref_slice %arg6[%dma_start3A_2513, %dma_start3A_2522, %dma_start3A_2523] : memref<16x8x32xf32, #tpu.memory_space<vmem>> -> memref<1x8x32xf32, #tpu.memory_space<vmem>>
        %dma_start3A_2525 = tpu.memref_squeeze %dma_start3A_2524 : memref<1x8x32xf32, #tpu.memory_space<vmem>> -> memref<8x32xf32, #tpu.memory_space<vmem>>
        %dma_start3A_2526 = arith.constant 0 : i32
        %dma_start3A_2527 = arith.constant 0 : i32
        %dma_start3A_2528 = tpu.memref_slice %arg3[%shift_right_arithmetic3A_2512, %dma_start3A_2526, %dma_start3A_2527] : memref<125000x8x32xf32, #tpu.memory_space<hbm>> -> memref<1x8x32xf32, #tpu.memory_space<hbm>>
        %dma_start3A_2529 = tpu.memref_squeeze %dma_start3A_2528 : memref<1x8x32xf32, #tpu.memory_space<hbm>> -> memref<8x32xf32, #tpu.memory_space<hbm>>
        tpu.enqueue_dma source(%dma_start3A_2529 : memref<8x32xf32, #tpu.memory_space<hbm>>) target(%dma_start3A_2525 : memref<8x32xf32, #tpu.memory_space<vmem>>) target_semaphore(%arg9 : memref<!tpu.dma_semaphore, #tpu.memory_space<semaphore_mem>>)
        %slice3A_2530 = vector.extract_strided_slice %get3A_2235 {offsets = [14], sizes = [1], strides = [1]} : vector<16xi32> to vector<1xi32>
        %squeeze3A_2531 = vector.extract %slice3A_2530[0] : i32 from vector<1xi32>
        %shift_right_arithmetic3A_2532 = arith.constant 3 : i32
        %shift_right_arithmetic3A_2533 = arith.shrsi %squeeze3A_2531, %shift_right_arithmetic3A_2532 : i32
        %dma_start3A_2534 = arith.constant 14 : i32
        %dma_start3A_2535 = arith.constant 0 : i32
        %dma_start3A_2536 = arith.constant 0 : i32
        %dma_start3A_2537 = tpu.memref_slice %arg6[%dma_start3A_2534, %dma_start3A_2535, %dma_start3A_2536] : memref<16x8x32xf32, #tpu.memory_space<vmem>> -> memref<1x8x32xf32, #tpu.memory_space<vmem>>
        %dma_start3A_2538 = tpu.memref_squeeze %dma_start3A_2537 : memref<1x8x32xf32, #tpu.memory_space<vmem>> -> memref<8x32xf32, #tpu.memory_space<vmem>>
        %dma_start3A_2539 = arith.constant 0 : i32
        %dma_start3A_2540 = arith.constant 0 : i32
        %dma_start3A_2541 = tpu.memref_slice %arg3[%shift_right_arithmetic3A_2533, %dma_start3A_2539, %dma_start3A_2540] : memref<125000x8x32xf32, #tpu.memory_space<hbm>> -> memref<1x8x32xf32, #tpu.memory_space<hbm>>
        %dma_start3A_2542 = tpu.memref_squeeze %dma_start3A_2541 : memref<1x8x32xf32, #tpu.memory_space<hbm>> -> memref<8x32xf32, #tpu.memory_space<hbm>>
        %dma_start3A_2543 = arith.constant 0 : i32
        %dma_start3A_2544 = arith.constant 0 : i32
        %dma_start3A_2545 = tpu.memref_slice %arg6[%dma_start3A_2534, %dma_start3A_2543, %dma_start3A_2544] : memref<16x8x32xf32, #tpu.memory_space<vmem>> -> memref<1x8x32xf32, #tpu.memory_space<vmem>>
        %dma_start3A_2546 = tpu.memref_squeeze %dma_start3A_2545 : memref<1x8x32xf32, #tpu.memory_space<vmem>> -> memref<8x32xf32, #tpu.memory_space<vmem>>
        %dma_start3A_2547 = arith.constant 0 : i32
        %dma_start3A_2548 = arith.constant 0 : i32
        %dma_start3A_2549 = tpu.memref_slice %arg3[%shift_right_arithmetic3A_2533, %dma_start3A_2547, %dma_start3A_2548] : memref<125000x8x32xf32, #tpu.memory_space<hbm>> -> memref<1x8x32xf32, #tpu.memory_space<hbm>>
        %dma_start3A_2550 = tpu.memref_squeeze %dma_start3A_2549 : memref<1x8x32xf32, #tpu.memory_space<hbm>> -> memref<8x32xf32, #tpu.memory_space<hbm>>
        tpu.enqueue_dma source(%dma_start3A_2550 : memref<8x32xf32, #tpu.memory_space<hbm>>) target(%dma_start3A_2546 : memref<8x32xf32, #tpu.memory_space<vmem>>) target_semaphore(%arg9 : memref<!tpu.dma_semaphore, #tpu.memory_space<semaphore_mem>>)
        %slice3A_2551 = vector.extract_strided_slice %get3A_2235 {offsets = [15], sizes = [1], strides = [1]} : vector<16xi32> to vector<1xi32>
        %squeeze3A_2552 = vector.extract %slice3A_2551[0] : i32 from vector<1xi32>
        %shift_right_arithmetic3A_2553 = arith.constant 3 : i32
        %shift_right_arithmetic3A_2554 = arith.shrsi %squeeze3A_2552, %shift_right_arithmetic3A_2553 : i32
        %dma_start3A_2555 = arith.constant 15 : i32
        %dma_start3A_2556 = arith.constant 0 : i32
        %dma_start3A_2557 = arith.constant 0 : i32
        %dma_start3A_2558 = tpu.memref_slice %arg6[%dma_start3A_2555, %dma_start3A_2556, %dma_start3A_2557] : memref<16x8x32xf32, #tpu.memory_space<vmem>> -> memref<1x8x32xf32, #tpu.memory_space<vmem>>
        %dma_start3A_2559 = tpu.memref_squeeze %dma_start3A_2558 : memref<1x8x32xf32, #tpu.memory_space<vmem>> -> memref<8x32xf32, #tpu.memory_space<vmem>>
        %dma_start3A_2560 = arith.constant 0 : i32
        %dma_start3A_2561 = arith.constant 0 : i32
        %dma_start3A_2562 = tpu.memref_slice %arg3[%shift_right_arithmetic3A_2554, %dma_start3A_2560, %dma_start3A_2561] : memref<125000x8x32xf32, #tpu.memory_space<hbm>> -> memref<1x8x32xf32, #tpu.memory_space<hbm>>
        %dma_start3A_2563 = tpu.memref_squeeze %dma_start3A_2562 : memref<1x8x32xf32, #tpu.memory_space<hbm>> -> memref<8x32xf32, #tpu.memory_space<hbm>>
        %dma_start3A_2564 = arith.constant 0 : i32
        %dma_start3A_2565 = arith.constant 0 : i32
        %dma_start3A_2566 = tpu.memref_slice %arg6[%dma_start3A_2555, %dma_start3A_2564, %dma_start3A_2565] : memref<16x8x32xf32, #tpu.memory_space<vmem>> -> memref<1x8x32xf32, #tpu.memory_space<vmem>>
        %dma_start3A_2567 = tpu.memref_squeeze %dma_start3A_2566 : memref<1x8x32xf32, #tpu.memory_space<vmem>> -> memref<8x32xf32, #tpu.memory_space<vmem>>
        %dma_start3A_2568 = arith.constant 0 : i32
        %dma_start3A_2569 = arith.constant 0 : i32
        %dma_start3A_2570 = tpu.memref_slice %arg3[%shift_right_arithmetic3A_2554, %dma_start3A_2568, %dma_start3A_2569] : memref<125000x8x32xf32, #tpu.memory_space<hbm>> -> memref<1x8x32xf32, #tpu.memory_space<hbm>>
        %dma_start3A_2571 = tpu.memref_squeeze %dma_start3A_2570 : memref<1x8x32xf32, #tpu.memory_space<hbm>> -> memref<8x32xf32, #tpu.memory_space<hbm>>
        tpu.enqueue_dma source(%dma_start3A_2571 : memref<8x32xf32, #tpu.memory_space<hbm>>) target(%dma_start3A_2567 : memref<8x32xf32, #tpu.memory_space<vmem>>) target_semaphore(%arg9 : memref<!tpu.dma_semaphore, #tpu.memory_space<semaphore_mem>>)
      } else {
      }
      %get3A_1460 = arith.index_cast %add3A_348 : i32 to index
      %get3A_1461 = tpu.vector_load %arg5[%get3A_1460] {strides = array<i32>} : memref<512xi32, #tpu.memory_space<vmem>>, vector<16xi32>,
      %get3A_1462 = vector.shape_cast %get3A_1461 : vector<16xi32> to vector<16xi32>
      %dma_wait3A_1463 = arith.constant 0 : i32
      %dma_wait3A_1464 = arith.constant 0 : i32
      %dma_wait3A_1465 = arith.constant 0 : i32
      %dma_wait3A_1466 = arith.constant 0 : i32
      %dma_wait3A_1467 = tpu.memref_slice %arg7[%dma_wait3A_1464, %dma_wait3A_1465, %dma_wait3A_1466] : memref<16x8x32xf32, #tpu.memory_space<vmem>> -> memref<1x8x32xf32, #tpu.memory_space<vmem>>
      %dma_wait3A_1468 = tpu.memref_squeeze %dma_wait3A_1467 : memref<1x8x32xf32, #tpu.memory_space<vmem>> -> memref<8x32xf32, #tpu.memory_space<vmem>>
      %dma_wait3A_1469 = arith.constant 0 : i32
      %dma_wait3A_1470 = arith.constant 0 : i32
      %dma_wait3A_1471 = tpu.memref_slice %arg3[%dma_wait3A_1463, %dma_wait3A_1469, %dma_wait3A_1470] : memref<125000x8x32xf32, #tpu.memory_space<hbm>> -> memref<1x8x32xf32, #tpu.memory_space<hbm>>
      %dma_wait3A_1472 = tpu.memref_squeeze %dma_wait3A_1471 : memref<1x8x32xf32, #tpu.memory_space<hbm>> -> memref<8x32xf32, #tpu.memory_space<hbm>>
      %dma_wait3A_1473 = arith.constant 0 : i32
      %dma_wait3A_1474 = arith.constant 0 : i32
      %dma_wait3A_1475 = tpu.memref_slice %arg7[%dma_wait3A_1464, %dma_wait3A_1473, %dma_wait3A_1474] : memref<16x8x32xf32, #tpu.memory_space<vmem>> -> memref<1x8x32xf32, #tpu.memory_space<vmem>>
      %dma_wait3A_1476 = tpu.memref_squeeze %dma_wait3A_1475 : memref<1x8x32xf32, #tpu.memory_space<vmem>> -> memref<8x32xf32, #tpu.memory_space<vmem>>
      %dma_wait3A_1477 = arith.constant 0 : i32
      %dma_wait3A_1478 = arith.constant 0 : i32
      %dma_wait3A_1479 = tpu.memref_slice %arg3[%dma_wait3A_1463, %dma_wait3A_1477, %dma_wait3A_1478] : memref<125000x8x32xf32, #tpu.memory_space<hbm>> -> memref<1x8x32xf32, #tpu.memory_space<hbm>>
      %dma_wait3A_1480 = tpu.memref_squeeze %dma_wait3A_1479 : memref<1x8x32xf32, #tpu.memory_space<hbm>> -> memref<8x32xf32, #tpu.memory_space<hbm>>
      tpu.wait_dma2 semaphore(%arg10 : memref<!tpu.dma_semaphore, #tpu.memory_space<semaphore_mem>>) src(%dma_wait3A_1480 : memref<8x32xf32, #tpu.memory_space<hbm>>) dst(%dma_wait3A_1476 : memref<8x32xf32, #tpu.memory_space<vmem>>)
      %dma_wait3A_1481 = arith.constant 0 : i32
      %dma_wait3A_1482 = arith.constant 0 : i32
      %dma_wait3A_1483 = arith.constant 0 : i32
      %dma_wait3A_1484 = arith.constant 0 : i32
      %dma_wait3A_1485 = tpu.memref_slice %arg7[%dma_wait3A_1482, %dma_wait3A_1483, %dma_wait3A_1484] : memref<16x8x32xf32, #tpu.memory_space<vmem>> -> memref<1x8x32xf32, #tpu.memory_space<vmem>>
      %dma_wait3A_1486 = tpu.memref_squeeze %dma_wait3A_1485 : memref<1x8x32xf32, #tpu.memory_space<vmem>> -> memref<8x32xf32, #tpu.memory_space<vmem>>
      %dma_wait3A_1487 = arith.constant 0 : i32
      %dma_wait3A_1488 = arith.constant 0 : i32
      %dma_wait3A_1489 = tpu.memref_slice %arg3[%dma_wait3A_1481, %dma_wait3A_1487, %dma_wait3A_1488] : memref<125000x8x32xf32, #tpu.memory_space<hbm>> -> memref<1x8x32xf32, #tpu.memory_space<hbm>>
      %dma_wait3A_1490 = tpu.memref_squeeze %dma_wait3A_1489 : memref<1x8x32xf32, #tpu.memory_space<hbm>> -> memref<8x32xf32, #tpu.memory_space<hbm>>
      %dma_wait3A_1491 = arith.constant 0 : i32
      %dma_wait3A_1492 = arith.constant 0 : i32
      %dma_wait3A_1493 = tpu.memref_slice %arg7[%dma_wait3A_1482, %dma_wait3A_1491, %dma_wait3A_1492] : memref<16x8x32xf32, #tpu.memory_space<vmem>> -> memref<1x8x32xf32, #tpu.memory_space<vmem>>
      %dma_wait3A_1494 = tpu.memref_squeeze %dma_wait3A_1493 : memref<1x8x32xf32, #tpu.memory_space<vmem>> -> memref<8x32xf32, #tpu.memory_space<vmem>>
      %dma_wait3A_1495 = arith.constant 0 : i32
      %dma_wait3A_1496 = arith.constant 0 : i32
      %dma_wait3A_1497 = tpu.memref_slice %arg3[%dma_wait3A_1481, %dma_wait3A_1495, %dma_wait3A_1496] : memref<125000x8x32xf32, #tpu.memory_space<hbm>> -> memref<1x8x32xf32, #tpu.memory_space<hbm>>
      %dma_wait3A_1498 = tpu.memref_squeeze %dma_wait3A_1497 : memref<1x8x32xf32, #tpu.memory_space<hbm>> -> memref<8x32xf32, #tpu.memory_space<hbm>>
      tpu.wait_dma2 semaphore(%arg10 : memref<!tpu.dma_semaphore, #tpu.memory_space<semaphore_mem>>) src(%dma_wait3A_1498 : memref<8x32xf32, #tpu.memory_space<hbm>>) dst(%dma_wait3A_1494 : memref<8x32xf32, #tpu.memory_space<vmem>>)
      %dma_wait3A_1499 = arith.constant 0 : i32
      %dma_wait3A_1500 = arith.constant 0 : i32
      %dma_wait3A_1501 = arith.constant 0 : i32
      %dma_wait3A_1502 = arith.constant 0 : i32
      %dma_wait3A_1503 = tpu.memref_slice %arg7[%dma_wait3A_1500, %dma_wait3A_1501, %dma_wait3A_1502] : memref<16x8x32xf32, #tpu.memory_space<vmem>> -> memref<1x8x32xf32, #tpu.memory_space<vmem>>
      %dma_wait3A_1504 = tpu.memref_squeeze %dma_wait3A_1503 : memref<1x8x32xf32, #tpu.memory_space<vmem>> -> memref<8x32xf32, #tpu.memory_space<vmem>>
      %dma_wait3A_1505 = arith.constant 0 : i32
      %dma_wait3A_1506 = arith.constant 0 : i32
      %dma_wait3A_1507 = tpu.memref_slice %arg3[%dma_wait3A_1499, %dma_wait3A_1505, %dma_wait3A_1506] : memref<125000x8x32xf32, #tpu.memory_space<hbm>> -> memref<1x8x32xf32, #tpu.memory_space<hbm>>
      %dma_wait3A_1508 = tpu.memref_squeeze %dma_wait3A_1507 : memref<1x8x32xf32, #tpu.memory_space<hbm>> -> memref<8x32xf32, #tpu.memory_space<hbm>>
      %dma_wait3A_1509 = arith.constant 0 : i32
      %dma_wait3A_1510 = arith.constant 0 : i32
      %dma_wait3A_1511 = tpu.memref_slice %arg7[%dma_wait3A_1500, %dma_wait3A_1509, %dma_wait3A_1510] : memref<16x8x32xf32, #tpu.memory_space<vmem>> -> memref<1x8x32xf32, #tpu.memory_space<vmem>>
      %dma_wait3A_1512 = tpu.memref_squeeze %dma_wait3A_1511 : memref<1x8x32xf32, #tpu.memory_space<vmem>> -> memref<8x32xf32, #tpu.memory_space<vmem>>
      %dma_wait3A_1513 = arith.constant 0 : i32
      %dma_wait3A_1514 = arith.constant 0 : i32
      %dma_wait3A_1515 = tpu.memref_slice %arg3[%dma_wait3A_1499, %dma_wait3A_1513, %dma_wait3A_1514] : memref<125000x8x32xf32, #tpu.memory_space<hbm>> -> memref<1x8x32xf32, #tpu.memory_space<hbm>>
      %dma_wait3A_1516 = tpu.memref_squeeze %dma_wait3A_1515 : memref<1x8x32xf32, #tpu.memory_space<hbm>> -> memref<8x32xf32, #tpu.memory_space<hbm>>
      tpu.wait_dma2 semaphore(%arg10 : memref<!tpu.dma_semaphore, #tpu.memory_space<semaphore_mem>>) src(%dma_wait3A_1516 : memref<8x32xf32, #tpu.memory_space<hbm>>) dst(%dma_wait3A_1512 : memref<8x32xf32, #tpu.memory_space<vmem>>)
      %dma_wait3A_1517 = arith.constant 0 : i32
      %dma_wait3A_1518 = arith.constant 0 : i32
      %dma_wait3A_1519 = arith.constant 0 : i32
      %dma_wait3A_1520 = arith.constant 0 : i32
      %dma_wait3A_1521 = tpu.memref_slice %arg7[%dma_wait3A_1518, %dma_wait3A_1519, %dma_wait3A_1520] : memref<16x8x32xf32, #tpu.memory_space<vmem>> -> memref<1x8x32xf32, #tpu.memory_space<vmem>>
      %dma_wait3A_1522 = tpu.memref_squeeze %dma_wait3A_1521 : memref<1x8x32xf32, #tpu.memory_space<vmem>> -> memref<8x32xf32, #tpu.memory_space<vmem>>
      %dma_wait3A_1523 = arith.constant 0 : i32
      %dma_wait3A_1524 = arith.constant 0 : i32
      %dma_wait3A_1525 = tpu.memref_slice %arg3[%dma_wait3A_1517, %dma_wait3A_1523, %dma_wait3A_1524] : memref<125000x8x32xf32, #tpu.memory_space<hbm>> -> memref<1x8x32xf32, #tpu.memory_space<hbm>>
      %dma_wait3A_1526 = tpu.memref_squeeze %dma_wait3A_1525 : memref<1x8x32xf32, #tpu.memory_space<hbm>> -> memref<8x32xf32, #tpu.memory_space<hbm>>
      %dma_wait3A_1527 = arith.constant 0 : i32
      %dma_wait3A_1528 = arith.constant 0 : i32
      %dma_wait3A_1529 = tpu.memref_slice %arg7[%dma_wait3A_1518, %dma_wait3A_1527, %dma_wait3A_1528] : memref<16x8x32xf32, #tpu.memory_space<vmem>> -> memref<1x8x32xf32, #tpu.memory_space<vmem>>
      %dma_wait3A_1530 = tpu.memref_squeeze %dma_wait3A_1529 : memref<1x8x32xf32, #tpu.memory_space<vmem>> -> memref<8x32xf32, #tpu.memory_space<vmem>>
      %dma_wait3A_1531 = arith.constant 0 : i32
      %dma_wait3A_1532 = arith.constant 0 : i32
      %dma_wait3A_1533 = tpu.memref_slice %arg3[%dma_wait3A_1517, %dma_wait3A_1531, %dma_wait3A_1532] : memref<125000x8x32xf32, #tpu.memory_space<hbm>> -> memref<1x8x32xf32, #tpu.memory_space<hbm>>
      %dma_wait3A_1534 = tpu.memref_squeeze %dma_wait3A_1533 : memref<1x8x32xf32, #tpu.memory_space<hbm>> -> memref<8x32xf32, #tpu.memory_space<hbm>>
      tpu.wait_dma2 semaphore(%arg10 : memref<!tpu.dma_semaphore, #tpu.memory_space<semaphore_mem>>) src(%dma_wait3A_1534 : memref<8x32xf32, #tpu.memory_space<hbm>>) dst(%dma_wait3A_1530 : memref<8x32xf32, #tpu.memory_space<vmem>>)
      %dma_wait3A_1535 = arith.constant 0 : i32
      %dma_wait3A_1536 = arith.constant 0 : i32
      %dma_wait3A_1537 = arith.constant 0 : i32
      %dma_wait3A_1538 = arith.constant 0 : i32
      %dma_wait3A_1539 = tpu.memref_slice %arg7[%dma_wait3A_1536, %dma_wait3A_1537, %dma_wait3A_1538] : memref<16x8x32xf32, #tpu.memory_space<vmem>> -> memref<1x8x32xf32, #tpu.memory_space<vmem>>
      %dma_wait3A_1540 = tpu.memref_squeeze %dma_wait3A_1539 : memref<1x8x32xf32, #tpu.memory_space<vmem>> -> memref<8x32xf32, #tpu.memory_space<vmem>>
      %dma_wait3A_1541 = arith.constant 0 : i32
      %dma_wait3A_1542 = arith.constant 0 : i32
      %dma_wait3A_1543 = tpu.memref_slice %arg3[%dma_wait3A_1535, %dma_wait3A_1541, %dma_wait3A_1542] : memref<125000x8x32xf32, #tpu.memory_space<hbm>> -> memref<1x8x32xf32, #tpu.memory_space<hbm>>
      %dma_wait3A_1544 = tpu.memref_squeeze %dma_wait3A_1543 : memref<1x8x32xf32, #tpu.memory_space<hbm>> -> memref<8x32xf32, #tpu.memory_space<hbm>>
      %dma_wait3A_1545 = arith.constant 0 : i32
      %dma_wait3A_1546 = arith.constant 0 : i32
      %dma_wait3A_1547 = tpu.memref_slice %arg7[%dma_wait3A_1536, %dma_wait3A_1545, %dma_wait3A_1546] : memref<16x8x32xf32, #tpu.memory_space<vmem>> -> memref<1x8x32xf32, #tpu.memory_space<vmem>>
      %dma_wait3A_1548 = tpu.memref_squeeze %dma_wait3A_1547 : memref<1x8x32xf32, #tpu.memory_space<vmem>> -> memref<8x32xf32, #tpu.memory_space<vmem>>
      %dma_wait3A_1549 = arith.constant 0 : i32
      %dma_wait3A_1550 = arith.constant 0 : i32
      %dma_wait3A_1551 = tpu.memref_slice %arg3[%dma_wait3A_1535, %dma_wait3A_1549, %dma_wait3A_1550] : memref<125000x8x32xf32, #tpu.memory_space<hbm>> -> memref<1x8x32xf32, #tpu.memory_space<hbm>>
      %dma_wait3A_1552 = tpu.memref_squeeze %dma_wait3A_1551 : memref<1x8x32xf32, #tpu.memory_space<hbm>> -> memref<8x32xf32, #tpu.memory_space<hbm>>
      tpu.wait_dma2 semaphore(%arg10 : memref<!tpu.dma_semaphore, #tpu.memory_space<semaphore_mem>>) src(%dma_wait3A_1552 : memref<8x32xf32, #tpu.memory_space<hbm>>) dst(%dma_wait3A_1548 : memref<8x32xf32, #tpu.memory_space<vmem>>)
      %dma_wait3A_1553 = arith.constant 0 : i32
      %dma_wait3A_1554 = arith.constant 0 : i32
      %dma_wait3A_1555 = arith.constant 0 : i32
      %dma_wait3A_1556 = arith.constant 0 : i32
      %dma_wait3A_1557 = tpu.memref_slice %arg7[%dma_wait3A_1554, %dma_wait3A_1555, %dma_wait3A_1556] : memref<16x8x32xf32, #tpu.memory_space<vmem>> -> memref<1x8x32xf32, #tpu.memory_space<vmem>>
      %dma_wait3A_1558 = tpu.memref_squeeze %dma_wait3A_1557 : memref<1x8x32xf32, #tpu.memory_space<vmem>> -> memref<8x32xf32, #tpu.memory_space<vmem>>
      %dma_wait3A_1559 = arith.constant 0 : i32
      %dma_wait3A_1560 = arith.constant 0 : i32
      %dma_wait3A_1561 = tpu.memref_slice %arg3[%dma_wait3A_1553, %dma_wait3A_1559, %dma_wait3A_1560] : memref<125000x8x32xf32, #tpu.memory_space<hbm>> -> memref<1x8x32xf32, #tpu.memory_space<hbm>>
      %dma_wait3A_1562 = tpu.memref_squeeze %dma_wait3A_1561 : memref<1x8x32xf32, #tpu.memory_space<hbm>> -> memref<8x32xf32, #tpu.memory_space<hbm>>
      %dma_wait3A_1563 = arith.constant 0 : i32
      %dma_wait3A_1564 = arith.constant 0 : i32
      %dma_wait3A_1565 = tpu.memref_slice %arg7[%dma_wait3A_1554, %dma_wait3A_1563, %dma_wait3A_1564] : memref<16x8x32xf32, #tpu.memory_space<vmem>> -> memref<1x8x32xf32, #tpu.memory_space<vmem>>
      %dma_wait3A_1566 = tpu.memref_squeeze %dma_wait3A_1565 : memref<1x8x32xf32, #tpu.memory_space<vmem>> -> memref<8x32xf32, #tpu.memory_space<vmem>>
      %dma_wait3A_1567 = arith.constant 0 : i32
      %dma_wait3A_1568 = arith.constant 0 : i32
      %dma_wait3A_1569 = tpu.memref_slice %arg3[%dma_wait3A_1553, %dma_wait3A_1567, %dma_wait3A_1568] : memref<125000x8x32xf32, #tpu.memory_space<hbm>> -> memref<1x8x32xf32, #tpu.memory_space<hbm>>
      %dma_wait3A_1570 = tpu.memref_squeeze %dma_wait3A_1569 : memref<1x8x32xf32, #tpu.memory_space<hbm>> -> memref<8x32xf32, #tpu.memory_space<hbm>>
      tpu.wait_dma2 semaphore(%arg10 : memref<!tpu.dma_semaphore, #tpu.memory_space<semaphore_mem>>) src(%dma_wait3A_1570 : memref<8x32xf32, #tpu.memory_space<hbm>>) dst(%dma_wait3A_1566 : memref<8x32xf32, #tpu.memory_space<vmem>>)
      %dma_wait3A_1571 = arith.constant 0 : i32
      %dma_wait3A_1572 = arith.constant 0 : i32
      %dma_wait3A_1573 = arith.constant 0 : i32
      %dma_wait3A_1574 = arith.constant 0 : i32
      %dma_wait3A_1575 = tpu.memref_slice %arg7[%dma_wait3A_1572, %dma_wait3A_1573, %dma_wait3A_1574] : memref<16x8x32xf32, #tpu.memory_space<vmem>> -> memref<1x8x32xf32, #tpu.memory_space<vmem>>
      %dma_wait3A_1576 = tpu.memref_squeeze %dma_wait3A_1575 : memref<1x8x32xf32, #tpu.memory_space<vmem>> -> memref<8x32xf32, #tpu.memory_space<vmem>>
      %dma_wait3A_1577 = arith.constant 0 : i32
      %dma_wait3A_1578 = arith.constant 0 : i32
      %dma_wait3A_1579 = tpu.memref_slice %arg3[%dma_wait3A_1571, %dma_wait3A_1577, %dma_wait3A_1578] : memref<125000x8x32xf32, #tpu.memory_space<hbm>> -> memref<1x8x32xf32, #tpu.memory_space<hbm>>
      %dma_wait3A_1580 = tpu.memref_squeeze %dma_wait3A_1579 : memref<1x8x32xf32, #tpu.memory_space<hbm>> -> memref<8x32xf32, #tpu.memory_space<hbm>>
      %dma_wait3A_1581 = arith.constant 0 : i32
      %dma_wait3A_1582 = arith.constant 0 : i32
      %dma_wait3A_1583 = tpu.memref_slice %arg7[%dma_wait3A_1572, %dma_wait3A_1581, %dma_wait3A_1582] : memref<16x8x32xf32, #tpu.memory_space<vmem>> -> memref<1x8x32xf32, #tpu.memory_space<vmem>>
      %dma_wait3A_1584 = tpu.memref_squeeze %dma_wait3A_1583 : memref<1x8x32xf32, #tpu.memory_space<vmem>> -> memref<8x32xf32, #tpu.memory_space<vmem>>
      %dma_wait3A_1585 = arith.constant 0 : i32
      %dma_wait3A_1586 = arith.constant 0 : i32
      %dma_wait3A_1587 = tpu.memref_slice %arg3[%dma_wait3A_1571, %dma_wait3A_1585, %dma_wait3A_1586] : memref<125000x8x32xf32, #tpu.memory_space<hbm>> -> memref<1x8x32xf32, #tpu.memory_space<hbm>>
      %dma_wait3A_1588 = tpu.memref_squeeze %dma_wait3A_1587 : memref<1x8x32xf32, #tpu.memory_space<hbm>> -> memref<8x32xf32, #tpu.memory_space<hbm>>
      tpu.wait_dma2 semaphore(%arg10 : memref<!tpu.dma_semaphore, #tpu.memory_space<semaphore_mem>>) src(%dma_wait3A_1588 : memref<8x32xf32, #tpu.memory_space<hbm>>) dst(%dma_wait3A_1584 : memref<8x32xf32, #tpu.memory_space<vmem>>)
      %dma_wait3A_1589 = arith.constant 0 : i32
      %dma_wait3A_1590 = arith.constant 0 : i32
      %dma_wait3A_1591 = arith.constant 0 : i32
      %dma_wait3A_1592 = arith.constant 0 : i32
      %dma_wait3A_1593 = tpu.memref_slice %arg7[%dma_wait3A_1590, %dma_wait3A_1591, %dma_wait3A_1592] : memref<16x8x32xf32, #tpu.memory_space<vmem>> -> memref<1x8x32xf32, #tpu.memory_space<vmem>>
      %dma_wait3A_1594 = tpu.memref_squeeze %dma_wait3A_1593 : memref<1x8x32xf32, #tpu.memory_space<vmem>> -> memref<8x32xf32, #tpu.memory_space<vmem>>
      %dma_wait3A_1595 = arith.constant 0 : i32
      %dma_wait3A_1596 = arith.constant 0 : i32
      %dma_wait3A_1597 = tpu.memref_slice %arg3[%dma_wait3A_1589, %dma_wait3A_1595, %dma_wait3A_1596] : memref<125000x8x32xf32, #tpu.memory_space<hbm>> -> memref<1x8x32xf32, #tpu.memory_space<hbm>>
      %dma_wait3A_1598 = tpu.memref_squeeze %dma_wait3A_1597 : memref<1x8x32xf32, #tpu.memory_space<hbm>> -> memref<8x32xf32, #tpu.memory_space<hbm>>
      %dma_wait3A_1599 = arith.constant 0 : i32
      %dma_wait3A_1600 = arith.constant 0 : i32
      %dma_wait3A_1601 = tpu.memref_slice %arg7[%dma_wait3A_1590, %dma_wait3A_1599, %dma_wait3A_1600] : memref<16x8x32xf32, #tpu.memory_space<vmem>> -> memref<1x8x32xf32, #tpu.memory_space<vmem>>
      %dma_wait3A_1602 = tpu.memref_squeeze %dma_wait3A_1601 : memref<1x8x32xf32, #tpu.memory_space<vmem>> -> memref<8x32xf32, #tpu.memory_space<vmem>>
      %dma_wait3A_1603 = arith.constant 0 : i32
      %dma_wait3A_1604 = arith.constant 0 : i32
      %dma_wait3A_1605 = tpu.memref_slice %arg3[%dma_wait3A_1589, %dma_wait3A_1603, %dma_wait3A_1604] : memref<125000x8x32xf32, #tpu.memory_space<hbm>> -> memref<1x8x32xf32, #tpu.memory_space<hbm>>
      %dma_wait3A_1606 = tpu.memref_squeeze %dma_wait3A_1605 : memref<1x8x32xf32, #tpu.memory_space<hbm>> -> memref<8x32xf32, #tpu.memory_space<hbm>>
      tpu.wait_dma2 semaphore(%arg10 : memref<!tpu.dma_semaphore, #tpu.memory_space<semaphore_mem>>) src(%dma_wait3A_1606 : memref<8x32xf32, #tpu.memory_space<hbm>>) dst(%dma_wait3A_1602 : memref<8x32xf32, #tpu.memory_space<vmem>>)
      %dma_wait3A_1607 = arith.constant 0 : i32
      %dma_wait3A_1608 = arith.constant 0 : i32
      %dma_wait3A_1609 = arith.constant 0 : i32
      %dma_wait3A_1610 = arith.constant 0 : i32
      %dma_wait3A_1611 = tpu.memref_slice %arg7[%dma_wait3A_1608, %dma_wait3A_1609, %dma_wait3A_1610] : memref<16x8x32xf32, #tpu.memory_space<vmem>> -> memref<1x8x32xf32, #tpu.memory_space<vmem>>
      %dma_wait3A_1612 = tpu.memref_squeeze %dma_wait3A_1611 : memref<1x8x32xf32, #tpu.memory_space<vmem>> -> memref<8x32xf32, #tpu.memory_space<vmem>>
      %dma_wait3A_1613 = arith.constant 0 : i32
      %dma_wait3A_1614 = arith.constant 0 : i32
      %dma_wait3A_1615 = tpu.memref_slice %arg3[%dma_wait3A_1607, %dma_wait3A_1613, %dma_wait3A_1614] : memref<125000x8x32xf32, #tpu.memory_space<hbm>> -> memref<1x8x32xf32, #tpu.memory_space<hbm>>
      %dma_wait3A_1616 = tpu.memref_squeeze %dma_wait3A_1615 : memref<1x8x32xf32, #tpu.memory_space<hbm>> -> memref<8x32xf32, #tpu.memory_space<hbm>>
      %dma_wait3A_1617 = arith.constant 0 : i32
      %dma_wait3A_1618 = arith.constant 0 : i32
      %dma_wait3A_1619 = tpu.memref_slice %arg7[%dma_wait3A_1608, %dma_wait3A_1617, %dma_wait3A_1618] : memref<16x8x32xf32, #tpu.memory_space<vmem>> -> memref<1x8x32xf32, #tpu.memory_space<vmem>>
      %dma_wait3A_1620 = tpu.memref_squeeze %dma_wait3A_1619 : memref<1x8x32xf32, #tpu.memory_space<vmem>> -> memref<8x32xf32, #tpu.memory_space<vmem>>
      %dma_wait3A_1621 = arith.constant 0 : i32
      %dma_wait3A_1622 = arith.constant 0 : i32
      %dma_wait3A_1623 = tpu.memref_slice %arg3[%dma_wait3A_1607, %dma_wait3A_1621, %dma_wait3A_1622] : memref<125000x8x32xf32, #tpu.memory_space<hbm>> -> memref<1x8x32xf32, #tpu.memory_space<hbm>>
      %dma_wait3A_1624 = tpu.memref_squeeze %dma_wait3A_1623 : memref<1x8x32xf32, #tpu.memory_space<hbm>> -> memref<8x32xf32, #tpu.memory_space<hbm>>
      tpu.wait_dma2 semaphore(%arg10 : memref<!tpu.dma_semaphore, #tpu.memory_space<semaphore_mem>>) src(%dma_wait3A_1624 : memref<8x32xf32, #tpu.memory_space<hbm>>) dst(%dma_wait3A_1620 : memref<8x32xf32, #tpu.memory_space<vmem>>)
      %dma_wait3A_1625 = arith.constant 0 : i32
      %dma_wait3A_1626 = arith.constant 0 : i32
      %dma_wait3A_1627 = arith.constant 0 : i32
      %dma_wait3A_1628 = arith.constant 0 : i32
      %dma_wait3A_1629 = tpu.memref_slice %arg7[%dma_wait3A_1626, %dma_wait3A_1627, %dma_wait3A_1628] : memref<16x8x32xf32, #tpu.memory_space<vmem>> -> memref<1x8x32xf32, #tpu.memory_space<vmem>>
      %dma_wait3A_1630 = tpu.memref_squeeze %dma_wait3A_1629 : memref<1x8x32xf32, #tpu.memory_space<vmem>> -> memref<8x32xf32, #tpu.memory_space<vmem>>
      %dma_wait3A_1631 = arith.constant 0 : i32
      %dma_wait3A_1632 = arith.constant 0 : i32
      %dma_wait3A_1633 = tpu.memref_slice %arg3[%dma_wait3A_1625, %dma_wait3A_1631, %dma_wait3A_1632] : memref<125000x8x32xf32, #tpu.memory_space<hbm>> -> memref<1x8x32xf32, #tpu.memory_space<hbm>>
      %dma_wait3A_1634 = tpu.memref_squeeze %dma_wait3A_1633 : memref<1x8x32xf32, #tpu.memory_space<hbm>> -> memref<8x32xf32, #tpu.memory_space<hbm>>
      %dma_wait3A_1635 = arith.constant 0 : i32
      %dma_wait3A_1636 = arith.constant 0 : i32
      %dma_wait3A_1637 = tpu.memref_slice %arg7[%dma_wait3A_1626, %dma_wait3A_1635, %dma_wait3A_1636] : memref<16x8x32xf32, #tpu.memory_space<vmem>> -> memref<1x8x32xf32, #tpu.memory_space<vmem>>
      %dma_wait3A_1638 = tpu.memref_squeeze %dma_wait3A_1637 : memref<1x8x32xf32, #tpu.memory_space<vmem>> -> memref<8x32xf32, #tpu.memory_space<vmem>>
      %dma_wait3A_1639 = arith.constant 0 : i32
      %dma_wait3A_1640 = arith.constant 0 : i32
      %dma_wait3A_1641 = tpu.memref_slice %arg3[%dma_wait3A_1625, %dma_wait3A_1639, %dma_wait3A_1640] : memref<125000x8x32xf32, #tpu.memory_space<hbm>> -> memref<1x8x32xf32, #tpu.memory_space<hbm>>
      %dma_wait3A_1642 = tpu.memref_squeeze %dma_wait3A_1641 : memref<1x8x32xf32, #tpu.memory_space<hbm>> -> memref<8x32xf32, #tpu.memory_space<hbm>>
      tpu.wait_dma2 semaphore(%arg10 : memref<!tpu.dma_semaphore, #tpu.memory_space<semaphore_mem>>) src(%dma_wait3A_1642 : memref<8x32xf32, #tpu.memory_space<hbm>>) dst(%dma_wait3A_1638 : memref<8x32xf32, #tpu.memory_space<vmem>>)
      %dma_wait3A_1643 = arith.constant 0 : i32
      %dma_wait3A_1644 = arith.constant 0 : i32
      %dma_wait3A_1645 = arith.constant 0 : i32
      %dma_wait3A_1646 = arith.constant 0 : i32
      %dma_wait3A_1647 = tpu.memref_slice %arg7[%dma_wait3A_1644, %dma_wait3A_1645, %dma_wait3A_1646] : memref<16x8x32xf32, #tpu.memory_space<vmem>> -> memref<1x8x32xf32, #tpu.memory_space<vmem>>
      %dma_wait3A_1648 = tpu.memref_squeeze %dma_wait3A_1647 : memref<1x8x32xf32, #tpu.memory_space<vmem>> -> memref<8x32xf32, #tpu.memory_space<vmem>>
      %dma_wait3A_1649 = arith.constant 0 : i32
      %dma_wait3A_1650 = arith.constant 0 : i32
      %dma_wait3A_1651 = tpu.memref_slice %arg3[%dma_wait3A_1643, %dma_wait3A_1649, %dma_wait3A_1650] : memref<125000x8x32xf32, #tpu.memory_space<hbm>> -> memref<1x8x32xf32, #tpu.memory_space<hbm>>
      %dma_wait3A_1652 = tpu.memref_squeeze %dma_wait3A_1651 : memref<1x8x32xf32, #tpu.memory_space<hbm>> -> memref<8x32xf32, #tpu.memory_space<hbm>>
      %dma_wait3A_1653 = arith.constant 0 : i32
      %dma_wait3A_1654 = arith.constant 0 : i32
      %dma_wait3A_1655 = tpu.memref_slice %arg7[%dma_wait3A_1644, %dma_wait3A_1653, %dma_wait3A_1654] : memref<16x8x32xf32, #tpu.memory_space<vmem>> -> memref<1x8x32xf32, #tpu.memory_space<vmem>>
      %dma_wait3A_1656 = tpu.memref_squeeze %dma_wait3A_1655 : memref<1x8x32xf32, #tpu.memory_space<vmem>> -> memref<8x32xf32, #tpu.memory_space<vmem>>
      %dma_wait3A_1657 = arith.constant 0 : i32
      %dma_wait3A_1658 = arith.constant 0 : i32
      %dma_wait3A_1659 = tpu.memref_slice %arg3[%dma_wait3A_1643, %dma_wait3A_1657, %dma_wait3A_1658] : memref<125000x8x32xf32, #tpu.memory_space<hbm>> -> memref<1x8x32xf32, #tpu.memory_space<hbm>>
      %dma_wait3A_1660 = tpu.memref_squeeze %dma_wait3A_1659 : memref<1x8x32xf32, #tpu.memory_space<hbm>> -> memref<8x32xf32, #tpu.memory_space<hbm>>
      tpu.wait_dma2 semaphore(%arg10 : memref<!tpu.dma_semaphore, #tpu.memory_space<semaphore_mem>>) src(%dma_wait3A_1660 : memref<8x32xf32, #tpu.memory_space<hbm>>) dst(%dma_wait3A_1656 : memref<8x32xf32, #tpu.memory_space<vmem>>)
      %dma_wait3A_1661 = arith.constant 0 : i32
      %dma_wait3A_1662 = arith.constant 0 : i32
      %dma_wait3A_1663 = arith.constant 0 : i32
      %dma_wait3A_1664 = arith.constant 0 : i32
      %dma_wait3A_1665 = tpu.memref_slice %arg7[%dma_wait3A_1662, %dma_wait3A_1663, %dma_wait3A_1664] : memref<16x8x32xf32, #tpu.memory_space<vmem>> -> memref<1x8x32xf32, #tpu.memory_space<vmem>>
      %dma_wait3A_1666 = tpu.memref_squeeze %dma_wait3A_1665 : memref<1x8x32xf32, #tpu.memory_space<vmem>> -> memref<8x32xf32, #tpu.memory_space<vmem>>
      %dma_wait3A_1667 = arith.constant 0 : i32
      %dma_wait3A_1668 = arith.constant 0 : i32
      %dma_wait3A_1669 = tpu.memref_slice %arg3[%dma_wait3A_1661, %dma_wait3A_1667, %dma_wait3A_1668] : memref<125000x8x32xf32, #tpu.memory_space<hbm>> -> memref<1x8x32xf32, #tpu.memory_space<hbm>>
      %dma_wait3A_1670 = tpu.memref_squeeze %dma_wait3A_1669 : memref<1x8x32xf32, #tpu.memory_space<hbm>> -> memref<8x32xf32, #tpu.memory_space<hbm>>
      %dma_wait3A_1671 = arith.constant 0 : i32
      %dma_wait3A_1672 = arith.constant 0 : i32
      %dma_wait3A_1673 = tpu.memref_slice %arg7[%dma_wait3A_1662, %dma_wait3A_1671, %dma_wait3A_1672] : memref<16x8x32xf32, #tpu.memory_space<vmem>> -> memref<1x8x32xf32, #tpu.memory_space<vmem>>
      %dma_wait3A_1674 = tpu.memref_squeeze %dma_wait3A_1673 : memref<1x8x32xf32, #tpu.memory_space<vmem>> -> memref<8x32xf32, #tpu.memory_space<vmem>>
      %dma_wait3A_1675 = arith.constant 0 : i32
      %dma_wait3A_1676 = arith.constant 0 : i32
      %dma_wait3A_1677 = tpu.memref_slice %arg3[%dma_wait3A_1661, %dma_wait3A_1675, %dma_wait3A_1676] : memref<125000x8x32xf32, #tpu.memory_space<hbm>> -> memref<1x8x32xf32, #tpu.memory_space<hbm>>
      %dma_wait3A_1678 = tpu.memref_squeeze %dma_wait3A_1677 : memref<1x8x32xf32, #tpu.memory_space<hbm>> -> memref<8x32xf32, #tpu.memory_space<hbm>>
      tpu.wait_dma2 semaphore(%arg10 : memref<!tpu.dma_semaphore, #tpu.memory_space<semaphore_mem>>) src(%dma_wait3A_1678 : memref<8x32xf32, #tpu.memory_space<hbm>>) dst(%dma_wait3A_1674 : memref<8x32xf32, #tpu.memory_space<vmem>>)
      %dma_wait3A_1679 = arith.constant 0 : i32
      %dma_wait3A_1680 = arith.constant 0 : i32
      %dma_wait3A_1681 = arith.constant 0 : i32
      %dma_wait3A_1682 = arith.constant 0 : i32
      %dma_wait3A_1683 = tpu.memref_slice %arg7[%dma_wait3A_1680, %dma_wait3A_1681, %dma_wait3A_1682] : memref<16x8x32xf32, #tpu.memory_space<vmem>> -> memref<1x8x32xf32, #tpu.memory_space<vmem>>
      %dma_wait3A_1684 = tpu.memref_squeeze %dma_wait3A_1683 : memref<1x8x32xf32, #tpu.memory_space<vmem>> -> memref<8x32xf32, #tpu.memory_space<vmem>>
      %dma_wait3A_1685 = arith.constant 0 : i32
      %dma_wait3A_1686 = arith.constant 0 : i32
      %dma_wait3A_1687 = tpu.memref_slice %arg3[%dma_wait3A_1679, %dma_wait3A_1685, %dma_wait3A_1686] : memref<125000x8x32xf32, #tpu.memory_space<hbm>> -> memref<1x8x32xf32, #tpu.memory_space<hbm>>
      %dma_wait3A_1688 = tpu.memref_squeeze %dma_wait3A_1687 : memref<1x8x32xf32, #tpu.memory_space<hbm>> -> memref<8x32xf32, #tpu.memory_space<hbm>>
      %dma_wait3A_1689 = arith.constant 0 : i32
      %dma_wait3A_1690 = arith.constant 0 : i32
      %dma_wait3A_1691 = tpu.memref_slice %arg7[%dma_wait3A_1680, %dma_wait3A_1689, %dma_wait3A_1690] : memref<16x8x32xf32, #tpu.memory_space<vmem>> -> memref<1x8x32xf32, #tpu.memory_space<vmem>>
      %dma_wait3A_1692 = tpu.memref_squeeze %dma_wait3A_1691 : memref<1x8x32xf32, #tpu.memory_space<vmem>> -> memref<8x32xf32, #tpu.memory_space<vmem>>
      %dma_wait3A_1693 = arith.constant 0 : i32
      %dma_wait3A_1694 = arith.constant 0 : i32
      %dma_wait3A_1695 = tpu.memref_slice %arg3[%dma_wait3A_1679, %dma_wait3A_1693, %dma_wait3A_1694] : memref<125000x8x32xf32, #tpu.memory_space<hbm>> -> memref<1x8x32xf32, #tpu.memory_space<hbm>>
      %dma_wait3A_1696 = tpu.memref_squeeze %dma_wait3A_1695 : memref<1x8x32xf32, #tpu.memory_space<hbm>> -> memref<8x32xf32, #tpu.memory_space<hbm>>
      tpu.wait_dma2 semaphore(%arg10 : memref<!tpu.dma_semaphore, #tpu.memory_space<semaphore_mem>>) src(%dma_wait3A_1696 : memref<8x32xf32, #tpu.memory_space<hbm>>) dst(%dma_wait3A_1692 : memref<8x32xf32, #tpu.memory_space<vmem>>)
      %dma_wait3A_1697 = arith.constant 0 : i32
      %dma_wait3A_1698 = arith.constant 0 : i32
      %dma_wait3A_1699 = arith.constant 0 : i32
      %dma_wait3A_1700 = arith.constant 0 : i32
      %dma_wait3A_1701 = tpu.memref_slice %arg7[%dma_wait3A_1698, %dma_wait3A_1699, %dma_wait3A_1700] : memref<16x8x32xf32, #tpu.memory_space<vmem>> -> memref<1x8x32xf32, #tpu.memory_space<vmem>>
      %dma_wait3A_1702 = tpu.memref_squeeze %dma_wait3A_1701 : memref<1x8x32xf32, #tpu.memory_space<vmem>> -> memref<8x32xf32, #tpu.memory_space<vmem>>
      %dma_wait3A_1703 = arith.constant 0 : i32
      %dma_wait3A_1704 = arith.constant 0 : i32
      %dma_wait3A_1705 = tpu.memref_slice %arg3[%dma_wait3A_1697, %dma_wait3A_1703, %dma_wait3A_1704] : memref<125000x8x32xf32, #tpu.memory_space<hbm>> -> memref<1x8x32xf32, #tpu.memory_space<hbm>>
      %dma_wait3A_1706 = tpu.memref_squeeze %dma_wait3A_1705 : memref<1x8x32xf32, #tpu.memory_space<hbm>> -> memref<8x32xf32, #tpu.memory_space<hbm>>
      %dma_wait3A_1707 = arith.constant 0 : i32
      %dma_wait3A_1708 = arith.constant 0 : i32
      %dma_wait3A_1709 = tpu.memref_slice %arg7[%dma_wait3A_1698, %dma_wait3A_1707, %dma_wait3A_1708] : memref<16x8x32xf32, #tpu.memory_space<vmem>> -> memref<1x8x32xf32, #tpu.memory_space<vmem>>
      %dma_wait3A_1710 = tpu.memref_squeeze %dma_wait3A_1709 : memref<1x8x32xf32, #tpu.memory_space<vmem>> -> memref<8x32xf32, #tpu.memory_space<vmem>>
      %dma_wait3A_1711 = arith.constant 0 : i32
      %dma_wait3A_1712 = arith.constant 0 : i32
      %dma_wait3A_1713 = tpu.memref_slice %arg3[%dma_wait3A_1697, %dma_wait3A_1711, %dma_wait3A_1712] : memref<125000x8x32xf32, #tpu.memory_space<hbm>> -> memref<1x8x32xf32, #tpu.memory_space<hbm>>
      %dma_wait3A_1714 = tpu.memref_squeeze %dma_wait3A_1713 : memref<1x8x32xf32, #tpu.memory_space<hbm>> -> memref<8x32xf32, #tpu.memory_space<hbm>>
      tpu.wait_dma2 semaphore(%arg10 : memref<!tpu.dma_semaphore, #tpu.memory_space<semaphore_mem>>) src(%dma_wait3A_1714 : memref<8x32xf32, #tpu.memory_space<hbm>>) dst(%dma_wait3A_1710 : memref<8x32xf32, #tpu.memory_space<vmem>>)
      %dma_wait3A_1715 = arith.constant 0 : i32
      %dma_wait3A_1716 = arith.constant 0 : i32
      %dma_wait3A_1717 = arith.constant 0 : i32
      %dma_wait3A_1718 = arith.constant 0 : i32
      %dma_wait3A_1719 = tpu.memref_slice %arg7[%dma_wait3A_1716, %dma_wait3A_1717, %dma_wait3A_1718] : memref<16x8x32xf32, #tpu.memory_space<vmem>> -> memref<1x8x32xf32, #tpu.memory_space<vmem>>
      %dma_wait3A_1720 = tpu.memref_squeeze %dma_wait3A_1719 : memref<1x8x32xf32, #tpu.memory_space<vmem>> -> memref<8x32xf32, #tpu.memory_space<vmem>>
      %dma_wait3A_1721 = arith.constant 0 : i32
      %dma_wait3A_1722 = arith.constant 0 : i32
      %dma_wait3A_1723 = tpu.memref_slice %arg3[%dma_wait3A_1715, %dma_wait3A_1721, %dma_wait3A_1722] : memref<125000x8x32xf32, #tpu.memory_space<hbm>> -> memref<1x8x32xf32, #tpu.memory_space<hbm>>
      %dma_wait3A_1724 = tpu.memref_squeeze %dma_wait3A_1723 : memref<1x8x32xf32, #tpu.memory_space<hbm>> -> memref<8x32xf32, #tpu.memory_space<hbm>>
      %dma_wait3A_1725 = arith.constant 0 : i32
      %dma_wait3A_1726 = arith.constant 0 : i32
      %dma_wait3A_1727 = tpu.memref_slice %arg7[%dma_wait3A_1716, %dma_wait3A_1725, %dma_wait3A_1726] : memref<16x8x32xf32, #tpu.memory_space<vmem>> -> memref<1x8x32xf32, #tpu.memory_space<vmem>>
      %dma_wait3A_1728 = tpu.memref_squeeze %dma_wait3A_1727 : memref<1x8x32xf32, #tpu.memory_space<vmem>> -> memref<8x32xf32, #tpu.memory_space<vmem>>
      %dma_wait3A_1729 = arith.constant 0 : i32
      %dma_wait3A_1730 = arith.constant 0 : i32
      %dma_wait3A_1731 = tpu.memref_slice %arg3[%dma_wait3A_1715, %dma_wait3A_1729, %dma_wait3A_1730] : memref<125000x8x32xf32, #tpu.memory_space<hbm>> -> memref<1x8x32xf32, #tpu.memory_space<hbm>>
      %dma_wait3A_1732 = tpu.memref_squeeze %dma_wait3A_1731 : memref<1x8x32xf32, #tpu.memory_space<hbm>> -> memref<8x32xf32, #tpu.memory_space<hbm>>
      tpu.wait_dma2 semaphore(%arg10 : memref<!tpu.dma_semaphore, #tpu.memory_space<semaphore_mem>>) src(%dma_wait3A_1732 : memref<8x32xf32, #tpu.memory_space<hbm>>) dst(%dma_wait3A_1728 : memref<8x32xf32, #tpu.memory_space<vmem>>)
      %dma_wait3A_1733 = arith.constant 0 : i32
      %dma_wait3A_1734 = arith.constant 0 : i32
      %dma_wait3A_1735 = arith.constant 0 : i32
      %dma_wait3A_1736 = arith.constant 0 : i32
      %dma_wait3A_1737 = tpu.memref_slice %arg7[%dma_wait3A_1734, %dma_wait3A_1735, %dma_wait3A_1736] : memref<16x8x32xf32, #tpu.memory_space<vmem>> -> memref<1x8x32xf32, #tpu.memory_space<vmem>>
      %dma_wait3A_1738 = tpu.memref_squeeze %dma_wait3A_1737 : memref<1x8x32xf32, #tpu.memory_space<vmem>> -> memref<8x32xf32, #tpu.memory_space<vmem>>
      %dma_wait3A_1739 = arith.constant 0 : i32
      %dma_wait3A_1740 = arith.constant 0 : i32
      %dma_wait3A_1741 = tpu.memref_slice %arg3[%dma_wait3A_1733, %dma_wait3A_1739, %dma_wait3A_1740] : memref<125000x8x32xf32, #tpu.memory_space<hbm>> -> memref<1x8x32xf32, #tpu.memory_space<hbm>>
      %dma_wait3A_1742 = tpu.memref_squeeze %dma_wait3A_1741 : memref<1x8x32xf32, #tpu.memory_space<hbm>> -> memref<8x32xf32, #tpu.memory_space<hbm>>
      %dma_wait3A_1743 = arith.constant 0 : i32
      %dma_wait3A_1744 = arith.constant 0 : i32
      %dma_wait3A_1745 = tpu.memref_slice %arg7[%dma_wait3A_1734, %dma_wait3A_1743, %dma_wait3A_1744] : memref<16x8x32xf32, #tpu.memory_space<vmem>> -> memref<1x8x32xf32, #tpu.memory_space<vmem>>
      %dma_wait3A_1746 = tpu.memref_squeeze %dma_wait3A_1745 : memref<1x8x32xf32, #tpu.memory_space<vmem>> -> memref<8x32xf32, #tpu.memory_space<vmem>>
      %dma_wait3A_1747 = arith.constant 0 : i32
      %dma_wait3A_1748 = arith.constant 0 : i32
      %dma_wait3A_1749 = tpu.memref_slice %arg3[%dma_wait3A_1733, %dma_wait3A_1747, %dma_wait3A_1748] : memref<125000x8x32xf32, #tpu.memory_space<hbm>> -> memref<1x8x32xf32, #tpu.memory_space<hbm>>
      %dma_wait3A_1750 = tpu.memref_squeeze %dma_wait3A_1749 : memref<1x8x32xf32, #tpu.memory_space<hbm>> -> memref<8x32xf32, #tpu.memory_space<hbm>>
      tpu.wait_dma2 semaphore(%arg10 : memref<!tpu.dma_semaphore, #tpu.memory_space<semaphore_mem>>) src(%dma_wait3A_1750 : memref<8x32xf32, #tpu.memory_space<hbm>>) dst(%dma_wait3A_1746 : memref<8x32xf32, #tpu.memory_space<vmem>>)
      %slice3A_1751 = vector.extract_strided_slice %get3A_1462 {offsets = [0], sizes = [1], strides = [1]} : vector<16xi32> to vector<1xi32>
      %squeeze3A_1752 = vector.extract %slice3A_1751[0] : i32 from vector<1xi32>
      %and3A_1753 = arith.constant 7 : i32
      %and3A_1754 = arith.andi %squeeze3A_1752, %and3A_1753 : i32
      %get3A_1755 = arith.constant 0 : i32
      %get3A_1756 = arith.index_cast %get3A_1755 : i32 to index
      %get3A_1757 = arith.index_cast %and3A_1754 : i32 to index
      %get3A_1758 = arith.constant 0 : index
      %get3A_1759 = tpu.vector_load %arg7[%get3A_1756, %get3A_1757, %get3A_1758] {strides = array<i32>} : memref<16x8x32xf32, #tpu.memory_space<vmem>>, vector<1x1x16xf32>,
      %get3A_1760 = vector.shape_cast %get3A_1759 : vector<1x1x16xf32> to vector<16xf32>
      %add3A_1761 = arith.constant 0 : i32
      %add3A_1762 = arith.addi %add3A_348, %add3A_1761 : i32
      %swap3A_1763 = arith.index_cast %add3A_1762 : i32 to index
      %swap3A_1764 = arith.constant 0 : index
      %swap3A_1765 = tpu.vector_load %arg8[%swap3A_1763, %swap3A_1764] {strides = array<i32>} : memref<512x32xf32, #tpu.memory_space<vmem>>, vector<1x16xf32>,
      %swap3A_1766 = vector.shape_cast %swap3A_1765 : vector<1x16xf32> to vector<16xf32>
      %swap3A_1767 = vector.shape_cast %get3A_1760 : vector<16xf32> to vector<1x16xf32>
      tpu.vector_store %arg8[%swap3A_1763, %swap3A_1764], %swap3A_1767 {strides = array<i32>} : memref<512x32xf32, #tpu.memory_space<vmem>>, vector<1x16xf32>,
      %get3A_1768 = arith.constant 0 : i32
      %get3A_1769 = arith.index_cast %get3A_1768 : i32 to index
      %get3A_1770 = arith.index_cast %and3A_1754 : i32 to index
      %get3A_1771 = arith.constant 16 : index
      %get3A_1772 = tpu.vector_load %arg7[%get3A_1769, %get3A_1770, %get3A_1771] {strides = array<i32>} : memref<16x8x32xf32, #tpu.memory_space<vmem>>, vector<1x1x16xf32>,
      %get3A_1773 = vector.shape_cast %get3A_1772 : vector<1x1x16xf32> to vector<16xf32>
      %add3A_1774 = arith.constant 0 : i32
      %add3A_1775 = arith.addi %add3A_348, %add3A_1774 : i32
      %swap3A_1776 = arith.index_cast %add3A_1775 : i32 to index
      %swap3A_1777 = arith.constant 16 : index
      %swap3A_1778 = tpu.vector_load %arg8[%swap3A_1776, %swap3A_1777] {strides = array<i32>} : memref<512x32xf32, #tpu.memory_space<vmem>>, vector<1x16xf32>,
      %swap3A_1779 = vector.shape_cast %swap3A_1778 : vector<1x16xf32> to vector<16xf32>
      %swap3A_1780 = vector.shape_cast %get3A_1773 : vector<16xf32> to vector<1x16xf32>
      tpu.vector_store %arg8[%swap3A_1776, %swap3A_1777], %swap3A_1780 {strides = array<i32>} : memref<512x32xf32, #tpu.memory_space<vmem>>, vector<1x16xf32>,
      %slice3A_1781 = vector.extract_strided_slice %get3A_1462 {offsets = [1], sizes = [1], strides = [1]} : vector<16xi32> to vector<1xi32>
      %squeeze3A_1782 = vector.extract %slice3A_1781[0] : i32 from vector<1xi32>
      %and3A_1783 = arith.constant 7 : i32
      %and3A_1784 = arith.andi %squeeze3A_1782, %and3A_1783 : i32
      %get3A_1785 = arith.constant 1 : i32
      %get3A_1786 = arith.index_cast %get3A_1785 : i32 to index
      %get3A_1787 = arith.index_cast %and3A_1784 : i32 to index
      %get3A_1788 = arith.constant 0 : index
      %get3A_1789 = tpu.vector_load %arg7[%get3A_1786, %get3A_1787, %get3A_1788] {strides = array<i32>} : memref<16x8x32xf32, #tpu.memory_space<vmem>>, vector<1x1x16xf32>,
      %get3A_1790 = vector.shape_cast %get3A_1789 : vector<1x1x16xf32> to vector<16xf32>
      %add3A_1791 = arith.constant 1 : i32
      %add3A_1792 = arith.addi %add3A_348, %add3A_1791 : i32
      %swap3A_1793 = arith.index_cast %add3A_1792 : i32 to index
      %swap3A_1794 = arith.constant 0 : index
      %swap3A_1795 = tpu.vector_load %arg8[%swap3A_1793, %swap3A_1794] {strides = array<i32>} : memref<512x32xf32, #tpu.memory_space<vmem>>, vector<1x16xf32>,
      %swap3A_1796 = vector.shape_cast %swap3A_1795 : vector<1x16xf32> to vector<16xf32>
      %swap3A_1797 = vector.shape_cast %get3A_1790 : vector<16xf32> to vector<1x16xf32>
      tpu.vector_store %arg8[%swap3A_1793, %swap3A_1794], %swap3A_1797 {strides = array<i32>} : memref<512x32xf32, #tpu.memory_space<vmem>>, vector<1x16xf32>,
      %get3A_1798 = arith.constant 1 : i32
      %get3A_1799 = arith.index_cast %get3A_1798 : i32 to index
      %get3A_1800 = arith.index_cast %and3A_1784 : i32 to index
      %get3A_1801 = arith.constant 16 : index
      %get3A_1802 = tpu.vector_load %arg7[%get3A_1799, %get3A_1800, %get3A_1801] {strides = array<i32>} : memref<16x8x32xf32, #tpu.memory_space<vmem>>, vector<1x1x16xf32>,
      %get3A_1803 = vector.shape_cast %get3A_1802 : vector<1x1x16xf32> to vector<16xf32>
      %add3A_1804 = arith.constant 1 : i32
      %add3A_1805 = arith.addi %add3A_348, %add3A_1804 : i32
      %swap3A_1806 = arith.index_cast %add3A_1805 : i32 to index
      %swap3A_1807 = arith.constant 16 : index
      %swap3A_1808 = tpu.vector_load %arg8[%swap3A_1806, %swap3A_1807] {strides = array<i32>} : memref<512x32xf32, #tpu.memory_space<vmem>>, vector<1x16xf32>,
      %swap3A_1809 = vector.shape_cast %swap3A_1808 : vector<1x16xf32> to vector<16xf32>
      %swap3A_1810 = vector.shape_cast %get3A_1803 : vector<16xf32> to vector<1x16xf32>
      tpu.vector_store %arg8[%swap3A_1806, %swap3A_1807], %swap3A_1810 {strides = array<i32>} : memref<512x32xf32, #tpu.memory_space<vmem>>, vector<1x16xf32>,
      %slice3A_1811 = vector.extract_strided_slice %get3A_1462 {offsets = [2], sizes = [1], strides = [1]} : vector<16xi32> to vector<1xi32>
      %squeeze3A_1812 = vector.extract %slice3A_1811[0] : i32 from vector<1xi32>
      %and3A_1813 = arith.constant 7 : i32
      %and3A_1814 = arith.andi %squeeze3A_1812, %and3A_1813 : i32
      %get3A_1815 = arith.constant 2 : i32
      %get3A_1816 = arith.index_cast %get3A_1815 : i32 to index
      %get3A_1817 = arith.index_cast %and3A_1814 : i32 to index
      %get3A_1818 = arith.constant 0 : index
      %get3A_1819 = tpu.vector_load %arg7[%get3A_1816, %get3A_1817, %get3A_1818] {strides = array<i32>} : memref<16x8x32xf32, #tpu.memory_space<vmem>>, vector<1x1x16xf32>,
      %get3A_1820 = vector.shape_cast %get3A_1819 : vector<1x1x16xf32> to vector<16xf32>
      %add3A_1821 = arith.constant 2 : i32
      %add3A_1822 = arith.addi %add3A_348, %add3A_1821 : i32
      %swap3A_1823 = arith.index_cast %add3A_1822 : i32 to index
      %swap3A_1824 = arith.constant 0 : index
      %swap3A_1825 = tpu.vector_load %arg8[%swap3A_1823, %swap3A_1824] {strides = array<i32>} : memref<512x32xf32, #tpu.memory_space<vmem>>, vector<1x16xf32>,
      %swap3A_1826 = vector.shape_cast %swap3A_1825 : vector<1x16xf32> to vector<16xf32>
      %swap3A_1827 = vector.shape_cast %get3A_1820 : vector<16xf32> to vector<1x16xf32>
      tpu.vector_store %arg8[%swap3A_1823, %swap3A_1824], %swap3A_1827 {strides = array<i32>} : memref<512x32xf32, #tpu.memory_space<vmem>>, vector<1x16xf32>,
      %get3A_1828 = arith.constant 2 : i32
      %get3A_1829 = arith.index_cast %get3A_1828 : i32 to index
      %get3A_1830 = arith.index_cast %and3A_1814 : i32 to index
      %get3A_1831 = arith.constant 16 : index
      %get3A_1832 = tpu.vector_load %arg7[%get3A_1829, %get3A_1830, %get3A_1831] {strides = array<i32>} : memref<16x8x32xf32, #tpu.memory_space<vmem>>, vector<1x1x16xf32>,
      %get3A_1833 = vector.shape_cast %get3A_1832 : vector<1x1x16xf32> to vector<16xf32>
      %add3A_1834 = arith.constant 2 : i32
      %add3A_1835 = arith.addi %add3A_348, %add3A_1834 : i32
      %swap3A_1836 = arith.index_cast %add3A_1835 : i32 to index
      %swap3A_1837 = arith.constant 16 : index
      %swap3A_1838 = tpu.vector_load %arg8[%swap3A_1836, %swap3A_1837] {strides = array<i32>} : memref<512x32xf32, #tpu.memory_space<vmem>>, vector<1x16xf32>,
      %swap3A_1839 = vector.shape_cast %swap3A_1838 : vector<1x16xf32> to vector<16xf32>
      %swap3A_1840 = vector.shape_cast %get3A_1833 : vector<16xf32> to vector<1x16xf32>
      tpu.vector_store %arg8[%swap3A_1836, %swap3A_1837], %swap3A_1840 {strides = array<i32>} : memref<512x32xf32, #tpu.memory_space<vmem>>, vector<1x16xf32>,
      %slice3A_1841 = vector.extract_strided_slice %get3A_1462 {offsets = [3], sizes = [1], strides = [1]} : vector<16xi32> to vector<1xi32>
      %squeeze3A_1842 = vector.extract %slice3A_1841[0] : i32 from vector<1xi32>
      %and3A_1843 = arith.constant 7 : i32
      %and3A_1844 = arith.andi %squeeze3A_1842, %and3A_1843 : i32
      %get3A_1845 = arith.constant 3 : i32
      %get3A_1846 = arith.index_cast %get3A_1845 : i32 to index
      %get3A_1847 = arith.index_cast %and3A_1844 : i32 to index
      %get3A_1848 = arith.constant 0 : index
      %get3A_1849 = tpu.vector_load %arg7[%get3A_1846, %get3A_1847, %get3A_1848] {strides = array<i32>} : memref<16x8x32xf32, #tpu.memory_space<vmem>>, vector<1x1x16xf32>,
      %get3A_1850 = vector.shape_cast %get3A_1849 : vector<1x1x16xf32> to vector<16xf32>
      %add3A_1851 = arith.constant 3 : i32
      %add3A_1852 = arith.addi %add3A_348, %add3A_1851 : i32
      %swap3A_1853 = arith.index_cast %add3A_1852 : i32 to index
      %swap3A_1854 = arith.constant 0 : index
      %swap3A_1855 = tpu.vector_load %arg8[%swap3A_1853, %swap3A_1854] {strides = array<i32>} : memref<512x32xf32, #tpu.memory_space<vmem>>, vector<1x16xf32>,
      %swap3A_1856 = vector.shape_cast %swap3A_1855 : vector<1x16xf32> to vector<16xf32>
      %swap3A_1857 = vector.shape_cast %get3A_1850 : vector<16xf32> to vector<1x16xf32>
      tpu.vector_store %arg8[%swap3A_1853, %swap3A_1854], %swap3A_1857 {strides = array<i32>} : memref<512x32xf32, #tpu.memory_space<vmem>>, vector<1x16xf32>,
      %get3A_1858 = arith.constant 3 : i32
      %get3A_1859 = arith.index_cast %get3A_1858 : i32 to index
      %get3A_1860 = arith.index_cast %and3A_1844 : i32 to index
      %get3A_1861 = arith.constant 16 : index
      %get3A_1862 = tpu.vector_load %arg7[%get3A_1859, %get3A_1860, %get3A_1861] {strides = array<i32>} : memref<16x8x32xf32, #tpu.memory_space<vmem>>, vector<1x1x16xf32>,
      %get3A_1863 = vector.shape_cast %get3A_1862 : vector<1x1x16xf32> to vector<16xf32>
      %add3A_1864 = arith.constant 3 : i32
      %add3A_1865 = arith.addi %add3A_348, %add3A_1864 : i32
      %swap3A_1866 = arith.index_cast %add3A_1865 : i32 to index
      %swap3A_1867 = arith.constant 16 : index
      %swap3A_1868 = tpu.vector_load %arg8[%swap3A_1866, %swap3A_1867] {strides = array<i32>} : memref<512x32xf32, #tpu.memory_space<vmem>>, vector<1x16xf32>,
      %swap3A_1869 = vector.shape_cast %swap3A_1868 : vector<1x16xf32> to vector<16xf32>
      %swap3A_1870 = vector.shape_cast %get3A_1863 : vector<16xf32> to vector<1x16xf32>
      tpu.vector_store %arg8[%swap3A_1866, %swap3A_1867], %swap3A_1870 {strides = array<i32>} : memref<512x32xf32, #tpu.memory_space<vmem>>, vector<1x16xf32>,
      %slice3A_1871 = vector.extract_strided_slice %get3A_1462 {offsets = [4], sizes = [1], strides = [1]} : vector<16xi32> to vector<1xi32>
      %squeeze3A_1872 = vector.extract %slice3A_1871[0] : i32 from vector<1xi32>
      %and3A_1873 = arith.constant 7 : i32
      %and3A_1874 = arith.andi %squeeze3A_1872, %and3A_1873 : i32
      %get3A_1875 = arith.constant 4 : i32
      %get3A_1876 = arith.index_cast %get3A_1875 : i32 to index
      %get3A_1877 = arith.index_cast %and3A_1874 : i32 to index
      %get3A_1878 = arith.constant 0 : index
      %get3A_1879 = tpu.vector_load %arg7[%get3A_1876, %get3A_1877, %get3A_1878] {strides = array<i32>} : memref<16x8x32xf32, #tpu.memory_space<vmem>>, vector<1x1x16xf32>,
      %get3A_1880 = vector.shape_cast %get3A_1879 : vector<1x1x16xf32> to vector<16xf32>
      %add3A_1881 = arith.constant 4 : i32
      %add3A_1882 = arith.addi %add3A_348, %add3A_1881 : i32
      %swap3A_1883 = arith.index_cast %add3A_1882 : i32 to index
      %swap3A_1884 = arith.constant 0 : index
      %swap3A_1885 = tpu.vector_load %arg8[%swap3A_1883, %swap3A_1884] {strides = array<i32>} : memref<512x32xf32, #tpu.memory_space<vmem>>, vector<1x16xf32>,
      %swap3A_1886 = vector.shape_cast %swap3A_1885 : vector<1x16xf32> to vector<16xf32>
      %swap3A_1887 = vector.shape_cast %get3A_1880 : vector<16xf32> to vector<1x16xf32>
      tpu.vector_store %arg8[%swap3A_1883, %swap3A_1884], %swap3A_1887 {strides = array<i32>} : memref<512x32xf32, #tpu.memory_space<vmem>>, vector<1x16xf32>,
      %get3A_1888 = arith.constant 4 : i32
      %get3A_1889 = arith.index_cast %get3A_1888 : i32 to index
      %get3A_1890 = arith.index_cast %and3A_1874 : i32 to index
      %get3A_1891 = arith.constant 16 : index
      %get3A_1892 = tpu.vector_load %arg7[%get3A_1889, %get3A_1890, %get3A_1891] {strides = array<i32>} : memref<16x8x32xf32, #tpu.memory_space<vmem>>, vector<1x1x16xf32>,
      %get3A_1893 = vector.shape_cast %get3A_1892 : vector<1x1x16xf32> to vector<16xf32>
      %add3A_1894 = arith.constant 4 : i32
      %add3A_1895 = arith.addi %add3A_348, %add3A_1894 : i32
      %swap3A_1896 = arith.index_cast %add3A_1895 : i32 to index
      %swap3A_1897 = arith.constant 16 : index
      %swap3A_1898 = tpu.vector_load %arg8[%swap3A_1896, %swap3A_1897] {strides = array<i32>} : memref<512x32xf32, #tpu.memory_space<vmem>>, vector<1x16xf32>,
      %swap3A_1899 = vector.shape_cast %swap3A_1898 : vector<1x16xf32> to vector<16xf32>
      %swap3A_1900 = vector.shape_cast %get3A_1893 : vector<16xf32> to vector<1x16xf32>
      tpu.vector_store %arg8[%swap3A_1896, %swap3A_1897], %swap3A_1900 {strides = array<i32>} : memref<512x32xf32, #tpu.memory_space<vmem>>, vector<1x16xf32>,
      %slice3A_1901 = vector.extract_strided_slice %get3A_1462 {offsets = [5], sizes = [1], strides = [1]} : vector<16xi32> to vector<1xi32>
      %squeeze3A_1902 = vector.extract %slice3A_1901[0] : i32 from vector<1xi32>
      %and3A_1903 = arith.constant 7 : i32
      %and3A_1904 = arith.andi %squeeze3A_1902, %and3A_1903 : i32
      %get3A_1905 = arith.constant 5 : i32
      %get3A_1906 = arith.index_cast %get3A_1905 : i32 to index
      %get3A_1907 = arith.index_cast %and3A_1904 : i32 to index
      %get3A_1908 = arith.constant 0 : index
      %get3A_1909 = tpu.vector_load %arg7[%get3A_1906, %get3A_1907, %get3A_1908] {strides = array<i32>} : memref<16x8x32xf32, #tpu.memory_space<vmem>>, vector<1x1x16xf32>,
      %get3A_1910 = vector.shape_cast %get3A_1909 : vector<1x1x16xf32> to vector<16xf32>
      %add3A_1911 = arith.constant 5 : i32
      %add3A_1912 = arith.addi %add3A_348, %add3A_1911 : i32
      %swap3A_1913 = arith.index_cast %add3A_1912 : i32 to index
      %swap3A_1914 = arith.constant 0 : index
      %swap3A_1915 = tpu.vector_load %arg8[%swap3A_1913, %swap3A_1914] {strides = array<i32>} : memref<512x32xf32, #tpu.memory_space<vmem>>, vector<1x16xf32>,
      %swap3A_1916 = vector.shape_cast %swap3A_1915 : vector<1x16xf32> to vector<16xf32>
      %swap3A_1917 = vector.shape_cast %get3A_1910 : vector<16xf32> to vector<1x16xf32>
      tpu.vector_store %arg8[%swap3A_1913, %swap3A_1914], %swap3A_1917 {strides = array<i32>} : memref<512x32xf32, #tpu.memory_space<vmem>>, vector<1x16xf32>,
      %get3A_1918 = arith.constant 5 : i32
      %get3A_1919 = arith.index_cast %get3A_1918 : i32 to index
      %get3A_1920 = arith.index_cast %and3A_1904 : i32 to index
      %get3A_1921 = arith.constant 16 : index
      %get3A_1922 = tpu.vector_load %arg7[%get3A_1919, %get3A_1920, %get3A_1921] {strides = array<i32>} : memref<16x8x32xf32, #tpu.memory_space<vmem>>, vector<1x1x16xf32>,
      %get3A_1923 = vector.shape_cast %get3A_1922 : vector<1x1x16xf32> to vector<16xf32>
      %add3A_1924 = arith.constant 5 : i32
      %add3A_1925 = arith.addi %add3A_348, %add3A_1924 : i32
      %swap3A_1926 = arith.index_cast %add3A_1925 : i32 to index
      %swap3A_1927 = arith.constant 16 : index
      %swap3A_1928 = tpu.vector_load %arg8[%swap3A_1926, %swap3A_1927] {strides = array<i32>} : memref<512x32xf32, #tpu.memory_space<vmem>>, vector<1x16xf32>,
      %swap3A_1929 = vector.shape_cast %swap3A_1928 : vector<1x16xf32> to vector<16xf32>
      %swap3A_1930 = vector.shape_cast %get3A_1923 : vector<16xf32> to vector<1x16xf32>
      tpu.vector_store %arg8[%swap3A_1926, %swap3A_1927], %swap3A_1930 {strides = array<i32>} : memref<512x32xf32, #tpu.memory_space<vmem>>, vector<1x16xf32>,
      %slice3A_1931 = vector.extract_strided_slice %get3A_1462 {offsets = [6], sizes = [1], strides = [1]} : vector<16xi32> to vector<1xi32>
      %squeeze3A_1932 = vector.extract %slice3A_1931[0] : i32 from vector<1xi32>
      %and3A_1933 = arith.constant 7 : i32
      %and3A_1934 = arith.andi %squeeze3A_1932, %and3A_1933 : i32
      %get3A_1935 = arith.constant 6 : i32
      %get3A_1936 = arith.index_cast %get3A_1935 : i32 to index
      %get3A_1937 = arith.index_cast %and3A_1934 : i32 to index
      %get3A_1938 = arith.constant 0 : index
      %get3A_1939 = tpu.vector_load %arg7[%get3A_1936, %get3A_1937, %get3A_1938] {strides = array<i32>} : memref<16x8x32xf32, #tpu.memory_space<vmem>>, vector<1x1x16xf32>,
      %get3A_1940 = vector.shape_cast %get3A_1939 : vector<1x1x16xf32> to vector<16xf32>
      %add3A_1941 = arith.constant 6 : i32
      %add3A_1942 = arith.addi %add3A_348, %add3A_1941 : i32
      %swap3A_1943 = arith.index_cast %add3A_1942 : i32 to index
      %swap3A_1944 = arith.constant 0 : index
      %swap3A_1945 = tpu.vector_load %arg8[%swap3A_1943, %swap3A_1944] {strides = array<i32>} : memref<512x32xf32, #tpu.memory_space<vmem>>, vector<1x16xf32>,
      %swap3A_1946 = vector.shape_cast %swap3A_1945 : vector<1x16xf32> to vector<16xf32>
      %swap3A_1947 = vector.shape_cast %get3A_1940 : vector<16xf32> to vector<1x16xf32>
      tpu.vector_store %arg8[%swap3A_1943, %swap3A_1944], %swap3A_1947 {strides = array<i32>} : memref<512x32xf32, #tpu.memory_space<vmem>>, vector<1x16xf32>,
      %get3A_1948 = arith.constant 6 : i32
      %get3A_1949 = arith.index_cast %get3A_1948 : i32 to index
      %get3A_1950 = arith.index_cast %and3A_1934 : i32 to index
      %get3A_1951 = arith.constant 16 : index
      %get3A_1952 = tpu.vector_load %arg7[%get3A_1949, %get3A_1950, %get3A_1951] {strides = array<i32>} : memref<16x8x32xf32, #tpu.memory_space<vmem>>, vector<1x1x16xf32>,
      %get3A_1953 = vector.shape_cast %get3A_1952 : vector<1x1x16xf32> to vector<16xf32>
      %add3A_1954 = arith.constant 6 : i32
      %add3A_1955 = arith.addi %add3A_348, %add3A_1954 : i32
      %swap3A_1956 = arith.index_cast %add3A_1955 : i32 to index
      %swap3A_1957 = arith.constant 16 : index
      %swap3A_1958 = tpu.vector_load %arg8[%swap3A_1956, %swap3A_1957] {strides = array<i32>} : memref<512x32xf32, #tpu.memory_space<vmem>>, vector<1x16xf32>,
      %swap3A_1959 = vector.shape_cast %swap3A_1958 : vector<1x16xf32> to vector<16xf32>
      %swap3A_1960 = vector.shape_cast %get3A_1953 : vector<16xf32> to vector<1x16xf32>
      tpu.vector_store %arg8[%swap3A_1956, %swap3A_1957], %swap3A_1960 {strides = array<i32>} : memref<512x32xf32, #tpu.memory_space<vmem>>, vector<1x16xf32>,
      %slice3A_1961 = vector.extract_strided_slice %get3A_1462 {offsets = [7], sizes = [1], strides = [1]} : vector<16xi32> to vector<1xi32>
      %squeeze3A_1962 = vector.extract %slice3A_1961[0] : i32 from vector<1xi32>
      %and3A_1963 = arith.constant 7 : i32
      %and3A_1964 = arith.andi %squeeze3A_1962, %and3A_1963 : i32
      %get3A_1965 = arith.constant 7 : i32
      %get3A_1966 = arith.index_cast %get3A_1965 : i32 to index
      %get3A_1967 = arith.index_cast %and3A_1964 : i32 to index
      %get3A_1968 = arith.constant 0 : index
      %get3A_1969 = tpu.vector_load %arg7[%get3A_1966, %get3A_1967, %get3A_1968] {strides = array<i32>} : memref<16x8x32xf32, #tpu.memory_space<vmem>>, vector<1x1x16xf32>,
      %get3A_1970 = vector.shape_cast %get3A_1969 : vector<1x1x16xf32> to vector<16xf32>
      %add3A_1971 = arith.constant 7 : i32
      %add3A_1972 = arith.addi %add3A_348, %add3A_1971 : i32
      %swap3A_1973 = arith.index_cast %add3A_1972 : i32 to index
      %swap3A_1974 = arith.constant 0 : index
      %swap3A_1975 = tpu.vector_load %arg8[%swap3A_1973, %swap3A_1974] {strides = array<i32>} : memref<512x32xf32, #tpu.memory_space<vmem>>, vector<1x16xf32>,
      %swap3A_1976 = vector.shape_cast %swap3A_1975 : vector<1x16xf32> to vector<16xf32>
      %swap3A_1977 = vector.shape_cast %get3A_1970 : vector<16xf32> to vector<1x16xf32>
      tpu.vector_store %arg8[%swap3A_1973, %swap3A_1974], %swap3A_1977 {strides = array<i32>} : memref<512x32xf32, #tpu.memory_space<vmem>>, vector<1x16xf32>,
      %get3A_1978 = arith.constant 7 : i32
      %get3A_1979 = arith.index_cast %get3A_1978 : i32 to index
      %get3A_1980 = arith.index_cast %and3A_1964 : i32 to index
      %get3A_1981 = arith.constant 16 : index
      %get3A_1982 = tpu.vector_load %arg7[%get3A_1979, %get3A_1980, %get3A_1981] {strides = array<i32>} : memref<16x8x32xf32, #tpu.memory_space<vmem>>, vector<1x1x16xf32>,
      %get3A_1983 = vector.shape_cast %get3A_1982 : vector<1x1x16xf32> to vector<16xf32>
      %add3A_1984 = arith.constant 7 : i32
      %add3A_1985 = arith.addi %add3A_348, %add3A_1984 : i32
      %swap3A_1986 = arith.index_cast %add3A_1985 : i32 to index
      %swap3A_1987 = arith.constant 16 : index
      %swap3A_1988 = tpu.vector_load %arg8[%swap3A_1986, %swap3A_1987] {strides = array<i32>} : memref<512x32xf32, #tpu.memory_space<vmem>>, vector<1x16xf32>,
      %swap3A_1989 = vector.shape_cast %swap3A_1988 : vector<1x16xf32> to vector<16xf32>
      %swap3A_1990 = vector.shape_cast %get3A_1983 : vector<16xf32> to vector<1x16xf32>
      tpu.vector_store %arg8[%swap3A_1986, %swap3A_1987], %swap3A_1990 {strides = array<i32>} : memref<512x32xf32, #tpu.memory_space<vmem>>, vector<1x16xf32>,
      %slice3A_1991 = vector.extract_strided_slice %get3A_1462 {offsets = [8], sizes = [1], strides = [1]} : vector<16xi32> to vector<1xi32>
      %squeeze3A_1992 = vector.extract %slice3A_1991[0] : i32 from vector<1xi32>
      %and3A_1993 = arith.constant 7 : i32
      %and3A_1994 = arith.andi %squeeze3A_1992, %and3A_1993 : i32
      %get3A_1995 = arith.constant 8 : i32
      %get3A_1996 = arith.index_cast %get3A_1995 : i32 to index
      %get3A_1997 = arith.index_cast %and3A_1994 : i32 to index
      %get3A_1998 = arith.constant 0 : index
      %get3A_1999 = tpu.vector_load %arg7[%get3A_1996, %get3A_1997, %get3A_1998] {strides = array<i32>} : memref<16x8x32xf32, #tpu.memory_space<vmem>>, vector<1x1x16xf32>,
      %get3A_2000 = vector.shape_cast %get3A_1999 : vector<1x1x16xf32> to vector<16xf32>
      %add3A_2001 = arith.constant 8 : i32
      %add3A_2002 = arith.addi %add3A_348, %add3A_2001 : i32
      %swap3A_2003 = arith.index_cast %add3A_2002 : i32 to index
      %swap3A_2004 = arith.constant 0 : index
      %swap3A_2005 = tpu.vector_load %arg8[%swap3A_2003, %swap3A_2004] {strides = array<i32>} : memref<512x32xf32, #tpu.memory_space<vmem>>, vector<1x16xf32>,
      %swap3A_2006 = vector.shape_cast %swap3A_2005 : vector<1x16xf32> to vector<16xf32>
      %swap3A_2007 = vector.shape_cast %get3A_2000 : vector<16xf32> to vector<1x16xf32>
      tpu.vector_store %arg8[%swap3A_2003, %swap3A_2004], %swap3A_2007 {strides = array<i32>} : memref<512x32xf32, #tpu.memory_space<vmem>>, vector<1x16xf32>,
      %get3A_2008 = arith.constant 8 : i32
      %get3A_2009 = arith.index_cast %get3A_2008 : i32 to index
      %get3A_2010 = arith.index_cast %and3A_1994 : i32 to index
      %get3A_2011 = arith.constant 16 : index
      %get3A_2012 = tpu.vector_load %arg7[%get3A_2009, %get3A_2010, %get3A_2011] {strides = array<i32>} : memref<16x8x32xf32, #tpu.memory_space<vmem>>, vector<1x1x16xf32>,
      %get3A_2013 = vector.shape_cast %get3A_2012 : vector<1x1x16xf32> to vector<16xf32>
      %add3A_2014 = arith.constant 8 : i32
      %add3A_2015 = arith.addi %add3A_348, %add3A_2014 : i32
      %swap3A_2016 = arith.index_cast %add3A_2015 : i32 to index
      %swap3A_2017 = arith.constant 16 : index
      %swap3A_2018 = tpu.vector_load %arg8[%swap3A_2016, %swap3A_2017] {strides = array<i32>} : memref<512x32xf32, #tpu.memory_space<vmem>>, vector<1x16xf32>,
      %swap3A_2019 = vector.shape_cast %swap3A_2018 : vector<1x16xf32> to vector<16xf32>
      %swap3A_2020 = vector.shape_cast %get3A_2013 : vector<16xf32> to vector<1x16xf32>
      tpu.vector_store %arg8[%swap3A_2016, %swap3A_2017], %swap3A_2020 {strides = array<i32>} : memref<512x32xf32, #tpu.memory_space<vmem>>, vector<1x16xf32>,
      %slice3A_2021 = vector.extract_strided_slice %get3A_1462 {offsets = [9], sizes = [1], strides = [1]} : vector<16xi32> to vector<1xi32>
      %squeeze3A_2022 = vector.extract %slice3A_2021[0] : i32 from vector<1xi32>
      %and3A_2023 = arith.constant 7 : i32
      %and3A_2024 = arith.andi %squeeze3A_2022, %and3A_2023 : i32
      %get3A_2025 = arith.constant 9 : i32
      %get3A_2026 = arith.index_cast %get3A_2025 : i32 to index
      %get3A_2027 = arith.index_cast %and3A_2024 : i32 to index
      %get3A_2028 = arith.constant 0 : index
      %get3A_2029 = tpu.vector_load %arg7[%get3A_2026, %get3A_2027, %get3A_2028] {strides = array<i32>} : memref<16x8x32xf32, #tpu.memory_space<vmem>>, vector<1x1x16xf32>,
      %get3A_2030 = vector.shape_cast %get3A_2029 : vector<1x1x16xf32> to vector<16xf32>
      %add3A_2031 = arith.constant 9 : i32
      %add3A_2032 = arith.addi %add3A_348, %add3A_2031 : i32
      %swap3A_2033 = arith.index_cast %add3A_2032 : i32 to index
      %swap3A_2034 = arith.constant 0 : index
      %swap3A_2035 = tpu.vector_load %arg8[%swap3A_2033, %swap3A_2034] {strides = array<i32>} : memref<512x32xf32, #tpu.memory_space<vmem>>, vector<1x16xf32>,
      %swap3A_2036 = vector.shape_cast %swap3A_2035 : vector<1x16xf32> to vector<16xf32>
      %swap3A_2037 = vector.shape_cast %get3A_2030 : vector<16xf32> to vector<1x16xf32>
      tpu.vector_store %arg8[%swap3A_2033, %swap3A_2034], %swap3A_2037 {strides = array<i32>} : memref<512x32xf32, #tpu.memory_space<vmem>>, vector<1x16xf32>,
      %get3A_2038 = arith.constant 9 : i32
      %get3A_2039 = arith.index_cast %get3A_2038 : i32 to index
      %get3A_2040 = arith.index_cast %and3A_2024 : i32 to index
      %get3A_2041 = arith.constant 16 : index
      %get3A_2042 = tpu.vector_load %arg7[%get3A_2039, %get3A_2040, %get3A_2041] {strides = array<i32>} : memref<16x8x32xf32, #tpu.memory_space<vmem>>, vector<1x1x16xf32>,
      %get3A_2043 = vector.shape_cast %get3A_2042 : vector<1x1x16xf32> to vector<16xf32>
      %add3A_2044 = arith.constant 9 : i32
      %add3A_2045 = arith.addi %add3A_348, %add3A_2044 : i32
      %swap3A_2046 = arith.index_cast %add3A_2045 : i32 to index
      %swap3A_2047 = arith.constant 16 : index
      %swap3A_2048 = tpu.vector_load %arg8[%swap3A_2046, %swap3A_2047] {strides = array<i32>} : memref<512x32xf32, #tpu.memory_space<vmem>>, vector<1x16xf32>,
      %swap3A_2049 = vector.shape_cast %swap3A_2048 : vector<1x16xf32> to vector<16xf32>
      %swap3A_2050 = vector.shape_cast %get3A_2043 : vector<16xf32> to vector<1x16xf32>
      tpu.vector_store %arg8[%swap3A_2046, %swap3A_2047], %swap3A_2050 {strides = array<i32>} : memref<512x32xf32, #tpu.memory_space<vmem>>, vector<1x16xf32>,
      %slice3A_2051 = vector.extract_strided_slice %get3A_1462 {offsets = [10], sizes = [1], strides = [1]} : vector<16xi32> to vector<1xi32>
      %squeeze3A_2052 = vector.extract %slice3A_2051[0] : i32 from vector<1xi32>
      %and3A_2053 = arith.constant 7 : i32
      %and3A_2054 = arith.andi %squeeze3A_2052, %and3A_2053 : i32
      %get3A_2055 = arith.constant 10 : i32
      %get3A_2056 = arith.index_cast %get3A_2055 : i32 to index
      %get3A_2057 = arith.index_cast %and3A_2054 : i32 to index
      %get3A_2058 = arith.constant 0 : index
      %get3A_2059 = tpu.vector_load %arg7[%get3A_2056, %get3A_2057, %get3A_2058] {strides = array<i32>} : memref<16x8x32xf32, #tpu.memory_space<vmem>>, vector<1x1x16xf32>,
      %get3A_2060 = vector.shape_cast %get3A_2059 : vector<1x1x16xf32> to vector<16xf32>
      %add3A_2061 = arith.constant 10 : i32
      %add3A_2062 = arith.addi %add3A_348, %add3A_2061 : i32
      %swap3A_2063 = arith.index_cast %add3A_2062 : i32 to index
      %swap3A_2064 = arith.constant 0 : index
      %swap3A_2065 = tpu.vector_load %arg8[%swap3A_2063, %swap3A_2064] {strides = array<i32>} : memref<512x32xf32, #tpu.memory_space<vmem>>, vector<1x16xf32>,
      %swap3A_2066 = vector.shape_cast %swap3A_2065 : vector<1x16xf32> to vector<16xf32>
      %swap3A_2067 = vector.shape_cast %get3A_2060 : vector<16xf32> to vector<1x16xf32>
      tpu.vector_store %arg8[%swap3A_2063, %swap3A_2064], %swap3A_2067 {strides = array<i32>} : memref<512x32xf32, #tpu.memory_space<vmem>>, vector<1x16xf32>,
      %get3A_2068 = arith.constant 10 : i32
      %get3A_2069 = arith.index_cast %get3A_2068 : i32 to index
      %get3A_2070 = arith.index_cast %and3A_2054 : i32 to index
      %get3A_2071 = arith.constant 16 : index
      %get3A_2072 = tpu.vector_load %arg7[%get3A_2069, %get3A_2070, %get3A_2071] {strides = array<i32>} : memref<16x8x32xf32, #tpu.memory_space<vmem>>, vector<1x1x16xf32>,
      %get3A_2073 = vector.shape_cast %get3A_2072 : vector<1x1x16xf32> to vector<16xf32>
      %add3A_2074 = arith.constant 10 : i32
      %add3A_2075 = arith.addi %add3A_348, %add3A_2074 : i32
      %swap3A_2076 = arith.index_cast %add3A_2075 : i32 to index
      %swap3A_2077 = arith.constant 16 : index
      %swap3A_2078 = tpu.vector_load %arg8[%swap3A_2076, %swap3A_2077] {strides = array<i32>} : memref<512x32xf32, #tpu.memory_space<vmem>>, vector<1x16xf32>,
      %swap3A_2079 = vector.shape_cast %swap3A_2078 : vector<1x16xf32> to vector<16xf32>
      %swap3A_2080 = vector.shape_cast %get3A_2073 : vector<16xf32> to vector<1x16xf32>
      tpu.vector_store %arg8[%swap3A_2076, %swap3A_2077], %swap3A_2080 {strides = array<i32>} : memref<512x32xf32, #tpu.memory_space<vmem>>, vector<1x16xf32>,
      %slice3A_2081 = vector.extract_strided_slice %get3A_1462 {offsets = [11], sizes = [1], strides = [1]} : vector<16xi32> to vector<1xi32>
      %squeeze3A_2082 = vector.extract %slice3A_2081[0] : i32 from vector<1xi32>
      %and3A_2083 = arith.constant 7 : i32
      %and3A_2084 = arith.andi %squeeze3A_2082, %and3A_2083 : i32
      %get3A_2085 = arith.constant 11 : i32
      %get3A_2086 = arith.index_cast %get3A_2085 : i32 to index
      %get3A_2087 = arith.index_cast %and3A_2084 : i32 to index
      %get3A_2088 = arith.constant 0 : index
      %get3A_2089 = tpu.vector_load %arg7[%get3A_2086, %get3A_2087, %get3A_2088] {strides = array<i32>} : memref<16x8x32xf32, #tpu.memory_space<vmem>>, vector<1x1x16xf32>,
      %get3A_2090 = vector.shape_cast %get3A_2089 : vector<1x1x16xf32> to vector<16xf32>
      %add3A_2091 = arith.constant 11 : i32
      %add3A_2092 = arith.addi %add3A_348, %add3A_2091 : i32
      %swap3A_2093 = arith.index_cast %add3A_2092 : i32 to index
      %swap3A_2094 = arith.constant 0 : index
      %swap3A_2095 = tpu.vector_load %arg8[%swap3A_2093, %swap3A_2094] {strides = array<i32>} : memref<512x32xf32, #tpu.memory_space<vmem>>, vector<1x16xf32>,
      %swap3A_2096 = vector.shape_cast %swap3A_2095 : vector<1x16xf32> to vector<16xf32>
      %swap3A_2097 = vector.shape_cast %get3A_2090 : vector<16xf32> to vector<1x16xf32>
      tpu.vector_store %arg8[%swap3A_2093, %swap3A_2094], %swap3A_2097 {strides = array<i32>} : memref<512x32xf32, #tpu.memory_space<vmem>>, vector<1x16xf32>,
      %get3A_2098 = arith.constant 11 : i32
      %get3A_2099 = arith.index_cast %get3A_2098 : i32 to index
      %get3A_2100 = arith.index_cast %and3A_2084 : i32 to index
      %get3A_2101 = arith.constant 16 : index
      %get3A_2102 = tpu.vector_load %arg7[%get3A_2099, %get3A_2100, %get3A_2101] {strides = array<i32>} : memref<16x8x32xf32, #tpu.memory_space<vmem>>, vector<1x1x16xf32>,
      %get3A_2103 = vector.shape_cast %get3A_2102 : vector<1x1x16xf32> to vector<16xf32>
      %add3A_2104 = arith.constant 11 : i32
      %add3A_2105 = arith.addi %add3A_348, %add3A_2104 : i32
      %swap3A_2106 = arith.index_cast %add3A_2105 : i32 to index
      %swap3A_2107 = arith.constant 16 : index
      %swap3A_2108 = tpu.vector_load %arg8[%swap3A_2106, %swap3A_2107] {strides = array<i32>} : memref<512x32xf32, #tpu.memory_space<vmem>>, vector<1x16xf32>,
      %swap3A_2109 = vector.shape_cast %swap3A_2108 : vector<1x16xf32> to vector<16xf32>
      %swap3A_2110 = vector.shape_cast %get3A_2103 : vector<16xf32> to vector<1x16xf32>
      tpu.vector_store %arg8[%swap3A_2106, %swap3A_2107], %swap3A_2110 {strides = array<i32>} : memref<512x32xf32, #tpu.memory_space<vmem>>, vector<1x16xf32>,
      %slice3A_2111 = vector.extract_strided_slice %get3A_1462 {offsets = [12], sizes = [1], strides = [1]} : vector<16xi32> to vector<1xi32>
      %squeeze3A_2112 = vector.extract %slice3A_2111[0] : i32 from vector<1xi32>
      %and3A_2113 = arith.constant 7 : i32
      %and3A_2114 = arith.andi %squeeze3A_2112, %and3A_2113 : i32
      %get3A_2115 = arith.constant 12 : i32
      %get3A_2116 = arith.index_cast %get3A_2115 : i32 to index
      %get3A_2117 = arith.index_cast %and3A_2114 : i32 to index
      %get3A_2118 = arith.constant 0 : index
      %get3A_2119 = tpu.vector_load %arg7[%get3A_2116, %get3A_2117, %get3A_2118] {strides = array<i32>} : memref<16x8x32xf32, #tpu.memory_space<vmem>>, vector<1x1x16xf32>,
      %get3A_2120 = vector.shape_cast %get3A_2119 : vector<1x1x16xf32> to vector<16xf32>
      %add3A_2121 = arith.constant 12 : i32
      %add3A_2122 = arith.addi %add3A_348, %add3A_2121 : i32
      %swap3A_2123 = arith.index_cast %add3A_2122 : i32 to index
      %swap3A_2124 = arith.constant 0 : index
      %swap3A_2125 = tpu.vector_load %arg8[%swap3A_2123, %swap3A_2124] {strides = array<i32>} : memref<512x32xf32, #tpu.memory_space<vmem>>, vector<1x16xf32>,
      %swap3A_2126 = vector.shape_cast %swap3A_2125 : vector<1x16xf32> to vector<16xf32>
      %swap3A_2127 = vector.shape_cast %get3A_2120 : vector<16xf32> to vector<1x16xf32>
      tpu.vector_store %arg8[%swap3A_2123, %swap3A_2124], %swap3A_2127 {strides = array<i32>} : memref<512x32xf32, #tpu.memory_space<vmem>>, vector<1x16xf32>,
      %get3A_2128 = arith.constant 12 : i32
      %get3A_2129 = arith.index_cast %get3A_2128 : i32 to index
      %get3A_2130 = arith.index_cast %and3A_2114 : i32 to index
      %get3A_2131 = arith.constant 16 : index
      %get3A_2132 = tpu.vector_load %arg7[%get3A_2129, %get3A_2130, %get3A_2131] {strides = array<i32>} : memref<16x8x32xf32, #tpu.memory_space<vmem>>, vector<1x1x16xf32>,
      %get3A_2133 = vector.shape_cast %get3A_2132 : vector<1x1x16xf32> to vector<16xf32>
      %add3A_2134 = arith.constant 12 : i32
      %add3A_2135 = arith.addi %add3A_348, %add3A_2134 : i32
      %swap3A_2136 = arith.index_cast %add3A_2135 : i32 to index
      %swap3A_2137 = arith.constant 16 : index
      %swap3A_2138 = tpu.vector_load %arg8[%swap3A_2136, %swap3A_2137] {strides = array<i32>} : memref<512x32xf32, #tpu.memory_space<vmem>>, vector<1x16xf32>,
      %swap3A_2139 = vector.shape_cast %swap3A_2138 : vector<1x16xf32> to vector<16xf32>
      %swap3A_2140 = vector.shape_cast %get3A_2133 : vector<16xf32> to vector<1x16xf32>
      tpu.vector_store %arg8[%swap3A_2136, %swap3A_2137], %swap3A_2140 {strides = array<i32>} : memref<512x32xf32, #tpu.memory_space<vmem>>, vector<1x16xf32>,
      %slice3A_2141 = vector.extract_strided_slice %get3A_1462 {offsets = [13], sizes = [1], strides = [1]} : vector<16xi32> to vector<1xi32>
      %squeeze3A_2142 = vector.extract %slice3A_2141[0] : i32 from vector<1xi32>
      %and3A_2143 = arith.constant 7 : i32
      %and3A_2144 = arith.andi %squeeze3A_2142, %and3A_2143 : i32
      %get3A_2145 = arith.constant 13 : i32
      %get3A_2146 = arith.index_cast %get3A_2145 : i32 to index
      %get3A_2147 = arith.index_cast %and3A_2144 : i32 to index
      %get3A_2148 = arith.constant 0 : index
      %get3A_2149 = tpu.vector_load %arg7[%get3A_2146, %get3A_2147, %get3A_2148] {strides = array<i32>} : memref<16x8x32xf32, #tpu.memory_space<vmem>>, vector<1x1x16xf32>,
      %get3A_2150 = vector.shape_cast %get3A_2149 : vector<1x1x16xf32> to vector<16xf32>
      %add3A_2151 = arith.constant 13 : i32
      %add3A_2152 = arith.addi %add3A_348, %add3A_2151 : i32
      %swap3A_2153 = arith.index_cast %add3A_2152 : i32 to index
      %swap3A_2154 = arith.constant 0 : index
      %swap3A_2155 = tpu.vector_load %arg8[%swap3A_2153, %swap3A_2154] {strides = array<i32>} : memref<512x32xf32, #tpu.memory_space<vmem>>, vector<1x16xf32>,
      %swap3A_2156 = vector.shape_cast %swap3A_2155 : vector<1x16xf32> to vector<16xf32>
      %swap3A_2157 = vector.shape_cast %get3A_2150 : vector<16xf32> to vector<1x16xf32>
      tpu.vector_store %arg8[%swap3A_2153, %swap3A_2154], %swap3A_2157 {strides = array<i32>} : memref<512x32xf32, #tpu.memory_space<vmem>>, vector<1x16xf32>,
      %get3A_2158 = arith.constant 13 : i32
      %get3A_2159 = arith.index_cast %get3A_2158 : i32 to index
      %get3A_2160 = arith.index_cast %and3A_2144 : i32 to index
      %get3A_2161 = arith.constant 16 : index
      %get3A_2162 = tpu.vector_load %arg7[%get3A_2159, %get3A_2160, %get3A_2161] {strides = array<i32>} : memref<16x8x32xf32, #tpu.memory_space<vmem>>, vector<1x1x16xf32>,
      %get3A_2163 = vector.shape_cast %get3A_2162 : vector<1x1x16xf32> to vector<16xf32>
      %add3A_2164 = arith.constant 13 : i32
      %add3A_2165 = arith.addi %add3A_348, %add3A_2164 : i32
      %swap3A_2166 = arith.index_cast %add3A_2165 : i32 to index
      %swap3A_2167 = arith.constant 16 : index
      %swap3A_2168 = tpu.vector_load %arg8[%swap3A_2166, %swap3A_2167] {strides = array<i32>} : memref<512x32xf32, #tpu.memory_space<vmem>>, vector<1x16xf32>,
      %swap3A_2169 = vector.shape_cast %swap3A_2168 : vector<1x16xf32> to vector<16xf32>
      %swap3A_2170 = vector.shape_cast %get3A_2163 : vector<16xf32> to vector<1x16xf32>
      tpu.vector_store %arg8[%swap3A_2166, %swap3A_2167], %swap3A_2170 {strides = array<i32>} : memref<512x32xf32, #tpu.memory_space<vmem>>, vector<1x16xf32>,
      %slice3A_2171 = vector.extract_strided_slice %get3A_1462 {offsets = [14], sizes = [1], strides = [1]} : vector<16xi32> to vector<1xi32>
      %squeeze3A_2172 = vector.extract %slice3A_2171[0] : i32 from vector<1xi32>
      %and3A_2173 = arith.constant 7 : i32
      %and3A_2174 = arith.andi %squeeze3A_2172, %and3A_2173 : i32
      %get3A_2175 = arith.constant 14 : i32
      %get3A_2176 = arith.index_cast %get3A_2175 : i32 to index
      %get3A_2177 = arith.index_cast %and3A_2174 : i32 to index
      %get3A_2178 = arith.constant 0 : index
      %get3A_2179 = tpu.vector_load %arg7[%get3A_2176, %get3A_2177, %get3A_2178] {strides = array<i32>} : memref<16x8x32xf32, #tpu.memory_space<vmem>>, vector<1x1x16xf32>,
      %get3A_2180 = vector.shape_cast %get3A_2179 : vector<1x1x16xf32> to vector<16xf32>
      %add3A_2181 = arith.constant 14 : i32
      %add3A_2182 = arith.addi %add3A_348, %add3A_2181 : i32
      %swap3A_2183 = arith.index_cast %add3A_2182 : i32 to index
      %swap3A_2184 = arith.constant 0 : index
      %swap3A_2185 = tpu.vector_load %arg8[%swap3A_2183, %swap3A_2184] {strides = array<i32>} : memref<512x32xf32, #tpu.memory_space<vmem>>, vector<1x16xf32>,
      %swap3A_2186 = vector.shape_cast %swap3A_2185 : vector<1x16xf32> to vector<16xf32>
      %swap3A_2187 = vector.shape_cast %get3A_2180 : vector<16xf32> to vector<1x16xf32>
      tpu.vector_store %arg8[%swap3A_2183, %swap3A_2184], %swap3A_2187 {strides = array<i32>} : memref<512x32xf32, #tpu.memory_space<vmem>>, vector<1x16xf32>,
      %get3A_2188 = arith.constant 14 : i32
      %get3A_2189 = arith.index_cast %get3A_2188 : i32 to index
      %get3A_2190 = arith.index_cast %and3A_2174 : i32 to index
      %get3A_2191 = arith.constant 16 : index
      %get3A_2192 = tpu.vector_load %arg7[%get3A_2189, %get3A_2190, %get3A_2191] {strides = array<i32>} : memref<16x8x32xf32, #tpu.memory_space<vmem>>, vector<1x1x16xf32>,
      %get3A_2193 = vector.shape_cast %get3A_2192 : vector<1x1x16xf32> to vector<16xf32>
      %add3A_2194 = arith.constant 14 : i32
      %add3A_2195 = arith.addi %add3A_348, %add3A_2194 : i32
      %swap3A_2196 = arith.index_cast %add3A_2195 : i32 to index
      %swap3A_2197 = arith.constant 16 : index
      %swap3A_2198 = tpu.vector_load %arg8[%swap3A_2196, %swap3A_2197] {strides = array<i32>} : memref<512x32xf32, #tpu.memory_space<vmem>>, vector<1x16xf32>,
      %swap3A_2199 = vector.shape_cast %swap3A_2198 : vector<1x16xf32> to vector<16xf32>
      %swap3A_2200 = vector.shape_cast %get3A_2193 : vector<16xf32> to vector<1x16xf32>
      tpu.vector_store %arg8[%swap3A_2196, %swap3A_2197], %swap3A_2200 {strides = array<i32>} : memref<512x32xf32, #tpu.memory_space<vmem>>, vector<1x16xf32>,
      %slice3A_2201 = vector.extract_strided_slice %get3A_1462 {offsets = [15], sizes = [1], strides = [1]} : vector<16xi32> to vector<1xi32>
      %squeeze3A_2202 = vector.extract %slice3A_2201[0] : i32 from vector<1xi32>
      %and3A_2203 = arith.constant 7 : i32
      %and3A_2204 = arith.andi %squeeze3A_2202, %and3A_2203 : i32
      %get3A_2205 = arith.constant 15 : i32
      %get3A_2206 = arith.index_cast %get3A_2205 : i32 to index
      %get3A_2207 = arith.index_cast %and3A_2204 : i32 to index
      %get3A_2208 = arith.constant 0 : index
      %get3A_2209 = tpu.vector_load %arg7[%get3A_2206, %get3A_2207, %get3A_2208] {strides = array<i32>} : memref<16x8x32xf32, #tpu.memory_space<vmem>>, vector<1x1x16xf32>,
      %get3A_2210 = vector.shape_cast %get3A_2209 : vector<1x1x16xf32> to vector<16xf32>
      %add3A_2211 = arith.constant 15 : i32
      %add3A_2212 = arith.addi %add3A_348, %add3A_2211 : i32
      %swap3A_2213 = arith.index_cast %add3A_2212 : i32 to index
      %swap3A_2214 = arith.constant 0 : index
      %swap3A_2215 = tpu.vector_load %arg8[%swap3A_2213, %swap3A_2214] {strides = array<i32>} : memref<512x32xf32, #tpu.memory_space<vmem>>, vector<1x16xf32>,
      %swap3A_2216 = vector.shape_cast %swap3A_2215 : vector<1x16xf32> to vector<16xf32>
      %swap3A_2217 = vector.shape_cast %get3A_2210 : vector<16xf32> to vector<1x16xf32>
      tpu.vector_store %arg8[%swap3A_2213, %swap3A_2214], %swap3A_2217 {strides = array<i32>} : memref<512x32xf32, #tpu.memory_space<vmem>>, vector<1x16xf32>,
      %get3A_2218 = arith.constant 15 : i32
      %get3A_2219 = arith.index_cast %get3A_2218 : i32 to index
      %get3A_2220 = arith.index_cast %and3A_2204 : i32 to index
      %get3A_2221 = arith.constant 16 : index
      %get3A_2222 = tpu.vector_load %arg7[%get3A_2219, %get3A_2220, %get3A_2221] {strides = array<i32>} : memref<16x8x32xf32, #tpu.memory_space<vmem>>, vector<1x1x16xf32>,
      %get3A_2223 = vector.shape_cast %get3A_2222 : vector<1x1x16xf32> to vector<16xf32>
      %add3A_2224 = arith.constant 15 : i32
      %add3A_2225 = arith.addi %add3A_348, %add3A_2224 : i32
      %swap3A_2226 = arith.index_cast %add3A_2225 : i32 to index
      %swap3A_2227 = arith.constant 16 : index
      %swap3A_2228 = tpu.vector_load %arg8[%swap3A_2226, %swap3A_2227] {strides = array<i32>} : memref<512x32xf32, #tpu.memory_space<vmem>>, vector<1x16xf32>,
      %swap3A_2229 = vector.shape_cast %swap3A_2228 : vector<1x16xf32> to vector<16xf32>
      %swap3A_2230 = vector.shape_cast %get3A_2223 : vector<16xf32> to vector<1x16xf32>
      tpu.vector_store %arg8[%swap3A_2226, %swap3A_2227], %swap3A_2230 {strides = array<i32>} : memref<512x32xf32, #tpu.memory_space<vmem>>, vector<1x16xf32>,
    }
    %scan3A_341 = arith.constant 16 : i32
    "tpu.region"() ({
      %run_scoped3A = tpu.sem_alloc : memref<!tpu.dma_semaphore, #tpu.memory_space<semaphore_mem>>
      %dma_start3A_342 = arith.constant 0 : i32
      %dma_start3A_343 = tpu.memref_slice %arg4[%mul3A_2, %dma_start3A_342] : memref<16384x32xf32, #tpu.memory_space<hbm>> -> memref<512x32xf32, #tpu.memory_space<hbm>>
      %dma_start3A_344 = arith.constant 0 : i32
      %dma_start3A_345 = tpu.memref_slice %arg4[%mul3A_2, %dma_start3A_344] : memref<16384x32xf32, #tpu.memory_space<hbm>> -> memref<512x32xf32, #tpu.memory_space<hbm>>
      tpu.enqueue_dma source(%arg8 : memref<512x32xf32, #tpu.memory_space<vmem>>) target(%dma_start3A_345 : memref<512x32xf32, #tpu.memory_space<hbm>>) target_semaphore(%run_scoped3A : memref<!tpu.dma_semaphore, #tpu.memory_space<semaphore_mem>>)
      %dma_wait3A = arith.constant 0 : i32
      %dma_wait3A_346 = tpu.memref_slice %arg4[%mul3A_2, %dma_wait3A] : memref<16384x32xf32, #tpu.memory_space<hbm>> -> memref<512x32xf32, #tpu.memory_space<hbm>>
      %dma_wait3A_347 = arith.constant 0 : i32
      %dma_wait3A_348 = tpu.memref_slice %arg4[%mul3A_2, %dma_wait3A_347] : memref<16384x32xf32, #tpu.memory_space<hbm>> -> memref<512x32xf32, #tpu.memory_space<hbm>>
      tpu.wait_dma2 semaphore(%run_scoped3A : memref<!tpu.dma_semaphore, #tpu.memory_space<semaphore_mem>>) src(%arg8 : memref<512x32xf32, #tpu.memory_space<vmem>>) dst(%dma_wait3A_348 : memref<512x32xf32, #tpu.memory_space<hbm>>)
      tpu.yield
    }) : () -> ()
    return
  }
}

#map = affine_map<(d0, d1) -> (0)>
#map1 = affine_map<(d0, d1) -> (0, 0)>
module attributes {stable_mosaic.version = 14 : i64} {
  func.func @_group_body(%arg0: i32, %arg1: i32, %arg2: memref<16384xi32, #tpu.memory_space<hbm>>, %arg3: memref<16384xi32, #tpu.memory_space<hbm>>, %arg4: memref<125x128xf32, #tpu.memory_space<hbm>>, %arg5: memref<125x128xf32, #tpu.memory_space<hbm>>, %arg6: memref<16384x128xf32, #tpu.memory_space<hbm>>, %arg7: memref<16384x128xf32, #tpu.memory_space<hbm>>, %arg8: memref<256xi32, #tpu.memory_space<vmem>>, %arg9: memref<256xi32, #tpu.memory_space<vmem>>, %arg10: memref<256x128xf32, #tpu.memory_space<vmem>>, %arg11: memref<256x128xf32, #tpu.memory_space<vmem>>, %arg12: memref<!tpu.dma_semaphore, #tpu.memory_space<semaphore_mem>>, %arg13: memref<!tpu.dma_semaphore, #tpu.memory_space<semaphore_mem>>) attributes {dimension_semantics = [#tpu.dimension_semantics<core_parallel>, #tpu.dimension_semantics<subcore_parallel>], iteration_bounds = array<i64: 2, 16>, scalar_prefetch = 0 : i64, scratch_operands = 6 : i64, tpu.core_type = #tpu.core_type<sc_vector_subcore>, window_params = [{transform_indices = #map}, {transform_indices = #map}, {transform_indices = #map1}, {transform_indices = #map1}, {transform_indices = #map1}, {transform_indices = #map1}]} {
    %mul3A = arith.constant 2 : i32
    %mul3A_0 = arith.muli %arg1, %mul3A : i32
    %add3A = arith.addi %mul3A_0, %arg0 : i32
    %mul3A_1 = arith.constant 512 : i32
    %mul3A_2 = arith.muli %add3A, %mul3A_1 : i32
    %add3A_3 = arith.constant 0 : i32
    %add3A_4 = arith.addi %mul3A_2, %add3A_3 : i32
    %add3A_5 = arith.constant 256 : i32
    %add3A_6 = arith.addi %mul3A_2, %add3A_5 : i32
    %add3A_7 = arith.constant 0 : i32
    %add3A_8 = arith.addi %mul3A_2, %add3A_7 : i32
    %add3A_9 = arith.constant 256 : i32
    %add3A_10 = arith.addi %mul3A_2, %add3A_9 : i32
    "tpu.region"() ({
      %run_scoped3A = tpu.sem_alloc : memref<!tpu.dma_semaphore, #tpu.memory_space<semaphore_mem>>
      %dma_start3A_33 = tpu.memref_slice %arg2[%add3A_4] : memref<16384xi32, #tpu.memory_space<hbm>> -> memref<256xi32, #tpu.memory_space<hbm>>
      %dma_start3A_34 = tpu.memref_slice %arg2[%add3A_4] : memref<16384xi32, #tpu.memory_space<hbm>> -> memref<256xi32, #tpu.memory_space<hbm>>
      tpu.enqueue_dma source(%dma_start3A_34 : memref<256xi32, #tpu.memory_space<hbm>>) target(%arg8 : memref<256xi32, #tpu.memory_space<vmem>>) target_semaphore(%run_scoped3A : memref<!tpu.dma_semaphore, #tpu.memory_space<semaphore_mem>>)
      %dma_wait3A_35 = tpu.memref_slice %arg2[%add3A_4] : memref<16384xi32, #tpu.memory_space<hbm>> -> memref<256xi32, #tpu.memory_space<hbm>>
      %dma_wait3A_36 = tpu.memref_slice %arg2[%add3A_4] : memref<16384xi32, #tpu.memory_space<hbm>> -> memref<256xi32, #tpu.memory_space<hbm>>
      tpu.wait_dma2 semaphore(%run_scoped3A : memref<!tpu.dma_semaphore, #tpu.memory_space<semaphore_mem>>) src(%dma_wait3A_36 : memref<256xi32, #tpu.memory_space<hbm>>) dst(%arg8 : memref<256xi32, #tpu.memory_space<vmem>>)
      tpu.yield
    }) : () -> ()
    %dma_start3A = arith.constant 0 : i32
    %dma_start3A_11 = arith.constant 0 : i32
    %dma_start3A_12 = tpu.memref_slice %arg4[%dma_start3A, %dma_start3A_11] : memref<125x128xf32, #tpu.memory_space<hbm>> -> memref<125x128xf32, #tpu.memory_space<hbm>>
    tpu.enqueue_indirect_dma source(%dma_start3A_12 : memref<125x128xf32, #tpu.memory_space<hbm>>) target(%arg10 : memref<256x128xf32, #tpu.memory_space<vmem>>) offsets(%arg8 : memref<256xi32, #tpu.memory_space<vmem>>) semaphore(%arg12 : memref<!tpu.dma_semaphore, #tpu.memory_space<semaphore_mem>>)
    "tpu.region"() ({
      %run_scoped3A = tpu.sem_alloc : memref<!tpu.dma_semaphore, #tpu.memory_space<semaphore_mem>>
      %dma_start3A_33 = tpu.memref_slice %arg2[%add3A_6] : memref<16384xi32, #tpu.memory_space<hbm>> -> memref<256xi32, #tpu.memory_space<hbm>>
      %dma_start3A_34 = tpu.memref_slice %arg2[%add3A_6] : memref<16384xi32, #tpu.memory_space<hbm>> -> memref<256xi32, #tpu.memory_space<hbm>>
      tpu.enqueue_dma source(%dma_start3A_34 : memref<256xi32, #tpu.memory_space<hbm>>) target(%arg9 : memref<256xi32, #tpu.memory_space<vmem>>) target_semaphore(%run_scoped3A : memref<!tpu.dma_semaphore, #tpu.memory_space<semaphore_mem>>)
      %dma_wait3A_35 = tpu.memref_slice %arg2[%add3A_6] : memref<16384xi32, #tpu.memory_space<hbm>> -> memref<256xi32, #tpu.memory_space<hbm>>
      %dma_wait3A_36 = tpu.memref_slice %arg2[%add3A_6] : memref<16384xi32, #tpu.memory_space<hbm>> -> memref<256xi32, #tpu.memory_space<hbm>>
      tpu.wait_dma2 semaphore(%run_scoped3A : memref<!tpu.dma_semaphore, #tpu.memory_space<semaphore_mem>>) src(%dma_wait3A_36 : memref<256xi32, #tpu.memory_space<hbm>>) dst(%arg9 : memref<256xi32, #tpu.memory_space<vmem>>)
      tpu.yield
    }) : () -> ()
    %dma_start3A_13 = arith.constant 0 : i32
    %dma_start3A_14 = arith.constant 0 : i32
    %dma_start3A_15 = tpu.memref_slice %arg4[%dma_start3A_13, %dma_start3A_14] : memref<125x128xf32, #tpu.memory_space<hbm>> -> memref<125x128xf32, #tpu.memory_space<hbm>>
    tpu.enqueue_indirect_dma source(%dma_start3A_15 : memref<125x128xf32, #tpu.memory_space<hbm>>) target(%arg11 : memref<256x128xf32, #tpu.memory_space<vmem>>) offsets(%arg9 : memref<256xi32, #tpu.memory_space<vmem>>) semaphore(%arg13 : memref<!tpu.dma_semaphore, #tpu.memory_space<semaphore_mem>>)
    %dma_wait3A = arith.constant 0 : i32
    %dma_wait3A_16 = arith.constant 0 : i32
    %dma_wait3A_17 = tpu.memref_slice %arg4[%dma_wait3A, %dma_wait3A_16] : memref<125x128xf32, #tpu.memory_space<hbm>> -> memref<125x128xf32, #tpu.memory_space<hbm>>
    tpu.wait_indirect_dma semaphore(%arg12 : memref<!tpu.dma_semaphore, #tpu.memory_space<semaphore_mem>>) src(%dma_wait3A_17 : memref<125x128xf32, #tpu.memory_space<hbm>>) dst(%arg10 : memref<256x128xf32, #tpu.memory_space<vmem>>)
    "tpu.region"() ({
      %run_scoped3A = tpu.sem_alloc : memref<!tpu.dma_semaphore, #tpu.memory_space<semaphore_mem>>
      %dma_start3A_33 = arith.constant 0 : i32
      %dma_start3A_34 = tpu.memref_slice %arg6[%add3A_4, %dma_start3A_33] : memref<16384x128xf32, #tpu.memory_space<hbm>> -> memref<256x128xf32, #tpu.memory_space<hbm>>
      %dma_start3A_35 = arith.constant 0 : i32
      %dma_start3A_36 = tpu.memref_slice %arg6[%add3A_4, %dma_start3A_35] : memref<16384x128xf32, #tpu.memory_space<hbm>> -> memref<256x128xf32, #tpu.memory_space<hbm>>
      tpu.enqueue_dma source(%arg10 : memref<256x128xf32, #tpu.memory_space<vmem>>) target(%dma_start3A_36 : memref<256x128xf32, #tpu.memory_space<hbm>>) target_semaphore(%run_scoped3A : memref<!tpu.dma_semaphore, #tpu.memory_space<semaphore_mem>>)
      %dma_wait3A_37 = arith.constant 0 : i32
      %dma_wait3A_38 = tpu.memref_slice %arg6[%add3A_4, %dma_wait3A_37] : memref<16384x128xf32, #tpu.memory_space<hbm>> -> memref<256x128xf32, #tpu.memory_space<hbm>>
      %dma_wait3A_39 = arith.constant 0 : i32
      %dma_wait3A_40 = tpu.memref_slice %arg6[%add3A_4, %dma_wait3A_39] : memref<16384x128xf32, #tpu.memory_space<hbm>> -> memref<256x128xf32, #tpu.memory_space<hbm>>
      tpu.wait_dma2 semaphore(%run_scoped3A : memref<!tpu.dma_semaphore, #tpu.memory_space<semaphore_mem>>) src(%arg10 : memref<256x128xf32, #tpu.memory_space<vmem>>) dst(%dma_wait3A_40 : memref<256x128xf32, #tpu.memory_space<hbm>>)
      tpu.yield
    }) : () -> ()
    "tpu.region"() ({
      %run_scoped3A = tpu.sem_alloc : memref<!tpu.dma_semaphore, #tpu.memory_space<semaphore_mem>>
      %dma_start3A_33 = tpu.memref_slice %arg3[%add3A_8] : memref<16384xi32, #tpu.memory_space<hbm>> -> memref<256xi32, #tpu.memory_space<hbm>>
      %dma_start3A_34 = tpu.memref_slice %arg3[%add3A_8] : memref<16384xi32, #tpu.memory_space<hbm>> -> memref<256xi32, #tpu.memory_space<hbm>>
      tpu.enqueue_dma source(%dma_start3A_34 : memref<256xi32, #tpu.memory_space<hbm>>) target(%arg8 : memref<256xi32, #tpu.memory_space<vmem>>) target_semaphore(%run_scoped3A : memref<!tpu.dma_semaphore, #tpu.memory_space<semaphore_mem>>)
      %dma_wait3A_35 = tpu.memref_slice %arg3[%add3A_8] : memref<16384xi32, #tpu.memory_space<hbm>> -> memref<256xi32, #tpu.memory_space<hbm>>
      %dma_wait3A_36 = tpu.memref_slice %arg3[%add3A_8] : memref<16384xi32, #tpu.memory_space<hbm>> -> memref<256xi32, #tpu.memory_space<hbm>>
      tpu.wait_dma2 semaphore(%run_scoped3A : memref<!tpu.dma_semaphore, #tpu.memory_space<semaphore_mem>>) src(%dma_wait3A_36 : memref<256xi32, #tpu.memory_space<hbm>>) dst(%arg8 : memref<256xi32, #tpu.memory_space<vmem>>)
      tpu.yield
    }) : () -> ()
    %dma_start3A_18 = arith.constant 0 : i32
    %dma_start3A_19 = arith.constant 0 : i32
    %dma_start3A_20 = tpu.memref_slice %arg5[%dma_start3A_18, %dma_start3A_19] : memref<125x128xf32, #tpu.memory_space<hbm>> -> memref<125x128xf32, #tpu.memory_space<hbm>>
    tpu.enqueue_indirect_dma source(%dma_start3A_20 : memref<125x128xf32, #tpu.memory_space<hbm>>) target(%arg10 : memref<256x128xf32, #tpu.memory_space<vmem>>) offsets(%arg8 : memref<256xi32, #tpu.memory_space<vmem>>) semaphore(%arg12 : memref<!tpu.dma_semaphore, #tpu.memory_space<semaphore_mem>>)
    %dma_wait3A_21 = arith.constant 0 : i32
    %dma_wait3A_22 = arith.constant 0 : i32
    %dma_wait3A_23 = tpu.memref_slice %arg4[%dma_wait3A_21, %dma_wait3A_22] : memref<125x128xf32, #tpu.memory_space<hbm>> -> memref<125x128xf32, #tpu.memory_space<hbm>>
    tpu.wait_indirect_dma semaphore(%arg13 : memref<!tpu.dma_semaphore, #tpu.memory_space<semaphore_mem>>) src(%dma_wait3A_23 : memref<125x128xf32, #tpu.memory_space<hbm>>) dst(%arg11 : memref<256x128xf32, #tpu.memory_space<vmem>>)
    "tpu.region"() ({
      %run_scoped3A = tpu.sem_alloc : memref<!tpu.dma_semaphore, #tpu.memory_space<semaphore_mem>>
      %dma_start3A_33 = arith.constant 0 : i32
      %dma_start3A_34 = tpu.memref_slice %arg6[%add3A_6, %dma_start3A_33] : memref<16384x128xf32, #tpu.memory_space<hbm>> -> memref<256x128xf32, #tpu.memory_space<hbm>>
      %dma_start3A_35 = arith.constant 0 : i32
      %dma_start3A_36 = tpu.memref_slice %arg6[%add3A_6, %dma_start3A_35] : memref<16384x128xf32, #tpu.memory_space<hbm>> -> memref<256x128xf32, #tpu.memory_space<hbm>>
      tpu.enqueue_dma source(%arg11 : memref<256x128xf32, #tpu.memory_space<vmem>>) target(%dma_start3A_36 : memref<256x128xf32, #tpu.memory_space<hbm>>) target_semaphore(%run_scoped3A : memref<!tpu.dma_semaphore, #tpu.memory_space<semaphore_mem>>)
      %dma_wait3A_37 = arith.constant 0 : i32
      %dma_wait3A_38 = tpu.memref_slice %arg6[%add3A_6, %dma_wait3A_37] : memref<16384x128xf32, #tpu.memory_space<hbm>> -> memref<256x128xf32, #tpu.memory_space<hbm>>
      %dma_wait3A_39 = arith.constant 0 : i32
      %dma_wait3A_40 = tpu.memref_slice %arg6[%add3A_6, %dma_wait3A_39] : memref<16384x128xf32, #tpu.memory_space<hbm>> -> memref<256x128xf32, #tpu.memory_space<hbm>>
      tpu.wait_dma2 semaphore(%run_scoped3A : memref<!tpu.dma_semaphore, #tpu.memory_space<semaphore_mem>>) src(%arg11 : memref<256x128xf32, #tpu.memory_space<vmem>>) dst(%dma_wait3A_40 : memref<256x128xf32, #tpu.memory_space<hbm>>)
      tpu.yield
    }) : () -> ()
    "tpu.region"() ({
      %run_scoped3A = tpu.sem_alloc : memref<!tpu.dma_semaphore, #tpu.memory_space<semaphore_mem>>
      %dma_start3A_33 = tpu.memref_slice %arg3[%add3A_10] : memref<16384xi32, #tpu.memory_space<hbm>> -> memref<256xi32, #tpu.memory_space<hbm>>
      %dma_start3A_34 = tpu.memref_slice %arg3[%add3A_10] : memref<16384xi32, #tpu.memory_space<hbm>> -> memref<256xi32, #tpu.memory_space<hbm>>
      tpu.enqueue_dma source(%dma_start3A_34 : memref<256xi32, #tpu.memory_space<hbm>>) target(%arg9 : memref<256xi32, #tpu.memory_space<vmem>>) target_semaphore(%run_scoped3A : memref<!tpu.dma_semaphore, #tpu.memory_space<semaphore_mem>>)
      %dma_wait3A_35 = tpu.memref_slice %arg3[%add3A_10] : memref<16384xi32, #tpu.memory_space<hbm>> -> memref<256xi32, #tpu.memory_space<hbm>>
      %dma_wait3A_36 = tpu.memref_slice %arg3[%add3A_10] : memref<16384xi32, #tpu.memory_space<hbm>> -> memref<256xi32, #tpu.memory_space<hbm>>
      tpu.wait_dma2 semaphore(%run_scoped3A : memref<!tpu.dma_semaphore, #tpu.memory_space<semaphore_mem>>) src(%dma_wait3A_36 : memref<256xi32, #tpu.memory_space<hbm>>) dst(%arg9 : memref<256xi32, #tpu.memory_space<vmem>>)
      tpu.yield
    }) : () -> ()
    %dma_start3A_24 = arith.constant 0 : i32
    %dma_start3A_25 = arith.constant 0 : i32
    %dma_start3A_26 = tpu.memref_slice %arg5[%dma_start3A_24, %dma_start3A_25] : memref<125x128xf32, #tpu.memory_space<hbm>> -> memref<125x128xf32, #tpu.memory_space<hbm>>
    tpu.enqueue_indirect_dma source(%dma_start3A_26 : memref<125x128xf32, #tpu.memory_space<hbm>>) target(%arg11 : memref<256x128xf32, #tpu.memory_space<vmem>>) offsets(%arg9 : memref<256xi32, #tpu.memory_space<vmem>>) semaphore(%arg13 : memref<!tpu.dma_semaphore, #tpu.memory_space<semaphore_mem>>)
    %dma_wait3A_27 = arith.constant 0 : i32
    %dma_wait3A_28 = arith.constant 0 : i32
    %dma_wait3A_29 = tpu.memref_slice %arg5[%dma_wait3A_27, %dma_wait3A_28] : memref<125x128xf32, #tpu.memory_space<hbm>> -> memref<125x128xf32, #tpu.memory_space<hbm>>
    tpu.wait_indirect_dma semaphore(%arg12 : memref<!tpu.dma_semaphore, #tpu.memory_space<semaphore_mem>>) src(%dma_wait3A_29 : memref<125x128xf32, #tpu.memory_space<hbm>>) dst(%arg10 : memref<256x128xf32, #tpu.memory_space<vmem>>)
    "tpu.region"() ({
      %run_scoped3A = tpu.sem_alloc : memref<!tpu.dma_semaphore, #tpu.memory_space<semaphore_mem>>
      %dma_start3A_33 = arith.constant 0 : i32
      %dma_start3A_34 = tpu.memref_slice %arg7[%add3A_8, %dma_start3A_33] : memref<16384x128xf32, #tpu.memory_space<hbm>> -> memref<256x128xf32, #tpu.memory_space<hbm>>
      %dma_start3A_35 = arith.constant 0 : i32
      %dma_start3A_36 = tpu.memref_slice %arg7[%add3A_8, %dma_start3A_35] : memref<16384x128xf32, #tpu.memory_space<hbm>> -> memref<256x128xf32, #tpu.memory_space<hbm>>
      tpu.enqueue_dma source(%arg10 : memref<256x128xf32, #tpu.memory_space<vmem>>) target(%dma_start3A_36 : memref<256x128xf32, #tpu.memory_space<hbm>>) target_semaphore(%run_scoped3A : memref<!tpu.dma_semaphore, #tpu.memory_space<semaphore_mem>>)
      %dma_wait3A_37 = arith.constant 0 : i32
      %dma_wait3A_38 = tpu.memref_slice %arg7[%add3A_8, %dma_wait3A_37] : memref<16384x128xf32, #tpu.memory_space<hbm>> -> memref<256x128xf32, #tpu.memory_space<hbm>>
      %dma_wait3A_39 = arith.constant 0 : i32
      %dma_wait3A_40 = tpu.memref_slice %arg7[%add3A_8, %dma_wait3A_39] : memref<16384x128xf32, #tpu.memory_space<hbm>> -> memref<256x128xf32, #tpu.memory_space<hbm>>
      tpu.wait_dma2 semaphore(%run_scoped3A : memref<!tpu.dma_semaphore, #tpu.memory_space<semaphore_mem>>) src(%arg10 : memref<256x128xf32, #tpu.memory_space<vmem>>) dst(%dma_wait3A_40 : memref<256x128xf32, #tpu.memory_space<hbm>>)
      tpu.yield
    }) : () -> ()
    %dma_wait3A_30 = arith.constant 0 : i32
    %dma_wait3A_31 = arith.constant 0 : i32
    %dma_wait3A_32 = tpu.memref_slice %arg5[%dma_wait3A_30, %dma_wait3A_31] : memref<125x128xf32, #tpu.memory_space<hbm>> -> memref<125x128xf32, #tpu.memory_space<hbm>>
    tpu.wait_indirect_dma semaphore(%arg13 : memref<!tpu.dma_semaphore, #tpu.memory_space<semaphore_mem>>) src(%dma_wait3A_32 : memref<125x128xf32, #tpu.memory_space<hbm>>) dst(%arg11 : memref<256x128xf32, #tpu.memory_space<vmem>>)
    "tpu.region"() ({
      %run_scoped3A = tpu.sem_alloc : memref<!tpu.dma_semaphore, #tpu.memory_space<semaphore_mem>>
      %dma_start3A_33 = arith.constant 0 : i32
      %dma_start3A_34 = tpu.memref_slice %arg7[%add3A_10, %dma_start3A_33] : memref<16384x128xf32, #tpu.memory_space<hbm>> -> memref<256x128xf32, #tpu.memory_space<hbm>>
      %dma_start3A_35 = arith.constant 0 : i32
      %dma_start3A_36 = tpu.memref_slice %arg7[%add3A_10, %dma_start3A_35] : memref<16384x128xf32, #tpu.memory_space<hbm>> -> memref<256x128xf32, #tpu.memory_space<hbm>>
      tpu.enqueue_dma source(%arg11 : memref<256x128xf32, #tpu.memory_space<vmem>>) target(%dma_start3A_36 : memref<256x128xf32, #tpu.memory_space<hbm>>) target_semaphore(%run_scoped3A : memref<!tpu.dma_semaphore, #tpu.memory_space<semaphore_mem>>)
      %dma_wait3A_37 = arith.constant 0 : i32
      %dma_wait3A_38 = tpu.memref_slice %arg7[%add3A_10, %dma_wait3A_37] : memref<16384x128xf32, #tpu.memory_space<hbm>> -> memref<256x128xf32, #tpu.memory_space<hbm>>
      %dma_wait3A_39 = arith.constant 0 : i32
      %dma_wait3A_40 = tpu.memref_slice %arg7[%add3A_10, %dma_wait3A_39] : memref<16384x128xf32, #tpu.memory_space<hbm>> -> memref<256x128xf32, #tpu.memory_space<hbm>>
      tpu.wait_dma2 semaphore(%run_scoped3A : memref<!tpu.dma_semaphore, #tpu.memory_space<semaphore_mem>>) src(%arg11 : memref<256x128xf32, #tpu.memory_space<vmem>>) dst(%dma_wait3A_40 : memref<256x128xf32, #tpu.memory_space<hbm>>)
      tpu.yield
    }) : () -> ()
    return
  }
}

module attributes {stable_mosaic.version = 14 : i64} {
  func.func @_mlp_body(%arg0: i32, %arg1: memref<2048x32xf32, #tpu.memory_space<vmem>>, %arg2: memref<2048x128xf32, #tpu.memory_space<vmem>>, %arg3: memref<2048x128xf32, #tpu.memory_space<vmem>>, %arg4: memref<4x2048xf32, #tpu.memory_space<vmem>>, %arg5: memref<32x128xf32, #tpu.memory_space<vmem>>, %arg6: memref<128x128xf32, #tpu.memory_space<vmem>>, %arg7: memref<128x128xf32, #tpu.memory_space<vmem>>, %arg8: memref<2x128xf32, #tpu.memory_space<vmem>>, %arg9: memref<1x128xf32, #tpu.memory_space<vmem>>, %arg10: memref<128x64xf32, #tpu.memory_space<vmem>>, %arg11: memref<1x64xf32, #tpu.memory_space<vmem>>, %arg12: memref<64x64xf32, #tpu.memory_space<vmem>>, %arg13: memref<1x64xf32, #tpu.memory_space<vmem>>, %arg14: memref<64x2048xf32, #tpu.memory_space<vmem>>) attributes {dimension_semantics = [#tpu.dimension_semantics<arbitrary>], iteration_bounds = array<i64: 8>, scalar_prefetch = 0 : i64, scratch_operands = 0 : i64, tpu.core_type = #tpu.core_type<tc>, window_params = [{transform_indices = @transform_0, window_bounds = array<i64: 2048, 32>}, {transform_indices = @transform_1, window_bounds = array<i64: 2048, 128>}, {transform_indices = @transform_2, window_bounds = array<i64: 2048, 128>}, {transform_indices = @transform_3, window_bounds = array<i64: 4, 2048>}, {pipeline_mode = #tpu.pipeline_mode<synchronous>, transform_indices = @transform_4, window_bounds = array<i64: 32, 128>}, {pipeline_mode = #tpu.pipeline_mode<synchronous>, transform_indices = @transform_5, window_bounds = array<i64: 128, 128>}, {pipeline_mode = #tpu.pipeline_mode<synchronous>, transform_indices = @transform_6, window_bounds = array<i64: 128, 128>}, {pipeline_mode = #tpu.pipeline_mode<synchronous>, transform_indices = @transform_7, window_bounds = array<i64: 2, 128>}, {pipeline_mode = #tpu.pipeline_mode<synchronous>, transform_indices = @transform_8, window_bounds = array<i64: 1, 128>}, {pipeline_mode = #tpu.pipeline_mode<synchronous>, transform_indices = @transform_9, window_bounds = array<i64: 128, 64>}, {pipeline_mode = #tpu.pipeline_mode<synchronous>, transform_indices = @transform_10, window_bounds = array<i64: 1, 64>}, {pipeline_mode = #tpu.pipeline_mode<synchronous>, transform_indices = @transform_11, window_bounds = array<i64: 64, 64>}, {pipeline_mode = #tpu.pipeline_mode<synchronous>, transform_indices = @transform_12, window_bounds = array<i64: 1, 64>}, {transform_indices = @transform_13, window_bounds = array<i64: 64, 2048>}]} {
    %get3A = arith.constant 0 : index
    %get3A_0 = arith.constant 0 : index
    %get3A_1 = vector.load %arg4[%get3A, %get3A_0] : memref<4x2048xf32, #tpu.memory_space<vmem>>, vector<4x2048xf32>
    %transpose3A = tpu.transpose %get3A_1, [1, 0] : vector<4x2048xf32> -> vector<2048x4xf32>
    %get3A_2 = arith.constant 0 : index
    %get3A_3 = arith.constant 0 : index
    %get3A_4 = vector.load %arg1[%get3A_2, %get3A_3] : memref<2048x32xf32, #tpu.memory_space<vmem>>, vector<2048x32xf32>
    %get3A_5 = arith.constant 0 : index
    %get3A_6 = arith.constant 0 : index
    %get3A_7 = vector.load %arg5[%get3A_5, %get3A_6] : memref<32x128xf32, #tpu.memory_space<vmem>>, vector<32x128xf32>
    %dot_general3A = arith.constant dense<0.000000e+00> : vector<2048x128xf32>
    %dot_general3A_8 = tpu.matmul %get3A_4, %get3A_7, %dot_general3A {dimension_numbers = #tpu.dot_dimension_numbers<[1], [0], [0], [1], [0, 0, 1, 1], [], []>, transpose_lhs_hint = false} : vector<2048x32xf32>, vector<32x128xf32>, vector<2048x128xf32> -> vector<2048x128xf32>
    %iota3A = tpu.iota {dimensions = array<i32: 1>} : vector<2048x128xi32>
    %shift_right_arithmetic3A = arith.constant 4 : i32
    %shift_right_arithmetic3A_9 = vector.broadcast %shift_right_arithmetic3A : i32 to vector<2048x128xi32>
    %shift_right_arithmetic3A_10 = arith.shrsi %iota3A, %shift_right_arithmetic3A_9 : vector<2048x128xi32>
    %convert_element_type3A = arith.sitofp %shift_right_arithmetic3A_10 : vector<2048x128xi32> to vector<2048x128xf32>
    %slice3A = vector.extract_strided_slice %transpose3A {offsets = [0, 2], sizes = [2048, 1], strides = [1, 1]} : vector<2048x4xf32> to vector<2048x1xf32>
    %eq3A = vector.broadcast %slice3A : vector<2048x1xf32> to vector<2048x128xf32>
    %eq3A_11 = arith.cmpf oeq, %convert_element_type3A, %eq3A : vector<2048x128xf32>
    %get3A_12 = arith.constant 0 : index
    %get3A_13 = arith.constant 0 : index
    %get3A_14 = vector.load %arg2[%get3A_12, %get3A_13] : memref<2048x128xf32, #tpu.memory_space<vmem>>, vector<2048x128xf32>
    %jit3A = arith.constant 0.000000e+00 : f32
    %broadcast_in_dim3A = vector.broadcast %jit3A : f32 to vector<2048x128xf32>
    %select_n3A = arith.select %eq3A_11, %get3A_14, %broadcast_in_dim3A : vector<2048x128xi1>, vector<2048x128xf32>
    %slice3A_15 = vector.extract_strided_slice %transpose3A {offsets = [0, 3], sizes = [2048, 1], strides = [1, 1]} : vector<2048x4xf32> to vector<2048x1xf32>
    %eq3A_16 = vector.broadcast %slice3A_15 : vector<2048x1xf32> to vector<2048x128xf32>
    %eq3A_17 = arith.cmpf oeq, %convert_element_type3A, %eq3A_16 : vector<2048x128xf32>
    %get3A_18 = arith.constant 0 : index
    %get3A_19 = arith.constant 0 : index
    %get3A_20 = vector.load %arg3[%get3A_18, %get3A_19] : memref<2048x128xf32, #tpu.memory_space<vmem>>, vector<2048x128xf32>
    %jit3A_21 = arith.constant 0.000000e+00 : f32
    %broadcast_in_dim3A_22 = vector.broadcast %jit3A_21 : f32 to vector<2048x128xf32>
    %select_n3A_23 = arith.select %eq3A_17, %get3A_20, %broadcast_in_dim3A_22 : vector<2048x128xi1>, vector<2048x128xf32>
    %get3A_24 = arith.constant 0 : index
    %get3A_25 = arith.constant 0 : index
    %get3A_26 = vector.load %arg6[%get3A_24, %get3A_25] : memref<128x128xf32, #tpu.memory_space<vmem>>, vector<128x128xf32>
    %dot_general3A_27 = arith.constant dense<0.000000e+00> : vector<2048x128xf32>
    %dot_general3A_28 = tpu.matmul %select_n3A, %get3A_26, %dot_general3A_27 {dimension_numbers = #tpu.dot_dimension_numbers<[1], [0], [0], [1], [0, 0, 1, 1], [], []>, transpose_lhs_hint = false} : vector<2048x128xf32>, vector<128x128xf32>, vector<2048x128xf32> -> vector<2048x128xf32>
    %add3A = arith.addf %dot_general3A_8, %dot_general3A_28 : vector<2048x128xf32>
    %get3A_29 = arith.constant 0 : index
    %get3A_30 = arith.constant 0 : index
    %get3A_31 = vector.load %arg7[%get3A_29, %get3A_30] : memref<128x128xf32, #tpu.memory_space<vmem>>, vector<128x128xf32>
    %dot_general3A_32 = arith.constant dense<0.000000e+00> : vector<2048x128xf32>
    %dot_general3A_33 = tpu.matmul %select_n3A_23, %get3A_31, %dot_general3A_32 {dimension_numbers = #tpu.dot_dimension_numbers<[1], [0], [0], [1], [0, 0, 1, 1], [], []>, transpose_lhs_hint = false} : vector<2048x128xf32>, vector<128x128xf32>, vector<2048x128xf32> -> vector<2048x128xf32>
    %add3A_34 = arith.addf %add3A, %dot_general3A_33 : vector<2048x128xf32>
    %slice3A_35 = vector.extract_strided_slice %transpose3A {offsets = [0, 0], sizes = [2048, 2], strides = [1, 1]} : vector<2048x4xf32> to vector<2048x2xf32>
    %get3A_36 = arith.constant 0 : index
    %get3A_37 = arith.constant 0 : index
    %get3A_38 = vector.load %arg8[%get3A_36, %get3A_37] : memref<2x128xf32, #tpu.memory_space<vmem>>, vector<2x128xf32>
    %dot_general3A_39 = arith.constant dense<0.000000e+00> : vector<2048x128xf32>
    %dot_general3A_40 = tpu.matmul %slice3A_35, %get3A_38, %dot_general3A_39 {dimension_numbers = #tpu.dot_dimension_numbers<[1], [0], [0], [1], [0, 0, 1, 1], [], []>, transpose_lhs_hint = false} : vector<2048x2xf32>, vector<2x128xf32>, vector<2048x128xf32> -> vector<2048x128xf32>
    %add3A_41 = arith.addf %add3A_34, %dot_general3A_40 : vector<2048x128xf32>
    %get3A_42 = arith.constant 0 : index
    %get3A_43 = arith.constant 0 : index
    %get3A_44 = vector.load %arg9[%get3A_42, %get3A_43] : memref<1x128xf32, #tpu.memory_space<vmem>>, vector<1x128xf32>
    %add3A_45 = vector.broadcast %get3A_44 : vector<1x128xf32> to vector<2048x128xf32>
    %add3A_46 = arith.addf %add3A_41, %add3A_45 : vector<2048x128xf32>
    %max3A = arith.constant 0.000000e+00 : f32
    %max3A_47 = vector.broadcast %max3A : f32 to vector<2048x128xf32>
    %max3A_48 = arith.maximumf %add3A_46, %max3A_47 : vector<2048x128xf32>
    %get3A_49 = arith.constant 0 : index
    %get3A_50 = arith.constant 0 : index
    %get3A_51 = vector.load %arg10[%get3A_49, %get3A_50] : memref<128x64xf32, #tpu.memory_space<vmem>>, vector<128x64xf32>
    %dot_general3A_52 = arith.constant dense<0.000000e+00> : vector<2048x64xf32>
    %dot_general3A_53 = tpu.matmul %max3A_48, %get3A_51, %dot_general3A_52 {dimension_numbers = #tpu.dot_dimension_numbers<[1], [0], [0], [1], [0, 0, 1, 1], [], []>, transpose_lhs_hint = false} : vector<2048x128xf32>, vector<128x64xf32>, vector<2048x64xf32> -> vector<2048x64xf32>
    %get3A_54 = arith.constant 0 : index
    %get3A_55 = arith.constant 0 : index
    %get3A_56 = vector.load %arg11[%get3A_54, %get3A_55] : memref<1x64xf32, #tpu.memory_space<vmem>>, vector<1x64xf32>
    %add3A_57 = vector.broadcast %get3A_56 : vector<1x64xf32> to vector<2048x64xf32>
    %add3A_58 = arith.addf %dot_general3A_53, %add3A_57 : vector<2048x64xf32>
    %max3A_59 = arith.constant 0.000000e+00 : f32
    %max3A_60 = vector.broadcast %max3A_59 : f32 to vector<2048x64xf32>
    %max3A_61 = arith.maximumf %add3A_58, %max3A_60 : vector<2048x64xf32>
    %get3A_62 = arith.constant 0 : index
    %get3A_63 = arith.constant 0 : index
    %get3A_64 = vector.load %arg12[%get3A_62, %get3A_63] : memref<64x64xf32, #tpu.memory_space<vmem>>, vector<64x64xf32>
    %dot_general3A_65 = arith.constant dense<0.000000e+00> : vector<2048x64xf32>
    %dot_general3A_66 = tpu.matmul %max3A_61, %get3A_64, %dot_general3A_65 {dimension_numbers = #tpu.dot_dimension_numbers<[1], [0], [0], [1], [0, 0, 1, 1], [], []>, transpose_lhs_hint = false} : vector<2048x64xf32>, vector<64x64xf32>, vector<2048x64xf32> -> vector<2048x64xf32>
    %get3A_67 = arith.constant 0 : index
    %get3A_68 = arith.constant 0 : index
    %get3A_69 = vector.load %arg13[%get3A_67, %get3A_68] : memref<1x64xf32, #tpu.memory_space<vmem>>, vector<1x64xf32>
    %add3A_70 = vector.broadcast %get3A_69 : vector<1x64xf32> to vector<2048x64xf32>
    %add3A_71 = arith.addf %dot_general3A_66, %add3A_70 : vector<2048x64xf32>
    %transpose3A_72 = tpu.transpose %add3A_71, [1, 0] : vector<2048x64xf32> -> vector<64x2048xf32>
    %swap3A = arith.constant 0 : index
    %swap3A_73 = arith.constant 0 : index
    %swap3A_74 = vector.load %arg14[%swap3A, %swap3A_73] : memref<64x2048xf32, #tpu.memory_space<vmem>>, vector<64x2048xf32>
    tpu.vector_store %arg14[%swap3A, %swap3A_73], %transpose3A_72 {strides = array<i32>} : memref<64x2048xf32, #tpu.memory_space<vmem>>, vector<64x2048xf32>,
    return
  }
  func.func @transform_0(%arg0: i32) -> (i32, i32) {
    %c0_i32 = arith.constant 0 : i32
    %c0_i32_0 = arith.constant 0 : i32
    return %arg0, %c0_i32 : i32, i32
  }
  func.func @transform_1(%arg0: i32) -> (i32, i32) {
    %c0_i32 = arith.constant 0 : i32
    %c0_i32_0 = arith.constant 0 : i32
    return %arg0, %c0_i32 : i32, i32
  }
  func.func @transform_2(%arg0: i32) -> (i32, i32) {
    %c0_i32 = arith.constant 0 : i32
    %c0_i32_0 = arith.constant 0 : i32
    return %arg0, %c0_i32 : i32, i32
  }
  func.func @transform_3(%arg0: i32) -> (i32, i32) {
    %c0_i32 = arith.constant 0 : i32
    %c0_i32_0 = arith.constant 0 : i32
    return %c0_i32, %arg0 : i32, i32
  }
  func.func @transform_4(%arg0: i32) -> (i32, i32) {
    %c0_i32 = arith.constant 0 : i32
    %c0_i32_0 = arith.constant 0 : i32
    %c0_i32_1 = arith.constant 0 : i32
    return %c0_i32, %c0_i32_0 : i32, i32
  }
  func.func @transform_5(%arg0: i32) -> (i32, i32) {
    %c0_i32 = arith.constant 0 : i32
    %c0_i32_0 = arith.constant 0 : i32
    %c0_i32_1 = arith.constant 0 : i32
    return %c0_i32, %c0_i32_0 : i32, i32
  }
  func.func @transform_6(%arg0: i32) -> (i32, i32) {
    %c0_i32 = arith.constant 0 : i32
    %c0_i32_0 = arith.constant 0 : i32
    %c0_i32_1 = arith.constant 0 : i32
    return %c0_i32, %c0_i32_0 : i32, i32
  }
  func.func @transform_7(%arg0: i32) -> (i32, i32) {
    %c0_i32 = arith.constant 0 : i32
    %c0_i32_0 = arith.constant 0 : i32
    %c0_i32_1 = arith.constant 0 : i32
    return %c0_i32, %c0_i32_0 : i32, i32
  }
  func.func @transform_8(%arg0: i32) -> (i32, i32) {
    %c0_i32 = arith.constant 0 : i32
    %c0_i32_0 = arith.constant 0 : i32
    %c0_i32_1 = arith.constant 0 : i32
    return %c0_i32, %c0_i32_0 : i32, i32
  }
  func.func @transform_9(%arg0: i32) -> (i32, i32) {
    %c0_i32 = arith.constant 0 : i32
    %c0_i32_0 = arith.constant 0 : i32
    %c0_i32_1 = arith.constant 0 : i32
    return %c0_i32, %c0_i32_0 : i32, i32
  }
  func.func @transform_10(%arg0: i32) -> (i32, i32) {
    %c0_i32 = arith.constant 0 : i32
    %c0_i32_0 = arith.constant 0 : i32
    %c0_i32_1 = arith.constant 0 : i32
    return %c0_i32, %c0_i32_0 : i32, i32
  }
  func.func @transform_11(%arg0: i32) -> (i32, i32) {
    %c0_i32 = arith.constant 0 : i32
    %c0_i32_0 = arith.constant 0 : i32
    %c0_i32_1 = arith.constant 0 : i32
    return %c0_i32, %c0_i32_0 : i32, i32
  }
  func.func @transform_12(%arg0: i32) -> (i32, i32) {
    %c0_i32 = arith.constant 0 : i32
    %c0_i32_0 = arith.constant 0 : i32
    %c0_i32_1 = arith.constant 0 : i32
    return %c0_i32, %c0_i32_0 : i32, i32
  }
  func.func @transform_13(%arg0: i32) -> (i32, i32) {
    %c0_i32 = arith.constant 0 : i32
    %c0_i32_0 = arith.constant 0 : i32
    return %c0_i32, %arg0 : i32, i32
  }
}

</mosaic_0001>

<sc_bundles>
// kernel: kernel.5.cloned.1.call-start
scs
__scs_entry_jumppad:
0x0: {  	(pc) =	sbr.rel $0x88, $3  }
0x1: {  	(tag) =	ssettag $0x0;
	lr =	simm.s32 $0x1  }
0x2: {  	[smem:$0x3F93] =	sst lr;
	_ =	strace $0xD0000000  }
0x3: {  	_ = 	snop  }
0x4: {  	_ = 	snop  }
0x5: {  	_ = 	snop  }
0x6: {  	_ = 	snop  }
0x7: {  	_ = 	snop  }
__scs_overlays_trampoline_lowered:
0x8: {  	[smem:$0x3FA2] =	sst s0  }
0x9: {  	[smem:$0x3FA3] =	sst s1  }
0xa: {  	[smem:$0x3FA4] =	sst s2  }
0xb: {  	[smem:$0x3FA5] =	sst s3  }
0xc: {  	[smem:$0x3FA6] =	sst s4  }
0xd: {  	[smem:$0x3FA7] =	sst s5  }
0xe: {  	[smem:$0x3FA8] =	sst s6  }
0xf: {  	[smem:$0x3FA9] =	sst s7  }
0x10: {  	[smem:$0x3FAA] =	sst s8  }
0x11: {  	[smem:$0x3FAB] =	sst s9;
	s0 =	simm.s32 @!p0 $0x0  }
0x12: {  	s1 =	sld [smem:$0x3F91];
	s0 =	simm.s32 @p0 $0x1  }
0x13: {  	[smem:$0x3FAC] =	sst s0;
	s0 =	simm.s32 @!p1 $0x0  }
0x14: {  	s2 =	sld [smem:$0x3F90];
	s0 =	simm.s32 @p1 $0x1  }
0x15: {  	[smem:$0x3FAD] =	sst s0;
	s0 =	simm.s32 @!p2 $0x0  }
0x16: {  	s3 =	sld [smem:$0x3FDB];
	s0 =	simm.s32 @p2 $0x1  }
0x17: {  	s4 =	simm.s32 $0x1BF5;
	[smem:$0x3FAF] =	sst s0  }
0x18: {  	s0 =	sld [smem:$0x3F92];
	_ =	swait.ge [sflag:s4], $0x0  }
0x19: {  	s7 =	sld [smem:$0x3F93]  }
0x1a: {  	s8 =	sadd.s32 $0xFFFFE003, lr  }
0x1b: {  	s9 =	sadd.s32 $0xFFFFFEF7, lr;
	s5 =	simm.s32 $0xFFFFFFFF;
	p2 =	slt.u32 s8, $0xFFFFF086  }
0x1c: {  	p1 =	slt.u32 s9, $0xF7A;
	s5 =	simm.s32 @!p2 $0x0  }
0x1d: {  	s5 =	simm.s32 @p1 $0x1;
	p0 =	seq.s32 s7, s2  }
0x1e: {  	s7 =	smul.u32 @!p0 $0xF7A, s2;
	p2 =	seq.s32 @!p0 s5, $0x0  }
0x1f: {  	s9 =	smul.u32 $0xF7A, s1;
	s8 =	simm.s32 @!p0 $0x1BF5;
	p2 =	por !p2, p0  }
0x20: {  	[sflag:s8] =	ssyncset.s32 @!p0 $0xFFFFF086;
	s6 =	sadd.s32 @!p0 s3, s7;
	s7 =	simm.s32 @!p0 $0x108  }
0x21: {  	s3 =	sadd.s32 s3, s9;
	s6 =	sadd.s32 @!p0 $0x88, s6;
	s7 =	simm.s32 @p2 $0x1082  }
0x22: {  	[simem:s7], [sflag:s8] =	dma.local @!p0 [hbm:s6], $0xF7A  }
0x23: {  	s9 =	sor.u32 $0xD0000000, s2;
	s6 =	simm.s32 $0x108;
	_ =	swait.ge @!p0 [sflag:s8], $0x0  }
0x24: {  	s3 =	sadd.s32 $0x88, s3;
	s6 =	simm.s32 @!p1 $0x1082;
	[sflag:s4] =	ssyncset.s32 $0xFFFFF086  }
0x25: {  	[simem:s6], [sflag:s4] =	dma.local [hbm:s3], $0xF7A  }
0x26: {  	[smem:$0x3F93] =	sst s1;
	(tag) =	ssettag s2;
	_ =	strace s9  }
0x27: {  	s1 =	sld [smem:$0x3FA3]  }
0x28: {  	s2 =	sld [smem:$0x3FA4]  }
0x29: {  	s4 =	sld [smem:$0x3FA6]  }
0x2a: {  	p0 =	seq.s32 s5, $0x0;
	s5 =	sld [smem:$0x3FA7]  }
0x2b: {  	s6 =	sld [smem:$0x3FA8]  }
0x2c: {  	s7 =	sld [smem:$0x3FA9]  }
0x2d: {  	s3 =	simm.s32 $0x108;
	s8 =	sld [smem:$0x3FAA]  }
0x2e: {  	s3 =	simm.s32 @!p0 $0x1082;
	s9 =	sld [smem:$0x3FAB]  }
0x2f: {  	lr =	sadd.s32 s0, s3;
	s0 =	sld [smem:$0x3FA2]  }
0x30: {  	s3 =	sld [smem:$0x3FA5]  }
0x31: {  	[smem:$0x3FAE] =	sst s10  }
0x32: {  	s10 =	sld [smem:$0x3FAC];
	_ =	sdelay $0x3  }
0x33: {  	p0 =	seq.s32 s10, $0x1;
	s10 =	sld [smem:$0x3FAE];
	_ =	sdelay $0x3  }
0x34: {  	[smem:$0x3FAE] =	sst s10  }
0x35: {  	s10 =	sld [smem:$0x3FAD];
	_ =	sdelay $0x3  }
0x36: {  	p1 =	seq.s32 s10, $0x1;
	s10 =	sld [smem:$0x3FAE];
	_ =	sdelay $0x3  }
0x37: {  	[smem:$0x3FAE] =	sst s10  }
0x38: {  	s10 =	sld [smem:$0x3FAF]  }
0x39: {  	_ = 	snop;
	(pc) =	sbr.ind lr, $3  }
0x3a: {  	_ = 	snop  }
0x3b: {  	_ = 	snop  }
0x3c: {  	p2 =	seq.s32 s10, $0x1;
	s10 =	sld [smem:$0x3FAE]  }
0x3d: {  	_ =	shalt  }
0x3e: {  	_ =	shalt  }
0x3f: {  	_ =	shalt  }
0x40: {  	_ =	shalt  }
0x41: {  	_ =	shalt  }
0x42: {  	_ =	shalt  }
0x43: {  	_ =	shalt  }
0x44: {  	_ =	shalt  }
0x45: {  	_ =	shalt  }
0x46: {  	_ =	shalt  }
0x47: {  	_ =	shalt  }
0x48: {  	_ =	shalt  }
0x49: {  	_ =	shalt  }
0x4a: {  	_ =	shalt  }
0x4b: {  	_ =	shalt  }
0x4c: {  	_ =	shalt  }
0x4d: {  	_ =	shalt  }
0x4e: {  	_ =	shalt  }
0x4f: {  	_ =	shalt  }
0x50: {  	_ =	shalt  }
0x51: {  	_ =	shalt  }
0x52: {  	_ =	shalt  }
0x53: {  	_ =	shalt  }
0x54: {  	_ =	shalt  }
0x55: {  	_ =	shalt  }
0x56: {  	_ =	shalt  }
0x57: {  	_ =	shalt  }
0x58: {  	_ =	shalt  }
0x59: {  	_ =	shalt  }
0x5a: {  	_ =	shalt  }
0x5b: {  	_ =	shalt  }
0x5c: {  	_ =	shalt  }
0x5d: {  	_ =	shalt  }
0x5e: {  	_ =	shalt  }
0x5f: {  	_ =	shalt  }
0x60: {  	_ =	shalt  }
0x61: {  	_ =	shalt  }
0x62: {  	_ =	shalt  }
0x63: {  	_ =	shalt  }
0x64: {  	_ =	shalt  }
0x65: {  	_ =	shalt  }
0x66: {  	_ =	shalt  }
0x67: {  	_ =	shalt  }
0x68: {  	_ =	shalt  }
0x69: {  	_ =	shalt  }
0x6a: {  	_ =	shalt  }
0x6b: {  	_ =	shalt  }
0x6c: {  	_ =	shalt  }
0x6d: {  	_ =	shalt  }
0x6e: {  	_ =	shalt  }
0x6f: {  	_ =	shalt  }
0x70: {  	_ =	shalt  }
0x71: {  	_ =	shalt  }
0x72: {  	_ =	shalt  }
0x73: {  	_ =	shalt  }
0x74: {  	_ =	shalt  }
0x75: {  	_ =	shalt  }
0x76: {  	_ =	shalt  }
0x77: {  	_ =	shalt  }
0x78: {  	_ =	shalt  }
0x79: {  	_ =	shalt  }
0x7a: {  	_ =	shalt  }
0x7b: {  	_ =	shalt  }
0x7c: {  	_ =	shalt  }
0x7d: {  	_ =	shalt  }
0x7e: {  	_ =	shalt  }
0x7f: {  	_ =	shalt  }
0x80: {  	_ =	shalt  }
0x81: {  	_ =	shalt  }
0x82: {  	_ =	shalt  }
0x83: {  	_ =	shalt  }
0x84: {  	_ =	shalt  }
0x85: {  	_ =	shalt  }
0x86: {  	_ =	shalt  }
0x87: {  	_ =	shalt  }
.Lfunc_end0:
.L_simem_size_0:
called_computation_lowered:
.L_overlay_start_0:
0x88: {  	s2 =	sld [smem:$0x3FD9]  }
0x89: {  	s3 =	sld [smem:$0x3FFE];
	_ =	sdelay $0x1  }
0x8a: {  	s1 =	srdreg.scid  }
0x8b: {  	s0 =	sand.u32 $0x1, s1  }
0x8c: {  	s17 =	sshll.u32 s0, $0xA;
	s2 =	sadd.s32 s3, s2  }
0x8d: {  	s2 =	sadd.s32 s2, s17  }
0x8e: {  	[smem:$0x3FBA] =	sst s2  }
0x8f: {  	_ = 	snop  }
0x90: {  	s18 =	sld [smem:$0x3FD0];
	(tm) =	ssettm $0x1  }
0x91: {  	s19 =	sld [smem:$0x3FFB];
	_ =	sdelay $0x3  }
0x92: {  	_ =	strace s19  }
0x93: {  	s2 =	sld [smem:$0x3FFC];
	_ =	sdelay $0x3  }
0x94: {  	_ =	strace s2  }
0x95: {  	s2 =	sld [smem:$0x3FFD];
	_ =	sdelay $0x3  }
0x96: {  	_ =	strace s2  }
0x97: {  	_ =	strace $0x8FFFFFFF  }
0x98: {  	s20 =	sld [smem:$0x3FDB];
	_ =	sdelay $0x1  }
0x99: {  	s4 =	simm.s32 $_scs_section_size  }
0x9a: {  	s5 =	simm.s32 $_size__tile_overlayer_lowered;
	s6 =	simm.s32 $_tile_overlayer_lowered  }
0x9b: {  	s7 =	simm.s32 $0x1BFF;
	s21 =	sshll.u32 s6, $0x1;
	s4 =	sadd.s32 s4, s20  }
0x9c: {  	s22 =	simm.s32 $0x0;
	s5 =	sshll.u32 s5, $0x1;
	s6 =	sadd.s32 s21, s4  }
0x9d: {  	[timem:s22], [sflag:s7] =	dma.local [hbm:s6], s5  }
0x9e: {  	_ =	swait.ge [sflag:s7], s5  }
0x9f: {  	s5 =	ssub.s32 $0x0, s5;
	[sflag:s7] =	ssyncset.done $0x0  }
0xa0: {  	[sflag:s7] =	ssyncadd.s32 s5;
	_ =	sdelay $0x1  }
0xa1: {  	s23 =	simm.s32 $0x1B8B  }
0xa2: {  	_ =	swait.ge [sflag:s23], $0x1  }
0xa3: {  	[sflag:s23] =	ssyncset.done $0x0  }
0xa4: {  	[sflag:s23] =	ssyncadd.s32 $0xFFFFFFFF  }
0xa5: {  	s5 =	sld [smem:$0x0]  }
0xa6: {  	s6 =	sand.u32 $0xFFFFFFFE, s1  }
0xa7: {  	p0 =	sne.s32 s1, s6  }
0xa8: {  	s6 =	sshll.u32 @p0 s6, $0xE  }
0xa9: {  	s6 =	sadd.s32 @p0 $0x11B8D, s6;
	s7 =	sshll.u32 @p0 s5, $0x11  }
0xaa: {  	s6 =	sor.u32 @p0 s7, s6  }
0xab: {  	[sflag:s6] =	ssyncadd.remote.s32 @p0 $0x1;
	_ =	sdelay $0x1  }
0xac: {  	s6 =	simm.s32 @p0 $0x1B8D  }
0xad: {  	_ =	swait.eq @p0 [sflag:s6], $0x1  }
0xae: {  	[sflag:s6] =	ssyncadd.s32 @p0 $0xFFFFFFFF  }
0xaf: {  	s7 =	sshll.u32 @!p0 s1, $0xE  }
0xb0: {  	s7 =	sor.u32 @!p0 $0x4000, s7;
	s6 =	simm.s32 @!p0 $0x1B8D  }
0xb1: {  	s5 =	sshll.u32 @!p0 s5, $0x11;
	s7 =	sadd.s32 @!p0 $0x11B8D, s7;
	_ =	swait.eq @!p0 [sflag:s6], $0x1  }
0xb2: {  	s5 =	sor.u32 @!p0 s5, s7;
	[sflag:s6] =	ssyncadd.s32 @!p0 $0xFFFFFFFF  }
0xb3: {  	s25 =	simm.s32 $0x1B8E;
	s24 =	sld [smem:$0x3FFE];
	[sflag:s5] =	ssyncadd.remote.s32 @!p0 $0x1  }
0xb4: {  	s26 =	simm.s32 $execute0_lowered;
	[smem:$0x3FD2] =	sst s25  }
0xb5: {  	s6 =	sshll.u32 s26, $0x1;
	_ =	strace $0x80000049;
	[dreg:$0x1] =	wrdreg $0xFFFFFFFF  }
0xb6: {  	s28 =	simm.s32 $_size_execute0_lowered;
	s4 =	sadd.s32 s4, s6;
	[dreg:$0x0] =	wrdreg $0x0  }
0xb7: {  	s6 =	sshll.u32 s28, $0x1;
	[dreg:$0x2] =	wrdreg s4  }
0xb8: {  	[dreg:$0x3] =	wrdreg s6  }
0xb9: {  	[dreg:$0x4] =	wrdreg $0xC0  }
0xba: {  	_ =	task [dreg:s22], $0x5FFFF  }
0xbb: {  	[dreg:$0x1] =	wrdreg $0xFFFFFFFF  }
0xbc: {  	[dreg:$0x0] =	wrdreg $0x60  }
0xbd: {  	[dreg:$0x2] =	wrdreg s24  }
0xbe: {  	[dreg:$0x3] =	wrdreg s18  }
0xbf: {  	[dreg:$0x4] =	wrdreg $0x9  }
0xc0: {  	_ =	task.clear_ibuf [dreg:s22], $0x5FFFF;
	_ =	strace $0x90000049  }
0xc1: {  	s29 =	simm.s32 $0x9;
	_ =	strace $0x8000004B  }
0xc2: {  	_ =	swait.ge [sflag:s29], $0x1  }
0xc3: {  	[sflag:s29] =	ssyncadd.s32 $0xFFFFFFFF  }
0xc4: {  	_ =	strace $0x9000004B  }
0xc5: {  	_ =	sfence  }
0xc6: {  	s30 =	sld [smem:$0x0];
	_ =	sdelay $0x2  }
0xc7: {  	s31 =	sshll.u32 s1, $0xD;
	s1 =	sshrl.u32 s1, $0x2  }
0xc8: {  	s4 =	sand.u32 $0x4000, s31;
	s1 =	sadd.s32 s1, s30  }
0xc9: {  	s0 =	sor.u32 s4, s0;
	s1 =	sshll.u32 s1, $0x11  }
0xca: {  	s0 =	sor.u32 s1, s0  }
0xcb: {  	s0 =	sadd.s32 $0x8F2B, s0  }
0xcc: {  	[sflag:s0] =	ssyncadd.remote.s32 $0x1  }
0xcd: {  	_ =	sfence.sel $0xFFFF  }
0xce: {  	[dreg:$0x0] =	wrdreg $0xFFFFFFFF;
	(pc) =	sbr.abs _section_cstart, $3  }
0xcf: {  	[dreg:$0x1] =	wrdreg $0xFFFFFFFF  }
0xd0: {  	_ =	task.clear_ibuf [dreg:s22], $0x2FFFF;
	_ =	strace $0x9FFFFFFF  }
0xd1: {  	(tm) =	ssettm $0x7FFFFFFF  }
tec
execute0_lowered:
.L_overlay_start_1:
0x0: {  	(tag) =	ssettag $0x1  }
0x1: {  	s1 =	srdreg.scid  }
0x2: {  	s17 =	rddreg [dreg:$0x0];
	s0 =	stileid.u32;
	s18 =	sand.u32 $0x1, s1  }
0x3: {  	s16 =	rddreg [dreg:$0x1];
	s3 =	sshll.u32 s0, $0xA;
	s4 =	sshll.u32 s18, $0x9  }
0x4: {  	s2 =	simm.s32 $0x0;
	s1 =	rddreg [dreg:$0x2];
	s11 =	sor.u32 s4, s3  }
0x5: {  	[smem:$0x7FF] =	sst s2;
	s8 =	sadd.s32 $0xF86000, s17;
	s12 =	sshrl.u32 s11, $0x3  }
0x6: {  	_ =	strace $0x8000004A;
	s3 =	simm.s32 $0x3;
	s4 =	sadd.s32 s8, s12  }
0x7: {  	[tilespmem:s2], [sflag:$0x3] =	stream.linear.gather [hbm4b:s4+s2], $0x100, $0x38;
	[tilespmem:$0x10200] =	vst v63  }
0x8: {  	s6 =	simm.s32 $0x100;
	_ =	swait.ge [sflag:s3], $0x100  }
0x9: {  	s7 =	simm.s32 $0x200;
	s15 =	sor.u32 $0x100, s11;
	[sflag:s3] =	ssyncset.done $0x0  }
0xa: {  	s5 =	sadd.s32 $0xF85000, s17;
	s19 =	sshrl.u32 s15, $0x3;
	[sflag:s3] =	ssyncadd.s32 $0xFFFFFF00  }
0xb: {  	[tilespmem:s7], [sflag:$0x1] =	stream.indirect.gather [hbm4b:s5+s6], $0x80, s2, s6, $0xb8;
	[tilespmem:$0x10200] =	vst v63  }
0xc: {  	s8 =	sadd.s32 s8, s19  }
0xd: {  	[tilespmem:s6], [sflag:$0x3] =	stream.linear.gather [hbm4b:s8+s2], $0x100, $0x38;
	[tilespmem:$0x10200] =	vst v63  }
0xe: {  	_ =	swait.ge [sflag:s3], $0x100  }
0xf: {  	[sflag:s3] =	ssyncset.done $0x0  }
0x10: {  	s9 =	simm.s32 $0x8200;
	s10 =	simm.s32 $0x1;
	[sflag:s3] =	ssyncadd.s32 $0xFFFFFF00  }
0x11: {  	[tilespmem:s9], [sflag:$0x2] =	stream.indirect.gather [hbm4b:s5+s6], $0x80, s6, s6, $0xb8;
	[tilespmem:$0x10200] =	vst v63  }
0x12: {  	_ =	swait.ge [sflag:s10], $0x8000  }
0x13: {  	s20 =	sadd.s32 $0xF86800, s17;
	s21 =	sshll.u32 s11, $0x4;
	[sflag:s10] =	ssyncset.done $0x0  }
0x14: {  	s11 =	sadd.s32 s20, s21;
	[sflag:s10] =	ssyncadd.s32 $0xFFFF8000  }
0x15: {  	[hbm4b:s11+s2] =	stream.linear.scatter [tilespmem:s7], [sflag:$0x3], $0x8000, $0x38;
	[tilespmem:$0x10200] =	vst v63  }
0x16: {  	_ =	swait.ge [sflag:s3], $0x8000  }
0x17: {  	[sflag:s3] =	ssyncset.done $0x0  }
0x18: {  	s12 =	sadd.s32 s16, s12;
	[sflag:s3] =	ssyncadd.s32 $0xFFFF8000  }
0x19: {  	[tilespmem:s2], [sflag:$0x3] =	stream.linear.gather [hbm4b:s12+s2], $0x100, $0x38;
	[tilespmem:$0x10200] =	vst v63  }
0x1a: {  	_ =	swait.ge [sflag:s3], $0x100  }
0x1b: {  	[sflag:s3] =	ssyncset.done $0x0  }
0x1c: {  	s14 =	simm.s32 $0x2;
	s13 =	sadd.s32 $0xF85800, s17;
	[sflag:s3] =	ssyncadd.s32 $0xFFFFFF00  }
0x1d: {  	[tilespmem:s7], [sflag:$0x1] =	stream.indirect.gather [hbm4b:s13+s6], $0x80, s2, s6, $0xb8;
	[tilespmem:$0x10200] =	vst v63  }
0x1e: {  	_ =	swait.ge [sflag:s14], $0x8000  }
0x1f: {  	s22 =	sshll.u32 s15, $0x4;
	[sflag:s14] =	ssyncset.done $0x0  }
0x20: {  	s15 =	sadd.s32 s20, s22;
	[sflag:s14] =	ssyncadd.s32 $0xFFFF8000  }
0x21: {  	[hbm4b:s15+s2] =	stream.linear.scatter [tilespmem:s9], [sflag:$0x3], $0x8000, $0x38;
	[tilespmem:$0x10200] =	vst v63  }
0x22: {  	_ =	swait.ge [sflag:s3], $0x8000  }
0x23: {  	[sflag:s3] =	ssyncset.done $0x0  }
0x24: {  	s16 =	sadd.s32 s16, s19;
	[sflag:s3] =	ssyncadd.s32 $0xFFFF8000  }
0x25: {  	[tilespmem:s6], [sflag:$0x3] =	stream.linear.gather [hbm4b:s16+s2], $0x100, $0x38;
	[tilespmem:$0x10200] =	vst v63  }
0x26: {  	_ =	swait.ge [sflag:s3], $0x100  }
0x27: {  	[sflag:s3] =	ssyncset.done $0x0  }
0x28: {  	[sflag:s3] =	ssyncadd.s32 $0xFFFFFF00  }
0x29: {  	[tilespmem:s9], [sflag:$0x2] =	stream.indirect.gather [hbm4b:s13+s6], $0x80, s6, s6, $0xb8;
	[tilespmem:$0x10200] =	vst v63  }
0x2a: {  	_ =	swait.ge [sflag:s10], $0x8000  }
0x2b: {  	s29 =	sadd.s32 $0xFC6800, s17;
	[sflag:s10] =	ssyncset.done $0x0  }
0x2c: {  	s18 =	ssub.s32 $0x2, s18;
	s17 =	sadd.s32 s29, s21;
	[sflag:s10] =	ssyncadd.s32 $0xFFFF8000  }
0x2d: {  	[hbm4b:s17+s2] =	stream.linear.scatter [tilespmem:s7], [sflag:$0x3], $0x8000, $0x38;
	[tilespmem:$0x10200] =	vst v63  }
0x2e: {  	s30 =	sshrl.u32 s18, $0x1;
	_ =	swait.ge [sflag:s3], $0x8000  }
0x2f: {  	s20 =	ssub.s32 s18, s30;
	[sflag:s3] =	ssyncset.done $0x0  }
0x30: {  	s31 =	smax.u32 s20, $0x1;
	[sflag:s3] =	ssyncadd.s32 $0xFFFF8000  }
0x31: {  	p0 =	sne.s32 s31, $0x1;
	_ =	swait.ge [sflag:s14], $0x8000  }
.Ltmp0:
0x32: {  	[sflag:s14] =	ssyncset.done $0x0;
	(pc) =	sbr.rel @!p0 .LBB2_2-.Ltmp0, $4  }
0x33: {  	s18 =	sadd.s32 s29, s22;
	[sflag:s14] =	ssyncadd.s32 $0xFFFF8000  }
0x34: {  	[hbm4b:s18+s2] =	stream.linear.scatter [tilespmem:s9], [sflag:$0x3], $0x8000, $0x38;
	[tilespmem:$0x10200] =	vst v63  }
0x35: {  	_ =	swait.ge [sflag:s3], $0x8000  }
0x36: {  	s19 =	sadd.s32 $0xFFFFFFFF, s31;
	[sflag:s3] =	ssyncset.done $0x0  }
.LBB2_1:
0x37: {  	p0 =	sne.s32 s19, $0x1;
	s19 =	sadd.s32 $0xFFFFFFFF, s19;
	[sflag:s3] =	ssyncadd.s32 $0xFFFF8000  }
0x38: {  	[tilespmem:s2], [sflag:$0x3] =	stream.linear.gather [hbm4b:s4+s2], $0x100, $0x38;
	[tilespmem:$0x10200] =	vst v63  }
0x39: {  	_ =	swait.ge [sflag:s3], $0x100  }
0x3a: {  	[sflag:s3] =	ssyncset.done $0x0  }
0x3b: {  	[sflag:s3] =	ssyncadd.s32 $0xFFFFFF00  }
0x3c: {  	[tilespmem:s7], [sflag:$0x1] =	stream.indirect.gather [hbm4b:s5+s6], $0x80, s2, s6, $0xb8;
	[tilespmem:$0x10200] =	vst v63  }
0x3d: {  	_ = 	snop  }
0x3e: {  	[tilespmem:s6], [sflag:$0x3] =	stream.linear.gather [hbm4b:s8+s2], $0x100, $0x38;
	[tilespmem:$0x10200] =	vst v63  }
0x3f: {  	_ =	swait.ge [sflag:s3], $0x100  }
0x40: {  	[sflag:s3] =	ssyncset.done $0x0  }
0x41: {  	[sflag:s3] =	ssyncadd.s32 $0xFFFFFF00  }
0x42: {  	[tilespmem:s9], [sflag:$0x2] =	stream.indirect.gather [hbm4b:s5+s6], $0x80, s6, s6, $0xb8;
	[tilespmem:$0x10200] =	vst v63  }
0x43: {  	_ =	swait.ge [sflag:s10], $0x8000  }
0x44: {  	[sflag:s10] =	ssyncset.done $0x0  }
0x45: {  	[sflag:s10] =	ssyncadd.s32 $0xFFFF8000  }
0x46: {  	[hbm4b:s11+s2] =	stream.linear.scatter [tilespmem:s7], [sflag:$0x3], $0x8000, $0x38;
	[tilespmem:$0x10200] =	vst v63  }
0x47: {  	_ =	swait.ge [sflag:s3], $0x8000  }
0x48: {  	[sflag:s3] =	ssyncset.done $0x0  }
0x49: {  	[sflag:s3] =	ssyncadd.s32 $0xFFFF8000  }
0x4a: {  	[tilespmem:s2], [sflag:$0x3] =	stream.linear.gather [hbm4b:s12+s2], $0x100, $0x38;
	[tilespmem:$0x10200] =	vst v63  }
0x4b: {  	_ =	swait.ge [sflag:s3], $0x100  }
0x4c: {  	[sflag:s3] =	ssyncset.done $0x0  }
0x4d: {  	[sflag:s3] =	ssyncadd.s32 $0xFFFFFF00  }
0x4e: {  	[tilespmem:s7], [sflag:$0x1] =	stream.indirect.gather [hbm4b:s13+s6], $0x80, s2, s6, $0xb8;
	[tilespmem:$0x10200] =	vst v63  }
0x4f: {  	_ =	swait.ge [sflag:s14], $0x8000  }
0x50: {  	[sflag:s14] =	ssyncset.done $0x0  }
0x51: {  	[sflag:s14] =	ssyncadd.s32 $0xFFFF8000  }
0x52: {  	[hbm4b:s15+s2] =	stream.linear.scatter [tilespmem:s9], [sflag:$0x3], $0x8000, $0x38;
	[tilespmem:$0x10200] =	vst v63  }
0x53: {  	_ =	swait.ge [sflag:s3], $0x8000  }
0x54: {  	[sflag:s3] =	ssyncset.done $0x0  }
0x55: {  	[sflag:s3] =	ssyncadd.s32 $0xFFFF8000  }
0x56: {  	[tilespmem:s6], [sflag:$0x3] =	stream.linear.gather [hbm4b:s16+s2], $0x100, $0x38;
	[tilespmem:$0x10200] =	vst v63  }
0x57: {  	_ =	swait.ge [sflag:s3], $0x100  }
0x58: {  	[sflag:s3] =	ssyncset.done $0x0  }
0x59: {  	[sflag:s3] =	ssyncadd.s32 $0xFFFFFF00  }
0x5a: {  	[tilespmem:s9], [sflag:$0x2] =	stream.indirect.gather [hbm4b:s13+s6], $0x80, s6, s6, $0xb8;
	[tilespmem:$0x10200] =	vst v63  }
0x5b: {  	_ =	swait.ge [sflag:s10], $0x8000  }
0x5c: {  	[sflag:s10] =	ssyncset.done $0x0  }
0x5d: {  	[sflag:s10] =	ssyncadd.s32 $0xFFFF8000  }
0x5e: {  	[hbm4b:s17+s2] =	stream.linear.scatter [tilespmem:s7], [sflag:$0x3], $0x8000, $0x38;
	[tilespmem:$0x10200] =	vst v63  }
0x5f: {  	_ =	swait.ge [sflag:s3], $0x8000  }
0x60: {  	[sflag:s3] =	ssyncset.done $0x0  }
0x61: {  	[sflag:s3] =	ssyncadd.s32 $0xFFFF8000  }
0x62: {  	_ =	swait.ge [sflag:s14], $0x8000  }
.Ltmp1:
0x63: {  	[sflag:s14] =	ssyncset.done $0x0;
	(pc) =	sbr.rel @p0 .LBB2_1-.Ltmp1, $4  }
0x64: {  	[sflag:s14] =	ssyncadd.s32 $0xFFFF8000  }
0x65: {  	[hbm4b:s18+s2] =	stream.linear.scatter [tilespmem:s9], [sflag:$0x3], $0x8000, $0x38;
	[tilespmem:$0x10200] =	vst v63  }
0x66: {  	_ =	swait.ge [sflag:s3], $0x8000  }
0x67: {  	[sflag:s3] =	ssyncset.done $0x0  }
.LBB2_2:
0x68: {  	[sflag:s3] =	ssyncadd.s32 $0xFFFF8000  }
0x69: {  	_ =	sfence.sel $0x180000  }
0x6a: {  	[bflag:$0x0] =	sbarrier.arrive $0xFFFF  }
0x6b: {  	p0 =	sne.s32 s0, $0x0;
	_ =	strace $0x9000004A  }
0x6c: {  	s0 =	sadd.s32 @!p0 $0x100000, s1;
	[bflag:$0x2] =	sbarrier.arrive $0xFFFF  }
0x6d: {  	[sflag:s0] =	ssyncadd.tile.s32 @!p0 $0x1;
	_ =	shalt  }
.Lfunc_end2:
_tile_overlayer_lowered:
.L_overlay_start_2:
0x6e: {  	(tag) =	ssettag $0x2  }
0x6f: {  	s0 =	rddreg [dreg:$0x0];
	s2 =	stileid.u32  }
0x70: {  	s1 =	rddreg [dreg:$0x1];
	p0 =	sne.s32 s2, $0x0  }
0x71: {  	s3 =	rddreg [dreg:$0x2];
	[bflag:$0x3] =	sbarrier.arrive $0xFFFF;
	s2 =	simm.s32 @!p0 $0x1C03  }
0x72: {  	[timem:s3], [sflag:s2] =	dma.local @!p0 [hbm:s0], s1  }
0x73: {  	s0 =	simm.s32 @!p0 $0x3  }
0x74: {  	_ =	swait.ge @!p0 [sflag:s0], s1  }
0x75: {  	s1 =	ssub.s32 @!p0 $0x0, s1;
	[sflag:s0] =	ssyncset.done @!p0 $0x0  }
0x76: {  	[sflag:s0] =	ssyncadd.s32 @!p0 s1  }
0x77: {  	[bflag:$0x3] =	sbarrier.arrive $0xFFFF  }
0x78: {  	_ =	shalt  }

// kernel: kernel.8.cloned.1.call-start
scs
__scs_entry_jumppad:
0x0: {  	(pc) =	sbr.rel $0x88, $3  }
0x1: {  	(tag) =	ssettag $0x0;
	lr =	simm.s32 $0x1  }
0x2: {  	[smem:$0x3F93] =	sst lr;
	_ =	strace $0xD0000000  }
0x3: {  	_ = 	snop  }
0x4: {  	_ = 	snop  }
0x5: {  	_ = 	snop  }
0x6: {  	_ = 	snop  }
0x7: {  	_ = 	snop  }
__scs_overlays_trampoline_lowered:
0x8: {  	[smem:$0x3FA2] =	sst s0  }
0x9: {  	[smem:$0x3FA3] =	sst s1  }
0xa: {  	[smem:$0x3FA4] =	sst s2  }
0xb: {  	[smem:$0x3FA5] =	sst s3  }
0xc: {  	[smem:$0x3FA6] =	sst s4  }
0xd: {  	[smem:$0x3FA7] =	sst s5  }
0xe: {  	[smem:$0x3FA8] =	sst s6  }
0xf: {  	[smem:$0x3FA9] =	sst s7  }
0x10: {  	[smem:$0x3FAA] =	sst s8  }
0x11: {  	[smem:$0x3FAB] =	sst s9;
	s0 =	simm.s32 @!p0 $0x0  }
0x12: {  	s1 =	sld [smem:$0x3F91];
	s0 =	simm.s32 @p0 $0x1  }
0x13: {  	[smem:$0x3FAC] =	sst s0;
	s0 =	simm.s32 @!p1 $0x0  }
0x14: {  	s2 =	sld [smem:$0x3F90];
	s0 =	simm.s32 @p1 $0x1  }
0x15: {  	[smem:$0x3FAD] =	sst s0;
	s0 =	simm.s32 @!p2 $0x0  }
0x16: {  	s3 =	sld [smem:$0x3FDB];
	s0 =	simm.s32 @p2 $0x1  }
0x17: {  	s4 =	simm.s32 $0x1BF5;
	[smem:$0x3FAF] =	sst s0  }
0x18: {  	s0 =	sld [smem:$0x3F92];
	_ =	swait.ge [sflag:s4], $0x0  }
0x19: {  	s7 =	sld [smem:$0x3F93]  }
0x1a: {  	s8 =	sadd.s32 $0xFFFFE003, lr  }
0x1b: {  	s9 =	sadd.s32 $0xFFFFFEF7, lr;
	s5 =	simm.s32 $0xFFFFFFFF;
	p2 =	slt.u32 s8, $0xFFFFF086  }
0x1c: {  	p1 =	slt.u32 s9, $0xF7A;
	s5 =	simm.s32 @!p2 $0x0  }
0x1d: {  	s5 =	simm.s32 @p1 $0x1;
	p0 =	seq.s32 s7, s2  }
0x1e: {  	s7 =	smul.u32 @!p0 $0xF7A, s2;
	p2 =	seq.s32 @!p0 s5, $0x0  }
0x1f: {  	s9 =	smul.u32 $0xF7A, s1;
	s8 =	simm.s32 @!p0 $0x1BF5;
	p2 =	por !p2, p0  }
0x20: {  	[sflag:s8] =	ssyncset.s32 @!p0 $0xFFFFF086;
	s6 =	sadd.s32 @!p0 s3, s7;
	s7 =	simm.s32 @!p0 $0x108  }
0x21: {  	s3 =	sadd.s32 s3, s9;
	s6 =	sadd.s32 @!p0 $0x88, s6;
	s7 =	simm.s32 @p2 $0x1082  }
0x22: {  	[simem:s7], [sflag:s8] =	dma.local @!p0 [hbm:s6], $0xF7A  }
0x23: {  	s9 =	sor.u32 $0xD0000000, s2;
	s6 =	simm.s32 $0x108;
	_ =	swait.ge @!p0 [sflag:s8], $0x0  }
0x24: {  	s3 =	sadd.s32 $0x88, s3;
	s6 =	simm.s32 @!p1 $0x1082;
	[sflag:s4] =	ssyncset.s32 $0xFFFFF086  }
0x25: {  	[simem:s6], [sflag:s4] =	dma.local [hbm:s3], $0xF7A  }
0x26: {  	[smem:$0x3F93] =	sst s1;
	(tag) =	ssettag s2;
	_ =	strace s9  }
0x27: {  	s1 =	sld [smem:$0x3FA3]  }
0x28: {  	s2 =	sld [smem:$0x3FA4]  }
0x29: {  	s4 =	sld [smem:$0x3FA6]  }
0x2a: {  	p0 =	seq.s32 s5, $0x0;
	s5 =	sld [smem:$0x3FA7]  }
0x2b: {  	s6 =	sld [smem:$0x3FA8]  }
0x2c: {  	s7 =	sld [smem:$0x3FA9]  }
0x2d: {  	s3 =	simm.s32 $0x108;
	s8 =	sld [smem:$0x3FAA]  }
0x2e: {  	s3 =	simm.s32 @!p0 $0x1082;
	s9 =	sld [smem:$0x3FAB]  }
0x2f: {  	lr =	sadd.s32 s0, s3;
	s0 =	sld [smem:$0x3FA2]  }
0x30: {  	s3 =	sld [smem:$0x3FA5]  }
0x31: {  	[smem:$0x3FAE] =	sst s10  }
0x32: {  	s10 =	sld [smem:$0x3FAC];
	_ =	sdelay $0x3  }
0x33: {  	p0 =	seq.s32 s10, $0x1;
	s10 =	sld [smem:$0x3FAE];
	_ =	sdelay $0x3  }
0x34: {  	[smem:$0x3FAE] =	sst s10  }
0x35: {  	s10 =	sld [smem:$0x3FAD];
	_ =	sdelay $0x3  }
0x36: {  	p1 =	seq.s32 s10, $0x1;
	s10 =	sld [smem:$0x3FAE];
	_ =	sdelay $0x3  }
0x37: {  	[smem:$0x3FAE] =	sst s10  }
0x38: {  	s10 =	sld [smem:$0x3FAF]  }
0x39: {  	_ = 	snop;
	(pc) =	sbr.ind lr, $3  }
0x3a: {  	_ = 	snop  }
0x3b: {  	_ = 	snop  }
0x3c: {  	p2 =	seq.s32 s10, $0x1;
	s10 =	sld [smem:$0x3FAE]  }
0x3d: {  	_ =	shalt  }
0x3e: {  	_ =	shalt  }
0x3f: {  	_ =	shalt  }
0x40: {  	_ =	shalt  }
0x41: {  	_ =	shalt  }
0x42: {  	_ =	shalt  }
0x43: {  	_ =	shalt  }
0x44: {  	_ =	shalt  }
0x45: {  	_ =	shalt  }
0x46: {  	_ =	shalt  }
0x47: {  	_ =	shalt  }
0x48: {  	_ =	shalt  }
0x49: {  	_ =	shalt  }
0x4a: {  	_ =	shalt  }
0x4b: {  	_ =	shalt  }
0x4c: {  	_ =	shalt  }
0x4d: {  	_ =	shalt  }
0x4e: {  	_ =	shalt  }
0x4f: {  	_ =	shalt  }
0x50: {  	_ =	shalt  }
0x51: {  	_ =	shalt  }
0x52: {  	_ =	shalt  }
0x53: {  	_ =	shalt  }
0x54: {  	_ =	shalt  }
0x55: {  	_ =	shalt  }
0x56: {  	_ =	shalt  }
0x57: {  	_ =	shalt  }
0x58: {  	_ =	shalt  }
0x59: {  	_ =	shalt  }
0x5a: {  	_ =	shalt  }
0x5b: {  	_ =	shalt  }
0x5c: {  	_ =	shalt  }
0x5d: {  	_ =	shalt  }
0x5e: {  	_ =	shalt  }
0x5f: {  	_ =	shalt  }
0x60: {  	_ =	shalt  }
0x61: {  	_ =	shalt  }
0x62: {  	_ =	shalt  }
0x63: {  	_ =	shalt  }
0x64: {  	_ =	shalt  }
0x65: {  	_ =	shalt  }
0x66: {  	_ =	shalt  }
0x67: {  	_ =	shalt  }
0x68: {  	_ =	shalt  }
0x69: {  	_ =	shalt  }
0x6a: {  	_ =	shalt  }
0x6b: {  	_ =	shalt  }
0x6c: {  	_ =	shalt  }
0x6d: {  	_ =	shalt  }
0x6e: {  	_ =	shalt  }
0x6f: {  	_ =	shalt  }
0x70: {  	_ =	shalt  }
0x71: {  	_ =	shalt  }
0x72: {  	_ =	shalt  }
0x73: {  	_ =	shalt  }
0x74: {  	_ =	shalt  }
0x75: {  	_ =	shalt  }
0x76: {  	_ =	shalt  }
0x77: {  	_ =	shalt  }
0x78: {  	_ =	shalt  }
0x79: {  	_ =	shalt  }
0x7a: {  	_ =	shalt  }
0x7b: {  	_ =	shalt  }
0x7c: {  	_ =	shalt  }
0x7d: {  	_ =	shalt  }
0x7e: {  	_ =	shalt  }
0x7f: {  	_ =	shalt  }
0x80: {  	_ =	shalt  }
0x81: {  	_ =	shalt  }
0x82: {  	_ =	shalt  }
0x83: {  	_ =	shalt  }
0x84: {  	_ =	shalt  }
0x85: {  	_ =	shalt  }
0x86: {  	_ =	shalt  }
0x87: {  	_ =	shalt  }
.Lfunc_end0:
.L_simem_size_0:
called_computation.1_lowered:
.L_overlay_start_0:
0x88: {  	s2 =	sld [smem:$0x3FD9]  }
0x89: {  	s3 =	sld [smem:$0x3FFE];
	_ =	sdelay $0x1  }
0x8a: {  	s1 =	srdreg.scid  }
0x8b: {  	s0 =	sand.u32 $0x1, s1  }
0x8c: {  	s17 =	sshll.u32 s0, $0xA;
	s2 =	sadd.s32 s3, s2  }
0x8d: {  	s2 =	sadd.s32 s2, s17  }
0x8e: {  	[smem:$0x3FBA] =	sst s2  }
0x8f: {  	_ = 	snop  }
0x90: {  	s2 =	sld [smem:$0x3FC9];
	(tm) =	ssettm $0x1  }
0x91: {  	s18 =	sld [smem:$0x3FFB];
	_ =	sdelay $0x3  }
0x92: {  	_ =	strace s18  }
0x93: {  	s3 =	sld [smem:$0x3FFC];
	_ =	sdelay $0x3  }
0x94: {  	_ =	strace s3  }
0x95: {  	s3 =	sld [smem:$0x3FFD];
	_ =	sdelay $0x3  }
0x96: {  	_ =	strace s3  }
0x97: {  	_ =	strace $0x8FFFFFFF  }
0x98: {  	s19 =	sld [smem:$0x3FDB];
	_ =	sdelay $0x1  }
0x99: {  	s4 =	simm.s32 $_scs_section_size  }
0x9a: {  	s5 =	simm.s32 $_size__tile_overlayer_lowered;
	s6 =	simm.s32 $_tile_overlayer_lowered  }
0x9b: {  	s22 =	simm.s32 $0x1BFF;
	s21 =	sshll.u32 s6, $0x1;
	s3 =	sadd.s32 s4, s19  }
0x9c: {  	s7 =	simm.s32 $0x0;
	s20 =	sshll.u32 s5, $0x1;
	s5 =	sadd.s32 s21, s3  }
0x9d: {  	[timem:s7], [sflag:s22] =	dma.local [hbm:s5], s20  }
0x9e: {  	_ =	swait.ge [sflag:s22], s20  }
0x9f: {  	s4 =	ssub.s32 $0x0, s20;
	[sflag:s22] =	ssyncset.done $0x0  }
0xa0: {  	[sflag:s22] =	ssyncadd.s32 s4;
	_ =	sdelay $0x1  }
0xa1: {  	s23 =	simm.s32 $0x1B8B  }
0xa2: {  	_ =	swait.ge [sflag:s23], $0x1  }
0xa3: {  	[sflag:s23] =	ssyncset.done $0x0  }
0xa4: {  	s25 =	simm.s32 $0x1B8E;
	s24 =	sld [smem:$0x3FFE];
	[sflag:s23] =	ssyncadd.s32 $0xFFFFFFFF  }
0xa5: {  	s26 =	simm.s32 $execute0_lowered;
	[smem:$0x3FD2] =	sst s25  }
0xa6: {  	s5 =	sshll.u32 s26, $0x1;
	_ =	strace $0x80000046;
	[dreg:$0x1] =	wrdreg $0xFFFFFFFF  }
0xa7: {  	s28 =	simm.s32 $_size_execute0_lowered;
	s3 =	sadd.s32 s3, s5;
	[dreg:$0x0] =	wrdreg $0x0  }
0xa8: {  	s5 =	sshll.u32 s28, $0x1;
	[dreg:$0x2] =	wrdreg s3  }
0xa9: {  	[dreg:$0x3] =	wrdreg s5  }
0xaa: {  	[dreg:$0x4] =	wrdreg $0xC0  }
0xab: {  	_ =	task [dreg:s7], $0x5FFFF  }
0xac: {  	[dreg:$0x1] =	wrdreg $0xFFFFFFFF  }
0xad: {  	[dreg:$0x0] =	wrdreg $0x60  }
0xae: {  	[dreg:$0x2] =	wrdreg s2  }
0xaf: {  	[dreg:$0x3] =	wrdreg s24  }
0xb0: {  	[dreg:$0x4] =	wrdreg $0xA  }
0xb1: {  	_ =	task.clear_ibuf [dreg:s7], $0x5FFFF;
	_ =	strace $0x90000046  }
0xb2: {  	s29 =	simm.s32 $0xA;
	_ =	strace $0x80000048  }
0xb3: {  	_ =	swait.ge [sflag:s29], $0x1  }
0xb4: {  	[sflag:s29] =	ssyncadd.s32 $0xFFFFFFFF  }
0xb5: {  	_ =	strace $0x90000048  }
0xb6: {  	_ =	sfence  }
0xb7: {  	s30 =	sld [smem:$0x0];
	_ =	sdelay $0x2  }
0xb8: {  	s31 =	sshll.u32 s1, $0xD;
	s1 =	sshrl.u32 s1, $0x2  }
0xb9: {  	s3 =	sand.u32 $0x4000, s31;
	s1 =	sadd.s32 s1, s30  }
0xba: {  	s0 =	sor.u32 s3, s0;
	s1 =	sshll.u32 s1, $0x11  }
0xbb: {  	s0 =	sor.u32 s1, s0  }
0xbc: {  	s0 =	sadd.s32 $0x8F2B, s0  }
0xbd: {  	[sflag:s0] =	ssyncadd.remote.s32 $0x1  }
0xbe: {  	_ =	sfence.sel $0xFFFF  }
0xbf: {  	[dreg:$0x0] =	wrdreg $0xFFFFFFFF;
	(pc) =	sbr.abs _section_cstart, $3  }
0xc0: {  	[dreg:$0x1] =	wrdreg $0xFFFFFFFF  }
0xc1: {  	_ =	task.clear_ibuf [dreg:s7], $0x2FFFF;
	_ =	strace $0x9FFFFFFF  }
0xc2: {  	(tm) =	ssettm $0x7FFFFFFF  }
0xc3: {  	_ =	shalt  }
tec
execute0_lowered:
.L_overlay_start_1:
0x0: {  	(tag) =	ssettag $0x1  }
0x1: {  	s0 =	rddreg [dreg:$0x0]  }
0x2: {  	s1 =	rddreg [dreg:$0x1];
	s2 =	simm.s32 $0x0  }
0x3: {  	s3 =	srdreg.scid;
	s5 =	stileid.u32;
	s14 =	simm.s32 $0x3  }
0x4: {  	s18 =	simm.s32 $0x2A00;
	s19 =	simm.s32 $0x2E00;
	s20 =	simm.s32 $0x3200  }
0x5: {  	s21 =	simm.s32 $0x3600;
	s22 =	simm.s32 $0x3A00;
	s23 =	simm.s32 $0x3E00  }
0x6: {  	s24 =	simm.s32 $0x4200;
	s28 =	simm.s32 $0x4E00;
	s29 =	simm.s32 $0x5200  }
0x7: {  	s30 =	simm.s32 $0x5600;
	s31 =	simm.s32 $0x5A00;
	s8 =	simm.s32 $0x7600  }
0x8: {  	s9 =	simm.s32 $0x7A00;
	s10 =	simm.s32 $0x7E00;
	s11 =	simm.s32 $0x1  }
0x9: {  	s12 =	simm.s32 $0x2;
	s15 =	simm.s32 $0x0;
	s4 =	sand.u32 $0x1, s3  }
0xa: {  	[smem:$0x7FF] =	sst s2;
	s5 =	sshll.u32 s5, $0xA;
	s6 =	sshll.u32 s4, $0x9  }
0xb: {  	s3 =	sadd.s32 $0x2C00, s1;
	s4 =	ssub.s32 $0x2, s4;
	s5 =	sor.u32 s6, s5  }
0xc: {  	_ =	strace $0x80000047;
	s7 =	sshrl.u32 s4, $0x1;
	s6 =	sshll.u32 s5, $0x4  }
0xd: {  	s5 =	sshrl.u32 s5, $0x3;
	s4 =	ssub.s32 s4, s7;
	s7 =	simm.s32 $0x7200  }
.Ltmp0:
0xe: {  	s1 =	sadd.s32 s6, s1;
	s0 =	sadd.s32 s0, s5;
	(pc) =	sbr.rel .LBB2_1-.Ltmp0, $4  }
0xf: {  	s26 =	smax.u32 s4, $0x1;
	s4 =	simm.s32 $0x6600;
	s5 =	simm.s32 $0x6A00  }
0x10: {  	s6 =	simm.s32 $0x6E00;
	[dreg:$0x3] =	wrdreg s0;
	s25 =	sadd.s32 $0xF45000, s1  }
0x11: {  	[dreg:$0x5] =	wrdreg s26;
	s26 =	simm.s32 $0x4A00;
	s0 =	simm.s32 $0x5E00  }
0x12: {  	s1 =	simm.s32 $0x6200;
	[dreg:$0x4] =	wrdreg s25;
	s25 =	simm.s32 $0x4600  }
.LBB2_5:
0x13: {  	s13 =	rddreg [dreg:$0x4];
	s14 =	simm.s32 $0x8200  }
0x14: {  	[hbm4b:s13+s2] =	stream.linear.scatter [tilespmem:s14], [sflag:$0x3], $0x10000, $0x38;
	[tilespmem:$0x18200] =	vst v63  }
0x15: {  	s14 =	simm.s32 $0x3  }
0x16: {  	_ =	swait.ge [sflag:s14], $0x10000  }
0x17: {  	s15 =	rddreg [dreg:$0x6]  }
0x18: {  	s17 =	rddreg [dreg:$0x5];
	s15 =	sadd.s32 $0x1, s15  }
0x19: {  	p0 =	sne.s32 s15, s17  }
.Ltmp1:
0x1a: {  	_ = 	snop;
	(pc) =	sbr.rel @!p0 .LBB2_6-.Ltmp1, $3  }
0x1b: {  	_ =	sdelay $0x1  }
0x1c: {  	[sflag:s14] =	ssyncset.done $0x0  }
0x1d: {  	[sflag:s14] =	ssyncadd.s32 $0xFFFF0000  }
.LBB2_1:
0x1e: {  	[dreg:$0x6] =	wrdreg s15  }
0x1f: {  	s13 =	rddreg [dreg:$0x3]  }
0x20: {  	[tilespmem:s2], [sflag:$0x3] =	stream.linear.gather [hbm4b:s13+s2], $0x200, $0x38;
	[tilespmem:$0x18200] =	vst v63  }
0x21: {  	_ =	swait.ge [sflag:s14], $0x200  }
0x22: {  	[sflag:s14] =	ssyncset.done $0x0  }
0x23: {  	[sflag:s14] =	ssyncadd.s32 $0xFFFFFE00  }
0x24: {  	v0 =	vld [tilespmem:$0x0];
	_ =	sdelay $0x4  }
0x25: {  	v0 =	vshll.u32 v0, $0x4  }
0x26: {  	(v2sf) =	vpush v0, $0x0  }
0x27: {  	(v2sf) =	vpush v0, $0x1;
	_ =	sdelay $0x5  }
0x28: {  	(v2sf) =	vpush v0, $0x2;
	_ =	sdelay $0x1  }
0x29: {  	(v2sf) =	vpush v0, $0x3;
	_ =	sdelay $0x5  }
0x2a: {  	s16 =	spop (v2sf);
	(v2sf) =	vpush v0, $0x4  }
0x2b: {  	s14 =	spop (v2sf);
	(v2sf) =	vpush v0, $0x5;
	_ =	sdelay $0x4  }
0x2c: {  	s13 =	sand.u32 $0x1FFFFF80, s16  }
0x2d: {  	s17 =	simm.s32 $0x200;
	s13 =	sadd.s32 s3, s13;
	s16 =	spop (v2sf);
	(v2sf) =	vpush v0, $0x6  }
0x2e: {  	[tilespmem:s17], [sflag:$0x1] =	stream.linear.gather [hbm4b:s13+s2], $0x400, $0x38;
	[tilespmem:$0x18200] =	vst v63  }
0x2f: {  	s13 =	sand.u32 $0x1FFFFF80, s14;
	s14 =	spop (v2sf);
	(v2sf) =	vpush v0, $0x7  }
0x30: {  	s15 =	simm.s32 $0x600;
	s13 =	sadd.s32 s3, s13  }
0x31: {  	[tilespmem:s15], [sflag:$0x1] =	stream.linear.gather [hbm4b:s13+s2], $0x400, $0x38;
	[tilespmem:$0x18200] =	vst v63  }
0x32: {  	s13 =	sand.u32 $0x1FFFFF80, s16  }
0x33: {  	s17 =	simm.s32 $0xA00;
	s13 =	sadd.s32 s3, s13  }
0x34: {  	[tilespmem:s17], [sflag:$0x1] =	stream.linear.gather [hbm4b:s13+s2], $0x400, $0x38;
	[tilespmem:$0x18200] =	vst v63  }
0x35: {  	s13 =	sand.u32 $0x1FFFFF80, s14;
	s16 =	spop (v2sf);
	(v2sf) =	vpush v0, $0x8  }
0x36: {  	s15 =	simm.s32 $0xE00;
	s13 =	sadd.s32 s3, s13;
	s14 =	spop (v2sf);
	(v2sf) =	vpush v0, $0x9  }
0x37: {  	[tilespmem:s15], [sflag:$0x1] =	stream.linear.gather [hbm4b:s13+s2], $0x400, $0x38;
	[tilespmem:$0x18200] =	vst v63  }
0x38: {  	s13 =	sand.u32 $0x1FFFFF80, s16  }
0x39: {  	s17 =	simm.s32 $0x1200;
	s13 =	sadd.s32 s3, s13  }
0x3a: {  	[tilespmem:s17], [sflag:$0x1] =	stream.linear.gather [hbm4b:s13+s2], $0x400, $0x38;
	[tilespmem:$0x18200] =	vst v63  }
0x3b: {  	(v2sf) =	vpush v0, $0xA;
	s13 =	sand.u32 $0x1FFFFF80, s14  }
0x3c: {  	s15 =	simm.s32 $0x1600;
	s16 =	spop (v2sf);
	s13 =	sadd.s32 s3, s13  }
0x3d: {  	(v2sf) =	vpush v0, $0xB;
	[tilespmem:s15], [sflag:$0x1] =	stream.linear.gather [hbm4b:s13+s2], $0x400, $0x38;
	[tilespmem:$0x18200] =	vst v63  }
0x3e: {  	s14 =	spop (v2sf);
	(v2sf) =	vpush v0, $0xC;
	s13 =	sand.u32 $0x1FFFFF80, s16  }
0x3f: {  	s17 =	simm.s32 $0x1A00;
	s13 =	sadd.s32 s3, s13  }
0x40: {  	[tilespmem:s17], [sflag:$0x1] =	stream.linear.gather [hbm4b:s13+s2], $0x400, $0x38;
	[tilespmem:$0x18200] =	vst v63  }
0x41: {  	s13 =	sand.u32 $0x1FFFFF80, s14  }
0x42: {  	s15 =	simm.s32 $0x1E00;
	s13 =	sadd.s32 s3, s13  }
0x43: {  	[tilespmem:s15], [sflag:$0x1] =	stream.linear.gather [hbm4b:s13+s2], $0x400, $0x38;
	[tilespmem:$0x18200] =	vst v63  }
0x44: {  	s16 =	spop (v2sf);
	(v2sf) =	vpush v0, $0xD  }
0x45: {  	s14 =	spop (v2sf);
	(v2sf) =	vpush v0, $0xE  }
0x46: {  	s13 =	sand.u32 $0x1FFFFF80, s16  }
0x47: {  	s17 =	simm.s32 $0x2200;
	s13 =	sadd.s32 s3, s13  }
0x48: {  	[tilespmem:s17], [sflag:$0x1] =	stream.linear.gather [hbm4b:s13+s2], $0x400, $0x38;
	[tilespmem:$0x18200] =	vst v63  }
0x49: {  	s13 =	sand.u32 $0x1FFFFF80, s14  }
0x4a: {  	s15 =	simm.s32 $0x2600;
	s16 =	spop (v2sf);
	(v2sf) =	vpush v0, $0xF;
	s13 =	sadd.s32 s3, s13  }
0x4b: {  	[tilespmem:s15], [sflag:$0x1] =	stream.linear.gather [hbm4b:s13+s2], $0x400, $0x38;
	[tilespmem:$0x18200] =	vst v63  }
0x4c: {  	s17 =	spop (v2sf);
	s13 =	sand.u32 $0x1FFFFF80, s16  }
0x4d: {  	s14 =	sand.u32 $0x1FFFFF80, s17;
	s15 =	spop (v2sf);
	s13 =	sadd.s32 s3, s13  }
0x4e: {  	[tilespmem:s18], [sflag:$0x1] =	stream.linear.gather [hbm4b:s13+s2], $0x400, $0x38;
	[tilespmem:$0x18200] =	vst v63  }
0x4f: {  	s16 =	sand.u32 $0x1FFFFF80, s15;
	s13 =	sadd.s32 s3, s14  }
0x50: {  	[tilespmem:s19], [sflag:$0x1] =	stream.linear.gather [hbm4b:s13+s2], $0x400, $0x38;
	[tilespmem:$0x18200] =	vst v63  }
0x51: {  	s13 =	sadd.s32 s3, s16  }
0x52: {  	[tilespmem:s20], [sflag:$0x1] =	stream.linear.gather [hbm4b:s13+s2], $0x400, $0x38;
	[tilespmem:$0x18200] =	vst v63  }
0x53: {  	s17 =	spop (v2sf)  }
0x54: {  	s14 =	sand.u32 $0x1FFFFF80, s17;
	s15 =	spop (v2sf)  }
0x55: {  	s13 =	sadd.s32 s3, s14;
	s16 =	sand.u32 $0x1FFFFF80, s15  }
0x56: {  	[tilespmem:s21], [sflag:$0x1] =	stream.linear.gather [hbm4b:s13+s2], $0x400, $0x38;
	[tilespmem:$0x18200] =	vst v63  }
0x57: {  	s13 =	sadd.s32 s3, s16  }
0x58: {  	[tilespmem:s22], [sflag:$0x1] =	stream.linear.gather [hbm4b:s13+s2], $0x400, $0x38;
	[tilespmem:$0x18200] =	vst v63  }
.Ltmp2:
0x59: {  	s17 =	spop (v2sf);
	(pc) =	sbr.rel .LBB2_2-.Ltmp2, $4  }
0x5a: {  	s13 =	sand.u32 $0x1FFFFF80, s17  }
0x5b: {  	s13 =	sadd.s32 s3, s13  }
0x5c: {  	[tilespmem:s23], [sflag:$0x1] =	stream.linear.gather [hbm4b:s13+s2], $0x400, $0x38;
	[tilespmem:$0x18200] =	vst v63  }
0x5d: {  	s14 =	simm.s32 $0x0;
	s13 =	simm.s32 $0x8A00  }
.LBB2_4:
0x5e: {  	v0 =	vld [tilespmem:s15+$0x10];
	_ =	swait.ge [sflag:s12], $0x400  }
0x5f: {  	[sflag:s12] =	ssyncset.done $0x0  }
0x60: {  	[sflag:s12] =	ssyncadd.s32 $0xFFFFFC00  }
0x61: {  	_ =	swait.ge [sflag:s12], $0x400  }
0x62: {  	[sflag:s12] =	ssyncset.done $0x0  }
0x63: {  	[sflag:s12] =	ssyncadd.s32 $0xFFFFFC00  }
0x64: {  	_ =	swait.ge [sflag:s12], $0x400  }
0x65: {  	[sflag:s12] =	ssyncset.done $0x0  }
0x66: {  	[sflag:s12] =	ssyncadd.s32 $0xFFFFFC00  }
0x67: {  	_ =	swait.ge [sflag:s12], $0x400  }
0x68: {  	[sflag:s12] =	ssyncset.done $0x0  }
0x69: {  	[sflag:s12] =	ssyncadd.s32 $0xFFFFFC00  }
0x6a: {  	_ =	swait.ge [sflag:s12], $0x400  }
0x6b: {  	[sflag:s12] =	ssyncset.done $0x0  }
0x6c: {  	[sflag:s12] =	ssyncadd.s32 $0xFFFFFC00  }
0x6d: {  	_ =	swait.ge [sflag:s12], $0x400  }
0x6e: {  	[sflag:s12] =	ssyncset.done $0x0  }
0x6f: {  	[sflag:s12] =	ssyncadd.s32 $0xFFFFFC00  }
0x70: {  	_ =	swait.ge [sflag:s12], $0x400  }
0x71: {  	[sflag:s12] =	ssyncset.done $0x0  }
0x72: {  	[sflag:s12] =	ssyncadd.s32 $0xFFFFFC00  }
0x73: {  	_ =	swait.ge [sflag:s12], $0x400  }
0x74: {  	[sflag:s12] =	ssyncset.done $0x0  }
0x75: {  	[sflag:s12] =	ssyncadd.s32 $0xFFFFFC00  }
0x76: {  	_ =	swait.ge [sflag:s12], $0x400  }
0x77: {  	[sflag:s12] =	ssyncset.done $0x0  }
0x78: {  	[sflag:s12] =	ssyncadd.s32 $0xFFFFFC00  }
0x79: {  	_ =	swait.ge [sflag:s12], $0x400  }
0x7a: {  	[sflag:s12] =	ssyncset.done $0x0  }
0x7b: {  	[sflag:s12] =	ssyncadd.s32 $0xFFFFFC00  }
0x7c: {  	_ =	swait.ge [sflag:s12], $0x400  }
0x7d: {  	[sflag:s12] =	ssyncset.done $0x0  }
0x7e: {  	[sflag:s12] =	ssyncadd.s32 $0xFFFFFC00  }
0x7f: {  	_ =	swait.ge [sflag:s12], $0x400  }
0x80: {  	[sflag:s12] =	ssyncset.done $0x0  }
0x81: {  	[sflag:s12] =	ssyncadd.s32 $0xFFFFFC00  }
0x82: {  	_ =	swait.ge [sflag:s12], $0x400  }
0x83: {  	[sflag:s12] =	ssyncset.done $0x0  }
0x84: {  	[sflag:s12] =	ssyncadd.s32 $0xFFFFFC00  }
0x85: {  	_ =	swait.ge [sflag:s12], $0x400  }
0x86: {  	[sflag:s12] =	ssyncset.done $0x0  }
0x87: {  	[sflag:s12] =	ssyncadd.s32 $0xFFFFFC00  }
0x88: {  	_ =	swait.ge [sflag:s12], $0x400  }
0x89: {  	[sflag:s12] =	ssyncset.done $0x0  }
0x8a: {  	[sflag:s12] =	ssyncadd.s32 $0xFFFFFC00  }
0x8b: {  	v0 =	vshll.u32 v0, $0x7;
	_ =	swait.ge [sflag:s12], $0x400  }
0x8c: {  	(v2sf) =	vpush v0, $0x0;
	_ =	sdelay $0xb  }
0x8d: {  	(v2sf) =	vpush v0, $0x1;
	_ =	sdelay $0x2  }
0x8e: {  	[sflag:s12] =	ssyncset.done $0x0;
	s16 =	spop (v2sf)  }
0x8f: {  	[sflag:s12] =	ssyncadd.s32 $0xFFFFFC00;
	s15 =	sand.u32 $0x380, s16  }
0x90: {  	v1 =	vld [tilespmem:s15+$0x4200];
	_ =	sdelay $0x4  }
0x91: {  	[tilespmem:s13+$0x0] =	vst v1  }
0x92: {  	v1 =	vld [tilespmem:s15+$0x4210]  }
0x93: {  	(v2sf) =	vpush v0, $0x2;
	_ =	sdelay $0x2  }
0x94: {  	s17 =	spop (v2sf)  }
0x95: {  	s15 =	sand.u32 $0x380, s17;
	[tilespmem:s13+$0x10] =	vst v1  }
0x96: {  	v1 =	vld [tilespmem:s15+$0x4600];
	_ =	sdelay $0x4  }
0x97: {  	[tilespmem:s13+$0x80] =	vst v1  }
0x98: {  	v1 =	vld [tilespmem:s15+$0x4610]  }
0x99: {  	(v2sf) =	vpush v0, $0x3;
	_ =	sdelay $0x2  }
0x9a: {  	s16 =	spop (v2sf)  }
0x9b: {  	s15 =	sand.u32 $0x380, s16;
	[tilespmem:s13+$0x90] =	vst v1  }
0x9c: {  	v1 =	vld [tilespmem:s15+$0x4A00];
	_ =	sdelay $0x4  }
0x9d: {  	[tilespmem:s13+$0x100] =	vst v1  }
0x9e: {  	v1 =	vld [tilespmem:s15+$0x4A10]  }
0x9f: {  	(v2sf) =	vpush v0, $0x4;
	_ =	sdelay $0x2  }
0xa0: {  	s17 =	spop (v2sf)  }
0xa1: {  	s15 =	sand.u32 $0x380, s17;
	[tilespmem:s13+$0x110] =	vst v1  }
0xa2: {  	v1 =	vld [tilespmem:s15+$0x4E00];
	_ =	sdelay $0x4  }
0xa3: {  	[tilespmem:s13+$0x180] =	vst v1  }
0xa4: {  	v1 =	vld [tilespmem:s15+$0x4E10]  }
0xa5: {  	(v2sf) =	vpush v0, $0x5;
	_ =	sdelay $0x2  }
0xa6: {  	s16 =	spop (v2sf)  }
0xa7: {  	s15 =	sand.u32 $0x380, s16;
	[tilespmem:s13+$0x190] =	vst v1  }
0xa8: {  	v1 =	vld [tilespmem:s15+$0x5200];
	_ =	sdelay $0x4  }
0xa9: {  	[tilespmem:s13+$0x200] =	vst v1  }
0xaa: {  	v1 =	vld [tilespmem:s15+$0x5210]  }
0xab: {  	(v2sf) =	vpush v0, $0x6;
	_ =	sdelay $0x2  }
0xac: {  	s17 =	spop (v2sf)  }
0xad: {  	s15 =	sand.u32 $0x380, s17;
	[tilespmem:s13+$0x210] =	vst v1  }
0xae: {  	v1 =	vld [tilespmem:s15+$0x5600];
	_ =	sdelay $0x4  }
0xaf: {  	[tilespmem:s13+$0x280] =	vst v1  }
0xb0: {  	v1 =	vld [tilespmem:s15+$0x5610]  }
0xb1: {  	(v2sf) =	vpush v0, $0x7;
	_ =	sdelay $0x2  }
0xb2: {  	s16 =	spop (v2sf)  }
0xb3: {  	s15 =	sand.u32 $0x380, s16;
	[tilespmem:s13+$0x290] =	vst v1  }
0xb4: {  	v1 =	vld [tilespmem:s15+$0x5A00];
	_ =	sdelay $0x4  }
0xb5: {  	[tilespmem:s13+$0x300] =	vst v1  }
0xb6: {  	v1 =	vld [tilespmem:s15+$0x5A10]  }
0xb7: {  	(v2sf) =	vpush v0, $0x8;
	_ =	sdelay $0x2  }
0xb8: {  	s17 =	spop (v2sf)  }
0xb9: {  	s15 =	sand.u32 $0x380, s17;
	[tilespmem:s13+$0x310] =	vst v1  }
0xba: {  	v1 =	vld [tilespmem:s15+$0x5E00];
	_ =	sdelay $0x4  }
0xbb: {  	[tilespmem:s13+$0x380] =	vst v1  }
0xbc: {  	v1 =	vld [tilespmem:s15+$0x5E10]  }
0xbd: {  	(v2sf) =	vpush v0, $0x9;
	_ =	sdelay $0x2  }
0xbe: {  	s16 =	spop (v2sf)  }
0xbf: {  	s15 =	sand.u32 $0x380, s16;
	[tilespmem:s13+$0x390] =	vst v1  }
0xc0: {  	v1 =	vld [tilespmem:s15+$0x6200];
	_ =	sdelay $0x4  }
0xc1: {  	[tilespmem:s13+$0x400] =	vst v1  }
0xc2: {  	v1 =	vld [tilespmem:s15+$0x6210]  }
0xc3: {  	(v2sf) =	vpush v0, $0xA;
	_ =	sdelay $0x2  }
0xc4: {  	s17 =	spop (v2sf)  }
0xc5: {  	s15 =	sand.u32 $0x380, s17;
	[tilespmem:s13+$0x410] =	vst v1  }
0xc6: {  	v1 =	vld [tilespmem:s15+$0x6600];
	_ =	sdelay $0x4  }
0xc7: {  	[tilespmem:s13+$0x480] =	vst v1  }
0xc8: {  	v1 =	vld [tilespmem:s15+$0x6610]  }
0xc9: {  	(v2sf) =	vpush v0, $0xB;
	_ =	sdelay $0x2  }
0xca: {  	s16 =	spop (v2sf)  }
0xcb: {  	s15 =	sand.u32 $0x380, s16;
	[tilespmem:s13+$0x490] =	vst v1  }
0xcc: {  	v1 =	vld [tilespmem:s15+$0x6A00];
	_ =	sdelay $0x4  }
0xcd: {  	[tilespmem:s13+$0x500] =	vst v1  }
0xce: {  	v1 =	vld [tilespmem:s15+$0x6A10]  }
0xcf: {  	(v2sf) =	vpush v0, $0xC;
	_ =	sdelay $0x2  }
0xd0: {  	s17 =	spop (v2sf)  }
0xd1: {  	s15 =	sand.u32 $0x380, s17;
	[tilespmem:s13+$0x510] =	vst v1  }
0xd2: {  	v1 =	vld [tilespmem:s15+$0x6E00];
	_ =	sdelay $0x4  }
0xd3: {  	[tilespmem:s13+$0x580] =	vst v1  }
0xd4: {  	v1 =	vld [tilespmem:s15+$0x6E10]  }
0xd5: {  	(v2sf) =	vpush v0, $0xD;
	_ =	sdelay $0x2  }
0xd6: {  	s16 =	spop (v2sf)  }
0xd7: {  	s15 =	sand.u32 $0x380, s16;
	[tilespmem:s13+$0x590] =	vst v1  }
0xd8: {  	v1 =	vld [tilespmem:s15+$0x7200];
	_ =	sdelay $0x4  }
0xd9: {  	[tilespmem:s13+$0x600] =	vst v1  }
0xda: {  	v1 =	vld [tilespmem:s15+$0x7210]  }
0xdb: {  	(v2sf) =	vpush v0, $0xE;
	_ =	sdelay $0x2  }
0xdc: {  	s17 =	spop (v2sf)  }
0xdd: {  	s15 =	sand.u32 $0x380, s17;
	[tilespmem:s13+$0x610] =	vst v1  }
0xde: {  	v1 =	vld [tilespmem:s15+$0x7600];
	_ =	sdelay $0x4  }
0xdf: {  	[tilespmem:s13+$0x680] =	vst v1  }
0xe0: {  	v1 =	vld [tilespmem:s15+$0x7610]  }
0xe1: {  	(v2sf) =	vpush v0, $0xF;
	_ =	sdelay $0x2  }
0xe2: {  	s16 =	spop (v2sf)  }
0xe3: {  	s15 =	sand.u32 $0x380, s16;
	[tilespmem:s13+$0x690] =	vst v1  }
0xe4: {  	v63 =	vld [tilespmem:s15+$0x7A00];
	_ =	sdelay $0x4  }
0xe5: {  	[tilespmem:s13+$0x700] =	vst v63  }
0xe6: {  	v0 =	vld [tilespmem:s15+$0x7A10];
	_ =	sdelay $0x3  }
0xe7: {  	s17 =	spop (v2sf)  }
0xe8: {  	s15 =	sand.u32 $0x380, s17;
	[tilespmem:s13+$0x710] =	vst v0  }
0xe9: {  	v0 =	vld [tilespmem:s15+$0x7E00];
	_ =	sdelay $0x4  }
0xea: {  	s14 =	sadd.s32 $0x80, s14;
	[tilespmem:s13+$0x780] =	vst v0  }
0xeb: {  	p0 =	sne.s32 s14, $0x800;
	v0 =	vld [tilespmem:s15+$0x7E10]  }
.Ltmp3:
0xec: {  	_ = 	snop;
	(pc) =	sbr.rel @!p0 .LBB2_5-.Ltmp3, $2  }
0xed: {  	_ =	sdelay $0x2  }
0xee: {  	[tilespmem:s13+$0x790] =	vst v0;
	s13 =	sadd.s32 $0x1000, s13  }
.LBB2_2:
0xef: {  	s15 =	sshra.s32 s14, $0x2  }
0xf0: {  	v0 =	vld [tilespmem:s15+$0x10];
	_ =	sdelay $0x4  }
0xf1: {  	v0 =	vshll.u32 v0, $0x4  }
0xf2: {  	(v2sf) =	vpush v0, $0x0;
	_ =	sdelay $0x1  }
0xf3: {  	(v2sf) =	vpush v0, $0x1;
	_ =	sdelay $0x2  }
0xf4: {  	(v2sf) =	vpush v0, $0x2;
	_ =	sdelay $0x2  }
0xf5: {  	(v2sf) =	vpush v0, $0x3;
	_ =	sdelay $0x6  }
0xf6: {  	s16 =	spop (v2sf);
	(v2sf) =	vpush v0, $0x4;
	_ =	sdelay $0x1  }
0xf7: {  	s16 =	sand.u32 $0x1FFFFF80, s16;
	s17 =	spop (v2sf);
	(v2sf) =	vpush v0, $0x5  }
0xf8: {  	s16 =	sadd.s32 s3, s16  }
0xf9: {  	v1 =	vld [tilespmem:s15+$0x0];
	[tilespmem:s24], [sflag:$0x2] =	stream.linear.gather [hbm4b:s16+s2], $0x400, $0x38  }
0xfa: {  	s16 =	sand.u32 $0x1FFFFF80, s17;
	s17 =	spop (v2sf);
	(v2sf) =	vpush v0, $0x6  }
0xfb: {  	s16 =	sadd.s32 s3, s16  }
0xfc: {  	[tilespmem:s25], [sflag:$0x2] =	stream.linear.gather [hbm4b:s16+s2], $0x400, $0x38;
	[tilespmem:$0x18200] =	vst v63  }
0xfd: {  	s16 =	sand.u32 $0x1FFFFF80, s17;
	s17 =	spop (v2sf);
	(v2sf) =	vpush v0, $0x7;
	_ =	sdelay $0x3  }
0xfe: {  	s16 =	sadd.s32 s3, s16  }
0xff: {  	[tilespmem:s26], [sflag:$0x2] =	stream.linear.gather [hbm4b:s16+s2], $0x400, $0x38;
	[tilespmem:$0x18200] =	vst v63  }
0x100: {  	s16 =	sand.u32 $0x1FFFFF80, s17  }
0x101: {  	s16 =	sadd.s32 s3, s16;
	s17 =	spop (v2sf);
	(v2sf) =	vpush v0, $0x8  }
0x102: {  	[tilespmem:s28], [sflag:$0x2] =	stream.linear.gather [hbm4b:s16+s2], $0x400, $0x38;
	[tilespmem:$0x18200] =	vst v63  }
0x103: {  	s16 =	sand.u32 $0x1FFFFF80, s17;
	s17 =	spop (v2sf);
	(v2sf) =	vpush v0, $0x9  }
0x104: {  	s16 =	sadd.s32 s3, s16  }
0x105: {  	[tilespmem:s29], [sflag:$0x2] =	stream.linear.gather [hbm4b:s16+s2], $0x400, $0x38;
	[tilespmem:$0x18200] =	vst v63  }
0x106: {  	s16 =	sand.u32 $0x1FFFFF80, s17;
	s17 =	spop (v2sf);
	(v2sf) =	vpush v0, $0xA  }
0x107: {  	s16 =	sadd.s32 s3, s16  }
0x108: {  	[tilespmem:s30], [sflag:$0x2] =	stream.linear.gather [hbm4b:s16+s2], $0x400, $0x38;
	[tilespmem:$0x18200] =	vst v63  }
0x109: {  	s16 =	sand.u32 $0x1FFFFF80, s17;
	s17 =	spop (v2sf);
	(v2sf) =	vpush v0, $0xB;
	_ =	sdelay $0x3  }
0x10a: {  	s16 =	sadd.s32 s3, s16  }
0x10b: {  	[tilespmem:s31], [sflag:$0x2] =	stream.linear.gather [hbm4b:s16+s2], $0x400, $0x38;
	[tilespmem:$0x18200] =	vst v63  }
0x10c: {  	s16 =	sand.u32 $0x1FFFFF80, s17  }
0x10d: {  	s16 =	sadd.s32 s3, s16;
	s17 =	spop (v2sf);
	(v2sf) =	vpush v0, $0xC  }
0x10e: {  	[tilespmem:s0], [sflag:$0x2] =	stream.linear.gather [hbm4b:s16+s2], $0x400, $0x38;
	[tilespmem:$0x18200] =	vst v63  }
0x10f: {  	s16 =	sand.u32 $0x1FFFFF80, s17;
	s17 =	spop (v2sf);
	(v2sf) =	vpush v0, $0xD  }
0x110: {  	s16 =	sadd.s32 s3, s16  }
0x111: {  	[tilespmem:s1], [sflag:$0x2] =	stream.linear.gather [hbm4b:s16+s2], $0x400, $0x38;
	[tilespmem:$0x18200] =	vst v63  }
0x112: {  	s16 =	sand.u32 $0x1FFFFF80, s17;
	s17 =	spop (v2sf);
	(v2sf) =	vpush v0, $0xE  }
0x113: {  	s16 =	sadd.s32 s3, s16  }
0x114: {  	[tilespmem:s4], [sflag:$0x2] =	stream.linear.gather [hbm4b:s16+s2], $0x400, $0x38;
	[tilespmem:$0x18200] =	vst v63  }
0x115: {  	s16 =	sand.u32 $0x1FFFFF80, s17;
	s17 =	spop (v2sf);
	(v2sf) =	vpush v0, $0xF;
	_ =	sdelay $0x1  }
0x116: {  	s16 =	sadd.s32 s3, s16  }
0x117: {  	[tilespmem:s5], [sflag:$0x2] =	stream.linear.gather [hbm4b:s16+s2], $0x400, $0x38;
	[tilespmem:$0x18200] =	vst v63  }
0x118: {  	s16 =	sand.u32 $0x1FFFFF80, s17  }
0x119: {  	s16 =	sadd.s32 s3, s16  }
0x11a: {  	[tilespmem:s6], [sflag:$0x2] =	stream.linear.gather [hbm4b:s16+s2], $0x400, $0x38;
	[tilespmem:$0x18200] =	vst v63  }
0x11b: {  	s17 =	spop (v2sf)  }
0x11c: {  	s16 =	sand.u32 $0x1FFFFF80, s17  }
0x11d: {  	s17 =	spop (v2sf);
	s16 =	sadd.s32 s3, s16  }
0x11e: {  	[tilespmem:s7], [sflag:$0x2] =	stream.linear.gather [hbm4b:s16+s2], $0x400, $0x38;
	[tilespmem:$0x18200] =	vst v63  }
0x11f: {  	s16 =	sand.u32 $0x1FFFFF80, s17  }
0x120: {  	s17 =	spop (v2sf);
	s16 =	sadd.s32 s3, s16  }
0x121: {  	[tilespmem:s8], [sflag:$0x2] =	stream.linear.gather [hbm4b:s16+s2], $0x400, $0x38;
	[tilespmem:$0x18200] =	vst v63  }
0x122: {  	s16 =	sand.u32 $0x1FFFFF80, s17  }
0x123: {  	s17 =	spop (v2sf);
	s16 =	sadd.s32 s3, s16  }
0x124: {  	[tilespmem:s9], [sflag:$0x2] =	stream.linear.gather [hbm4b:s16+s2], $0x400, $0x38;
	[tilespmem:$0x18200] =	vst v63  }
0x125: {  	s16 =	sand.u32 $0x1FFFFF80, s17  }
0x126: {  	s16 =	sadd.s32 s3, s16  }
0x127: {  	[tilespmem:s10], [sflag:$0x2] =	stream.linear.gather [hbm4b:s16+s2], $0x400, $0x38;
	[tilespmem:$0x18200] =	vst v63  }
0x128: {  	_ =	swait.ge [sflag:s11], $0x400  }
0x129: {  	[sflag:s11] =	ssyncset.done $0x0  }
0x12a: {  	[sflag:s11] =	ssyncadd.s32 $0xFFFFFC00  }
0x12b: {  	_ =	swait.ge [sflag:s11], $0x400  }
0x12c: {  	[sflag:s11] =	ssyncset.done $0x0  }
0x12d: {  	[sflag:s11] =	ssyncadd.s32 $0xFFFFFC00  }
0x12e: {  	_ =	swait.ge [sflag:s11], $0x400  }
0x12f: {  	[sflag:s11] =	ssyncset.done $0x0  }
0x130: {  	[sflag:s11] =	ssyncadd.s32 $0xFFFFFC00  }
0x131: {  	_ =	swait.ge [sflag:s11], $0x400  }
0x132: {  	[sflag:s11] =	ssyncset.done $0x0  }
0x133: {  	[sflag:s11] =	ssyncadd.s32 $0xFFFFFC00  }
0x134: {  	_ =	swait.ge [sflag:s11], $0x400  }
0x135: {  	[sflag:s11] =	ssyncset.done $0x0  }
0x136: {  	[sflag:s11] =	ssyncadd.s32 $0xFFFFFC00  }
0x137: {  	_ =	swait.ge [sflag:s11], $0x400  }
0x138: {  	[sflag:s11] =	ssyncset.done $0x0  }
0x139: {  	[sflag:s11] =	ssyncadd.s32 $0xFFFFFC00  }
0x13a: {  	_ =	swait.ge [sflag:s11], $0x400  }
0x13b: {  	[sflag:s11] =	ssyncset.done $0x0  }
0x13c: {  	[sflag:s11] =	ssyncadd.s32 $0xFFFFFC00  }
0x13d: {  	_ =	swait.ge [sflag:s11], $0x400  }
0x13e: {  	[sflag:s11] =	ssyncset.done $0x0  }
0x13f: {  	[sflag:s11] =	ssyncadd.s32 $0xFFFFFC00  }
0x140: {  	_ =	swait.ge [sflag:s11], $0x400  }
0x141: {  	[sflag:s11] =	ssyncset.done $0x0  }
0x142: {  	[sflag:s11] =	ssyncadd.s32 $0xFFFFFC00  }
0x143: {  	_ =	swait.ge [sflag:s11], $0x400  }
0x144: {  	[sflag:s11] =	ssyncset.done $0x0  }
0x145: {  	[sflag:s11] =	ssyncadd.s32 $0xFFFFFC00  }
0x146: {  	_ =	swait.ge [sflag:s11], $0x400  }
0x147: {  	[sflag:s11] =	ssyncset.done $0x0  }
0x148: {  	[sflag:s11] =	ssyncadd.s32 $0xFFFFFC00  }
0x149: {  	_ =	swait.ge [sflag:s11], $0x400  }
0x14a: {  	[sflag:s11] =	ssyncset.done $0x0  }
0x14b: {  	[sflag:s11] =	ssyncadd.s32 $0xFFFFFC00  }
0x14c: {  	_ =	swait.ge [sflag:s11], $0x400  }
0x14d: {  	[sflag:s11] =	ssyncset.done $0x0  }
0x14e: {  	[sflag:s11] =	ssyncadd.s32 $0xFFFFFC00  }
0x14f: {  	_ =	swait.ge [sflag:s11], $0x400  }
0x150: {  	[sflag:s11] =	ssyncset.done $0x0  }
0x151: {  	[sflag:s11] =	ssyncadd.s32 $0xFFFFFC00  }
0x152: {  	_ =	swait.ge [sflag:s11], $0x400  }
0x153: {  	[sflag:s11] =	ssyncset.done $0x0  }
0x154: {  	[sflag:s11] =	ssyncadd.s32 $0xFFFFFC00  }
0x155: {  	v61 =	vshll.u32 v1, $0x7;
	_ =	swait.ge [sflag:s11], $0x400  }
0x156: {  	(v2sf) =	vpush v61, $0x0;
	_ =	sdelay $0xb  }
0x157: {  	(v2sf) =	vpush v61, $0x1;
	_ =	sdelay $0x2  }
0x158: {  	[sflag:s11] =	ssyncset.done $0x0;
	s17 =	spop (v2sf)  }
0x159: {  	[sflag:s11] =	ssyncadd.s32 $0xFFFFFC00;
	s16 =	sand.u32 $0x380, s17  }
0x15a: {  	v62 =	vld [tilespmem:s16+$0x200];
	_ =	sdelay $0x4  }
0x15b: {  	[tilespmem:s13+$0xFFFFF800] =	vst v62  }
0x15c: {  	v1 =	vld [tilespmem:s16+$0x210]  }
0x15d: {  	(v2sf) =	vpush v61, $0x2;
	_ =	sdelay $0x2  }
0x15e: {  	s17 =	spop (v2sf)  }
0x15f: {  	s16 =	sand.u32 $0x380, s17;
	[tilespmem:s13+$0xFFFFF810] =	vst v1  }
0x160: {  	v1 =	vld [tilespmem:s16+$0x600];
	_ =	sdelay $0x4  }
0x161: {  	[tilespmem:s13+$0xFFFFF880] =	vst v1  }
0x162: {  	v1 =	vld [tilespmem:s16+$0x610]  }
0x163: {  	(v2sf) =	vpush v61, $0x3;
	_ =	sdelay $0x2  }
0x164: {  	s17 =	spop (v2sf)  }
0x165: {  	s16 =	sand.u32 $0x380, s17;
	[tilespmem:s13+$0xFFFFF890] =	vst v1  }
0x166: {  	v1 =	vld [tilespmem:s16+$0xA00];
	_ =	sdelay $0x4  }
0x167: {  	[tilespmem:s13+$0xFFFFF900] =	vst v1  }
0x168: {  	v1 =	vld [tilespmem:s16+$0xA10]  }
0x169: {  	(v2sf) =	vpush v61, $0x4;
	_ =	sdelay $0x2  }
0x16a: {  	s17 =	spop (v2sf)  }
0x16b: {  	s16 =	sand.u32 $0x380, s17;
	[tilespmem:s13+$0xFFFFF910] =	vst v1  }
0x16c: {  	v1 =	vld [tilespmem:s16+$0xE00];
	_ =	sdelay $0x4  }
0x16d: {  	[tilespmem:s13+$0xFFFFF980] =	vst v1  }
0x16e: {  	v1 =	vld [tilespmem:s16+$0xE10]  }
0x16f: {  	(v2sf) =	vpush v61, $0x5;
	_ =	sdelay $0x2  }
0x170: {  	s17 =	spop (v2sf)  }
0x171: {  	s16 =	sand.u32 $0x380, s17;
	[tilespmem:s13+$0xFFFFF990] =	vst v1  }
0x172: {  	v1 =	vld [tilespmem:s16+$0x1200];
	_ =	sdelay $0x4  }
0x173: {  	[tilespmem:s13+$0xFFFFFA00] =	vst v1  }
0x174: {  	v1 =	vld [tilespmem:s16+$0x1210]  }
0x175: {  	(v2sf) =	vpush v61, $0x6;
	_ =	sdelay $0x2  }
0x176: {  	s17 =	spop (v2sf)  }
0x177: {  	s16 =	sand.u32 $0x380, s17;
	[tilespmem:s13+$0xFFFFFA10] =	vst v1  }
0x178: {  	v1 =	vld [tilespmem:s16+$0x1600];
	_ =	sdelay $0x4  }
0x179: {  	[tilespmem:s13+$0xFFFFFA80] =	vst v1  }
0x17a: {  	v1 =	vld [tilespmem:s16+$0x1610]  }
0x17b: {  	(v2sf) =	vpush v61, $0x7;
	_ =	sdelay $0x2  }
0x17c: {  	s17 =	spop (v2sf)  }
0x17d: {  	s16 =	sand.u32 $0x380, s17;
	[tilespmem:s13+$0xFFFFFA90] =	vst v1  }
0x17e: {  	v1 =	vld [tilespmem:s16+$0x1A00];
	_ =	sdelay $0x4  }
0x17f: {  	[tilespmem:s13+$0xFFFFFB00] =	vst v1  }
0x180: {  	v1 =	vld [tilespmem:s16+$0x1A10]  }
0x181: {  	(v2sf) =	vpush v61, $0x8;
	_ =	sdelay $0x2  }
0x182: {  	s17 =	spop (v2sf)  }
0x183: {  	s16 =	sand.u32 $0x380, s17;
	[tilespmem:s13+$0xFFFFFB10] =	vst v1  }
0x184: {  	v1 =	vld [tilespmem:s16+$0x1E00];
	_ =	sdelay $0x4  }
0x185: {  	[tilespmem:s13+$0xFFFFFB80] =	vst v1  }
0x186: {  	v1 =	vld [tilespmem:s16+$0x1E10]  }
0x187: {  	(v2sf) =	vpush v61, $0x9;
	_ =	sdelay $0x2  }
0x188: {  	s17 =	spop (v2sf)  }
0x189: {  	s16 =	sand.u32 $0x380, s17;
	[tilespmem:s13+$0xFFFFFB90] =	vst v1  }
0x18a: {  	v1 =	vld [tilespmem:s16+$0x2200];
	_ =	sdelay $0x4  }
0x18b: {  	[tilespmem:s13+$0xFFFFFC00] =	vst v1  }
0x18c: {  	v1 =	vld [tilespmem:s16+$0x2210]  }
0x18d: {  	(v2sf) =	vpush v61, $0xA;
	_ =	sdelay $0x2  }
0x18e: {  	s17 =	spop (v2sf)  }
0x18f: {  	s16 =	sand.u32 $0x380, s17;
	[tilespmem:s13+$0xFFFFFC10] =	vst v1  }
0x190: {  	v1 =	vld [tilespmem:s16+$0x2600];
	_ =	sdelay $0x4  }
0x191: {  	[tilespmem:s13+$0xFFFFFC80] =	vst v1  }
0x192: {  	v1 =	vld [tilespmem:s16+$0x2610]  }
0x193: {  	(v2sf) =	vpush v61, $0xB;
	_ =	sdelay $0x2  }
0x194: {  	s17 =	spop (v2sf)  }
0x195: {  	s16 =	sand.u32 $0x380, s17;
	[tilespmem:s13+$0xFFFFFC90] =	vst v1  }
0x196: {  	v1 =	vld [tilespmem:s16+$0x2A00];
	_ =	sdelay $0x4  }
0x197: {  	[tilespmem:s13+$0xFFFFFD00] =	vst v1  }
0x198: {  	v1 =	vld [tilespmem:s16+$0x2A10]  }
0x199: {  	(v2sf) =	vpush v61, $0xC;
	_ =	sdelay $0x2  }
0x19a: {  	s17 =	spop (v2sf)  }
0x19b: {  	s16 =	sand.u32 $0x380, s17;
	[tilespmem:s13+$0xFFFFFD10] =	vst v1  }
0x19c: {  	v1 =	vld [tilespmem:s16+$0x2E00];
	_ =	sdelay $0x4  }
0x19d: {  	[tilespmem:s13+$0xFFFFFD80] =	vst v1  }
0x19e: {  	v1 =	vld [tilespmem:s16+$0x2E10]  }
0x19f: {  	(v2sf) =	vpush v61, $0xD;
	_ =	sdelay $0x2  }
0x1a0: {  	s17 =	spop (v2sf)  }
0x1a1: {  	s16 =	sand.u32 $0x380, s17;
	[tilespmem:s13+$0xFFFFFD90] =	vst v1  }
0x1a2: {  	v1 =	vld [tilespmem:s16+$0x3200];
	_ =	sdelay $0x4  }
0x1a3: {  	[tilespmem:s13+$0xFFFFFE00] =	vst v1  }
0x1a4: {  	v1 =	vld [tilespmem:s16+$0x3210]  }
0x1a5: {  	(v2sf) =	vpush v61, $0xE;
	_ =	sdelay $0x2  }
0x1a6: {  	s17 =	spop (v2sf)  }
0x1a7: {  	s16 =	sand.u32 $0x380, s17;
	[tilespmem:s13+$0xFFFFFE10] =	vst v1  }
0x1a8: {  	v1 =	vld [tilespmem:s16+$0x3600];
	_ =	sdelay $0x4  }
0x1a9: {  	[tilespmem:s13+$0xFFFFFE80] =	vst v1  }
0x1aa: {  	v1 =	vld [tilespmem:s16+$0x3610]  }
0x1ab: {  	(v2sf) =	vpush v61, $0xF;
	_ =	sdelay $0x2  }
0x1ac: {  	s17 =	spop (v2sf)  }
0x1ad: {  	s16 =	sand.u32 $0x380, s17;
	[tilespmem:s13+$0xFFFFFE90] =	vst v1  }
0x1ae: {  	v63 =	vld [tilespmem:s16+$0x3A00];
	_ =	sdelay $0x4  }
0x1af: {  	[tilespmem:s13+$0xFFFFFF00] =	vst v63  }
0x1b0: {  	v0 =	vld [tilespmem:s16+$0x3A10];
	_ =	sdelay $0x3  }
0x1b1: {  	s17 =	spop (v2sf)  }
0x1b2: {  	s16 =	sand.u32 $0x380, s17;
	[tilespmem:s13+$0xFFFFFF10] =	vst v0  }
0x1b3: {  	v0 =	vld [tilespmem:s16+$0x3E00];
	_ =	sdelay $0x4  }
0x1b4: {  	[tilespmem:s13+$0xFFFFFF80] =	vst v0  }
0x1b5: {  	p0 =	seq.s32 s14, $0x780;
	v0 =	vld [tilespmem:s16+$0x3E10]  }
.Ltmp4:
0x1b6: {  	_ = 	snop;
	(pc) =	sbr.rel @p0 .LBB2_4-.Ltmp4, $2  }
0x1b7: {  	_ =	sdelay $0x2  }
0x1b8: {  	[tilespmem:s13+$0xFFFFFF90] =	vst v0  }
0x1b9: {  	v0 =	vld [tilespmem:s15+$0x20];
	_ =	sdelay $0x4  }
0x1ba: {  	v0 =	vshll.u32 v0, $0x4  }
0x1bb: {  	(v2sf) =	vpush v0, $0x0;
	_ =	sdelay $0x3  }
0x1bc: {  	(v2sf) =	vpush v0, $0x1;
	_ =	sdelay $0x3  }
0x1bd: {  	(v2sf) =	vpush v0, $0x2;
	_ =	sdelay $0x3  }
0x1be: {  	(v2sf) =	vpush v0, $0x3;
	_ =	sdelay $0x2  }
0x1bf: {  	s16 =	spop (v2sf)  }
0x1c0: {  	(v2sf) =	vpush v0, $0x4;
	s16 =	sand.u32 $0x1FFFFF80, s16  }
0x1c1: {  	s17 =	simm.s32 $0x200;
	s16 =	sadd.s32 s3, s16  }
0x1c2: {  	[tilespmem:s17], [sflag:$0x1] =	stream.linear.gather [hbm4b:s16+s2], $0x400, $0x38;
	[tilespmem:$0x18200] =	vst v63  }
0x1c3: {  	s17 =	spop (v2sf)  }
0x1c4: {  	(v2sf) =	vpush v0, $0x5;
	s16 =	sand.u32 $0x1FFFFF80, s17  }
0x1c5: {  	s17 =	simm.s32 $0x600;
	s16 =	sadd.s32 s3, s16  }
0x1c6: {  	[tilespmem:s17], [sflag:$0x1] =	stream.linear.gather [hbm4b:s16+s2], $0x400, $0x38;
	[tilespmem:$0x18200] =	vst v63  }
0x1c7: {  	s17 =	spop (v2sf)  }
0x1c8: {  	(v2sf) =	vpush v0, $0x6;
	s16 =	sand.u32 $0x1FFFFF80, s17  }
0x1c9: {  	s17 =	simm.s32 $0xA00;
	s16 =	sadd.s32 s3, s16  }
0x1ca: {  	[tilespmem:s17], [sflag:$0x1] =	stream.linear.gather [hbm4b:s16+s2], $0x400, $0x38;
	[tilespmem:$0x18200] =	vst v63  }
0x1cb: {  	s17 =	spop (v2sf)  }
0x1cc: {  	(v2sf) =	vpush v0, $0x7;
	s16 =	sand.u32 $0x1FFFFF80, s17  }
0x1cd: {  	s17 =	simm.s32 $0xE00;
	s16 =	sadd.s32 s3, s16  }
0x1ce: {  	[tilespmem:s17], [sflag:$0x1] =	stream.linear.gather [hbm4b:s16+s2], $0x400, $0x38;
	[tilespmem:$0x18200] =	vst v63  }
0x1cf: {  	s17 =	spop (v2sf)  }
0x1d0: {  	(v2sf) =	vpush v0, $0x8;
	s16 =	sand.u32 $0x1FFFFF80, s17  }
0x1d1: {  	s17 =	simm.s32 $0x1200;
	s16 =	sadd.s32 s3, s16  }
0x1d2: {  	[tilespmem:s17], [sflag:$0x1] =	stream.linear.gather [hbm4b:s16+s2], $0x400, $0x38;
	[tilespmem:$0x18200] =	vst v63  }
0x1d3: {  	s17 =	spop (v2sf)  }
0x1d4: {  	(v2sf) =	vpush v0, $0x9;
	s16 =	sand.u32 $0x1FFFFF80, s17  }
0x1d5: {  	s17 =	simm.s32 $0x1600;
	s16 =	sadd.s32 s3, s16  }
0x1d6: {  	[tilespmem:s17], [sflag:$0x1] =	stream.linear.gather [hbm4b:s16+s2], $0x400, $0x38;
	[tilespmem:$0x18200] =	vst v63  }
0x1d7: {  	s17 =	spop (v2sf)  }
0x1d8: {  	(v2sf) =	vpush v0, $0xA;
	s16 =	sand.u32 $0x1FFFFF80, s17  }
0x1d9: {  	s17 =	simm.s32 $0x1A00;
	s16 =	sadd.s32 s3, s16  }
0x1da: {  	[tilespmem:s17], [sflag:$0x1] =	stream.linear.gather [hbm4b:s16+s2], $0x400, $0x38;
	[tilespmem:$0x18200] =	vst v63  }
0x1db: {  	s17 =	spop (v2sf)  }
0x1dc: {  	(v2sf) =	vpush v0, $0xB;
	s16 =	sand.u32 $0x1FFFFF80, s17  }
0x1dd: {  	s17 =	simm.s32 $0x1E00;
	s16 =	sadd.s32 s3, s16  }
0x1de: {  	[tilespmem:s17], [sflag:$0x1] =	stream.linear.gather [hbm4b:s16+s2], $0x400, $0x38;
	[tilespmem:$0x18200] =	vst v63  }
0x1df: {  	s17 =	spop (v2sf)  }
0x1e0: {  	(v2sf) =	vpush v0, $0xC;
	s16 =	sand.u32 $0x1FFFFF80, s17  }
0x1e1: {  	s17 =	simm.s32 $0x2200;
	s16 =	sadd.s32 s3, s16  }
0x1e2: {  	[tilespmem:s17], [sflag:$0x1] =	stream.linear.gather [hbm4b:s16+s2], $0x400, $0x38;
	[tilespmem:$0x18200] =	vst v63  }
0x1e3: {  	s17 =	spop (v2sf)  }
0x1e4: {  	(v2sf) =	vpush v0, $0xD;
	s16 =	sand.u32 $0x1FFFFF80, s17  }
0x1e5: {  	s17 =	simm.s32 $0x2600;
	s16 =	sadd.s32 s3, s16  }
0x1e6: {  	[tilespmem:s17], [sflag:$0x1] =	stream.linear.gather [hbm4b:s16+s2], $0x400, $0x38;
	[tilespmem:$0x18200] =	vst v63  }
0x1e7: {  	s17 =	spop (v2sf)  }
0x1e8: {  	(v2sf) =	vpush v0, $0xE;
	s16 =	sand.u32 $0x1FFFFF80, s17  }
0x1e9: {  	s16 =	sadd.s32 s3, s16  }
0x1ea: {  	[tilespmem:s18], [sflag:$0x1] =	stream.linear.gather [hbm4b:s16+s2], $0x400, $0x38;
	[tilespmem:$0x18200] =	vst v63  }
0x1eb: {  	s17 =	spop (v2sf)  }
0x1ec: {  	s16 =	sand.u32 $0x1FFFFF80, s17  }
0x1ed: {  	(v2sf) =	vpush v0, $0xF;
	s16 =	sadd.s32 s3, s16  }
0x1ee: {  	[tilespmem:s19], [sflag:$0x1] =	stream.linear.gather [hbm4b:s16+s2], $0x400, $0x38;
	[tilespmem:$0x18200] =	vst v63  }
0x1ef: {  	s17 =	spop (v2sf)  }
0x1f0: {  	s16 =	sand.u32 $0x1FFFFF80, s17  }
0x1f1: {  	s16 =	sadd.s32 s3, s16  }
0x1f2: {  	[tilespmem:s20], [sflag:$0x1] =	stream.linear.gather [hbm4b:s16+s2], $0x400, $0x38;
	[tilespmem:$0x18200] =	vst v63  }
0x1f3: {  	s17 =	spop (v2sf)  }
0x1f4: {  	s16 =	sand.u32 $0x1FFFFF80, s17  }
0x1f5: {  	s16 =	sadd.s32 s3, s16  }
0x1f6: {  	[tilespmem:s21], [sflag:$0x1] =	stream.linear.gather [hbm4b:s16+s2], $0x400, $0x38;
	[tilespmem:$0x18200] =	vst v63  }
0x1f7: {  	s17 =	spop (v2sf)  }
0x1f8: {  	s16 =	sand.u32 $0x1FFFFF80, s17  }
0x1f9: {  	s16 =	sadd.s32 s3, s16  }
0x1fa: {  	[tilespmem:s22], [sflag:$0x1] =	stream.linear.gather [hbm4b:s16+s2], $0x400, $0x38;
	[tilespmem:$0x18200] =	vst v63  }
.Ltmp5:
0x1fb: {  	_ = 	snop;
	(pc) =	sbr.rel .LBB2_4-.Ltmp5, $4  }
0x1fc: {  	s17 =	spop (v2sf)  }
0x1fd: {  	s16 =	sand.u32 $0x1FFFFF80, s17  }
0x1fe: {  	s16 =	sadd.s32 s3, s16  }
0x1ff: {  	[tilespmem:s23], [sflag:$0x1] =	stream.linear.gather [hbm4b:s16+s2], $0x400, $0x38;
	[tilespmem:$0x18200] =	vst v63  }
.LBB2_6:
0x200: {  	_ =	sfence.sel $0x180000  }
0x201: {  	[bflag:$0x0] =	sbarrier.arrive $0xFFFF  }
0x202: {  	_ =	strace $0x90000047  }
0x203: {  	s0 =	stileid.u32;
	[bflag:$0x2] =	sbarrier.arrive $0xFFFF  }
0x204: {  	p0 =	sne.s32 s0, $0x0;
	s0 =	rddreg [dreg:$0x2]  }
0x205: {  	s0 =	sadd.s32 @!p0 $0x100000, s0  }
0x206: {  	[sflag:s0] =	ssyncadd.tile.s32 @!p0 $0x1;
	_ =	shalt  }
.Lfunc_end2:
_tile_overlayer_lowered:
.L_overlay_start_2:
0x207: {  	(tag) =	ssettag $0x2  }
0x208: {  	s0 =	rddreg [dreg:$0x0];
	s2 =	stileid.u32  }
0x209: {  	s1 =	rddreg [dreg:$0x1];
	p0 =	sne.s32 s2, $0x0  }
0x20a: {  	s3 =	rddreg [dreg:$0x2];
	[bflag:$0x3] =	sbarrier.arrive $0xFFFF;
	s2 =	simm.s32 @!p0 $0x1C03  }
0x20b: {  	[timem:s3], [sflag:s2] =	dma.local @!p0 [hbm:s0], s1  }
0x20c: {  	s0 =	simm.s32 @!p0 $0x3  }
0x20d: {  	_ =	swait.ge @!p0 [sflag:s0], s1  }
0x20e: {  	s1 =	ssub.s32 @!p0 $0x0, s1;
	[sflag:s0] =	ssyncset.done @!p0 $0x0  }
0x20f: {  	[sflag:s0] =	ssyncadd.s32 @!p0 s1  }
0x210: {  	[bflag:$0x3] =	sbarrier.arrive $0xFFFF  }
0x211: {  	_ =	shalt  }

</sc_bundles>
